<compile_context>
chip_gen: v7x
topology: tpu7x:2x2x1
jax: 0.10.2.dev20260603
libtpu: 0.0.44.dev20260713+nightly
codegen_flags: <defaults>
</compile_context>

<pallas_src>
import functools

import jax
import jax.numpy as jnp
from jax import lax
from jax.experimental import pallas as pl
from jax.experimental.pallas import tpu as pltpu
from jax.experimental.pallas import tpu_sc as plsc

N = 10000
E = 320000
D_IN = 128
H = 256
NG = 64

NC = 2
NT = 16
EPT = E // NT
CH = 128
G = 16
NBLK = 10
EPT_PAD = NBLK * G * CH
PADE = EPT_PAD - EPT
PAD_ROW = N
AGG_ROWS = 10112
ROWS_PER_TILE_ZERO = AGG_ROWS // NT
OUT_CHUNK = 624
OUT_LAST = N - OUT_CHUNK * (NT - 1)


def _sc_segsum(h_blk, srcp, dstp):
    mesh = plsc.VectorSubcoreMesh(core_axis_name="c", subcore_axis_name="s")

    @functools.partial(
        pl.kernel,
        out_type=jax.ShapeDtypeStruct((NC, N, 128), jnp.float32),
        mesh=mesh,
        scratch_types=[
            pltpu.VMEM((2, G, CH), jnp.int32),
            pltpu.VMEM((2, G, CH), jnp.int32),
            pltpu.VMEM((2, CH, 128), jnp.float32),
            pltpu.VMEM_SHARED((AGG_ROWS, 128), jnp.float32),
            pltpu.SemaphoreType.DMA,
            pltpu.SemaphoreType.DMA,
            pltpu.SemaphoreType.DMA,
        ],
    )
    def k(h_hbm, src_hbm, dst_hbm, out_hbm, src_v, dst_v, rows_v,
          agg_sh, sem_g0, sem_g1, sem_i):
        c = lax.axis_index("c")
        s = lax.axis_index("s")
        sem_g = (sem_g0, sem_g1)

        zero16 = jnp.zeros((16,), jnp.float32)

        def zrow(r, carry):
            for q in range(8):
                rows_v[0, r, pl.ds(q * 16, 16)] = zero16
            return carry

        lax.fori_loop(0, CH, zrow, 0)
        zfull = ROWS_PER_TILE_ZERO // CH
        zrem = ROWS_PER_TILE_ZERO - zfull * CH
        zb = rows_v.at[0]
        for t in range(zfull):
            pltpu.sync_copy(
                zb, agg_sh.at[pl.ds(s * ROWS_PER_TILE_ZERO + t * CH, CH)])
        if zrem:
            pltpu.sync_copy(
                zb.at[pl.ds(0, zrem)],
                agg_sh.at[pl.ds(s * ROWS_PER_TILE_ZERO + zfull * CH, zrem)])
        plsc.subcore_barrier()

        hb = h_hbm.at[c]
        pltpu.sync_copy(src_hbm.at[s, 0], src_v.at[0])
        pltpu.sync_copy(dst_hbm.at[s, 0], dst_v.at[0])

        def blk_body(b, carry):
            p = lax.rem(b, 2)
            pn = lax.rem(b + 1, 2)

            @pl.when(b + 1 < NBLK)
            def _():
                pltpu.async_copy(src_hbm.at[s, b + 1], src_v.at[pn], sem_i)
                pltpu.async_copy(dst_hbm.at[s, b + 1], dst_v.at[pn], sem_i)

            sv = src_v.at[p]
            dv = dst_v.at[p]
            pltpu.async_copy(hb.at[sv.at[0]], rows_v.at[0], sem_g[0])
            for g in range(G):
                q = g % 2
                if g + 1 < G:
                    pltpu.async_copy(hb.at[sv.at[g + 1]], rows_v.at[1 - q],
                                     sem_g[1 - q])
                pltpu.make_async_copy(hb.at[sv.at[g]], rows_v.at[q],
                                      sem_g[q]).wait()
                pltpu.sync_copy(rows_v.at[q], agg_sh.at[dv.at[g]], add=True)

            @pl.when(b + 1 < NBLK)
            def _():
                pltpu.make_async_copy(
                    src_hbm.at[s, b + 1], src_v.at[pn], sem_i).wait()
                pltpu.make_async_copy(
                    dst_hbm.at[s, b + 1], dst_v.at[pn], sem_i).wait()

            return carry

        lax.fori_loop(0, NBLK, blk_body, 0)
        plsc.subcore_barrier()
        @pl.when(s == NT - 1)
        def _():
            pltpu.sync_copy(
                agg_sh.at[pl.ds((NT - 1) * OUT_CHUNK, OUT_LAST)],
                out_hbm.at[c].at[pl.ds((NT - 1) * OUT_CHUNK, OUT_LAST)])

        @pl.when(s != NT - 1)
        def _():
            pltpu.sync_copy(
                agg_sh.at[pl.ds(s * OUT_CHUNK, OUT_CHUNK)],
                out_hbm.at[c].at[pl.ds(s * OUT_CHUNK, OUT_CHUNK)])

    return k(h_blk, srcp, dstp)


def _tc_input_proj(x, W, b2d):
    RB = 1000

    def body(x_ref, w_ref, b_ref, o_ref):
        z = jnp.dot(x_ref[...], w_ref[...],
                    preferred_element_type=jnp.float32) + b_ref[...]
        z = jnp.maximum(z, 0.0)
        o_ref[0] = z[:, :128]
        o_ref[1] = z[:, 128:]

    return pl.pallas_call(
        body,
        grid=(N // RB,),
        in_specs=[
            pl.BlockSpec((RB, D_IN), lambda i: (i, 0)),
            pl.BlockSpec((D_IN, H), lambda i: (0, 0)),
            pl.BlockSpec((1, H), lambda i: (0, 0)),
        ],
        out_specs=pl.BlockSpec((NC, RB, 128), lambda i: (0, i, 0)),
        out_shape=jax.ShapeDtypeStruct((NC, N, 128), jnp.float32),
    )(x, W, b2d)


def _tc_gin_layer(h, agg, W, b2d, g2d, be2d, l2norm):
    RB = 1000

    def body(h_ref, a_ref, w_ref, b_ref, g_ref, be_ref, o_ref):
        r0 = h_ref[0] + a_ref[0]
        r1 = h_ref[1] + a_ref[1]
        z = (jnp.dot(r0, w_ref[:128, :], preferred_element_type=jnp.float32)
             + jnp.dot(r1, w_ref[128:, :], preferred_element_type=jnp.float32)
             + b_ref[...])
        mu = jnp.mean(z, axis=-1, keepdims=True)
        var = jnp.mean((z - mu) ** 2, axis=-1, keepdims=True)
        z = (z - mu) / jnp.sqrt(var + 1e-5) * g_ref[...] + be_ref[...]
        z = jnp.maximum(z, 0.0)
        if l2norm:
            nrm = jnp.maximum(
                jnp.sqrt(jnp.sum(z * z, axis=-1, keepdims=True)), 1e-12)
            z = z / nrm
        o_ref[0] = z[:, :128]
        o_ref[1] = z[:, 128:]

    return pl.pallas_call(
        body,
        grid=(N // RB,),
        in_specs=[
            pl.BlockSpec((NC, RB, 128), lambda i: (0, i, 0)),
            pl.BlockSpec((NC, RB, 128), lambda i: (0, i, 0)),
            pl.BlockSpec((H, H), lambda i: (0, 0)),
            pl.BlockSpec((1, H), lambda i: (0, 0)),
            pl.BlockSpec((1, H), lambda i: (0, 0)),
            pl.BlockSpec((1, H), lambda i: (0, 0)),
        ],
        out_specs=pl.BlockSpec((NC, RB, 128), lambda i: (0, i, 0)),
        out_shape=jax.ShapeDtypeStruct((NC, N, 128), jnp.float32),
    )(h, agg, W, b2d, g2d, be2d)


def _tc_pool_mlp(h, batch3, W1, b1_2d, W2, b2_2d):
    RB = 1000
    KB = N // RB

    def body(h_ref, bt_ref, w1_ref, b1_ref, w2_ref, b2_ref, o_ref, acc_ref):
        i = pl.program_id(0)

        @pl.when(i == 0)
        def _():
            acc_ref[...] = jnp.zeros_like(acc_ref)

        rows = jnp.concatenate([h_ref[0], h_ref[1]], axis=-1)
        bt = bt_ref[0]
        gids = lax.broadcasted_iota(jnp.int32, (NG, RB), 0)
        onehot = (gids == bt).astype(jnp.float32)
        acc_ref[...] += jnp.dot(onehot, rows,
                                preferred_element_type=jnp.float32)

        @pl.when(i == KB - 1)
        def _():
            t = jnp.maximum(
                jnp.dot(acc_ref[...], w1_ref[...],
                        preferred_element_type=jnp.float32) + b1_ref[...], 0.0)
            o_ref[...] = jnp.dot(
                t, w2_ref[...], preferred_element_type=jnp.float32) + b2_ref[...]

    return pl.pallas_call(
        body,
        grid=(KB,),
        in_specs=[
            pl.BlockSpec((NC, RB, 128), lambda i: (0, i, 0)),
            pl.BlockSpec((1, 1, RB), lambda i: (i, 0, 0)),
            pl.BlockSpec((H, 32), lambda i: (0, 0)),
            pl.BlockSpec((1, 32), lambda i: (0, 0)),
            pl.BlockSpec((32, 1), lambda i: (0, 0)),
            pl.BlockSpec((1, 1), lambda i: (0, 0)),
        ],
        out_specs=pl.BlockSpec((NG, 1), lambda i: (0, 0)),
        out_shape=jax.ShapeDtypeStruct((NG, 1), jnp.float32),
        scratch_shapes=[pltpu.VMEM((NG, H), jnp.float32)],
    )(h, batch3, W1, b1_2d, W2, b2_2d)


def kernel(x, edge_index, batch, W_nfc, b_nfc, Wg1, bg1, Wg2, bg2,
           gamma1, beta1, gamma2, beta2, Wfc1, bfc1, Wfc2, bfc2):
    src = edge_index[0]
    dst = edge_index[1]
    srcp = jnp.concatenate(
        [src.reshape(NT, EPT),
         jnp.zeros((NT, PADE), jnp.int32)], axis=1).reshape(NT, NBLK, G, CH)
    dstp = jnp.concatenate(
        [dst.reshape(NT, EPT),
         jnp.full((NT, PADE), PAD_ROW, jnp.int32)], axis=1).reshape(NT, NBLK, G, CH)
    batch3 = batch.reshape(N // 1000, 1, 1000)

    h = _tc_input_proj(x, W_nfc, b_nfc.reshape(1, H))
    agg = _sc_segsum(h, srcp, dstp)
    h = _tc_gin_layer(h, agg, Wg1, bg1.reshape(1, H),
                      gamma1.reshape(1, H), beta1.reshape(1, H), False)
    agg = _sc_segsum(h, srcp, dstp)
    h = _tc_gin_layer(h, agg, Wg2, bg2.reshape(1, H),
                      gamma2.reshape(1, H), beta2.reshape(1, H), True)
    return _tc_pool_mlp(h, batch3, Wfc1, bfc1.reshape(1, 32),
                        Wfc2, bfc2.reshape(1, 1))

# --- scband reference (transcript-rebuilt; emitter-appended) ---
"""Pipeline reference for scband-graph-gps-90151363543121 (READ-ONLY COPY).

The authoritative reference and input builder live on the scoring server;
editing this copy changes nothing except your own understanding.
"""

import jax, jax.numpy as jnp
import numpy as np

N = 10000
E = 320000
D_IN = 128
H = 256
N_GRAPHS = 64
D_OUT = 1


def _layer_norm(h, gamma, beta, eps=1e-5):
    mu = jnp.mean(h, axis=-1, keepdims=True)
    var = jnp.mean((h - mu) ** 2, axis=-1, keepdims=True)
    return (h - mu) / jnp.sqrt(var + eps) * gamma + beta


def setup_inputs(seed: int = 0):
    key = jax.random.key(seed)
    k = lambda i: jax.random.fold_in(key, i)
    x = jax.random.normal(k(0), (N, D_IN), dtype=jnp.float32)
    edge_index = jax.random.randint(k(1), (2, E), 0, N, dtype=jnp.int32)
    batch = jnp.sort(jax.random.randint(k(2), (N,), 0, N_GRAPHS, dtype=jnp.int32))

    def lin(ki, fan_in, fan_out):
        bound = 1.0 / np.sqrt(fan_in)
        W = jax.random.uniform(k(ki), (fan_in, fan_out), minval=-bound, maxval=bound, dtype=jnp.float32)
        b = jax.random.uniform(k(ki + 100), (fan_out,), minval=-bound, maxval=bound, dtype=jnp.float32)
        return W, b

    W_nfc, b_nfc = lin(3, D_IN, H)
    Wg1, bg1 = lin(4, H, H)
    Wg2, bg2 = lin(5, H, H)
    Wfc1, bfc1 = lin(6, H, 32)
    Wfc2, bfc2 = lin(7, 32, D_OUT)
    gamma1 = jnp.ones((H,), dtype=jnp.float32)
    beta1 = jnp.zeros((H,), dtype=jnp.float32)
    gamma2 = jnp.ones((H,), dtype=jnp.float32)
    beta2 = jnp.zeros((H,), dtype=jnp.float32)
    return {"x": x, "edge_index": edge_index, "batch": batch,
            "W_nfc": W_nfc, "b_nfc": b_nfc,
            "Wg1": Wg1, "bg1": bg1, "Wg2": Wg2, "bg2": bg2,
            "gamma1": gamma1, "beta1": beta1, "gamma2": gamma2, "beta2": beta2,
            "Wfc1": Wfc1, "bfc1": bfc1, "Wfc2": Wfc2, "bfc2": bfc2}


def reference(x, edge_index, batch, W_nfc, b_nfc, Wg1, bg1, Wg2, bg2,
              gamma1, beta1, gamma2, beta2, Wfc1, bfc1, Wfc2, bfc2):
    src = edge_index[0]
    dst = edge_index[1]
    # input projection
    h = jax.nn.relu(x @ W_nfc + b_nfc)
    # GINConv 1 (eps=0): nn((1+eps)*h + sum_{j->i} h_j)
    agg = jax.ops.segment_sum(h[src], dst, num_segments=N)
    h1 = (h + agg) @ Wg1 + bg1
    h = jax.nn.relu(_layer_norm(h1, gamma1, beta1))
    # GINConv 2
    agg = jax.ops.segment_sum(h[src], dst, num_segments=N)
    h2 = (h + agg) @ Wg2 + bg2
    h = jax.nn.relu(_layer_norm(h2, gamma2, beta2))
    # F.normalize(h, p=2, dim=1)
    norm = jnp.maximum(jnp.linalg.norm(h, axis=1, keepdims=True), 1e-12)
    h = h / norm
    # global_add_pool
    hg = jax.ops.segment_sum(h, batch, num_segments=N_GRAPHS)
    h = jax.nn.relu(hg @ Wfc1 + bfc1)
    out = h @ Wfc2 + bfc2
    return out

if __name__ == "__main__":
    import jax
    _d = setup_inputs()
    print(jax.jit(kernel)(*tuple(_d.values())))

</pallas_src>

<mosaic_0001>
#map = affine_map<(d0, d1) -> (0, 0, 0)>
#map1 = affine_map<(d0, d1) -> (0, 0, 0, 0)>
module attributes {stable_mosaic.version = 14 : i64} {
  func.func @k(%arg0: i32, %arg1: i32, %arg2: memref<2x10000x128xf32, #tpu.memory_space<hbm>>, %arg3: memref<16x10x16x128xi32, #tpu.memory_space<hbm>>, %arg4: memref<16x10x16x128xi32, #tpu.memory_space<hbm>>, %arg5: memref<2x10000x128xf32, #tpu.memory_space<hbm>>, %arg6: memref<2x16x128xi32, #tpu.memory_space<vmem>>, %arg7: memref<2x16x128xi32, #tpu.memory_space<vmem>>, %arg8: memref<2x128x128xf32, #tpu.memory_space<vmem>>, %arg9: memref<10112x128xf32, #tpu.memory_space<vmem_shared>>, %arg10: memref<!tpu.dma_semaphore, #tpu.memory_space<semaphore_mem>>, %arg11: memref<!tpu.dma_semaphore, #tpu.memory_space<semaphore_mem>>, %arg12: memref<!tpu.dma_semaphore, #tpu.memory_space<semaphore_mem>>) attributes {dimension_semantics = [#tpu.dimension_semantics<core_parallel>, #tpu.dimension_semantics<subcore_parallel>], iteration_bounds = array<i64: 2, 16>, scalar_prefetch = 0 : i64, scratch_operands = 7 : i64, tpu.core_type = #tpu.core_type<sc_vector_subcore>, window_params = [{transform_indices = #map}, {transform_indices = #map1}, {transform_indices = #map1}, {transform_indices = #map}]} {
    %broadcast_in_dim3A = arith.constant 0.000000e+00 : f32
    %broadcast_in_dim3A_0 = vector.broadcast %broadcast_in_dim3A : f32 to vector<16xf32>
    %scan3A = arith.constant 0 : i32
    %scan3A_1 = arith.constant 0 : i32
    %scan3A_2 = arith.constant 128 : i32
    %scan3A_3 = arith.addi %scan3A_1, %scan3A_2 : i32
    %scan3A_4 = arith.constant 1 : i32
    scf.for %scan3A_45 = %scan3A_1 to %scan3A_3 step %scan3A_4  : i32 {
      %swap3A = arith.constant 0 : i32
      %swap3A_46 = arith.index_cast %swap3A : i32 to index
      %swap3A_47 = arith.index_cast %scan3A_45 : i32 to index
      %swap3A_48 = arith.constant 0 : index
      %swap3A_49 = tpu.vector_load %arg8[%swap3A_46, %swap3A_47, %swap3A_48] {strides = array<i32>} : memref<2x128x128xf32, #tpu.memory_space<vmem>>, vector<1x1x16xf32>,
      %swap3A_50 = vector.shape_cast %swap3A_49 : vector<1x1x16xf32> to vector<16xf32>
      %swap3A_51 = vector.shape_cast %broadcast_in_dim3A_0 : vector<16xf32> to vector<1x1x16xf32>
      tpu.vector_store %arg8[%swap3A_46, %swap3A_47, %swap3A_48], %swap3A_51 {strides = array<i32>} : memref<2x128x128xf32, #tpu.memory_space<vmem>>, vector<1x1x16xf32>,
      %swap3A_52 = arith.constant 0 : i32
      %swap3A_53 = arith.index_cast %swap3A_52 : i32 to index
      %swap3A_54 = arith.index_cast %scan3A_45 : i32 to index
      %swap3A_55 = arith.constant 16 : index
      %swap3A_56 = tpu.vector_load %arg8[%swap3A_53, %swap3A_54, %swap3A_55] {strides = array<i32>} : memref<2x128x128xf32, #tpu.memory_space<vmem>>, vector<1x1x16xf32>,
      %swap3A_57 = vector.shape_cast %swap3A_56 : vector<1x1x16xf32> to vector<16xf32>
      %swap3A_58 = vector.shape_cast %broadcast_in_dim3A_0 : vector<16xf32> to vector<1x1x16xf32>
      tpu.vector_store %arg8[%swap3A_53, %swap3A_54, %swap3A_55], %swap3A_58 {strides = array<i32>} : memref<2x128x128xf32, #tpu.memory_space<vmem>>, vector<1x1x16xf32>,
      %swap3A_59 = arith.constant 0 : i32
      %swap3A_60 = arith.index_cast %swap3A_59 : i32 to index
      %swap3A_61 = arith.index_cast %scan3A_45 : i32 to index
      %swap3A_62 = arith.constant 32 : index
      %swap3A_63 = tpu.vector_load %arg8[%swap3A_60, %swap3A_61, %swap3A_62] {strides = array<i32>} : memref<2x128x128xf32, #tpu.memory_space<vmem>>, vector<1x1x16xf32>,
      %swap3A_64 = vector.shape_cast %swap3A_63 : vector<1x1x16xf32> to vector<16xf32>
      %swap3A_65 = vector.shape_cast %broadcast_in_dim3A_0 : vector<16xf32> to vector<1x1x16xf32>
      tpu.vector_store %arg8[%swap3A_60, %swap3A_61, %swap3A_62], %swap3A_65 {strides = array<i32>} : memref<2x128x128xf32, #tpu.memory_space<vmem>>, vector<1x1x16xf32>,
      %swap3A_66 = arith.constant 0 : i32
      %swap3A_67 = arith.index_cast %swap3A_66 : i32 to index
      %swap3A_68 = arith.index_cast %scan3A_45 : i32 to index
      %swap3A_69 = arith.constant 48 : index
      %swap3A_70 = tpu.vector_load %arg8[%swap3A_67, %swap3A_68, %swap3A_69] {strides = array<i32>} : memref<2x128x128xf32, #tpu.memory_space<vmem>>, vector<1x1x16xf32>,
      %swap3A_71 = vector.shape_cast %swap3A_70 : vector<1x1x16xf32> to vector<16xf32>
      %swap3A_72 = vector.shape_cast %broadcast_in_dim3A_0 : vector<16xf32> to vector<1x1x16xf32>
      tpu.vector_store %arg8[%swap3A_67, %swap3A_68, %swap3A_69], %swap3A_72 {strides = array<i32>} : memref<2x128x128xf32, #tpu.memory_space<vmem>>, vector<1x1x16xf32>,
      %swap3A_73 = arith.constant 0 : i32
      %swap3A_74 = arith.index_cast %swap3A_73 : i32 to index
      %swap3A_75 = arith.index_cast %scan3A_45 : i32 to index
      %swap3A_76 = arith.constant 64 : index
      %swap3A_77 = tpu.vector_load %arg8[%swap3A_74, %swap3A_75, %swap3A_76] {strides = array<i32>} : memref<2x128x128xf32, #tpu.memory_space<vmem>>, vector<1x1x16xf32>,
      %swap3A_78 = vector.shape_cast %swap3A_77 : vector<1x1x16xf32> to vector<16xf32>
      %swap3A_79 = vector.shape_cast %broadcast_in_dim3A_0 : vector<16xf32> to vector<1x1x16xf32>
      tpu.vector_store %arg8[%swap3A_74, %swap3A_75, %swap3A_76], %swap3A_79 {strides = array<i32>} : memref<2x128x128xf32, #tpu.memory_space<vmem>>, vector<1x1x16xf32>,
      %swap3A_80 = arith.constant 0 : i32
      %swap3A_81 = arith.index_cast %swap3A_80 : i32 to index
      %swap3A_82 = arith.index_cast %scan3A_45 : i32 to index
      %swap3A_83 = arith.constant 80 : index
      %swap3A_84 = tpu.vector_load %arg8[%swap3A_81, %swap3A_82, %swap3A_83] {strides = array<i32>} : memref<2x128x128xf32, #tpu.memory_space<vmem>>, vector<1x1x16xf32>,
      %swap3A_85 = vector.shape_cast %swap3A_84 : vector<1x1x16xf32> to vector<16xf32>
      %swap3A_86 = vector.shape_cast %broadcast_in_dim3A_0 : vector<16xf32> to vector<1x1x16xf32>
      tpu.vector_store %arg8[%swap3A_81, %swap3A_82, %swap3A_83], %swap3A_86 {strides = array<i32>} : memref<2x128x128xf32, #tpu.memory_space<vmem>>, vector<1x1x16xf32>,
      %swap3A_87 = arith.constant 0 : i32
      %swap3A_88 = arith.index_cast %swap3A_87 : i32 to index
      %swap3A_89 = arith.index_cast %scan3A_45 : i32 to index
      %swap3A_90 = arith.constant 96 : index
      %swap3A_91 = tpu.vector_load %arg8[%swap3A_88, %swap3A_89, %swap3A_90] {strides = array<i32>} : memref<2x128x128xf32, #tpu.memory_space<vmem>>, vector<1x1x16xf32>,
      %swap3A_92 = vector.shape_cast %swap3A_91 : vector<1x1x16xf32> to vector<16xf32>
      %swap3A_93 = vector.shape_cast %broadcast_in_dim3A_0 : vector<16xf32> to vector<1x1x16xf32>
      tpu.vector_store %arg8[%swap3A_88, %swap3A_89, %swap3A_90], %swap3A_93 {strides = array<i32>} : memref<2x128x128xf32, #tpu.memory_space<vmem>>, vector<1x1x16xf32>,
      %swap3A_94 = arith.constant 0 : i32
      %swap3A_95 = arith.index_cast %swap3A_94 : i32 to index
      %swap3A_96 = arith.index_cast %scan3A_45 : i32 to index
      %swap3A_97 = arith.constant 112 : index
      %swap3A_98 = tpu.vector_load %arg8[%swap3A_95, %swap3A_96, %swap3A_97] {strides = array<i32>} : memref<2x128x128xf32, #tpu.memory_space<vmem>>, vector<1x1x16xf32>,
      %swap3A_99 = vector.shape_cast %swap3A_98 : vector<1x1x16xf32> to vector<16xf32>
      %swap3A_100 = vector.shape_cast %broadcast_in_dim3A_0 : vector<16xf32> to vector<1x1x16xf32>
      tpu.vector_store %arg8[%swap3A_95, %swap3A_96, %swap3A_97], %swap3A_100 {strides = array<i32>} : memref<2x128x128xf32, #tpu.memory_space<vmem>>, vector<1x1x16xf32>,
    }
    %scan3A_5 = arith.constant 128 : i32
    %mul3A = arith.constant 632 : i32
    %mul3A_6 = arith.muli %arg1, %mul3A : i32
    %add3A = arith.constant 0 : i32
    %add3A_7 = arith.addi %mul3A_6, %add3A : i32
    %run_scoped3A = arith.constant 0 : i32
    "tpu.region"() ({
      %run_scoped3A_45 = tpu.sem_alloc : memref<!tpu.dma_semaphore, #tpu.memory_space<semaphore_mem>>
      %dma_start3A = arith.constant 0 : i32
      %dma_start3A_46 = arith.constant 0 : i32
      %dma_start3A_47 = tpu.memref_slice %arg8[%run_scoped3A, %dma_start3A, %dma_start3A_46] : memref<2x128x128xf32, #tpu.memory_space<vmem>> -> memref<1x128x128xf32, #tpu.memory_space<vmem>>
      %dma_start3A_48 = tpu.memref_squeeze %dma_start3A_47 : memref<1x128x128xf32, #tpu.memory_space<vmem>> -> memref<128x128xf32, #tpu.memory_space<vmem>>
      %dma_start3A_49 = arith.constant 0 : i32
      %dma_start3A_50 = tpu.memref_slice %arg9[%add3A_7, %dma_start3A_49] : memref<10112x128xf32, #tpu.memory_space<vmem_shared>> -> memref<128x128xf32, #tpu.memory_space<vmem_shared>>
      %dma_start3A_51 = arith.constant 0 : i32
      %dma_start3A_52 = tpu.memref_slice %arg9[%add3A_7, %dma_start3A_51] : memref<10112x128xf32, #tpu.memory_space<vmem_shared>> -> memref<128x128xf32, #tpu.memory_space<vmem_shared>>
      %dma_start3A_53 = arith.constant 0 : i32
      %dma_start3A_54 = arith.constant 0 : i32
      %dma_start3A_55 = tpu.memref_slice %arg8[%run_scoped3A, %dma_start3A_53, %dma_start3A_54] : memref<2x128x128xf32, #tpu.memory_space<vmem>> -> memref<1x128x128xf32, #tpu.memory_space<vmem>>
      %dma_start3A_56 = tpu.memref_squeeze %dma_start3A_55 : memref<1x128x128xf32, #tpu.memory_space<vmem>> -> memref<128x128xf32, #tpu.memory_space<vmem>>
      tpu.enqueue_dma source(%dma_start3A_56 : memref<128x128xf32, #tpu.memory_space<vmem>>) target(%dma_start3A_52 : memref<128x128xf32, #tpu.memory_space<vmem_shared>>) target_semaphore(%run_scoped3A_45 : memref<!tpu.dma_semaphore, #tpu.memory_space<semaphore_mem>>)
      %dma_wait3A = arith.constant 0 : i32
      %dma_wait3A_57 = arith.constant 0 : i32
      %dma_wait3A_58 = tpu.memref_slice %arg8[%run_scoped3A, %dma_wait3A, %dma_wait3A_57] : memref<2x128x128xf32, #tpu.memory_space<vmem>> -> memref<1x128x128xf32, #tpu.memory_space<vmem>>
      %dma_wait3A_59 = tpu.memref_squeeze %dma_wait3A_58 : memref<1x128x128xf32, #tpu.memory_space<vmem>> -> memref<128x128xf32, #tpu.memory_space<vmem>>
      %dma_wait3A_60 = arith.constant 0 : i32
      %dma_wait3A_61 = tpu.memref_slice %arg9[%add3A_7, %dma_wait3A_60] : memref<10112x128xf32, #tpu.memory_space<vmem_shared>> -> memref<128x128xf32, #tpu.memory_space<vmem_shared>>
      %dma_wait3A_62 = arith.constant 0 : i32
      %dma_wait3A_63 = tpu.memref_slice %arg9[%add3A_7, %dma_wait3A_62] : memref<10112x128xf32, #tpu.memory_space<vmem_shared>> -> memref<128x128xf32, #tpu.memory_space<vmem_shared>>
      %dma_wait3A_64 = arith.constant 0 : i32
      %dma_wait3A_65 = arith.constant 0 : i32
      %dma_wait3A_66 = tpu.memref_slice %arg8[%run_scoped3A, %dma_wait3A_64, %dma_wait3A_65] : memref<2x128x128xf32, #tpu.memory_space<vmem>> -> memref<1x128x128xf32, #tpu.memory_space<vmem>>
      %dma_wait3A_67 = tpu.memref_squeeze %dma_wait3A_66 : memref<1x128x128xf32, #tpu.memory_space<vmem>> -> memref<128x128xf32, #tpu.memory_space<vmem>>
      tpu.wait_dma2 semaphore(%run_scoped3A_45 : memref<!tpu.dma_semaphore, #tpu.memory_space<semaphore_mem>>) src(%dma_wait3A_67 : memref<128x128xf32, #tpu.memory_space<vmem>>) dst(%dma_wait3A_63 : memref<128x128xf32, #tpu.memory_space<vmem_shared>>)
      tpu.yield
    }) : () -> ()
    %mul3A_8 = arith.constant 632 : i32
    %mul3A_9 = arith.muli %arg1, %mul3A_8 : i32
    %add3A_10 = arith.constant 128 : i32
    %add3A_11 = arith.addi %mul3A_9, %add3A_10 : i32
    %run_scoped3A_12 = arith.constant 0 : i32
    "tpu.region"() ({
      %run_scoped3A_45 = tpu.sem_alloc : memref<!tpu.dma_semaphore, #tpu.memory_space<semaphore_mem>>
      %dma_start3A = arith.constant 0 : i32
      %dma_start3A_46 = arith.constant 0 : i32
      %dma_start3A_47 = tpu.memref_slice %arg8[%run_scoped3A_12, %dma_start3A, %dma_start3A_46] : memref<2x128x128xf32, #tpu.memory_space<vmem>> -> memref<1x128x128xf32, #tpu.memory_space<vmem>>
      %dma_start3A_48 = tpu.memref_squeeze %dma_start3A_47 : memref<1x128x128xf32, #tpu.memory_space<vmem>> -> memref<128x128xf32, #tpu.memory_space<vmem>>
      %dma_start3A_49 = arith.constant 0 : i32
      %dma_start3A_50 = tpu.memref_slice %arg9[%add3A_11, %dma_start3A_49] : memref<10112x128xf32, #tpu.memory_space<vmem_shared>> -> memref<128x128xf32, #tpu.memory_space<vmem_shared>>
      %dma_start3A_51 = arith.constant 0 : i32
      %dma_start3A_52 = tpu.memref_slice %arg9[%add3A_11, %dma_start3A_51] : memref<10112x128xf32, #tpu.memory_space<vmem_shared>> -> memref<128x128xf32, #tpu.memory_space<vmem_shared>>
      %dma_start3A_53 = arith.constant 0 : i32
      %dma_start3A_54 = arith.constant 0 : i32
      %dma_start3A_55 = tpu.memref_slice %arg8[%run_scoped3A_12, %dma_start3A_53, %dma_start3A_54] : memref<2x128x128xf32, #tpu.memory_space<vmem>> -> memref<1x128x128xf32, #tpu.memory_space<vmem>>
      %dma_start3A_56 = tpu.memref_squeeze %dma_start3A_55 : memref<1x128x128xf32, #tpu.memory_space<vmem>> -> memref<128x128xf32, #tpu.memory_space<vmem>>
      tpu.enqueue_dma source(%dma_start3A_56 : memref<128x128xf32, #tpu.memory_space<vmem>>) target(%dma_start3A_52 : memref<128x128xf32, #tpu.memory_space<vmem_shared>>) target_semaphore(%run_scoped3A_45 : memref<!tpu.dma_semaphore, #tpu.memory_space<semaphore_mem>>)
      %dma_wait3A = arith.constant 0 : i32
      %dma_wait3A_57 = arith.constant 0 : i32
      %dma_wait3A_58 = tpu.memref_slice %arg8[%run_scoped3A_12, %dma_wait3A, %dma_wait3A_57] : memref<2x128x128xf32, #tpu.memory_space<vmem>> -> memref<1x128x128xf32, #tpu.memory_space<vmem>>
      %dma_wait3A_59 = tpu.memref_squeeze %dma_wait3A_58 : memref<1x128x128xf32, #tpu.memory_space<vmem>> -> memref<128x128xf32, #tpu.memory_space<vmem>>
      %dma_wait3A_60 = arith.constant 0 : i32
      %dma_wait3A_61 = tpu.memref_slice %arg9[%add3A_11, %dma_wait3A_60] : memref<10112x128xf32, #tpu.memory_space<vmem_shared>> -> memref<128x128xf32, #tpu.memory_space<vmem_shared>>
      %dma_wait3A_62 = arith.constant 0 : i32
      %dma_wait3A_63 = tpu.memref_slice %arg9[%add3A_11, %dma_wait3A_62] : memref<10112x128xf32, #tpu.memory_space<vmem_shared>> -> memref<128x128xf32, #tpu.memory_space<vmem_shared>>
      %dma_wait3A_64 = arith.constant 0 : i32
      %dma_wait3A_65 = arith.constant 0 : i32
      %dma_wait3A_66 = tpu.memref_slice %arg8[%run_scoped3A_12, %dma_wait3A_64, %dma_wait3A_65] : memref<2x128x128xf32, #tpu.memory_space<vmem>> -> memref<1x128x128xf32, #tpu.memory_space<vmem>>
      %dma_wait3A_67 = tpu.memref_squeeze %dma_wait3A_66 : memref<1x128x128xf32, #tpu.memory_space<vmem>> -> memref<128x128xf32, #tpu.memory_space<vmem>>
      tpu.wait_dma2 semaphore(%run_scoped3A_45 : memref<!tpu.dma_semaphore, #tpu.memory_space<semaphore_mem>>) src(%dma_wait3A_67 : memref<128x128xf32, #tpu.memory_space<vmem>>) dst(%dma_wait3A_63 : memref<128x128xf32, #tpu.memory_space<vmem_shared>>)
      tpu.yield
    }) : () -> ()
    %mul3A_13 = arith.constant 632 : i32
    %mul3A_14 = arith.muli %arg1, %mul3A_13 : i32
    %add3A_15 = arith.constant 256 : i32
    %add3A_16 = arith.addi %mul3A_14, %add3A_15 : i32
    %run_scoped3A_17 = arith.constant 0 : i32
    "tpu.region"() ({
      %run_scoped3A_45 = tpu.sem_alloc : memref<!tpu.dma_semaphore, #tpu.memory_space<semaphore_mem>>
      %dma_start3A = arith.constant 0 : i32
      %dma_start3A_46 = arith.constant 0 : i32
      %dma_start3A_47 = tpu.memref_slice %arg8[%run_scoped3A_17, %dma_start3A, %dma_start3A_46] : memref<2x128x128xf32, #tpu.memory_space<vmem>> -> memref<1x128x128xf32, #tpu.memory_space<vmem>>
      %dma_start3A_48 = tpu.memref_squeeze %dma_start3A_47 : memref<1x128x128xf32, #tpu.memory_space<vmem>> -> memref<128x128xf32, #tpu.memory_space<vmem>>
      %dma_start3A_49 = arith.constant 0 : i32
      %dma_start3A_50 = tpu.memref_slice %arg9[%add3A_16, %dma_start3A_49] : memref<10112x128xf32, #tpu.memory_space<vmem_shared>> -> memref<128x128xf32, #tpu.memory_space<vmem_shared>>
      %dma_start3A_51 = arith.constant 0 : i32
      %dma_start3A_52 = tpu.memref_slice %arg9[%add3A_16, %dma_start3A_51] : memref<10112x128xf32, #tpu.memory_space<vmem_shared>> -> memref<128x128xf32, #tpu.memory_space<vmem_shared>>
      %dma_start3A_53 = arith.constant 0 : i32
      %dma_start3A_54 = arith.constant 0 : i32
      %dma_start3A_55 = tpu.memref_slice %arg8[%run_scoped3A_17, %dma_start3A_53, %dma_start3A_54] : memref<2x128x128xf32, #tpu.memory_space<vmem>> -> memref<1x128x128xf32, #tpu.memory_space<vmem>>
      %dma_start3A_56 = tpu.memref_squeeze %dma_start3A_55 : memref<1x128x128xf32, #tpu.memory_space<vmem>> -> memref<128x128xf32, #tpu.memory_space<vmem>>
      tpu.enqueue_dma source(%dma_start3A_56 : memref<128x128xf32, #tpu.memory_space<vmem>>) target(%dma_start3A_52 : memref<128x128xf32, #tpu.memory_space<vmem_shared>>) target_semaphore(%run_scoped3A_45 : memref<!tpu.dma_semaphore, #tpu.memory_space<semaphore_mem>>)
      %dma_wait3A = arith.constant 0 : i32
      %dma_wait3A_57 = arith.constant 0 : i32
      %dma_wait3A_58 = tpu.memref_slice %arg8[%run_scoped3A_17, %dma_wait3A, %dma_wait3A_57] : memref<2x128x128xf32, #tpu.memory_space<vmem>> -> memref<1x128x128xf32, #tpu.memory_space<vmem>>
      %dma_wait3A_59 = tpu.memref_squeeze %dma_wait3A_58 : memref<1x128x128xf32, #tpu.memory_space<vmem>> -> memref<128x128xf32, #tpu.memory_space<vmem>>
      %dma_wait3A_60 = arith.constant 0 : i32
      %dma_wait3A_61 = tpu.memref_slice %arg9[%add3A_16, %dma_wait3A_60] : memref<10112x128xf32, #tpu.memory_space<vmem_shared>> -> memref<128x128xf32, #tpu.memory_space<vmem_shared>>
      %dma_wait3A_62 = arith.constant 0 : i32
      %dma_wait3A_63 = tpu.memref_slice %arg9[%add3A_16, %dma_wait3A_62] : memref<10112x128xf32, #tpu.memory_space<vmem_shared>> -> memref<128x128xf32, #tpu.memory_space<vmem_shared>>
      %dma_wait3A_64 = arith.constant 0 : i32
      %dma_wait3A_65 = arith.constant 0 : i32
      %dma_wait3A_66 = tpu.memref_slice %arg8[%run_scoped3A_17, %dma_wait3A_64, %dma_wait3A_65] : memref<2x128x128xf32, #tpu.memory_space<vmem>> -> memref<1x128x128xf32, #tpu.memory_space<vmem>>
      %dma_wait3A_67 = tpu.memref_squeeze %dma_wait3A_66 : memref<1x128x128xf32, #tpu.memory_space<vmem>> -> memref<128x128xf32, #tpu.memory_space<vmem>>
      tpu.wait_dma2 semaphore(%run_scoped3A_45 : memref<!tpu.dma_semaphore, #tpu.memory_space<semaphore_mem>>) src(%dma_wait3A_67 : memref<128x128xf32, #tpu.memory_space<vmem>>) dst(%dma_wait3A_63 : memref<128x128xf32, #tpu.memory_space<vmem_shared>>)
      tpu.yield
    }) : () -> ()
    %mul3A_18 = arith.constant 632 : i32
    %mul3A_19 = arith.muli %arg1, %mul3A_18 : i32
    %add3A_20 = arith.constant 384 : i32
    %add3A_21 = arith.addi %mul3A_19, %add3A_20 : i32
    %run_scoped3A_22 = arith.constant 0 : i32
    "tpu.region"() ({
      %run_scoped3A_45 = tpu.sem_alloc : memref<!tpu.dma_semaphore, #tpu.memory_space<semaphore_mem>>
      %dma_start3A = arith.constant 0 : i32
      %dma_start3A_46 = arith.constant 0 : i32
      %dma_start3A_47 = tpu.memref_slice %arg8[%run_scoped3A_22, %dma_start3A, %dma_start3A_46] : memref<2x128x128xf32, #tpu.memory_space<vmem>> -> memref<1x128x128xf32, #tpu.memory_space<vmem>>
      %dma_start3A_48 = tpu.memref_squeeze %dma_start3A_47 : memref<1x128x128xf32, #tpu.memory_space<vmem>> -> memref<128x128xf32, #tpu.memory_space<vmem>>
      %dma_start3A_49 = arith.constant 0 : i32
      %dma_start3A_50 = tpu.memref_slice %arg9[%add3A_21, %dma_start3A_49] : memref<10112x128xf32, #tpu.memory_space<vmem_shared>> -> memref<128x128xf32, #tpu.memory_space<vmem_shared>>
      %dma_start3A_51 = arith.constant 0 : i32
      %dma_start3A_52 = tpu.memref_slice %arg9[%add3A_21, %dma_start3A_51] : memref<10112x128xf32, #tpu.memory_space<vmem_shared>> -> memref<128x128xf32, #tpu.memory_space<vmem_shared>>
      %dma_start3A_53 = arith.constant 0 : i32
      %dma_start3A_54 = arith.constant 0 : i32
      %dma_start3A_55 = tpu.memref_slice %arg8[%run_scoped3A_22, %dma_start3A_53, %dma_start3A_54] : memref<2x128x128xf32, #tpu.memory_space<vmem>> -> memref<1x128x128xf32, #tpu.memory_space<vmem>>
      %dma_start3A_56 = tpu.memref_squeeze %dma_start3A_55 : memref<1x128x128xf32, #tpu.memory_space<vmem>> -> memref<128x128xf32, #tpu.memory_space<vmem>>
      tpu.enqueue_dma source(%dma_start3A_56 : memref<128x128xf32, #tpu.memory_space<vmem>>) target(%dma_start3A_52 : memref<128x128xf32, #tpu.memory_space<vmem_shared>>) target_semaphore(%run_scoped3A_45 : memref<!tpu.dma_semaphore, #tpu.memory_space<semaphore_mem>>)
      %dma_wait3A = arith.constant 0 : i32
      %dma_wait3A_57 = arith.constant 0 : i32
      %dma_wait3A_58 = tpu.memref_slice %arg8[%run_scoped3A_22, %dma_wait3A, %dma_wait3A_57] : memref<2x128x128xf32, #tpu.memory_space<vmem>> -> memref<1x128x128xf32, #tpu.memory_space<vmem>>
      %dma_wait3A_59 = tpu.memref_squeeze %dma_wait3A_58 : memref<1x128x128xf32, #tpu.memory_space<vmem>> -> memref<128x128xf32, #tpu.memory_space<vmem>>
      %dma_wait3A_60 = arith.constant 0 : i32
      %dma_wait3A_61 = tpu.memref_slice %arg9[%add3A_21, %dma_wait3A_60] : memref<10112x128xf32, #tpu.memory_space<vmem_shared>> -> memref<128x128xf32, #tpu.memory_space<vmem_shared>>
      %dma_wait3A_62 = arith.constant 0 : i32
      %dma_wait3A_63 = tpu.memref_slice %arg9[%add3A_21, %dma_wait3A_62] : memref<10112x128xf32, #tpu.memory_space<vmem_shared>> -> memref<128x128xf32, #tpu.memory_space<vmem_shared>>
      %dma_wait3A_64 = arith.constant 0 : i32
      %dma_wait3A_65 = arith.constant 0 : i32
      %dma_wait3A_66 = tpu.memref_slice %arg8[%run_scoped3A_22, %dma_wait3A_64, %dma_wait3A_65] : memref<2x128x128xf32, #tpu.memory_space<vmem>> -> memref<1x128x128xf32, #tpu.memory_space<vmem>>
      %dma_wait3A_67 = tpu.memref_squeeze %dma_wait3A_66 : memref<1x128x128xf32, #tpu.memory_space<vmem>> -> memref<128x128xf32, #tpu.memory_space<vmem>>
      tpu.wait_dma2 semaphore(%run_scoped3A_45 : memref<!tpu.dma_semaphore, #tpu.memory_space<semaphore_mem>>) src(%dma_wait3A_67 : memref<128x128xf32, #tpu.memory_space<vmem>>) dst(%dma_wait3A_63 : memref<128x128xf32, #tpu.memory_space<vmem_shared>>)
      tpu.yield
    }) : () -> ()
    %mul3A_23 = arith.constant 632 : i32
    %mul3A_24 = arith.muli %arg1, %mul3A_23 : i32
    %add3A_25 = arith.constant 512 : i32
    %add3A_26 = arith.addi %mul3A_24, %add3A_25 : i32
    %run_scoped3A_27 = arith.constant 0 : i32
    "tpu.region"() ({
      %run_scoped3A_45 = tpu.sem_alloc : memref<!tpu.dma_semaphore, #tpu.memory_space<semaphore_mem>>
      %dma_start3A = arith.constant 0 : i32
      %dma_start3A_46 = arith.constant 0 : i32
      %dma_start3A_47 = tpu.memref_slice %arg8[%run_scoped3A_27, %dma_start3A, %dma_start3A_46] : memref<2x128x128xf32, #tpu.memory_space<vmem>> -> memref<1x128x128xf32, #tpu.memory_space<vmem>>
      %dma_start3A_48 = tpu.memref_squeeze %dma_start3A_47 : memref<1x128x128xf32, #tpu.memory_space<vmem>> -> memref<128x128xf32, #tpu.memory_space<vmem>>
      %dma_start3A_49 = arith.constant 0 : i32
      %dma_start3A_50 = arith.constant 0 : i32
      %dma_start3A_51 = tpu.memref_slice %dma_start3A_48[%dma_start3A_49, %dma_start3A_50] : memref<128x128xf32, #tpu.memory_space<vmem>> -> memref<120x128xf32, #tpu.memory_space<vmem>>
      %dma_start3A_52 = arith.constant 0 : i32
      %dma_start3A_53 = tpu.memref_slice %arg9[%add3A_26, %dma_start3A_52] : memref<10112x128xf32, #tpu.memory_space<vmem_shared>> -> memref<120x128xf32, #tpu.memory_space<vmem_shared>>
      %dma_start3A_54 = arith.constant 0 : i32
      %dma_start3A_55 = tpu.memref_slice %arg9[%add3A_26, %dma_start3A_54] : memref<10112x128xf32, #tpu.memory_space<vmem_shared>> -> memref<120x128xf32, #tpu.memory_space<vmem_shared>>
      %dma_start3A_56 = arith.constant 0 : i32
      %dma_start3A_57 = arith.constant 0 : i32
      %dma_start3A_58 = tpu.memref_slice %arg8[%run_scoped3A_27, %dma_start3A_56, %dma_start3A_57] : memref<2x128x128xf32, #tpu.memory_space<vmem>> -> memref<1x128x128xf32, #tpu.memory_space<vmem>>
      %dma_start3A_59 = tpu.memref_squeeze %dma_start3A_58 : memref<1x128x128xf32, #tpu.memory_space<vmem>> -> memref<128x128xf32, #tpu.memory_space<vmem>>
      %dma_start3A_60 = arith.constant 0 : i32
      %dma_start3A_61 = arith.constant 0 : i32
      %dma_start3A_62 = tpu.memref_slice %dma_start3A_59[%dma_start3A_60, %dma_start3A_61] : memref<128x128xf32, #tpu.memory_space<vmem>> -> memref<120x128xf32, #tpu.memory_space<vmem>>
      tpu.enqueue_dma source(%dma_start3A_62 : memref<120x128xf32, #tpu.memory_space<vmem>>) target(%dma_start3A_55 : memref<120x128xf32, #tpu.memory_space<vmem_shared>>) target_semaphore(%run_scoped3A_45 : memref<!tpu.dma_semaphore, #tpu.memory_space<semaphore_mem>>)
      %dma_wait3A = arith.constant 0 : i32
      %dma_wait3A_63 = arith.constant 0 : i32
      %dma_wait3A_64 = tpu.memref_slice %arg8[%run_scoped3A_27, %dma_wait3A, %dma_wait3A_63] : memref<2x128x128xf32, #tpu.memory_space<vmem>> -> memref<1x128x128xf32, #tpu.memory_space<vmem>>
      %dma_wait3A_65 = tpu.memref_squeeze %dma_wait3A_64 : memref<1x128x128xf32, #tpu.memory_space<vmem>> -> memref<128x128xf32, #tpu.memory_space<vmem>>
      %dma_wait3A_66 = arith.constant 0 : i32
      %dma_wait3A_67 = arith.constant 0 : i32
      %dma_wait3A_68 = tpu.memref_slice %dma_wait3A_65[%dma_wait3A_66, %dma_wait3A_67] : memref<128x128xf32, #tpu.memory_space<vmem>> -> memref<120x128xf32, #tpu.memory_space<vmem>>
      %dma_wait3A_69 = arith.constant 0 : i32
      %dma_wait3A_70 = tpu.memref_slice %arg9[%add3A_26, %dma_wait3A_69] : memref<10112x128xf32, #tpu.memory_space<vmem_shared>> -> memref<120x128xf32, #tpu.memory_space<vmem_shared>>
      %dma_wait3A_71 = arith.constant 0 : i32
      %dma_wait3A_72 = tpu.memref_slice %arg9[%add3A_26, %dma_wait3A_71] : memref<10112x128xf32, #tpu.memory_space<vmem_shared>> -> memref<120x128xf32, #tpu.memory_space<vmem_shared>>
      %dma_wait3A_73 = arith.constant 0 : i32
      %dma_wait3A_74 = arith.constant 0 : i32
      %dma_wait3A_75 = tpu.memref_slice %arg8[%run_scoped3A_27, %dma_wait3A_73, %dma_wait3A_74] : memref<2x128x128xf32, #tpu.memory_space<vmem>> -> memref<1x128x128xf32, #tpu.memory_space<vmem>>
      %dma_wait3A_76 = tpu.memref_squeeze %dma_wait3A_75 : memref<1x128x128xf32, #tpu.memory_space<vmem>> -> memref<128x128xf32, #tpu.memory_space<vmem>>
      %dma_wait3A_77 = arith.constant 0 : i32
      %dma_wait3A_78 = arith.constant 0 : i32
      %dma_wait3A_79 = tpu.memref_slice %dma_wait3A_76[%dma_wait3A_77, %dma_wait3A_78] : memref<128x128xf32, #tpu.memory_space<vmem>> -> memref<120x128xf32, #tpu.memory_space<vmem>>
      tpu.wait_dma2 semaphore(%run_scoped3A_45 : memref<!tpu.dma_semaphore, #tpu.memory_space<semaphore_mem>>) src(%dma_wait3A_79 : memref<120x128xf32, #tpu.memory_space<vmem>>) dst(%dma_wait3A_72 : memref<120x128xf32, #tpu.memory_space<vmem_shared>>)
      tpu.yield
    }) : () -> ()
    %barrier3A = arith.constant 0 : index
    tpu.barrier barrier_id(%barrier3A)
    %run_scoped3A_28 = arith.constant 0 : i32
    %run_scoped3A_29 = arith.constant 0 : i32
    "tpu.region"() ({
      %run_scoped3A_45 = tpu.sem_alloc : memref<!tpu.dma_semaphore, #tpu.memory_space<semaphore_mem>>
      %dma_start3A = arith.constant 0 : i32
      %dma_start3A_46 = arith.constant 0 : i32
      %dma_start3A_47 = tpu.memref_slice %arg6[%run_scoped3A_29, %dma_start3A, %dma_start3A_46] : memref<2x16x128xi32, #tpu.memory_space<vmem>> -> memref<1x16x128xi32, #tpu.memory_space<vmem>>
      %dma_start3A_48 = tpu.memref_squeeze %dma_start3A_47 : memref<1x16x128xi32, #tpu.memory_space<vmem>> -> memref<16x128xi32, #tpu.memory_space<vmem>>
      %dma_start3A_49 = arith.constant 0 : i32
      %dma_start3A_50 = arith.constant 0 : i32
      %dma_start3A_51 = tpu.memref_slice %arg3[%arg1, %run_scoped3A_28, %dma_start3A_49, %dma_start3A_50] : memref<16x10x16x128xi32, #tpu.memory_space<hbm>> -> memref<1x1x16x128xi32, #tpu.memory_space<hbm>>
      %dma_start3A_52 = tpu.memref_squeeze %dma_start3A_51 : memref<1x1x16x128xi32, #tpu.memory_space<hbm>> -> memref<16x128xi32, #tpu.memory_space<hbm>>
      %dma_start3A_53 = arith.constant 0 : i32
      %dma_start3A_54 = arith.constant 0 : i32
      %dma_start3A_55 = tpu.memref_slice %arg6[%run_scoped3A_29, %dma_start3A_53, %dma_start3A_54] : memref<2x16x128xi32, #tpu.memory_space<vmem>> -> memref<1x16x128xi32, #tpu.memory_space<vmem>>
      %dma_start3A_56 = tpu.memref_squeeze %dma_start3A_55 : memref<1x16x128xi32, #tpu.memory_space<vmem>> -> memref<16x128xi32, #tpu.memory_space<vmem>>
      %dma_start3A_57 = arith.constant 0 : i32
      %dma_start3A_58 = arith.constant 0 : i32
      %dma_start3A_59 = tpu.memref_slice %arg3[%arg1, %run_scoped3A_28, %dma_start3A_57, %dma_start3A_58] : memref<16x10x16x128xi32, #tpu.memory_space<hbm>> -> memref<1x1x16x128xi32, #tpu.memory_space<hbm>>
      %dma_start3A_60 = tpu.memref_squeeze %dma_start3A_59 : memref<1x1x16x128xi32, #tpu.memory_space<hbm>> -> memref<16x128xi32, #tpu.memory_space<hbm>>
      tpu.enqueue_dma source(%dma_start3A_60 : memref<16x128xi32, #tpu.memory_space<hbm>>) target(%dma_start3A_56 : memref<16x128xi32, #tpu.memory_space<vmem>>) target_semaphore(%run_scoped3A_45 : memref<!tpu.dma_semaphore, #tpu.memory_space<semaphore_mem>>)
      %dma_wait3A = arith.constant 0 : i32
      %dma_wait3A_61 = arith.constant 0 : i32
      %dma_wait3A_62 = tpu.memref_slice %arg6[%run_scoped3A_29, %dma_wait3A, %dma_wait3A_61] : memref<2x16x128xi32, #tpu.memory_space<vmem>> -> memref<1x16x128xi32, #tpu.memory_space<vmem>>
      %dma_wait3A_63 = tpu.memref_squeeze %dma_wait3A_62 : memref<1x16x128xi32, #tpu.memory_space<vmem>> -> memref<16x128xi32, #tpu.memory_space<vmem>>
      %dma_wait3A_64 = arith.constant 0 : i32
      %dma_wait3A_65 = arith.constant 0 : i32
      %dma_wait3A_66 = tpu.memref_slice %arg3[%arg1, %run_scoped3A_28, %dma_wait3A_64, %dma_wait3A_65] : memref<16x10x16x128xi32, #tpu.memory_space<hbm>> -> memref<1x1x16x128xi32, #tpu.memory_space<hbm>>
      %dma_wait3A_67 = tpu.memref_squeeze %dma_wait3A_66 : memref<1x1x16x128xi32, #tpu.memory_space<hbm>> -> memref<16x128xi32, #tpu.memory_space<hbm>>
      %dma_wait3A_68 = arith.constant 0 : i32
      %dma_wait3A_69 = arith.constant 0 : i32
      %dma_wait3A_70 = tpu.memref_slice %arg6[%run_scoped3A_29, %dma_wait3A_68, %dma_wait3A_69] : memref<2x16x128xi32, #tpu.memory_space<vmem>> -> memref<1x16x128xi32, #tpu.memory_space<vmem>>
      %dma_wait3A_71 = tpu.memref_squeeze %dma_wait3A_70 : memref<1x16x128xi32, #tpu.memory_space<vmem>> -> memref<16x128xi32, #tpu.memory_space<vmem>>
      %dma_wait3A_72 = arith.constant 0 : i32
      %dma_wait3A_73 = arith.constant 0 : i32
      %dma_wait3A_74 = tpu.memref_slice %arg3[%arg1, %run_scoped3A_28, %dma_wait3A_72, %dma_wait3A_73] : memref<16x10x16x128xi32, #tpu.memory_space<hbm>> -> memref<1x1x16x128xi32, #tpu.memory_space<hbm>>
      %dma_wait3A_75 = tpu.memref_squeeze %dma_wait3A_74 : memref<1x1x16x128xi32, #tpu.memory_space<hbm>> -> memref<16x128xi32, #tpu.memory_space<hbm>>
      tpu.wait_dma2 semaphore(%run_scoped3A_45 : memref<!tpu.dma_semaphore, #tpu.memory_space<semaphore_mem>>) src(%dma_wait3A_75 : memref<16x128xi32, #tpu.memory_space<hbm>>) dst(%dma_wait3A_71 : memref<16x128xi32, #tpu.memory_space<vmem>>)
      tpu.yield
    }) : () -> ()
    %run_scoped3A_30 = arith.constant 0 : i32
    %run_scoped3A_31 = arith.constant 0 : i32
    "tpu.region"() ({
      %run_scoped3A_45 = tpu.sem_alloc : memref<!tpu.dma_semaphore, #tpu.memory_space<semaphore_mem>>
      %dma_start3A = arith.constant 0 : i32
      %dma_start3A_46 = arith.constant 0 : i32
      %dma_start3A_47 = tpu.memref_slice %arg7[%run_scoped3A_31, %dma_start3A, %dma_start3A_46] : memref<2x16x128xi32, #tpu.memory_space<vmem>> -> memref<1x16x128xi32, #tpu.memory_space<vmem>>
      %dma_start3A_48 = tpu.memref_squeeze %dma_start3A_47 : memref<1x16x128xi32, #tpu.memory_space<vmem>> -> memref<16x128xi32, #tpu.memory_space<vmem>>
      %dma_start3A_49 = arith.constant 0 : i32
      %dma_start3A_50 = arith.constant 0 : i32
      %dma_start3A_51 = tpu.memref_slice %arg4[%arg1, %run_scoped3A_30, %dma_start3A_49, %dma_start3A_50] : memref<16x10x16x128xi32, #tpu.memory_space<hbm>> -> memref<1x1x16x128xi32, #tpu.memory_space<hbm>>
      %dma_start3A_52 = tpu.memref_squeeze %dma_start3A_51 : memref<1x1x16x128xi32, #tpu.memory_space<hbm>> -> memref<16x128xi32, #tpu.memory_space<hbm>>
      %dma_start3A_53 = arith.constant 0 : i32
      %dma_start3A_54 = arith.constant 0 : i32
      %dma_start3A_55 = tpu.memref_slice %arg7[%run_scoped3A_31, %dma_start3A_53, %dma_start3A_54] : memref<2x16x128xi32, #tpu.memory_space<vmem>> -> memref<1x16x128xi32, #tpu.memory_space<vmem>>
      %dma_start3A_56 = tpu.memref_squeeze %dma_start3A_55 : memref<1x16x128xi32, #tpu.memory_space<vmem>> -> memref<16x128xi32, #tpu.memory_space<vmem>>
      %dma_start3A_57 = arith.constant 0 : i32
      %dma_start3A_58 = arith.constant 0 : i32
      %dma_start3A_59 = tpu.memref_slice %arg4[%arg1, %run_scoped3A_30, %dma_start3A_57, %dma_start3A_58] : memref<16x10x16x128xi32, #tpu.memory_space<hbm>> -> memref<1x1x16x128xi32, #tpu.memory_space<hbm>>
      %dma_start3A_60 = tpu.memref_squeeze %dma_start3A_59 : memref<1x1x16x128xi32, #tpu.memory_space<hbm>> -> memref<16x128xi32, #tpu.memory_space<hbm>>
      tpu.enqueue_dma source(%dma_start3A_60 : memref<16x128xi32, #tpu.memory_space<hbm>>) target(%dma_start3A_56 : memref<16x128xi32, #tpu.memory_space<vmem>>) target_semaphore(%run_scoped3A_45 : memref<!tpu.dma_semaphore, #tpu.memory_space<semaphore_mem>>)
      %dma_wait3A = arith.constant 0 : i32
      %dma_wait3A_61 = arith.constant 0 : i32
      %dma_wait3A_62 = tpu.memref_slice %arg7[%run_scoped3A_31, %dma_wait3A, %dma_wait3A_61] : memref<2x16x128xi32, #tpu.memory_space<vmem>> -> memref<1x16x128xi32, #tpu.memory_space<vmem>>
      %dma_wait3A_63 = tpu.memref_squeeze %dma_wait3A_62 : memref<1x16x128xi32, #tpu.memory_space<vmem>> -> memref<16x128xi32, #tpu.memory_space<vmem>>
      %dma_wait3A_64 = arith.constant 0 : i32
      %dma_wait3A_65 = arith.constant 0 : i32
      %dma_wait3A_66 = tpu.memref_slice %arg4[%arg1, %run_scoped3A_30, %dma_wait3A_64, %dma_wait3A_65] : memref<16x10x16x128xi32, #tpu.memory_space<hbm>> -> memref<1x1x16x128xi32, #tpu.memory_space<hbm>>
      %dma_wait3A_67 = tpu.memref_squeeze %dma_wait3A_66 : memref<1x1x16x128xi32, #tpu.memory_space<hbm>> -> memref<16x128xi32, #tpu.memory_space<hbm>>
      %dma_wait3A_68 = arith.constant 0 : i32
      %dma_wait3A_69 = arith.constant 0 : i32
      %dma_wait3A_70 = tpu.memref_slice %arg7[%run_scoped3A_31, %dma_wait3A_68, %dma_wait3A_69] : memref<2x16x128xi32, #tpu.memory_space<vmem>> -> memref<1x16x128xi32, #tpu.memory_space<vmem>>
      %dma_wait3A_71 = tpu.memref_squeeze %dma_wait3A_70 : memref<1x16x128xi32, #tpu.memory_space<vmem>> -> memref<16x128xi32, #tpu.memory_space<vmem>>
      %dma_wait3A_72 = arith.constant 0 : i32
      %dma_wait3A_73 = arith.constant 0 : i32
      %dma_wait3A_74 = tpu.memref_slice %arg4[%arg1, %run_scoped3A_30, %dma_wait3A_72, %dma_wait3A_73] : memref<16x10x16x128xi32, #tpu.memory_space<hbm>> -> memref<1x1x16x128xi32, #tpu.memory_space<hbm>>
      %dma_wait3A_75 = tpu.memref_squeeze %dma_wait3A_74 : memref<1x1x16x128xi32, #tpu.memory_space<hbm>> -> memref<16x128xi32, #tpu.memory_space<hbm>>
      tpu.wait_dma2 semaphore(%run_scoped3A_45 : memref<!tpu.dma_semaphore, #tpu.memory_space<semaphore_mem>>) src(%dma_wait3A_75 : memref<16x128xi32, #tpu.memory_space<hbm>>) dst(%dma_wait3A_71 : memref<16x128xi32, #tpu.memory_space<vmem>>)
      tpu.yield
    }) : () -> ()
    %scan3A_32 = arith.constant 0 : i32
    %scan3A_33 = arith.constant 0 : i32
    %scan3A_34 = arith.constant 10 : i32
    %scan3A_35 = arith.addi %scan3A_33, %scan3A_34 : i32
    %scan3A_36 = arith.constant 1 : i32
    scf.for %scan3A_45 = %scan3A_33 to %scan3A_35 step %scan3A_36  : i32 {
      %rem3A = arith.constant 2 : i32
      %rem3A_46 = arith.remsi %scan3A_45, %rem3A : i32
      %add3A_47 = arith.constant 1 : i32
      %add3A_48 = arith.addi %scan3A_45, %add3A_47 : i32
      %rem3A_49 = arith.constant 2 : i32
      %rem3A_50 = arith.remsi %add3A_48, %rem3A_49 : i32
      %add3A_51 = arith.constant 1 : i32
      %add3A_52 = arith.addi %scan3A_45, %add3A_51 : i32
      %lt3A = arith.constant 10 : i32
      %lt3A_53 = arith.cmpi slt, %add3A_52, %lt3A : i32
      %convert_element_type3A_54 = arith.extui %lt3A_53 : i1 to i32
      %cond3A_55 = arith.constant 0 : i32
      %cond3A_56 = arith.cmpi ne, %convert_element_type3A_54, %cond3A_55 : i32
      scf.if %cond3A_56 {
        %add3A_734 = arith.constant 1 : i32
        %add3A_735 = arith.addi %scan3A_45, %add3A_734 : i32
        %dma_start3A_736 = arith.constant 0 : i32
        %dma_start3A_737 = arith.constant 0 : i32
        %dma_start3A_738 = tpu.memref_slice %arg6[%rem3A_50, %dma_start3A_736, %dma_start3A_737] : memref<2x16x128xi32, #tpu.memory_space<vmem>> -> memref<1x16x128xi32, #tpu.memory_space<vmem>>
        %dma_start3A_739 = tpu.memref_squeeze %dma_start3A_738 : memref<1x16x128xi32, #tpu.memory_space<vmem>> -> memref<16x128xi32, #tpu.memory_space<vmem>>
        %dma_start3A_740 = arith.constant 0 : i32
        %dma_start3A_741 = arith.constant 0 : i32
        %dma_start3A_742 = tpu.memref_slice %arg3[%arg1, %add3A_735, %dma_start3A_740, %dma_start3A_741] : memref<16x10x16x128xi32, #tpu.memory_space<hbm>> -> memref<1x1x16x128xi32, #tpu.memory_space<hbm>>
        %dma_start3A_743 = tpu.memref_squeeze %dma_start3A_742 : memref<1x1x16x128xi32, #tpu.memory_space<hbm>> -> memref<16x128xi32, #tpu.memory_space<hbm>>
        %dma_start3A_744 = arith.constant 0 : i32
        %dma_start3A_745 = arith.constant 0 : i32
        %dma_start3A_746 = tpu.memref_slice %arg6[%rem3A_50, %dma_start3A_744, %dma_start3A_745] : memref<2x16x128xi32, #tpu.memory_space<vmem>> -> memref<1x16x128xi32, #tpu.memory_space<vmem>>
        %dma_start3A_747 = tpu.memref_squeeze %dma_start3A_746 : memref<1x16x128xi32, #tpu.memory_space<vmem>> -> memref<16x128xi32, #tpu.memory_space<vmem>>
        %dma_start3A_748 = arith.constant 0 : i32
        %dma_start3A_749 = arith.constant 0 : i32
        %dma_start3A_750 = tpu.memref_slice %arg3[%arg1, %add3A_735, %dma_start3A_748, %dma_start3A_749] : memref<16x10x16x128xi32, #tpu.memory_space<hbm>> -> memref<1x1x16x128xi32, #tpu.memory_space<hbm>>
        %dma_start3A_751 = tpu.memref_squeeze %dma_start3A_750 : memref<1x1x16x128xi32, #tpu.memory_space<hbm>> -> memref<16x128xi32, #tpu.memory_space<hbm>>
        tpu.enqueue_dma source(%dma_start3A_751 : memref<16x128xi32, #tpu.memory_space<hbm>>) target(%dma_start3A_747 : memref<16x128xi32, #tpu.memory_space<vmem>>) target_semaphore(%arg12 : memref<!tpu.dma_semaphore, #tpu.memory_space<semaphore_mem>>)
        %add3A_752 = arith.constant 1 : i32
        %add3A_753 = arith.addi %scan3A_45, %add3A_752 : i32
        %dma_start3A_754 = arith.constant 0 : i32
        %dma_start3A_755 = arith.constant 0 : i32
        %dma_start3A_756 = tpu.memref_slice %arg7[%rem3A_50, %dma_start3A_754, %dma_start3A_755] : memref<2x16x128xi32, #tpu.memory_space<vmem>> -> memref<1x16x128xi32, #tpu.memory_space<vmem>>
        %dma_start3A_757 = tpu.memref_squeeze %dma_start3A_756 : memref<1x16x128xi32, #tpu.memory_space<vmem>> -> memref<16x128xi32, #tpu.memory_space<vmem>>
        %dma_start3A_758 = arith.constant 0 : i32
        %dma_start3A_759 = arith.constant 0 : i32
        %dma_start3A_760 = tpu.memref_slice %arg4[%arg1, %add3A_753, %dma_start3A_758, %dma_start3A_759] : memref<16x10x16x128xi32, #tpu.memory_space<hbm>> -> memref<1x1x16x128xi32, #tpu.memory_space<hbm>>
        %dma_start3A_761 = tpu.memref_squeeze %dma_start3A_760 : memref<1x1x16x128xi32, #tpu.memory_space<hbm>> -> memref<16x128xi32, #tpu.memory_space<hbm>>
        %dma_start3A_762 = arith.constant 0 : i32
        %dma_start3A_763 = arith.constant 0 : i32
        %dma_start3A_764 = tpu.memref_slice %arg7[%rem3A_50, %dma_start3A_762, %dma_start3A_763] : memref<2x16x128xi32, #tpu.memory_space<vmem>> -> memref<1x16x128xi32, #tpu.memory_space<vmem>>
        %dma_start3A_765 = tpu.memref_squeeze %dma_start3A_764 : memref<1x16x128xi32, #tpu.memory_space<vmem>> -> memref<16x128xi32, #tpu.memory_space<vmem>>
        %dma_start3A_766 = arith.constant 0 : i32
        %dma_start3A_767 = arith.constant 0 : i32
        %dma_start3A_768 = tpu.memref_slice %arg4[%arg1, %add3A_753, %dma_start3A_766, %dma_start3A_767] : memref<16x10x16x128xi32, #tpu.memory_space<hbm>> -> memref<1x1x16x128xi32, #tpu.memory_space<hbm>>
        %dma_start3A_769 = tpu.memref_squeeze %dma_start3A_768 : memref<1x1x16x128xi32, #tpu.memory_space<hbm>> -> memref<16x128xi32, #tpu.memory_space<hbm>>
        tpu.enqueue_dma source(%dma_start3A_769 : memref<16x128xi32, #tpu.memory_space<hbm>>) target(%dma_start3A_765 : memref<16x128xi32, #tpu.memory_space<vmem>>) target_semaphore(%arg12 : memref<!tpu.dma_semaphore, #tpu.memory_space<semaphore_mem>>)
      } else {
      }
      %dma_start3A = arith.constant 0 : i32
      %dma_start3A_57 = arith.constant 0 : i32
      %dma_start3A_58 = arith.constant 0 : i32
      %dma_start3A_59 = arith.constant 0 : i32
      %dma_start3A_60 = tpu.memref_slice %arg8[%dma_start3A_57, %dma_start3A_58, %dma_start3A_59] : memref<2x128x128xf32, #tpu.memory_space<vmem>> -> memref<1x128x128xf32, #tpu.memory_space<vmem>>
      %dma_start3A_61 = tpu.memref_squeeze %dma_start3A_60 : memref<1x128x128xf32, #tpu.memory_space<vmem>> -> memref<128x128xf32, #tpu.memory_space<vmem>>
      %dma_start3A_62 = arith.constant 0 : i32
      %dma_start3A_63 = arith.constant 0 : i32
      %dma_start3A_64 = tpu.memref_slice %arg6[%rem3A_46, %dma_start3A_62, %dma_start3A_63] : memref<2x16x128xi32, #tpu.memory_space<vmem>> -> memref<1x16x128xi32, #tpu.memory_space<vmem>>
      %dma_start3A_65 = tpu.memref_squeeze %dma_start3A_64 : memref<1x16x128xi32, #tpu.memory_space<vmem>> -> memref<16x128xi32, #tpu.memory_space<vmem>>
      %dma_start3A_66 = arith.constant 0 : i32
      %dma_start3A_67 = tpu.memref_slice %dma_start3A_65[%dma_start3A, %dma_start3A_66] : memref<16x128xi32, #tpu.memory_space<vmem>> -> memref<1x128xi32, #tpu.memory_space<vmem>>
      %dma_start3A_68 = tpu.memref_squeeze %dma_start3A_67 : memref<1x128xi32, #tpu.memory_space<vmem>> -> memref<128xi32, #tpu.memory_space<vmem>>
      %dma_start3A_69 = arith.constant 0 : i32
      %dma_start3A_70 = arith.constant 0 : i32
      %dma_start3A_71 = tpu.memref_slice %arg2[%arg0, %dma_start3A_69, %dma_start3A_70] : memref<2x10000x128xf32, #tpu.memory_space<hbm>> -> memref<1x10000x128xf32, #tpu.memory_space<hbm>>
      %dma_start3A_72 = tpu.memref_squeeze %dma_start3A_71 : memref<1x10000x128xf32, #tpu.memory_space<hbm>> -> memref<10000x128xf32, #tpu.memory_space<hbm>>
      %dma_start3A_73 = arith.constant 0 : i32
      %dma_start3A_74 = arith.constant 0 : i32
      %dma_start3A_75 = tpu.memref_slice %dma_start3A_72[%dma_start3A_73, %dma_start3A_74] : memref<10000x128xf32, #tpu.memory_space<hbm>> -> memref<10000x128xf32, #tpu.memory_space<hbm>>
      tpu.enqueue_indirect_dma source(%dma_start3A_75 : memref<10000x128xf32, #tpu.memory_space<hbm>>) target(%dma_start3A_61 : memref<128x128xf32, #tpu.memory_space<vmem>>) offsets(%dma_start3A_68 : memref<128xi32, #tpu.memory_space<vmem>>) semaphore(%arg10 : memref<!tpu.dma_semaphore, #tpu.memory_space<semaphore_mem>>)
      %dma_start3A_76 = arith.constant 1 : i32
      %dma_start3A_77 = arith.constant 1 : i32
      %dma_start3A_78 = arith.constant 0 : i32
      %dma_start3A_79 = arith.constant 0 : i32
      %dma_start3A_80 = tpu.memref_slice %arg8[%dma_start3A_77, %dma_start3A_78, %dma_start3A_79] : memref<2x128x128xf32, #tpu.memory_space<vmem>> -> memref<1x128x128xf32, #tpu.memory_space<vmem>>
      %dma_start3A_81 = tpu.memref_squeeze %dma_start3A_80 : memref<1x128x128xf32, #tpu.memory_space<vmem>> -> memref<128x128xf32, #tpu.memory_space<vmem>>
      %dma_start3A_82 = arith.constant 0 : i32
      %dma_start3A_83 = arith.constant 0 : i32
      %dma_start3A_84 = tpu.memref_slice %arg6[%rem3A_46, %dma_start3A_82, %dma_start3A_83] : memref<2x16x128xi32, #tpu.memory_space<vmem>> -> memref<1x16x128xi32, #tpu.memory_space<vmem>>
      %dma_start3A_85 = tpu.memref_squeeze %dma_start3A_84 : memref<1x16x128xi32, #tpu.memory_space<vmem>> -> memref<16x128xi32, #tpu.memory_space<vmem>>
      %dma_start3A_86 = arith.constant 0 : i32
      %dma_start3A_87 = tpu.memref_slice %dma_start3A_85[%dma_start3A_76, %dma_start3A_86] : memref<16x128xi32, #tpu.memory_space<vmem>> -> memref<1x128xi32, #tpu.memory_space<vmem>>
      %dma_start3A_88 = tpu.memref_squeeze %dma_start3A_87 : memref<1x128xi32, #tpu.memory_space<vmem>> -> memref<128xi32, #tpu.memory_space<vmem>>
      %dma_start3A_89 = arith.constant 0 : i32
      %dma_start3A_90 = arith.constant 0 : i32
      %dma_start3A_91 = tpu.memref_slice %arg2[%arg0, %dma_start3A_89, %dma_start3A_90] : memref<2x10000x128xf32, #tpu.memory_space<hbm>> -> memref<1x10000x128xf32, #tpu.memory_space<hbm>>
      %dma_start3A_92 = tpu.memref_squeeze %dma_start3A_91 : memref<1x10000x128xf32, #tpu.memory_space<hbm>> -> memref<10000x128xf32, #tpu.memory_space<hbm>>
      %dma_start3A_93 = arith.constant 0 : i32
      %dma_start3A_94 = arith.constant 0 : i32
      %dma_start3A_95 = tpu.memref_slice %dma_start3A_92[%dma_start3A_93, %dma_start3A_94] : memref<10000x128xf32, #tpu.memory_space<hbm>> -> memref<10000x128xf32, #tpu.memory_space<hbm>>
      tpu.enqueue_indirect_dma source(%dma_start3A_95 : memref<10000x128xf32, #tpu.memory_space<hbm>>) target(%dma_start3A_81 : memref<128x128xf32, #tpu.memory_space<vmem>>) offsets(%dma_start3A_88 : memref<128xi32, #tpu.memory_space<vmem>>) semaphore(%arg11 : memref<!tpu.dma_semaphore, #tpu.memory_space<semaphore_mem>>)
      %dma_wait3A = arith.constant 0 : i32
      %dma_wait3A_96 = arith.constant 0 : i32
      %dma_wait3A_97 = arith.constant 0 : i32
      %dma_wait3A_98 = arith.constant 0 : i32
      %dma_wait3A_99 = tpu.memref_slice %arg8[%dma_wait3A_96, %dma_wait3A_97, %dma_wait3A_98] : memref<2x128x128xf32, #tpu.memory_space<vmem>> -> memref<1x128x128xf32, #tpu.memory_space<vmem>>
      %dma_wait3A_100 = tpu.memref_squeeze %dma_wait3A_99 : memref<1x128x128xf32, #tpu.memory_space<vmem>> -> memref<128x128xf32, #tpu.memory_space<vmem>>
      %dma_wait3A_101 = arith.constant 0 : i32
      %dma_wait3A_102 = arith.constant 0 : i32
      %dma_wait3A_103 = tpu.memref_slice %arg6[%rem3A_46, %dma_wait3A_101, %dma_wait3A_102] : memref<2x16x128xi32, #tpu.memory_space<vmem>> -> memref<1x16x128xi32, #tpu.memory_space<vmem>>
      %dma_wait3A_104 = tpu.memref_squeeze %dma_wait3A_103 : memref<1x16x128xi32, #tpu.memory_space<vmem>> -> memref<16x128xi32, #tpu.memory_space<vmem>>
      %dma_wait3A_105 = arith.constant 0 : i32
      %dma_wait3A_106 = tpu.memref_slice %dma_wait3A_104[%dma_wait3A, %dma_wait3A_105] : memref<16x128xi32, #tpu.memory_space<vmem>> -> memref<1x128xi32, #tpu.memory_space<vmem>>
      %dma_wait3A_107 = tpu.memref_squeeze %dma_wait3A_106 : memref<1x128xi32, #tpu.memory_space<vmem>> -> memref<128xi32, #tpu.memory_space<vmem>>
      %dma_wait3A_108 = arith.constant 0 : i32
      %dma_wait3A_109 = arith.constant 0 : i32
      %dma_wait3A_110 = tpu.memref_slice %arg2[%arg0, %dma_wait3A_108, %dma_wait3A_109] : memref<2x10000x128xf32, #tpu.memory_space<hbm>> -> memref<1x10000x128xf32, #tpu.memory_space<hbm>>
      %dma_wait3A_111 = tpu.memref_squeeze %dma_wait3A_110 : memref<1x10000x128xf32, #tpu.memory_space<hbm>> -> memref<10000x128xf32, #tpu.memory_space<hbm>>
      %dma_wait3A_112 = arith.constant 0 : i32
      %dma_wait3A_113 = arith.constant 0 : i32
      %dma_wait3A_114 = tpu.memref_slice %dma_wait3A_111[%dma_wait3A_112, %dma_wait3A_113] : memref<10000x128xf32, #tpu.memory_space<hbm>> -> memref<10000x128xf32, #tpu.memory_space<hbm>>
      tpu.wait_indirect_dma semaphore(%arg10 : memref<!tpu.dma_semaphore, #tpu.memory_space<semaphore_mem>>) src(%dma_wait3A_114 : memref<10000x128xf32, #tpu.memory_space<hbm>>) dst(%dma_wait3A_100 : memref<128x128xf32, #tpu.memory_space<vmem>>)
      %run_scoped3A_115 = arith.constant 0 : i32
      %run_scoped3A_116 = arith.constant 0 : i32
      "tpu.region"() ({
        %run_scoped3A_734 = tpu.sem_alloc : memref<!tpu.dma_semaphore, #tpu.memory_space<semaphore_mem>>
        %dma_start3A_735 = arith.constant 0 : i32
        %dma_start3A_736 = arith.constant 0 : i32
        %dma_start3A_737 = tpu.memref_slice %arg8[%run_scoped3A_115, %dma_start3A_735, %dma_start3A_736] : memref<2x128x128xf32, #tpu.memory_space<vmem>> -> memref<1x128x128xf32, #tpu.memory_space<vmem>>
        %dma_start3A_738 = tpu.memref_squeeze %dma_start3A_737 : memref<1x128x128xf32, #tpu.memory_space<vmem>> -> memref<128x128xf32, #tpu.memory_space<vmem>>
        %dma_start3A_739 = arith.constant 0 : i32
        %dma_start3A_740 = arith.constant 0 : i32
        %dma_start3A_741 = tpu.memref_slice %arg7[%rem3A_46, %dma_start3A_739, %dma_start3A_740] : memref<2x16x128xi32, #tpu.memory_space<vmem>> -> memref<1x16x128xi32, #tpu.memory_space<vmem>>
        %dma_start3A_742 = tpu.memref_squeeze %dma_start3A_741 : memref<1x16x128xi32, #tpu.memory_space<vmem>> -> memref<16x128xi32, #tpu.memory_space<vmem>>
        %dma_start3A_743 = arith.constant 0 : i32
        %dma_start3A_744 = tpu.memref_slice %dma_start3A_742[%run_scoped3A_116, %dma_start3A_743] : memref<16x128xi32, #tpu.memory_space<vmem>> -> memref<1x128xi32, #tpu.memory_space<vmem>>
        %dma_start3A_745 = tpu.memref_squeeze %dma_start3A_744 : memref<1x128xi32, #tpu.memory_space<vmem>> -> memref<128xi32, #tpu.memory_space<vmem>>
        %dma_start3A_746 = arith.constant 0 : i32
        %dma_start3A_747 = arith.constant 0 : i32
        %dma_start3A_748 = tpu.memref_slice %arg9[%dma_start3A_746, %dma_start3A_747] : memref<10112x128xf32, #tpu.memory_space<vmem_shared>> -> memref<10112x128xf32, #tpu.memory_space<vmem_shared>>
        tpu.enqueue_indirect_dma source(%dma_start3A_738 : memref<128x128xf32, #tpu.memory_space<vmem>>) target(%dma_start3A_748 : memref<10112x128xf32, #tpu.memory_space<vmem_shared>>) offsets(%dma_start3A_745 : memref<128xi32, #tpu.memory_space<vmem>>) semaphore(%run_scoped3A_734 : memref<!tpu.dma_semaphore, #tpu.memory_space<semaphore_mem>>) {add = true}
        %dma_wait3A_749 = arith.constant 0 : i32
        %dma_wait3A_750 = arith.constant 0 : i32
        %dma_wait3A_751 = tpu.memref_slice %arg8[%run_scoped3A_115, %dma_wait3A_749, %dma_wait3A_750] : memref<2x128x128xf32, #tpu.memory_space<vmem>> -> memref<1x128x128xf32, #tpu.memory_space<vmem>>
        %dma_wait3A_752 = tpu.memref_squeeze %dma_wait3A_751 : memref<1x128x128xf32, #tpu.memory_space<vmem>> -> memref<128x128xf32, #tpu.memory_space<vmem>>
        %dma_wait3A_753 = arith.constant 0 : i32
        %dma_wait3A_754 = arith.constant 0 : i32
        %dma_wait3A_755 = tpu.memref_slice %arg7[%rem3A_46, %dma_wait3A_753, %dma_wait3A_754] : memref<2x16x128xi32, #tpu.memory_space<vmem>> -> memref<1x16x128xi32, #tpu.memory_space<vmem>>
        %dma_wait3A_756 = tpu.memref_squeeze %dma_wait3A_755 : memref<1x16x128xi32, #tpu.memory_space<vmem>> -> memref<16x128xi32, #tpu.memory_space<vmem>>
        %dma_wait3A_757 = arith.constant 0 : i32
        %dma_wait3A_758 = tpu.memref_slice %dma_wait3A_756[%run_scoped3A_116, %dma_wait3A_757] : memref<16x128xi32, #tpu.memory_space<vmem>> -> memref<1x128xi32, #tpu.memory_space<vmem>>
        %dma_wait3A_759 = tpu.memref_squeeze %dma_wait3A_758 : memref<1x128xi32, #tpu.memory_space<vmem>> -> memref<128xi32, #tpu.memory_space<vmem>>
        %dma_wait3A_760 = arith.constant 0 : i32
        %dma_wait3A_761 = arith.constant 0 : i32
        %dma_wait3A_762 = tpu.memref_slice %arg9[%dma_wait3A_760, %dma_wait3A_761] : memref<10112x128xf32, #tpu.memory_space<vmem_shared>> -> memref<10112x128xf32, #tpu.memory_space<vmem_shared>>
        tpu.wait_indirect_dma semaphore(%run_scoped3A_734 : memref<!tpu.dma_semaphore, #tpu.memory_space<semaphore_mem>>) src(%dma_wait3A_752 : memref<128x128xf32, #tpu.memory_space<vmem>>) dst(%dma_wait3A_762 : memref<10112x128xf32, #tpu.memory_space<vmem_shared>>)
        tpu.yield
      }) : () -> ()
      %dma_start3A_117 = arith.constant 2 : i32
      %dma_start3A_118 = arith.constant 0 : i32
      %dma_start3A_119 = arith.constant 0 : i32
      %dma_start3A_120 = arith.constant 0 : i32
      %dma_start3A_121 = tpu.memref_slice %arg8[%dma_start3A_118, %dma_start3A_119, %dma_start3A_120] : memref<2x128x128xf32, #tpu.memory_space<vmem>> -> memref<1x128x128xf32, #tpu.memory_space<vmem>>
      %dma_start3A_122 = tpu.memref_squeeze %dma_start3A_121 : memref<1x128x128xf32, #tpu.memory_space<vmem>> -> memref<128x128xf32, #tpu.memory_space<vmem>>
      %dma_start3A_123 = arith.constant 0 : i32
      %dma_start3A_124 = arith.constant 0 : i32
      %dma_start3A_125 = tpu.memref_slice %arg6[%rem3A_46, %dma_start3A_123, %dma_start3A_124] : memref<2x16x128xi32, #tpu.memory_space<vmem>> -> memref<1x16x128xi32, #tpu.memory_space<vmem>>
      %dma_start3A_126 = tpu.memref_squeeze %dma_start3A_125 : memref<1x16x128xi32, #tpu.memory_space<vmem>> -> memref<16x128xi32, #tpu.memory_space<vmem>>
      %dma_start3A_127 = arith.constant 0 : i32
      %dma_start3A_128 = tpu.memref_slice %dma_start3A_126[%dma_start3A_117, %dma_start3A_127] : memref<16x128xi32, #tpu.memory_space<vmem>> -> memref<1x128xi32, #tpu.memory_space<vmem>>
      %dma_start3A_129 = tpu.memref_squeeze %dma_start3A_128 : memref<1x128xi32, #tpu.memory_space<vmem>> -> memref<128xi32, #tpu.memory_space<vmem>>
      %dma_start3A_130 = arith.constant 0 : i32
      %dma_start3A_131 = arith.constant 0 : i32
      %dma_start3A_132 = tpu.memref_slice %arg2[%arg0, %dma_start3A_130, %dma_start3A_131] : memref<2x10000x128xf32, #tpu.memory_space<hbm>> -> memref<1x10000x128xf32, #tpu.memory_space<hbm>>
      %dma_start3A_133 = tpu.memref_squeeze %dma_start3A_132 : memref<1x10000x128xf32, #tpu.memory_space<hbm>> -> memref<10000x128xf32, #tpu.memory_space<hbm>>
      %dma_start3A_134 = arith.constant 0 : i32
      %dma_start3A_135 = arith.constant 0 : i32
      %dma_start3A_136 = tpu.memref_slice %dma_start3A_133[%dma_start3A_134, %dma_start3A_135] : memref<10000x128xf32, #tpu.memory_space<hbm>> -> memref<10000x128xf32, #tpu.memory_space<hbm>>
      tpu.enqueue_indirect_dma source(%dma_start3A_136 : memref<10000x128xf32, #tpu.memory_space<hbm>>) target(%dma_start3A_122 : memref<128x128xf32, #tpu.memory_space<vmem>>) offsets(%dma_start3A_129 : memref<128xi32, #tpu.memory_space<vmem>>) semaphore(%arg10 : memref<!tpu.dma_semaphore, #tpu.memory_space<semaphore_mem>>)
      %dma_wait3A_137 = arith.constant 1 : i32
      %dma_wait3A_138 = arith.constant 1 : i32
      %dma_wait3A_139 = arith.constant 0 : i32
      %dma_wait3A_140 = arith.constant 0 : i32
      %dma_wait3A_141 = tpu.memref_slice %arg8[%dma_wait3A_138, %dma_wait3A_139, %dma_wait3A_140] : memref<2x128x128xf32, #tpu.memory_space<vmem>> -> memref<1x128x128xf32, #tpu.memory_space<vmem>>
      %dma_wait3A_142 = tpu.memref_squeeze %dma_wait3A_141 : memref<1x128x128xf32, #tpu.memory_space<vmem>> -> memref<128x128xf32, #tpu.memory_space<vmem>>
      %dma_wait3A_143 = arith.constant 0 : i32
      %dma_wait3A_144 = arith.constant 0 : i32
      %dma_wait3A_145 = tpu.memref_slice %arg6[%rem3A_46, %dma_wait3A_143, %dma_wait3A_144] : memref<2x16x128xi32, #tpu.memory_space<vmem>> -> memref<1x16x128xi32, #tpu.memory_space<vmem>>
      %dma_wait3A_146 = tpu.memref_squeeze %dma_wait3A_145 : memref<1x16x128xi32, #tpu.memory_space<vmem>> -> memref<16x128xi32, #tpu.memory_space<vmem>>
      %dma_wait3A_147 = arith.constant 0 : i32
      %dma_wait3A_148 = tpu.memref_slice %dma_wait3A_146[%dma_wait3A_137, %dma_wait3A_147] : memref<16x128xi32, #tpu.memory_space<vmem>> -> memref<1x128xi32, #tpu.memory_space<vmem>>
      %dma_wait3A_149 = tpu.memref_squeeze %dma_wait3A_148 : memref<1x128xi32, #tpu.memory_space<vmem>> -> memref<128xi32, #tpu.memory_space<vmem>>
      %dma_wait3A_150 = arith.constant 0 : i32
      %dma_wait3A_151 = arith.constant 0 : i32
      %dma_wait3A_152 = tpu.memref_slice %arg2[%arg0, %dma_wait3A_150, %dma_wait3A_151] : memref<2x10000x128xf32, #tpu.memory_space<hbm>> -> memref<1x10000x128xf32, #tpu.memory_space<hbm>>
      %dma_wait3A_153 = tpu.memref_squeeze %dma_wait3A_152 : memref<1x10000x128xf32, #tpu.memory_space<hbm>> -> memref<10000x128xf32, #tpu.memory_space<hbm>>
      %dma_wait3A_154 = arith.constant 0 : i32
      %dma_wait3A_155 = arith.constant 0 : i32
      %dma_wait3A_156 = tpu.memref_slice %dma_wait3A_153[%dma_wait3A_154, %dma_wait3A_155] : memref<10000x128xf32, #tpu.memory_space<hbm>> -> memref<10000x128xf32, #tpu.memory_space<hbm>>
      tpu.wait_indirect_dma semaphore(%arg11 : memref<!tpu.dma_semaphore, #tpu.memory_space<semaphore_mem>>) src(%dma_wait3A_156 : memref<10000x128xf32, #tpu.memory_space<hbm>>) dst(%dma_wait3A_142 : memref<128x128xf32, #tpu.memory_space<vmem>>)
      %run_scoped3A_157 = arith.constant 1 : i32
      %run_scoped3A_158 = arith.constant 1 : i32
      "tpu.region"() ({
        %run_scoped3A_734 = tpu.sem_alloc : memref<!tpu.dma_semaphore, #tpu.memory_space<semaphore_mem>>
        %dma_start3A_735 = arith.constant 0 : i32
        %dma_start3A_736 = arith.constant 0 : i32
        %dma_start3A_737 = tpu.memref_slice %arg8[%run_scoped3A_157, %dma_start3A_735, %dma_start3A_736] : memref<2x128x128xf32, #tpu.memory_space<vmem>> -> memref<1x128x128xf32, #tpu.memory_space<vmem>>
        %dma_start3A_738 = tpu.memref_squeeze %dma_start3A_737 : memref<1x128x128xf32, #tpu.memory_space<vmem>> -> memref<128x128xf32, #tpu.memory_space<vmem>>
        %dma_start3A_739 = arith.constant 0 : i32
        %dma_start3A_740 = arith.constant 0 : i32
        %dma_start3A_741 = tpu.memref_slice %arg7[%rem3A_46, %dma_start3A_739, %dma_start3A_740] : memref<2x16x128xi32, #tpu.memory_space<vmem>> -> memref<1x16x128xi32, #tpu.memory_space<vmem>>
        %dma_start3A_742 = tpu.memref_squeeze %dma_start3A_741 : memref<1x16x128xi32, #tpu.memory_space<vmem>> -> memref<16x128xi32, #tpu.memory_space<vmem>>
        %dma_start3A_743 = arith.constant 0 : i32
        %dma_start3A_744 = tpu.memref_slice %dma_start3A_742[%run_scoped3A_158, %dma_start3A_743] : memref<16x128xi32, #tpu.memory_space<vmem>> -> memref<1x128xi32, #tpu.memory_space<vmem>>
        %dma_start3A_745 = tpu.memref_squeeze %dma_start3A_744 : memref<1x128xi32, #tpu.memory_space<vmem>> -> memref<128xi32, #tpu.memory_space<vmem>>
        %dma_start3A_746 = arith.constant 0 : i32
        %dma_start3A_747 = arith.constant 0 : i32
        %dma_start3A_748 = tpu.memref_slice %arg9[%dma_start3A_746, %dma_start3A_747] : memref<10112x128xf32, #tpu.memory_space<vmem_shared>> -> memref<10112x128xf32, #tpu.memory_space<vmem_shared>>
        tpu.enqueue_indirect_dma source(%dma_start3A_738 : memref<128x128xf32, #tpu.memory_space<vmem>>) target(%dma_start3A_748 : memref<10112x128xf32, #tpu.memory_space<vmem_shared>>) offsets(%dma_start3A_745 : memref<128xi32, #tpu.memory_space<vmem>>) semaphore(%run_scoped3A_734 : memref<!tpu.dma_semaphore, #tpu.memory_space<semaphore_mem>>) {add = true}
        %dma_wait3A_749 = arith.constant 0 : i32
        %dma_wait3A_750 = arith.constant 0 : i32
        %dma_wait3A_751 = tpu.memref_slice %arg8[%run_scoped3A_157, %dma_wait3A_749, %dma_wait3A_750] : memref<2x128x128xf32, #tpu.memory_space<vmem>> -> memref<1x128x128xf32, #tpu.memory_space<vmem>>
        %dma_wait3A_752 = tpu.memref_squeeze %dma_wait3A_751 : memref<1x128x128xf32, #tpu.memory_space<vmem>> -> memref<128x128xf32, #tpu.memory_space<vmem>>
        %dma_wait3A_753 = arith.constant 0 : i32
        %dma_wait3A_754 = arith.constant 0 : i32
        %dma_wait3A_755 = tpu.memref_slice %arg7[%rem3A_46, %dma_wait3A_753, %dma_wait3A_754] : memref<2x16x128xi32, #tpu.memory_space<vmem>> -> memref<1x16x128xi32, #tpu.memory_space<vmem>>
        %dma_wait3A_756 = tpu.memref_squeeze %dma_wait3A_755 : memref<1x16x128xi32, #tpu.memory_space<vmem>> -> memref<16x128xi32, #tpu.memory_space<vmem>>
        %dma_wait3A_757 = arith.constant 0 : i32
        %dma_wait3A_758 = tpu.memref_slice %dma_wait3A_756[%run_scoped3A_158, %dma_wait3A_757] : memref<16x128xi32, #tpu.memory_space<vmem>> -> memref<1x128xi32, #tpu.memory_space<vmem>>
        %dma_wait3A_759 = tpu.memref_squeeze %dma_wait3A_758 : memref<1x128xi32, #tpu.memory_space<vmem>> -> memref<128xi32, #tpu.memory_space<vmem>>
        %dma_wait3A_760 = arith.constant 0 : i32
        %dma_wait3A_761 = arith.constant 0 : i32
        %dma_wait3A_762 = tpu.memref_slice %arg9[%dma_wait3A_760, %dma_wait3A_761] : memref<10112x128xf32, #tpu.memory_space<vmem_shared>> -> memref<10112x128xf32, #tpu.memory_space<vmem_shared>>
        tpu.wait_indirect_dma semaphore(%run_scoped3A_734 : memref<!tpu.dma_semaphore, #tpu.memory_space<semaphore_mem>>) src(%dma_wait3A_752 : memref<128x128xf32, #tpu.memory_space<vmem>>) dst(%dma_wait3A_762 : memref<10112x128xf32, #tpu.memory_space<vmem_shared>>)
        tpu.yield
      }) : () -> ()
      %dma_start3A_159 = arith.constant 3 : i32
      %dma_start3A_160 = arith.constant 1 : i32
      %dma_start3A_161 = arith.constant 0 : i32
      %dma_start3A_162 = arith.constant 0 : i32
      %dma_start3A_163 = tpu.memref_slice %arg8[%dma_start3A_160, %dma_start3A_161, %dma_start3A_162] : memref<2x128x128xf32, #tpu.memory_space<vmem>> -> memref<1x128x128xf32, #tpu.memory_space<vmem>>
      %dma_start3A_164 = tpu.memref_squeeze %dma_start3A_163 : memref<1x128x128xf32, #tpu.memory_space<vmem>> -> memref<128x128xf32, #tpu.memory_space<vmem>>
      %dma_start3A_165 = arith.constant 0 : i32
      %dma_start3A_166 = arith.constant 0 : i32
      %dma_start3A_167 = tpu.memref_slice %arg6[%rem3A_46, %dma_start3A_165, %dma_start3A_166] : memref<2x16x128xi32, #tpu.memory_space<vmem>> -> memref<1x16x128xi32, #tpu.memory_space<vmem>>
      %dma_start3A_168 = tpu.memref_squeeze %dma_start3A_167 : memref<1x16x128xi32, #tpu.memory_space<vmem>> -> memref<16x128xi32, #tpu.memory_space<vmem>>
      %dma_start3A_169 = arith.constant 0 : i32
      %dma_start3A_170 = tpu.memref_slice %dma_start3A_168[%dma_start3A_159, %dma_start3A_169] : memref<16x128xi32, #tpu.memory_space<vmem>> -> memref<1x128xi32, #tpu.memory_space<vmem>>
      %dma_start3A_171 = tpu.memref_squeeze %dma_start3A_170 : memref<1x128xi32, #tpu.memory_space<vmem>> -> memref<128xi32, #tpu.memory_space<vmem>>
      %dma_start3A_172 = arith.constant 0 : i32
      %dma_start3A_173 = arith.constant 0 : i32
      %dma_start3A_174 = tpu.memref_slice %arg2[%arg0, %dma_start3A_172, %dma_start3A_173] : memref<2x10000x128xf32, #tpu.memory_space<hbm>> -> memref<1x10000x128xf32, #tpu.memory_space<hbm>>
      %dma_start3A_175 = tpu.memref_squeeze %dma_start3A_174 : memref<1x10000x128xf32, #tpu.memory_space<hbm>> -> memref<10000x128xf32, #tpu.memory_space<hbm>>
      %dma_start3A_176 = arith.constant 0 : i32
      %dma_start3A_177 = arith.constant 0 : i32
      %dma_start3A_178 = tpu.memref_slice %dma_start3A_175[%dma_start3A_176, %dma_start3A_177] : memref<10000x128xf32, #tpu.memory_space<hbm>> -> memref<10000x128xf32, #tpu.memory_space<hbm>>
      tpu.enqueue_indirect_dma source(%dma_start3A_178 : memref<10000x128xf32, #tpu.memory_space<hbm>>) target(%dma_start3A_164 : memref<128x128xf32, #tpu.memory_space<vmem>>) offsets(%dma_start3A_171 : memref<128xi32, #tpu.memory_space<vmem>>) semaphore(%arg11 : memref<!tpu.dma_semaphore, #tpu.memory_space<semaphore_mem>>)
      %dma_wait3A_179 = arith.constant 2 : i32
      %dma_wait3A_180 = arith.constant 0 : i32
      %dma_wait3A_181 = arith.constant 0 : i32
      %dma_wait3A_182 = arith.constant 0 : i32
      %dma_wait3A_183 = tpu.memref_slice %arg8[%dma_wait3A_180, %dma_wait3A_181, %dma_wait3A_182] : memref<2x128x128xf32, #tpu.memory_space<vmem>> -> memref<1x128x128xf32, #tpu.memory_space<vmem>>
      %dma_wait3A_184 = tpu.memref_squeeze %dma_wait3A_183 : memref<1x128x128xf32, #tpu.memory_space<vmem>> -> memref<128x128xf32, #tpu.memory_space<vmem>>
      %dma_wait3A_185 = arith.constant 0 : i32
      %dma_wait3A_186 = arith.constant 0 : i32
      %dma_wait3A_187 = tpu.memref_slice %arg6[%rem3A_46, %dma_wait3A_185, %dma_wait3A_186] : memref<2x16x128xi32, #tpu.memory_space<vmem>> -> memref<1x16x128xi32, #tpu.memory_space<vmem>>
      %dma_wait3A_188 = tpu.memref_squeeze %dma_wait3A_187 : memref<1x16x128xi32, #tpu.memory_space<vmem>> -> memref<16x128xi32, #tpu.memory_space<vmem>>
      %dma_wait3A_189 = arith.constant 0 : i32
      %dma_wait3A_190 = tpu.memref_slice %dma_wait3A_188[%dma_wait3A_179, %dma_wait3A_189] : memref<16x128xi32, #tpu.memory_space<vmem>> -> memref<1x128xi32, #tpu.memory_space<vmem>>
      %dma_wait3A_191 = tpu.memref_squeeze %dma_wait3A_190 : memref<1x128xi32, #tpu.memory_space<vmem>> -> memref<128xi32, #tpu.memory_space<vmem>>
      %dma_wait3A_192 = arith.constant 0 : i32
      %dma_wait3A_193 = arith.constant 0 : i32
      %dma_wait3A_194 = tpu.memref_slice %arg2[%arg0, %dma_wait3A_192, %dma_wait3A_193] : memref<2x10000x128xf32, #tpu.memory_space<hbm>> -> memref<1x10000x128xf32, #tpu.memory_space<hbm>>
      %dma_wait3A_195 = tpu.memref_squeeze %dma_wait3A_194 : memref<1x10000x128xf32, #tpu.memory_space<hbm>> -> memref<10000x128xf32, #tpu.memory_space<hbm>>
      %dma_wait3A_196 = arith.constant 0 : i32
      %dma_wait3A_197 = arith.constant 0 : i32
      %dma_wait3A_198 = tpu.memref_slice %dma_wait3A_195[%dma_wait3A_196, %dma_wait3A_197] : memref<10000x128xf32, #tpu.memory_space<hbm>> -> memref<10000x128xf32, #tpu.memory_space<hbm>>
      tpu.wait_indirect_dma semaphore(%arg10 : memref<!tpu.dma_semaphore, #tpu.memory_space<semaphore_mem>>) src(%dma_wait3A_198 : memref<10000x128xf32, #tpu.memory_space<hbm>>) dst(%dma_wait3A_184 : memref<128x128xf32, #tpu.memory_space<vmem>>)
      %run_scoped3A_199 = arith.constant 0 : i32
      %run_scoped3A_200 = arith.constant 2 : i32
      "tpu.region"() ({
        %run_scoped3A_734 = tpu.sem_alloc : memref<!tpu.dma_semaphore, #tpu.memory_space<semaphore_mem>>
        %dma_start3A_735 = arith.constant 0 : i32
        %dma_start3A_736 = arith.constant 0 : i32
        %dma_start3A_737 = tpu.memref_slice %arg8[%run_scoped3A_199, %dma_start3A_735, %dma_start3A_736] : memref<2x128x128xf32, #tpu.memory_space<vmem>> -> memref<1x128x128xf32, #tpu.memory_space<vmem>>
        %dma_start3A_738 = tpu.memref_squeeze %dma_start3A_737 : memref<1x128x128xf32, #tpu.memory_space<vmem>> -> memref<128x128xf32, #tpu.memory_space<vmem>>
        %dma_start3A_739 = arith.constant 0 : i32
        %dma_start3A_740 = arith.constant 0 : i32
        %dma_start3A_741 = tpu.memref_slice %arg7[%rem3A_46, %dma_start3A_739, %dma_start3A_740] : memref<2x16x128xi32, #tpu.memory_space<vmem>> -> memref<1x16x128xi32, #tpu.memory_space<vmem>>
        %dma_start3A_742 = tpu.memref_squeeze %dma_start3A_741 : memref<1x16x128xi32, #tpu.memory_space<vmem>> -> memref<16x128xi32, #tpu.memory_space<vmem>>
        %dma_start3A_743 = arith.constant 0 : i32
        %dma_start3A_744 = tpu.memref_slice %dma_start3A_742[%run_scoped3A_200, %dma_start3A_743] : memref<16x128xi32, #tpu.memory_space<vmem>> -> memref<1x128xi32, #tpu.memory_space<vmem>>
        %dma_start3A_745 = tpu.memref_squeeze %dma_start3A_744 : memref<1x128xi32, #tpu.memory_space<vmem>> -> memref<128xi32, #tpu.memory_space<vmem>>
        %dma_start3A_746 = arith.constant 0 : i32
        %dma_start3A_747 = arith.constant 0 : i32
        %dma_start3A_748 = tpu.memref_slice %arg9[%dma_start3A_746, %dma_start3A_747] : memref<10112x128xf32, #tpu.memory_space<vmem_shared>> -> memref<10112x128xf32, #tpu.memory_space<vmem_shared>>
        tpu.enqueue_indirect_dma source(%dma_start3A_738 : memref<128x128xf32, #tpu.memory_space<vmem>>) target(%dma_start3A_748 : memref<10112x128xf32, #tpu.memory_space<vmem_shared>>) offsets(%dma_start3A_745 : memref<128xi32, #tpu.memory_space<vmem>>) semaphore(%run_scoped3A_734 : memref<!tpu.dma_semaphore, #tpu.memory_space<semaphore_mem>>) {add = true}
        %dma_wait3A_749 = arith.constant 0 : i32
        %dma_wait3A_750 = arith.constant 0 : i32
        %dma_wait3A_751 = tpu.memref_slice %arg8[%run_scoped3A_199, %dma_wait3A_749, %dma_wait3A_750] : memref<2x128x128xf32, #tpu.memory_space<vmem>> -> memref<1x128x128xf32, #tpu.memory_space<vmem>>
        %dma_wait3A_752 = tpu.memref_squeeze %dma_wait3A_751 : memref<1x128x128xf32, #tpu.memory_space<vmem>> -> memref<128x128xf32, #tpu.memory_space<vmem>>
        %dma_wait3A_753 = arith.constant 0 : i32
        %dma_wait3A_754 = arith.constant 0 : i32
        %dma_wait3A_755 = tpu.memref_slice %arg7[%rem3A_46, %dma_wait3A_753, %dma_wait3A_754] : memref<2x16x128xi32, #tpu.memory_space<vmem>> -> memref<1x16x128xi32, #tpu.memory_space<vmem>>
        %dma_wait3A_756 = tpu.memref_squeeze %dma_wait3A_755 : memref<1x16x128xi32, #tpu.memory_space<vmem>> -> memref<16x128xi32, #tpu.memory_space<vmem>>
        %dma_wait3A_757 = arith.constant 0 : i32
        %dma_wait3A_758 = tpu.memref_slice %dma_wait3A_756[%run_scoped3A_200, %dma_wait3A_757] : memref<16x128xi32, #tpu.memory_space<vmem>> -> memref<1x128xi32, #tpu.memory_space<vmem>>
        %dma_wait3A_759 = tpu.memref_squeeze %dma_wait3A_758 : memref<1x128xi32, #tpu.memory_space<vmem>> -> memref<128xi32, #tpu.memory_space<vmem>>
        %dma_wait3A_760 = arith.constant 0 : i32
        %dma_wait3A_761 = arith.constant 0 : i32
        %dma_wait3A_762 = tpu.memref_slice %arg9[%dma_wait3A_760, %dma_wait3A_761] : memref<10112x128xf32, #tpu.memory_space<vmem_shared>> -> memref<10112x128xf32, #tpu.memory_space<vmem_shared>>
        tpu.wait_indirect_dma semaphore(%run_scoped3A_734 : memref<!tpu.dma_semaphore, #tpu.memory_space<semaphore_mem>>) src(%dma_wait3A_752 : memref<128x128xf32, #tpu.memory_space<vmem>>) dst(%dma_wait3A_762 : memref<10112x128xf32, #tpu.memory_space<vmem_shared>>)
        tpu.yield
      }) : () -> ()
      %dma_start3A_201 = arith.constant 4 : i32
      %dma_start3A_202 = arith.constant 0 : i32
      %dma_start3A_203 = arith.constant 0 : i32
      %dma_start3A_204 = arith.constant 0 : i32
      %dma_start3A_205 = tpu.memref_slice %arg8[%dma_start3A_202, %dma_start3A_203, %dma_start3A_204] : memref<2x128x128xf32, #tpu.memory_space<vmem>> -> memref<1x128x128xf32, #tpu.memory_space<vmem>>
      %dma_start3A_206 = tpu.memref_squeeze %dma_start3A_205 : memref<1x128x128xf32, #tpu.memory_space<vmem>> -> memref<128x128xf32, #tpu.memory_space<vmem>>
      %dma_start3A_207 = arith.constant 0 : i32
      %dma_start3A_208 = arith.constant 0 : i32
      %dma_start3A_209 = tpu.memref_slice %arg6[%rem3A_46, %dma_start3A_207, %dma_start3A_208] : memref<2x16x128xi32, #tpu.memory_space<vmem>> -> memref<1x16x128xi32, #tpu.memory_space<vmem>>
      %dma_start3A_210 = tpu.memref_squeeze %dma_start3A_209 : memref<1x16x128xi32, #tpu.memory_space<vmem>> -> memref<16x128xi32, #tpu.memory_space<vmem>>
      %dma_start3A_211 = arith.constant 0 : i32
      %dma_start3A_212 = tpu.memref_slice %dma_start3A_210[%dma_start3A_201, %dma_start3A_211] : memref<16x128xi32, #tpu.memory_space<vmem>> -> memref<1x128xi32, #tpu.memory_space<vmem>>
      %dma_start3A_213 = tpu.memref_squeeze %dma_start3A_212 : memref<1x128xi32, #tpu.memory_space<vmem>> -> memref<128xi32, #tpu.memory_space<vmem>>
      %dma_start3A_214 = arith.constant 0 : i32
      %dma_start3A_215 = arith.constant 0 : i32
      %dma_start3A_216 = tpu.memref_slice %arg2[%arg0, %dma_start3A_214, %dma_start3A_215] : memref<2x10000x128xf32, #tpu.memory_space<hbm>> -> memref<1x10000x128xf32, #tpu.memory_space<hbm>>
      %dma_start3A_217 = tpu.memref_squeeze %dma_start3A_216 : memref<1x10000x128xf32, #tpu.memory_space<hbm>> -> memref<10000x128xf32, #tpu.memory_space<hbm>>
      %dma_start3A_218 = arith.constant 0 : i32
      %dma_start3A_219 = arith.constant 0 : i32
      %dma_start3A_220 = tpu.memref_slice %dma_start3A_217[%dma_start3A_218, %dma_start3A_219] : memref<10000x128xf32, #tpu.memory_space<hbm>> -> memref<10000x128xf32, #tpu.memory_space<hbm>>
      tpu.enqueue_indirect_dma source(%dma_start3A_220 : memref<10000x128xf32, #tpu.memory_space<hbm>>) target(%dma_start3A_206 : memref<128x128xf32, #tpu.memory_space<vmem>>) offsets(%dma_start3A_213 : memref<128xi32, #tpu.memory_space<vmem>>) semaphore(%arg10 : memref<!tpu.dma_semaphore, #tpu.memory_space<semaphore_mem>>)
      %dma_wait3A_221 = arith.constant 3 : i32
      %dma_wait3A_222 = arith.constant 1 : i32
      %dma_wait3A_223 = arith.constant 0 : i32
      %dma_wait3A_224 = arith.constant 0 : i32
      %dma_wait3A_225 = tpu.memref_slice %arg8[%dma_wait3A_222, %dma_wait3A_223, %dma_wait3A_224] : memref<2x128x128xf32, #tpu.memory_space<vmem>> -> memref<1x128x128xf32, #tpu.memory_space<vmem>>
      %dma_wait3A_226 = tpu.memref_squeeze %dma_wait3A_225 : memref<1x128x128xf32, #tpu.memory_space<vmem>> -> memref<128x128xf32, #tpu.memory_space<vmem>>
      %dma_wait3A_227 = arith.constant 0 : i32
      %dma_wait3A_228 = arith.constant 0 : i32
      %dma_wait3A_229 = tpu.memref_slice %arg6[%rem3A_46, %dma_wait3A_227, %dma_wait3A_228] : memref<2x16x128xi32, #tpu.memory_space<vmem>> -> memref<1x16x128xi32, #tpu.memory_space<vmem>>
      %dma_wait3A_230 = tpu.memref_squeeze %dma_wait3A_229 : memref<1x16x128xi32, #tpu.memory_space<vmem>> -> memref<16x128xi32, #tpu.memory_space<vmem>>
      %dma_wait3A_231 = arith.constant 0 : i32
      %dma_wait3A_232 = tpu.memref_slice %dma_wait3A_230[%dma_wait3A_221, %dma_wait3A_231] : memref<16x128xi32, #tpu.memory_space<vmem>> -> memref<1x128xi32, #tpu.memory_space<vmem>>
      %dma_wait3A_233 = tpu.memref_squeeze %dma_wait3A_232 : memref<1x128xi32, #tpu.memory_space<vmem>> -> memref<128xi32, #tpu.memory_space<vmem>>
      %dma_wait3A_234 = arith.constant 0 : i32
      %dma_wait3A_235 = arith.constant 0 : i32
      %dma_wait3A_236 = tpu.memref_slice %arg2[%arg0, %dma_wait3A_234, %dma_wait3A_235] : memref<2x10000x128xf32, #tpu.memory_space<hbm>> -> memref<1x10000x128xf32, #tpu.memory_space<hbm>>
      %dma_wait3A_237 = tpu.memref_squeeze %dma_wait3A_236 : memref<1x10000x128xf32, #tpu.memory_space<hbm>> -> memref<10000x128xf32, #tpu.memory_space<hbm>>
      %dma_wait3A_238 = arith.constant 0 : i32
      %dma_wait3A_239 = arith.constant 0 : i32
      %dma_wait3A_240 = tpu.memref_slice %dma_wait3A_237[%dma_wait3A_238, %dma_wait3A_239] : memref<10000x128xf32, #tpu.memory_space<hbm>> -> memref<10000x128xf32, #tpu.memory_space<hbm>>
      tpu.wait_indirect_dma semaphore(%arg11 : memref<!tpu.dma_semaphore, #tpu.memory_space<semaphore_mem>>) src(%dma_wait3A_240 : memref<10000x128xf32, #tpu.memory_space<hbm>>) dst(%dma_wait3A_226 : memref<128x128xf32, #tpu.memory_space<vmem>>)
      %run_scoped3A_241 = arith.constant 1 : i32
      %run_scoped3A_242 = arith.constant 3 : i32
      "tpu.region"() ({
        %run_scoped3A_734 = tpu.sem_alloc : memref<!tpu.dma_semaphore, #tpu.memory_space<semaphore_mem>>
        %dma_start3A_735 = arith.constant 0 : i32
        %dma_start3A_736 = arith.constant 0 : i32
        %dma_start3A_737 = tpu.memref_slice %arg8[%run_scoped3A_241, %dma_start3A_735, %dma_start3A_736] : memref<2x128x128xf32, #tpu.memory_space<vmem>> -> memref<1x128x128xf32, #tpu.memory_space<vmem>>
        %dma_start3A_738 = tpu.memref_squeeze %dma_start3A_737 : memref<1x128x128xf32, #tpu.memory_space<vmem>> -> memref<128x128xf32, #tpu.memory_space<vmem>>
        %dma_start3A_739 = arith.constant 0 : i32
        %dma_start3A_740 = arith.constant 0 : i32
        %dma_start3A_741 = tpu.memref_slice %arg7[%rem3A_46, %dma_start3A_739, %dma_start3A_740] : memref<2x16x128xi32, #tpu.memory_space<vmem>> -> memref<1x16x128xi32, #tpu.memory_space<vmem>>
        %dma_start3A_742 = tpu.memref_squeeze %dma_start3A_741 : memref<1x16x128xi32, #tpu.memory_space<vmem>> -> memref<16x128xi32, #tpu.memory_space<vmem>>
        %dma_start3A_743 = arith.constant 0 : i32
        %dma_start3A_744 = tpu.memref_slice %dma_start3A_742[%run_scoped3A_242, %dma_start3A_743] : memref<16x128xi32, #tpu.memory_space<vmem>> -> memref<1x128xi32, #tpu.memory_space<vmem>>
        %dma_start3A_745 = tpu.memref_squeeze %dma_start3A_744 : memref<1x128xi32, #tpu.memory_space<vmem>> -> memref<128xi32, #tpu.memory_space<vmem>>
        %dma_start3A_746 = arith.constant 0 : i32
        %dma_start3A_747 = arith.constant 0 : i32
        %dma_start3A_748 = tpu.memref_slice %arg9[%dma_start3A_746, %dma_start3A_747] : memref<10112x128xf32, #tpu.memory_space<vmem_shared>> -> memref<10112x128xf32, #tpu.memory_space<vmem_shared>>
        tpu.enqueue_indirect_dma source(%dma_start3A_738 : memref<128x128xf32, #tpu.memory_space<vmem>>) target(%dma_start3A_748 : memref<10112x128xf32, #tpu.memory_space<vmem_shared>>) offsets(%dma_start3A_745 : memref<128xi32, #tpu.memory_space<vmem>>) semaphore(%run_scoped3A_734 : memref<!tpu.dma_semaphore, #tpu.memory_space<semaphore_mem>>) {add = true}
        %dma_wait3A_749 = arith.constant 0 : i32
        %dma_wait3A_750 = arith.constant 0 : i32
        %dma_wait3A_751 = tpu.memref_slice %arg8[%run_scoped3A_241, %dma_wait3A_749, %dma_wait3A_750] : memref<2x128x128xf32, #tpu.memory_space<vmem>> -> memref<1x128x128xf32, #tpu.memory_space<vmem>>
        %dma_wait3A_752 = tpu.memref_squeeze %dma_wait3A_751 : memref<1x128x128xf32, #tpu.memory_space<vmem>> -> memref<128x128xf32, #tpu.memory_space<vmem>>
        %dma_wait3A_753 = arith.constant 0 : i32
        %dma_wait3A_754 = arith.constant 0 : i32
        %dma_wait3A_755 = tpu.memref_slice %arg7[%rem3A_46, %dma_wait3A_753, %dma_wait3A_754] : memref<2x16x128xi32, #tpu.memory_space<vmem>> -> memref<1x16x128xi32, #tpu.memory_space<vmem>>
        %dma_wait3A_756 = tpu.memref_squeeze %dma_wait3A_755 : memref<1x16x128xi32, #tpu.memory_space<vmem>> -> memref<16x128xi32, #tpu.memory_space<vmem>>
        %dma_wait3A_757 = arith.constant 0 : i32
        %dma_wait3A_758 = tpu.memref_slice %dma_wait3A_756[%run_scoped3A_242, %dma_wait3A_757] : memref<16x128xi32, #tpu.memory_space<vmem>> -> memref<1x128xi32, #tpu.memory_space<vmem>>
        %dma_wait3A_759 = tpu.memref_squeeze %dma_wait3A_758 : memref<1x128xi32, #tpu.memory_space<vmem>> -> memref<128xi32, #tpu.memory_space<vmem>>
        %dma_wait3A_760 = arith.constant 0 : i32
        %dma_wait3A_761 = arith.constant 0 : i32
        %dma_wait3A_762 = tpu.memref_slice %arg9[%dma_wait3A_760, %dma_wait3A_761] : memref<10112x128xf32, #tpu.memory_space<vmem_shared>> -> memref<10112x128xf32, #tpu.memory_space<vmem_shared>>
        tpu.wait_indirect_dma semaphore(%run_scoped3A_734 : memref<!tpu.dma_semaphore, #tpu.memory_space<semaphore_mem>>) src(%dma_wait3A_752 : memref<128x128xf32, #tpu.memory_space<vmem>>) dst(%dma_wait3A_762 : memref<10112x128xf32, #tpu.memory_space<vmem_shared>>)
        tpu.yield
      }) : () -> ()
      %dma_start3A_243 = arith.constant 5 : i32
      %dma_start3A_244 = arith.constant 1 : i32
      %dma_start3A_245 = arith.constant 0 : i32
      %dma_start3A_246 = arith.constant 0 : i32
      %dma_start3A_247 = tpu.memref_slice %arg8[%dma_start3A_244, %dma_start3A_245, %dma_start3A_246] : memref<2x128x128xf32, #tpu.memory_space<vmem>> -> memref<1x128x128xf32, #tpu.memory_space<vmem>>
      %dma_start3A_248 = tpu.memref_squeeze %dma_start3A_247 : memref<1x128x128xf32, #tpu.memory_space<vmem>> -> memref<128x128xf32, #tpu.memory_space<vmem>>
      %dma_start3A_249 = arith.constant 0 : i32
      %dma_start3A_250 = arith.constant 0 : i32
      %dma_start3A_251 = tpu.memref_slice %arg6[%rem3A_46, %dma_start3A_249, %dma_start3A_250] : memref<2x16x128xi32, #tpu.memory_space<vmem>> -> memref<1x16x128xi32, #tpu.memory_space<vmem>>
      %dma_start3A_252 = tpu.memref_squeeze %dma_start3A_251 : memref<1x16x128xi32, #tpu.memory_space<vmem>> -> memref<16x128xi32, #tpu.memory_space<vmem>>
      %dma_start3A_253 = arith.constant 0 : i32
      %dma_start3A_254 = tpu.memref_slice %dma_start3A_252[%dma_start3A_243, %dma_start3A_253] : memref<16x128xi32, #tpu.memory_space<vmem>> -> memref<1x128xi32, #tpu.memory_space<vmem>>
      %dma_start3A_255 = tpu.memref_squeeze %dma_start3A_254 : memref<1x128xi32, #tpu.memory_space<vmem>> -> memref<128xi32, #tpu.memory_space<vmem>>
      %dma_start3A_256 = arith.constant 0 : i32
      %dma_start3A_257 = arith.constant 0 : i32
      %dma_start3A_258 = tpu.memref_slice %arg2[%arg0, %dma_start3A_256, %dma_start3A_257] : memref<2x10000x128xf32, #tpu.memory_space<hbm>> -> memref<1x10000x128xf32, #tpu.memory_space<hbm>>
      %dma_start3A_259 = tpu.memref_squeeze %dma_start3A_258 : memref<1x10000x128xf32, #tpu.memory_space<hbm>> -> memref<10000x128xf32, #tpu.memory_space<hbm>>
      %dma_start3A_260 = arith.constant 0 : i32
      %dma_start3A_261 = arith.constant 0 : i32
      %dma_start3A_262 = tpu.memref_slice %dma_start3A_259[%dma_start3A_260, %dma_start3A_261] : memref<10000x128xf32, #tpu.memory_space<hbm>> -> memref<10000x128xf32, #tpu.memory_space<hbm>>
      tpu.enqueue_indirect_dma source(%dma_start3A_262 : memref<10000x128xf32, #tpu.memory_space<hbm>>) target(%dma_start3A_248 : memref<128x128xf32, #tpu.memory_space<vmem>>) offsets(%dma_start3A_255 : memref<128xi32, #tpu.memory_space<vmem>>) semaphore(%arg11 : memref<!tpu.dma_semaphore, #tpu.memory_space<semaphore_mem>>)
      %dma_wait3A_263 = arith.constant 4 : i32
      %dma_wait3A_264 = arith.constant 0 : i32
      %dma_wait3A_265 = arith.constant 0 : i32
      %dma_wait3A_266 = arith.constant 0 : i32
      %dma_wait3A_267 = tpu.memref_slice %arg8[%dma_wait3A_264, %dma_wait3A_265, %dma_wait3A_266] : memref<2x128x128xf32, #tpu.memory_space<vmem>> -> memref<1x128x128xf32, #tpu.memory_space<vmem>>
      %dma_wait3A_268 = tpu.memref_squeeze %dma_wait3A_267 : memref<1x128x128xf32, #tpu.memory_space<vmem>> -> memref<128x128xf32, #tpu.memory_space<vmem>>
      %dma_wait3A_269 = arith.constant 0 : i32
      %dma_wait3A_270 = arith.constant 0 : i32
      %dma_wait3A_271 = tpu.memref_slice %arg6[%rem3A_46, %dma_wait3A_269, %dma_wait3A_270] : memref<2x16x128xi32, #tpu.memory_space<vmem>> -> memref<1x16x128xi32, #tpu.memory_space<vmem>>
      %dma_wait3A_272 = tpu.memref_squeeze %dma_wait3A_271 : memref<1x16x128xi32, #tpu.memory_space<vmem>> -> memref<16x128xi32, #tpu.memory_space<vmem>>
      %dma_wait3A_273 = arith.constant 0 : i32
      %dma_wait3A_274 = tpu.memref_slice %dma_wait3A_272[%dma_wait3A_263, %dma_wait3A_273] : memref<16x128xi32, #tpu.memory_space<vmem>> -> memref<1x128xi32, #tpu.memory_space<vmem>>
      %dma_wait3A_275 = tpu.memref_squeeze %dma_wait3A_274 : memref<1x128xi32, #tpu.memory_space<vmem>> -> memref<128xi32, #tpu.memory_space<vmem>>
      %dma_wait3A_276 = arith.constant 0 : i32
      %dma_wait3A_277 = arith.constant 0 : i32
      %dma_wait3A_278 = tpu.memref_slice %arg2[%arg0, %dma_wait3A_276, %dma_wait3A_277] : memref<2x10000x128xf32, #tpu.memory_space<hbm>> -> memref<1x10000x128xf32, #tpu.memory_space<hbm>>
      %dma_wait3A_279 = tpu.memref_squeeze %dma_wait3A_278 : memref<1x10000x128xf32, #tpu.memory_space<hbm>> -> memref<10000x128xf32, #tpu.memory_space<hbm>>
      %dma_wait3A_280 = arith.constant 0 : i32
      %dma_wait3A_281 = arith.constant 0 : i32
      %dma_wait3A_282 = tpu.memref_slice %dma_wait3A_279[%dma_wait3A_280, %dma_wait3A_281] : memref<10000x128xf32, #tpu.memory_space<hbm>> -> memref<10000x128xf32, #tpu.memory_space<hbm>>
      tpu.wait_indirect_dma semaphore(%arg10 : memref<!tpu.dma_semaphore, #tpu.memory_space<semaphore_mem>>) src(%dma_wait3A_282 : memref<10000x128xf32, #tpu.memory_space<hbm>>) dst(%dma_wait3A_268 : memref<128x128xf32, #tpu.memory_space<vmem>>)
      %run_scoped3A_283 = arith.constant 0 : i32
      %run_scoped3A_284 = arith.constant 4 : i32
      "tpu.region"() ({
        %run_scoped3A_734 = tpu.sem_alloc : memref<!tpu.dma_semaphore, #tpu.memory_space<semaphore_mem>>
        %dma_start3A_735 = arith.constant 0 : i32
        %dma_start3A_736 = arith.constant 0 : i32
        %dma_start3A_737 = tpu.memref_slice %arg8[%run_scoped3A_283, %dma_start3A_735, %dma_start3A_736] : memref<2x128x128xf32, #tpu.memory_space<vmem>> -> memref<1x128x128xf32, #tpu.memory_space<vmem>>
        %dma_start3A_738 = tpu.memref_squeeze %dma_start3A_737 : memref<1x128x128xf32, #tpu.memory_space<vmem>> -> memref<128x128xf32, #tpu.memory_space<vmem>>
        %dma_start3A_739 = arith.constant 0 : i32
        %dma_start3A_740 = arith.constant 0 : i32
        %dma_start3A_741 = tpu.memref_slice %arg7[%rem3A_46, %dma_start3A_739, %dma_start3A_740] : memref<2x16x128xi32, #tpu.memory_space<vmem>> -> memref<1x16x128xi32, #tpu.memory_space<vmem>>
        %dma_start3A_742 = tpu.memref_squeeze %dma_start3A_741 : memref<1x16x128xi32, #tpu.memory_space<vmem>> -> memref<16x128xi32, #tpu.memory_space<vmem>>
        %dma_start3A_743 = arith.constant 0 : i32
        %dma_start3A_744 = tpu.memref_slice %dma_start3A_742[%run_scoped3A_284, %dma_start3A_743] : memref<16x128xi32, #tpu.memory_space<vmem>> -> memref<1x128xi32, #tpu.memory_space<vmem>>
        %dma_start3A_745 = tpu.memref_squeeze %dma_start3A_744 : memref<1x128xi32, #tpu.memory_space<vmem>> -> memref<128xi32, #tpu.memory_space<vmem>>
        %dma_start3A_746 = arith.constant 0 : i32
        %dma_start3A_747 = arith.constant 0 : i32
        %dma_start3A_748 = tpu.memref_slice %arg9[%dma_start3A_746, %dma_start3A_747] : memref<10112x128xf32, #tpu.memory_space<vmem_shared>> -> memref<10112x128xf32, #tpu.memory_space<vmem_shared>>
        tpu.enqueue_indirect_dma source(%dma_start3A_738 : memref<128x128xf32, #tpu.memory_space<vmem>>) target(%dma_start3A_748 : memref<10112x128xf32, #tpu.memory_space<vmem_shared>>) offsets(%dma_start3A_745 : memref<128xi32, #tpu.memory_space<vmem>>) semaphore(%run_scoped3A_734 : memref<!tpu.dma_semaphore, #tpu.memory_space<semaphore_mem>>) {add = true}
        %dma_wait3A_749 = arith.constant 0 : i32
        %dma_wait3A_750 = arith.constant 0 : i32
        %dma_wait3A_751 = tpu.memref_slice %arg8[%run_scoped3A_283, %dma_wait3A_749, %dma_wait3A_750] : memref<2x128x128xf32, #tpu.memory_space<vmem>> -> memref<1x128x128xf32, #tpu.memory_space<vmem>>
        %dma_wait3A_752 = tpu.memref_squeeze %dma_wait3A_751 : memref<1x128x128xf32, #tpu.memory_space<vmem>> -> memref<128x128xf32, #tpu.memory_space<vmem>>
        %dma_wait3A_753 = arith.constant 0 : i32
        %dma_wait3A_754 = arith.constant 0 : i32
        %dma_wait3A_755 = tpu.memref_slice %arg7[%rem3A_46, %dma_wait3A_753, %dma_wait3A_754] : memref<2x16x128xi32, #tpu.memory_space<vmem>> -> memref<1x16x128xi32, #tpu.memory_space<vmem>>
        %dma_wait3A_756 = tpu.memref_squeeze %dma_wait3A_755 : memref<1x16x128xi32, #tpu.memory_space<vmem>> -> memref<16x128xi32, #tpu.memory_space<vmem>>
        %dma_wait3A_757 = arith.constant 0 : i32
        %dma_wait3A_758 = tpu.memref_slice %dma_wait3A_756[%run_scoped3A_284, %dma_wait3A_757] : memref<16x128xi32, #tpu.memory_space<vmem>> -> memref<1x128xi32, #tpu.memory_space<vmem>>
        %dma_wait3A_759 = tpu.memref_squeeze %dma_wait3A_758 : memref<1x128xi32, #tpu.memory_space<vmem>> -> memref<128xi32, #tpu.memory_space<vmem>>
        %dma_wait3A_760 = arith.constant 0 : i32
        %dma_wait3A_761 = arith.constant 0 : i32
        %dma_wait3A_762 = tpu.memref_slice %arg9[%dma_wait3A_760, %dma_wait3A_761] : memref<10112x128xf32, #tpu.memory_space<vmem_shared>> -> memref<10112x128xf32, #tpu.memory_space<vmem_shared>>
        tpu.wait_indirect_dma semaphore(%run_scoped3A_734 : memref<!tpu.dma_semaphore, #tpu.memory_space<semaphore_mem>>) src(%dma_wait3A_752 : memref<128x128xf32, #tpu.memory_space<vmem>>) dst(%dma_wait3A_762 : memref<10112x128xf32, #tpu.memory_space<vmem_shared>>)
        tpu.yield
      }) : () -> ()
      %dma_start3A_285 = arith.constant 6 : i32
      %dma_start3A_286 = arith.constant 0 : i32
      %dma_start3A_287 = arith.constant 0 : i32
      %dma_start3A_288 = arith.constant 0 : i32
      %dma_start3A_289 = tpu.memref_slice %arg8[%dma_start3A_286, %dma_start3A_287, %dma_start3A_288] : memref<2x128x128xf32, #tpu.memory_space<vmem>> -> memref<1x128x128xf32, #tpu.memory_space<vmem>>
      %dma_start3A_290 = tpu.memref_squeeze %dma_start3A_289 : memref<1x128x128xf32, #tpu.memory_space<vmem>> -> memref<128x128xf32, #tpu.memory_space<vmem>>
      %dma_start3A_291 = arith.constant 0 : i32
      %dma_start3A_292 = arith.constant 0 : i32
      %dma_start3A_293 = tpu.memref_slice %arg6[%rem3A_46, %dma_start3A_291, %dma_start3A_292] : memref<2x16x128xi32, #tpu.memory_space<vmem>> -> memref<1x16x128xi32, #tpu.memory_space<vmem>>
      %dma_start3A_294 = tpu.memref_squeeze %dma_start3A_293 : memref<1x16x128xi32, #tpu.memory_space<vmem>> -> memref<16x128xi32, #tpu.memory_space<vmem>>
      %dma_start3A_295 = arith.constant 0 : i32
      %dma_start3A_296 = tpu.memref_slice %dma_start3A_294[%dma_start3A_285, %dma_start3A_295] : memref<16x128xi32, #tpu.memory_space<vmem>> -> memref<1x128xi32, #tpu.memory_space<vmem>>
      %dma_start3A_297 = tpu.memref_squeeze %dma_start3A_296 : memref<1x128xi32, #tpu.memory_space<vmem>> -> memref<128xi32, #tpu.memory_space<vmem>>
      %dma_start3A_298 = arith.constant 0 : i32
      %dma_start3A_299 = arith.constant 0 : i32
      %dma_start3A_300 = tpu.memref_slice %arg2[%arg0, %dma_start3A_298, %dma_start3A_299] : memref<2x10000x128xf32, #tpu.memory_space<hbm>> -> memref<1x10000x128xf32, #tpu.memory_space<hbm>>
      %dma_start3A_301 = tpu.memref_squeeze %dma_start3A_300 : memref<1x10000x128xf32, #tpu.memory_space<hbm>> -> memref<10000x128xf32, #tpu.memory_space<hbm>>
      %dma_start3A_302 = arith.constant 0 : i32
      %dma_start3A_303 = arith.constant 0 : i32
      %dma_start3A_304 = tpu.memref_slice %dma_start3A_301[%dma_start3A_302, %dma_start3A_303] : memref<10000x128xf32, #tpu.memory_space<hbm>> -> memref<10000x128xf32, #tpu.memory_space<hbm>>
      tpu.enqueue_indirect_dma source(%dma_start3A_304 : memref<10000x128xf32, #tpu.memory_space<hbm>>) target(%dma_start3A_290 : memref<128x128xf32, #tpu.memory_space<vmem>>) offsets(%dma_start3A_297 : memref<128xi32, #tpu.memory_space<vmem>>) semaphore(%arg10 : memref<!tpu.dma_semaphore, #tpu.memory_space<semaphore_mem>>)
      %dma_wait3A_305 = arith.constant 5 : i32
      %dma_wait3A_306 = arith.constant 1 : i32
      %dma_wait3A_307 = arith.constant 0 : i32
      %dma_wait3A_308 = arith.constant 0 : i32
      %dma_wait3A_309 = tpu.memref_slice %arg8[%dma_wait3A_306, %dma_wait3A_307, %dma_wait3A_308] : memref<2x128x128xf32, #tpu.memory_space<vmem>> -> memref<1x128x128xf32, #tpu.memory_space<vmem>>
      %dma_wait3A_310 = tpu.memref_squeeze %dma_wait3A_309 : memref<1x128x128xf32, #tpu.memory_space<vmem>> -> memref<128x128xf32, #tpu.memory_space<vmem>>
      %dma_wait3A_311 = arith.constant 0 : i32
      %dma_wait3A_312 = arith.constant 0 : i32
      %dma_wait3A_313 = tpu.memref_slice %arg6[%rem3A_46, %dma_wait3A_311, %dma_wait3A_312] : memref<2x16x128xi32, #tpu.memory_space<vmem>> -> memref<1x16x128xi32, #tpu.memory_space<vmem>>
      %dma_wait3A_314 = tpu.memref_squeeze %dma_wait3A_313 : memref<1x16x128xi32, #tpu.memory_space<vmem>> -> memref<16x128xi32, #tpu.memory_space<vmem>>
      %dma_wait3A_315 = arith.constant 0 : i32
      %dma_wait3A_316 = tpu.memref_slice %dma_wait3A_314[%dma_wait3A_305, %dma_wait3A_315] : memref<16x128xi32, #tpu.memory_space<vmem>> -> memref<1x128xi32, #tpu.memory_space<vmem>>
      %dma_wait3A_317 = tpu.memref_squeeze %dma_wait3A_316 : memref<1x128xi32, #tpu.memory_space<vmem>> -> memref<128xi32, #tpu.memory_space<vmem>>
      %dma_wait3A_318 = arith.constant 0 : i32
      %dma_wait3A_319 = arith.constant 0 : i32
      %dma_wait3A_320 = tpu.memref_slice %arg2[%arg0, %dma_wait3A_318, %dma_wait3A_319] : memref<2x10000x128xf32, #tpu.memory_space<hbm>> -> memref<1x10000x128xf32, #tpu.memory_space<hbm>>
      %dma_wait3A_321 = tpu.memref_squeeze %dma_wait3A_320 : memref<1x10000x128xf32, #tpu.memory_space<hbm>> -> memref<10000x128xf32, #tpu.memory_space<hbm>>
      %dma_wait3A_322 = arith.constant 0 : i32
      %dma_wait3A_323 = arith.constant 0 : i32
      %dma_wait3A_324 = tpu.memref_slice %dma_wait3A_321[%dma_wait3A_322, %dma_wait3A_323] : memref<10000x128xf32, #tpu.memory_space<hbm>> -> memref<10000x128xf32, #tpu.memory_space<hbm>>
      tpu.wait_indirect_dma semaphore(%arg11 : memref<!tpu.dma_semaphore, #tpu.memory_space<semaphore_mem>>) src(%dma_wait3A_324 : memref<10000x128xf32, #tpu.memory_space<hbm>>) dst(%dma_wait3A_310 : memref<128x128xf32, #tpu.memory_space<vmem>>)
      %run_scoped3A_325 = arith.constant 1 : i32
      %run_scoped3A_326 = arith.constant 5 : i32
      "tpu.region"() ({
        %run_scoped3A_734 = tpu.sem_alloc : memref<!tpu.dma_semaphore, #tpu.memory_space<semaphore_mem>>
        %dma_start3A_735 = arith.constant 0 : i32
        %dma_start3A_736 = arith.constant 0 : i32
        %dma_start3A_737 = tpu.memref_slice %arg8[%run_scoped3A_325, %dma_start3A_735, %dma_start3A_736] : memref<2x128x128xf32, #tpu.memory_space<vmem>> -> memref<1x128x128xf32, #tpu.memory_space<vmem>>
        %dma_start3A_738 = tpu.memref_squeeze %dma_start3A_737 : memref<1x128x128xf32, #tpu.memory_space<vmem>> -> memref<128x128xf32, #tpu.memory_space<vmem>>
        %dma_start3A_739 = arith.constant 0 : i32
        %dma_start3A_740 = arith.constant 0 : i32
        %dma_start3A_741 = tpu.memref_slice %arg7[%rem3A_46, %dma_start3A_739, %dma_start3A_740] : memref<2x16x128xi32, #tpu.memory_space<vmem>> -> memref<1x16x128xi32, #tpu.memory_space<vmem>>
        %dma_start3A_742 = tpu.memref_squeeze %dma_start3A_741 : memref<1x16x128xi32, #tpu.memory_space<vmem>> -> memref<16x128xi32, #tpu.memory_space<vmem>>
        %dma_start3A_743 = arith.constant 0 : i32
        %dma_start3A_744 = tpu.memref_slice %dma_start3A_742[%run_scoped3A_326, %dma_start3A_743] : memref<16x128xi32, #tpu.memory_space<vmem>> -> memref<1x128xi32, #tpu.memory_space<vmem>>
        %dma_start3A_745 = tpu.memref_squeeze %dma_start3A_744 : memref<1x128xi32, #tpu.memory_space<vmem>> -> memref<128xi32, #tpu.memory_space<vmem>>
        %dma_start3A_746 = arith.constant 0 : i32
        %dma_start3A_747 = arith.constant 0 : i32
        %dma_start3A_748 = tpu.memref_slice %arg9[%dma_start3A_746, %dma_start3A_747] : memref<10112x128xf32, #tpu.memory_space<vmem_shared>> -> memref<10112x128xf32, #tpu.memory_space<vmem_shared>>
        tpu.enqueue_indirect_dma source(%dma_start3A_738 : memref<128x128xf32, #tpu.memory_space<vmem>>) target(%dma_start3A_748 : memref<10112x128xf32, #tpu.memory_space<vmem_shared>>) offsets(%dma_start3A_745 : memref<128xi32, #tpu.memory_space<vmem>>) semaphore(%run_scoped3A_734 : memref<!tpu.dma_semaphore, #tpu.memory_space<semaphore_mem>>) {add = true}
        %dma_wait3A_749 = arith.constant 0 : i32
        %dma_wait3A_750 = arith.constant 0 : i32
        %dma_wait3A_751 = tpu.memref_slice %arg8[%run_scoped3A_325, %dma_wait3A_749, %dma_wait3A_750] : memref<2x128x128xf32, #tpu.memory_space<vmem>> -> memref<1x128x128xf32, #tpu.memory_space<vmem>>
        %dma_wait3A_752 = tpu.memref_squeeze %dma_wait3A_751 : memref<1x128x128xf32, #tpu.memory_space<vmem>> -> memref<128x128xf32, #tpu.memory_space<vmem>>
        %dma_wait3A_753 = arith.constant 0 : i32
        %dma_wait3A_754 = arith.constant 0 : i32
        %dma_wait3A_755 = tpu.memref_slice %arg7[%rem3A_46, %dma_wait3A_753, %dma_wait3A_754] : memref<2x16x128xi32, #tpu.memory_space<vmem>> -> memref<1x16x128xi32, #tpu.memory_space<vmem>>
        %dma_wait3A_756 = tpu.memref_squeeze %dma_wait3A_755 : memref<1x16x128xi32, #tpu.memory_space<vmem>> -> memref<16x128xi32, #tpu.memory_space<vmem>>
        %dma_wait3A_757 = arith.constant 0 : i32
        %dma_wait3A_758 = tpu.memref_slice %dma_wait3A_756[%run_scoped3A_326, %dma_wait3A_757] : memref<16x128xi32, #tpu.memory_space<vmem>> -> memref<1x128xi32, #tpu.memory_space<vmem>>
        %dma_wait3A_759 = tpu.memref_squeeze %dma_wait3A_758 : memref<1x128xi32, #tpu.memory_space<vmem>> -> memref<128xi32, #tpu.memory_space<vmem>>
        %dma_wait3A_760 = arith.constant 0 : i32
        %dma_wait3A_761 = arith.constant 0 : i32
        %dma_wait3A_762 = tpu.memref_slice %arg9[%dma_wait3A_760, %dma_wait3A_761] : memref<10112x128xf32, #tpu.memory_space<vmem_shared>> -> memref<10112x128xf32, #tpu.memory_space<vmem_shared>>
        tpu.wait_indirect_dma semaphore(%run_scoped3A_734 : memref<!tpu.dma_semaphore, #tpu.memory_space<semaphore_mem>>) src(%dma_wait3A_752 : memref<128x128xf32, #tpu.memory_space<vmem>>) dst(%dma_wait3A_762 : memref<10112x128xf32, #tpu.memory_space<vmem_shared>>)
        tpu.yield
      }) : () -> ()
      %dma_start3A_327 = arith.constant 7 : i32
      %dma_start3A_328 = arith.constant 1 : i32
      %dma_start3A_329 = arith.constant 0 : i32
      %dma_start3A_330 = arith.constant 0 : i32
      %dma_start3A_331 = tpu.memref_slice %arg8[%dma_start3A_328, %dma_start3A_329, %dma_start3A_330] : memref<2x128x128xf32, #tpu.memory_space<vmem>> -> memref<1x128x128xf32, #tpu.memory_space<vmem>>
      %dma_start3A_332 = tpu.memref_squeeze %dma_start3A_331 : memref<1x128x128xf32, #tpu.memory_space<vmem>> -> memref<128x128xf32, #tpu.memory_space<vmem>>
      %dma_start3A_333 = arith.constant 0 : i32
      %dma_start3A_334 = arith.constant 0 : i32
      %dma_start3A_335 = tpu.memref_slice %arg6[%rem3A_46, %dma_start3A_333, %dma_start3A_334] : memref<2x16x128xi32, #tpu.memory_space<vmem>> -> memref<1x16x128xi32, #tpu.memory_space<vmem>>
      %dma_start3A_336 = tpu.memref_squeeze %dma_start3A_335 : memref<1x16x128xi32, #tpu.memory_space<vmem>> -> memref<16x128xi32, #tpu.memory_space<vmem>>
      %dma_start3A_337 = arith.constant 0 : i32
      %dma_start3A_338 = tpu.memref_slice %dma_start3A_336[%dma_start3A_327, %dma_start3A_337] : memref<16x128xi32, #tpu.memory_space<vmem>> -> memref<1x128xi32, #tpu.memory_space<vmem>>
      %dma_start3A_339 = tpu.memref_squeeze %dma_start3A_338 : memref<1x128xi32, #tpu.memory_space<vmem>> -> memref<128xi32, #tpu.memory_space<vmem>>
      %dma_start3A_340 = arith.constant 0 : i32
      %dma_start3A_341 = arith.constant 0 : i32
      %dma_start3A_342 = tpu.memref_slice %arg2[%arg0, %dma_start3A_340, %dma_start3A_341] : memref<2x10000x128xf32, #tpu.memory_space<hbm>> -> memref<1x10000x128xf32, #tpu.memory_space<hbm>>
      %dma_start3A_343 = tpu.memref_squeeze %dma_start3A_342 : memref<1x10000x128xf32, #tpu.memory_space<hbm>> -> memref<10000x128xf32, #tpu.memory_space<hbm>>
      %dma_start3A_344 = arith.constant 0 : i32
      %dma_start3A_345 = arith.constant 0 : i32
      %dma_start3A_346 = tpu.memref_slice %dma_start3A_343[%dma_start3A_344, %dma_start3A_345] : memref<10000x128xf32, #tpu.memory_space<hbm>> -> memref<10000x128xf32, #tpu.memory_space<hbm>>
      tpu.enqueue_indirect_dma source(%dma_start3A_346 : memref<10000x128xf32, #tpu.memory_space<hbm>>) target(%dma_start3A_332 : memref<128x128xf32, #tpu.memory_space<vmem>>) offsets(%dma_start3A_339 : memref<128xi32, #tpu.memory_space<vmem>>) semaphore(%arg11 : memref<!tpu.dma_semaphore, #tpu.memory_space<semaphore_mem>>)
      %dma_wait3A_347 = arith.constant 6 : i32
      %dma_wait3A_348 = arith.constant 0 : i32
      %dma_wait3A_349 = arith.constant 0 : i32
      %dma_wait3A_350 = arith.constant 0 : i32
      %dma_wait3A_351 = tpu.memref_slice %arg8[%dma_wait3A_348, %dma_wait3A_349, %dma_wait3A_350] : memref<2x128x128xf32, #tpu.memory_space<vmem>> -> memref<1x128x128xf32, #tpu.memory_space<vmem>>
      %dma_wait3A_352 = tpu.memref_squeeze %dma_wait3A_351 : memref<1x128x128xf32, #tpu.memory_space<vmem>> -> memref<128x128xf32, #tpu.memory_space<vmem>>
      %dma_wait3A_353 = arith.constant 0 : i32
      %dma_wait3A_354 = arith.constant 0 : i32
      %dma_wait3A_355 = tpu.memref_slice %arg6[%rem3A_46, %dma_wait3A_353, %dma_wait3A_354] : memref<2x16x128xi32, #tpu.memory_space<vmem>> -> memref<1x16x128xi32, #tpu.memory_space<vmem>>
      %dma_wait3A_356 = tpu.memref_squeeze %dma_wait3A_355 : memref<1x16x128xi32, #tpu.memory_space<vmem>> -> memref<16x128xi32, #tpu.memory_space<vmem>>
      %dma_wait3A_357 = arith.constant 0 : i32
      %dma_wait3A_358 = tpu.memref_slice %dma_wait3A_356[%dma_wait3A_347, %dma_wait3A_357] : memref<16x128xi32, #tpu.memory_space<vmem>> -> memref<1x128xi32, #tpu.memory_space<vmem>>
      %dma_wait3A_359 = tpu.memref_squeeze %dma_wait3A_358 : memref<1x128xi32, #tpu.memory_space<vmem>> -> memref<128xi32, #tpu.memory_space<vmem>>
      %dma_wait3A_360 = arith.constant 0 : i32
      %dma_wait3A_361 = arith.constant 0 : i32
      %dma_wait3A_362 = tpu.memref_slice %arg2[%arg0, %dma_wait3A_360, %dma_wait3A_361] : memref<2x10000x128xf32, #tpu.memory_space<hbm>> -> memref<1x10000x128xf32, #tpu.memory_space<hbm>>
      %dma_wait3A_363 = tpu.memref_squeeze %dma_wait3A_362 : memref<1x10000x128xf32, #tpu.memory_space<hbm>> -> memref<10000x128xf32, #tpu.memory_space<hbm>>
      %dma_wait3A_364 = arith.constant 0 : i32
      %dma_wait3A_365 = arith.constant 0 : i32
      %dma_wait3A_366 = tpu.memref_slice %dma_wait3A_363[%dma_wait3A_364, %dma_wait3A_365] : memref<10000x128xf32, #tpu.memory_space<hbm>> -> memref<10000x128xf32, #tpu.memory_space<hbm>>
      tpu.wait_indirect_dma semaphore(%arg10 : memref<!tpu.dma_semaphore, #tpu.memory_space<semaphore_mem>>) src(%dma_wait3A_366 : memref<10000x128xf32, #tpu.memory_space<hbm>>) dst(%dma_wait3A_352 : memref<128x128xf32, #tpu.memory_space<vmem>>)
      %run_scoped3A_367 = arith.constant 0 : i32
      %run_scoped3A_368 = arith.constant 6 : i32
      "tpu.region"() ({
        %run_scoped3A_734 = tpu.sem_alloc : memref<!tpu.dma_semaphore, #tpu.memory_space<semaphore_mem>>
        %dma_start3A_735 = arith.constant 0 : i32
        %dma_start3A_736 = arith.constant 0 : i32
        %dma_start3A_737 = tpu.memref_slice %arg8[%run_scoped3A_367, %dma_start3A_735, %dma_start3A_736] : memref<2x128x128xf32, #tpu.memory_space<vmem>> -> memref<1x128x128xf32, #tpu.memory_space<vmem>>
        %dma_start3A_738 = tpu.memref_squeeze %dma_start3A_737 : memref<1x128x128xf32, #tpu.memory_space<vmem>> -> memref<128x128xf32, #tpu.memory_space<vmem>>
        %dma_start3A_739 = arith.constant 0 : i32
        %dma_start3A_740 = arith.constant 0 : i32
        %dma_start3A_741 = tpu.memref_slice %arg7[%rem3A_46, %dma_start3A_739, %dma_start3A_740] : memref<2x16x128xi32, #tpu.memory_space<vmem>> -> memref<1x16x128xi32, #tpu.memory_space<vmem>>
        %dma_start3A_742 = tpu.memref_squeeze %dma_start3A_741 : memref<1x16x128xi32, #tpu.memory_space<vmem>> -> memref<16x128xi32, #tpu.memory_space<vmem>>
        %dma_start3A_743 = arith.constant 0 : i32
        %dma_start3A_744 = tpu.memref_slice %dma_start3A_742[%run_scoped3A_368, %dma_start3A_743] : memref<16x128xi32, #tpu.memory_space<vmem>> -> memref<1x128xi32, #tpu.memory_space<vmem>>
        %dma_start3A_745 = tpu.memref_squeeze %dma_start3A_744 : memref<1x128xi32, #tpu.memory_space<vmem>> -> memref<128xi32, #tpu.memory_space<vmem>>
        %dma_start3A_746 = arith.constant 0 : i32
        %dma_start3A_747 = arith.constant 0 : i32
        %dma_start3A_748 = tpu.memref_slice %arg9[%dma_start3A_746, %dma_start3A_747] : memref<10112x128xf32, #tpu.memory_space<vmem_shared>> -> memref<10112x128xf32, #tpu.memory_space<vmem_shared>>
        tpu.enqueue_indirect_dma source(%dma_start3A_738 : memref<128x128xf32, #tpu.memory_space<vmem>>) target(%dma_start3A_748 : memref<10112x128xf32, #tpu.memory_space<vmem_shared>>) offsets(%dma_start3A_745 : memref<128xi32, #tpu.memory_space<vmem>>) semaphore(%run_scoped3A_734 : memref<!tpu.dma_semaphore, #tpu.memory_space<semaphore_mem>>) {add = true}
        %dma_wait3A_749 = arith.constant 0 : i32
        %dma_wait3A_750 = arith.constant 0 : i32
        %dma_wait3A_751 = tpu.memref_slice %arg8[%run_scoped3A_367, %dma_wait3A_749, %dma_wait3A_750] : memref<2x128x128xf32, #tpu.memory_space<vmem>> -> memref<1x128x128xf32, #tpu.memory_space<vmem>>
        %dma_wait3A_752 = tpu.memref_squeeze %dma_wait3A_751 : memref<1x128x128xf32, #tpu.memory_space<vmem>> -> memref<128x128xf32, #tpu.memory_space<vmem>>
        %dma_wait3A_753 = arith.constant 0 : i32
        %dma_wait3A_754 = arith.constant 0 : i32
        %dma_wait3A_755 = tpu.memref_slice %arg7[%rem3A_46, %dma_wait3A_753, %dma_wait3A_754] : memref<2x16x128xi32, #tpu.memory_space<vmem>> -> memref<1x16x128xi32, #tpu.memory_space<vmem>>
        %dma_wait3A_756 = tpu.memref_squeeze %dma_wait3A_755 : memref<1x16x128xi32, #tpu.memory_space<vmem>> -> memref<16x128xi32, #tpu.memory_space<vmem>>
        %dma_wait3A_757 = arith.constant 0 : i32
        %dma_wait3A_758 = tpu.memref_slice %dma_wait3A_756[%run_scoped3A_368, %dma_wait3A_757] : memref<16x128xi32, #tpu.memory_space<vmem>> -> memref<1x128xi32, #tpu.memory_space<vmem>>
        %dma_wait3A_759 = tpu.memref_squeeze %dma_wait3A_758 : memref<1x128xi32, #tpu.memory_space<vmem>> -> memref<128xi32, #tpu.memory_space<vmem>>
        %dma_wait3A_760 = arith.constant 0 : i32
        %dma_wait3A_761 = arith.constant 0 : i32
        %dma_wait3A_762 = tpu.memref_slice %arg9[%dma_wait3A_760, %dma_wait3A_761] : memref<10112x128xf32, #tpu.memory_space<vmem_shared>> -> memref<10112x128xf32, #tpu.memory_space<vmem_shared>>
        tpu.wait_indirect_dma semaphore(%run_scoped3A_734 : memref<!tpu.dma_semaphore, #tpu.memory_space<semaphore_mem>>) src(%dma_wait3A_752 : memref<128x128xf32, #tpu.memory_space<vmem>>) dst(%dma_wait3A_762 : memref<10112x128xf32, #tpu.memory_space<vmem_shared>>)
        tpu.yield
      }) : () -> ()
      %dma_start3A_369 = arith.constant 8 : i32
      %dma_start3A_370 = arith.constant 0 : i32
      %dma_start3A_371 = arith.constant 0 : i32
      %dma_start3A_372 = arith.constant 0 : i32
      %dma_start3A_373 = tpu.memref_slice %arg8[%dma_start3A_370, %dma_start3A_371, %dma_start3A_372] : memref<2x128x128xf32, #tpu.memory_space<vmem>> -> memref<1x128x128xf32, #tpu.memory_space<vmem>>
      %dma_start3A_374 = tpu.memref_squeeze %dma_start3A_373 : memref<1x128x128xf32, #tpu.memory_space<vmem>> -> memref<128x128xf32, #tpu.memory_space<vmem>>
      %dma_start3A_375 = arith.constant 0 : i32
      %dma_start3A_376 = arith.constant 0 : i32
      %dma_start3A_377 = tpu.memref_slice %arg6[%rem3A_46, %dma_start3A_375, %dma_start3A_376] : memref<2x16x128xi32, #tpu.memory_space<vmem>> -> memref<1x16x128xi32, #tpu.memory_space<vmem>>
      %dma_start3A_378 = tpu.memref_squeeze %dma_start3A_377 : memref<1x16x128xi32, #tpu.memory_space<vmem>> -> memref<16x128xi32, #tpu.memory_space<vmem>>
      %dma_start3A_379 = arith.constant 0 : i32
      %dma_start3A_380 = tpu.memref_slice %dma_start3A_378[%dma_start3A_369, %dma_start3A_379] : memref<16x128xi32, #tpu.memory_space<vmem>> -> memref<1x128xi32, #tpu.memory_space<vmem>>
      %dma_start3A_381 = tpu.memref_squeeze %dma_start3A_380 : memref<1x128xi32, #tpu.memory_space<vmem>> -> memref<128xi32, #tpu.memory_space<vmem>>
      %dma_start3A_382 = arith.constant 0 : i32
      %dma_start3A_383 = arith.constant 0 : i32
      %dma_start3A_384 = tpu.memref_slice %arg2[%arg0, %dma_start3A_382, %dma_start3A_383] : memref<2x10000x128xf32, #tpu.memory_space<hbm>> -> memref<1x10000x128xf32, #tpu.memory_space<hbm>>
      %dma_start3A_385 = tpu.memref_squeeze %dma_start3A_384 : memref<1x10000x128xf32, #tpu.memory_space<hbm>> -> memref<10000x128xf32, #tpu.memory_space<hbm>>
      %dma_start3A_386 = arith.constant 0 : i32
      %dma_start3A_387 = arith.constant 0 : i32
      %dma_start3A_388 = tpu.memref_slice %dma_start3A_385[%dma_start3A_386, %dma_start3A_387] : memref<10000x128xf32, #tpu.memory_space<hbm>> -> memref<10000x128xf32, #tpu.memory_space<hbm>>
      tpu.enqueue_indirect_dma source(%dma_start3A_388 : memref<10000x128xf32, #tpu.memory_space<hbm>>) target(%dma_start3A_374 : memref<128x128xf32, #tpu.memory_space<vmem>>) offsets(%dma_start3A_381 : memref<128xi32, #tpu.memory_space<vmem>>) semaphore(%arg10 : memref<!tpu.dma_semaphore, #tpu.memory_space<semaphore_mem>>)
      %dma_wait3A_389 = arith.constant 7 : i32
      %dma_wait3A_390 = arith.constant 1 : i32
      %dma_wait3A_391 = arith.constant 0 : i32
      %dma_wait3A_392 = arith.constant 0 : i32
      %dma_wait3A_393 = tpu.memref_slice %arg8[%dma_wait3A_390, %dma_wait3A_391, %dma_wait3A_392] : memref<2x128x128xf32, #tpu.memory_space<vmem>> -> memref<1x128x128xf32, #tpu.memory_space<vmem>>
      %dma_wait3A_394 = tpu.memref_squeeze %dma_wait3A_393 : memref<1x128x128xf32, #tpu.memory_space<vmem>> -> memref<128x128xf32, #tpu.memory_space<vmem>>
      %dma_wait3A_395 = arith.constant 0 : i32
      %dma_wait3A_396 = arith.constant 0 : i32
      %dma_wait3A_397 = tpu.memref_slice %arg6[%rem3A_46, %dma_wait3A_395, %dma_wait3A_396] : memref<2x16x128xi32, #tpu.memory_space<vmem>> -> memref<1x16x128xi32, #tpu.memory_space<vmem>>
      %dma_wait3A_398 = tpu.memref_squeeze %dma_wait3A_397 : memref<1x16x128xi32, #tpu.memory_space<vmem>> -> memref<16x128xi32, #tpu.memory_space<vmem>>
      %dma_wait3A_399 = arith.constant 0 : i32
      %dma_wait3A_400 = tpu.memref_slice %dma_wait3A_398[%dma_wait3A_389, %dma_wait3A_399] : memref<16x128xi32, #tpu.memory_space<vmem>> -> memref<1x128xi32, #tpu.memory_space<vmem>>
      %dma_wait3A_401 = tpu.memref_squeeze %dma_wait3A_400 : memref<1x128xi32, #tpu.memory_space<vmem>> -> memref<128xi32, #tpu.memory_space<vmem>>
      %dma_wait3A_402 = arith.constant 0 : i32
      %dma_wait3A_403 = arith.constant 0 : i32
      %dma_wait3A_404 = tpu.memref_slice %arg2[%arg0, %dma_wait3A_402, %dma_wait3A_403] : memref<2x10000x128xf32, #tpu.memory_space<hbm>> -> memref<1x10000x128xf32, #tpu.memory_space<hbm>>
      %dma_wait3A_405 = tpu.memref_squeeze %dma_wait3A_404 : memref<1x10000x128xf32, #tpu.memory_space<hbm>> -> memref<10000x128xf32, #tpu.memory_space<hbm>>
      %dma_wait3A_406 = arith.constant 0 : i32
      %dma_wait3A_407 = arith.constant 0 : i32
      %dma_wait3A_408 = tpu.memref_slice %dma_wait3A_405[%dma_wait3A_406, %dma_wait3A_407] : memref<10000x128xf32, #tpu.memory_space<hbm>> -> memref<10000x128xf32, #tpu.memory_space<hbm>>
      tpu.wait_indirect_dma semaphore(%arg11 : memref<!tpu.dma_semaphore, #tpu.memory_space<semaphore_mem>>) src(%dma_wait3A_408 : memref<10000x128xf32, #tpu.memory_space<hbm>>) dst(%dma_wait3A_394 : memref<128x128xf32, #tpu.memory_space<vmem>>)
      %run_scoped3A_409 = arith.constant 1 : i32
      %run_scoped3A_410 = arith.constant 7 : i32
      "tpu.region"() ({
        %run_scoped3A_734 = tpu.sem_alloc : memref<!tpu.dma_semaphore, #tpu.memory_space<semaphore_mem>>
        %dma_start3A_735 = arith.constant 0 : i32
        %dma_start3A_736 = arith.constant 0 : i32
        %dma_start3A_737 = tpu.memref_slice %arg8[%run_scoped3A_409, %dma_start3A_735, %dma_start3A_736] : memref<2x128x128xf32, #tpu.memory_space<vmem>> -> memref<1x128x128xf32, #tpu.memory_space<vmem>>
        %dma_start3A_738 = tpu.memref_squeeze %dma_start3A_737 : memref<1x128x128xf32, #tpu.memory_space<vmem>> -> memref<128x128xf32, #tpu.memory_space<vmem>>
        %dma_start3A_739 = arith.constant 0 : i32
        %dma_start3A_740 = arith.constant 0 : i32
        %dma_start3A_741 = tpu.memref_slice %arg7[%rem3A_46, %dma_start3A_739, %dma_start3A_740] : memref<2x16x128xi32, #tpu.memory_space<vmem>> -> memref<1x16x128xi32, #tpu.memory_space<vmem>>
        %dma_start3A_742 = tpu.memref_squeeze %dma_start3A_741 : memref<1x16x128xi32, #tpu.memory_space<vmem>> -> memref<16x128xi32, #tpu.memory_space<vmem>>
        %dma_start3A_743 = arith.constant 0 : i32
        %dma_start3A_744 = tpu.memref_slice %dma_start3A_742[%run_scoped3A_410, %dma_start3A_743] : memref<16x128xi32, #tpu.memory_space<vmem>> -> memref<1x128xi32, #tpu.memory_space<vmem>>
        %dma_start3A_745 = tpu.memref_squeeze %dma_start3A_744 : memref<1x128xi32, #tpu.memory_space<vmem>> -> memref<128xi32, #tpu.memory_space<vmem>>
        %dma_start3A_746 = arith.constant 0 : i32
        %dma_start3A_747 = arith.constant 0 : i32
        %dma_start3A_748 = tpu.memref_slice %arg9[%dma_start3A_746, %dma_start3A_747] : memref<10112x128xf32, #tpu.memory_space<vmem_shared>> -> memref<10112x128xf32, #tpu.memory_space<vmem_shared>>
        tpu.enqueue_indirect_dma source(%dma_start3A_738 : memref<128x128xf32, #tpu.memory_space<vmem>>) target(%dma_start3A_748 : memref<10112x128xf32, #tpu.memory_space<vmem_shared>>) offsets(%dma_start3A_745 : memref<128xi32, #tpu.memory_space<vmem>>) semaphore(%run_scoped3A_734 : memref<!tpu.dma_semaphore, #tpu.memory_space<semaphore_mem>>) {add = true}
        %dma_wait3A_749 = arith.constant 0 : i32
        %dma_wait3A_750 = arith.constant 0 : i32
        %dma_wait3A_751 = tpu.memref_slice %arg8[%run_scoped3A_409, %dma_wait3A_749, %dma_wait3A_750] : memref<2x128x128xf32, #tpu.memory_space<vmem>> -> memref<1x128x128xf32, #tpu.memory_space<vmem>>
        %dma_wait3A_752 = tpu.memref_squeeze %dma_wait3A_751 : memref<1x128x128xf32, #tpu.memory_space<vmem>> -> memref<128x128xf32, #tpu.memory_space<vmem>>
        %dma_wait3A_753 = arith.constant 0 : i32
        %dma_wait3A_754 = arith.constant 0 : i32
        %dma_wait3A_755 = tpu.memref_slice %arg7[%rem3A_46, %dma_wait3A_753, %dma_wait3A_754] : memref<2x16x128xi32, #tpu.memory_space<vmem>> -> memref<1x16x128xi32, #tpu.memory_space<vmem>>
        %dma_wait3A_756 = tpu.memref_squeeze %dma_wait3A_755 : memref<1x16x128xi32, #tpu.memory_space<vmem>> -> memref<16x128xi32, #tpu.memory_space<vmem>>
        %dma_wait3A_757 = arith.constant 0 : i32
        %dma_wait3A_758 = tpu.memref_slice %dma_wait3A_756[%run_scoped3A_410, %dma_wait3A_757] : memref<16x128xi32, #tpu.memory_space<vmem>> -> memref<1x128xi32, #tpu.memory_space<vmem>>
        %dma_wait3A_759 = tpu.memref_squeeze %dma_wait3A_758 : memref<1x128xi32, #tpu.memory_space<vmem>> -> memref<128xi32, #tpu.memory_space<vmem>>
        %dma_wait3A_760 = arith.constant 0 : i32
        %dma_wait3A_761 = arith.constant 0 : i32
        %dma_wait3A_762 = tpu.memref_slice %arg9[%dma_wait3A_760, %dma_wait3A_761] : memref<10112x128xf32, #tpu.memory_space<vmem_shared>> -> memref<10112x128xf32, #tpu.memory_space<vmem_shared>>
        tpu.wait_indirect_dma semaphore(%run_scoped3A_734 : memref<!tpu.dma_semaphore, #tpu.memory_space<semaphore_mem>>) src(%dma_wait3A_752 : memref<128x128xf32, #tpu.memory_space<vmem>>) dst(%dma_wait3A_762 : memref<10112x128xf32, #tpu.memory_space<vmem_shared>>)
        tpu.yield
      }) : () -> ()
      %dma_start3A_411 = arith.constant 9 : i32
      %dma_start3A_412 = arith.constant 1 : i32
      %dma_start3A_413 = arith.constant 0 : i32
      %dma_start3A_414 = arith.constant 0 : i32
      %dma_start3A_415 = tpu.memref_slice %arg8[%dma_start3A_412, %dma_start3A_413, %dma_start3A_414] : memref<2x128x128xf32, #tpu.memory_space<vmem>> -> memref<1x128x128xf32, #tpu.memory_space<vmem>>
      %dma_start3A_416 = tpu.memref_squeeze %dma_start3A_415 : memref<1x128x128xf32, #tpu.memory_space<vmem>> -> memref<128x128xf32, #tpu.memory_space<vmem>>
      %dma_start3A_417 = arith.constant 0 : i32
      %dma_start3A_418 = arith.constant 0 : i32
      %dma_start3A_419 = tpu.memref_slice %arg6[%rem3A_46, %dma_start3A_417, %dma_start3A_418] : memref<2x16x128xi32, #tpu.memory_space<vmem>> -> memref<1x16x128xi32, #tpu.memory_space<vmem>>
      %dma_start3A_420 = tpu.memref_squeeze %dma_start3A_419 : memref<1x16x128xi32, #tpu.memory_space<vmem>> -> memref<16x128xi32, #tpu.memory_space<vmem>>
      %dma_start3A_421 = arith.constant 0 : i32
      %dma_start3A_422 = tpu.memref_slice %dma_start3A_420[%dma_start3A_411, %dma_start3A_421] : memref<16x128xi32, #tpu.memory_space<vmem>> -> memref<1x128xi32, #tpu.memory_space<vmem>>
      %dma_start3A_423 = tpu.memref_squeeze %dma_start3A_422 : memref<1x128xi32, #tpu.memory_space<vmem>> -> memref<128xi32, #tpu.memory_space<vmem>>
      %dma_start3A_424 = arith.constant 0 : i32
      %dma_start3A_425 = arith.constant 0 : i32
      %dma_start3A_426 = tpu.memref_slice %arg2[%arg0, %dma_start3A_424, %dma_start3A_425] : memref<2x10000x128xf32, #tpu.memory_space<hbm>> -> memref<1x10000x128xf32, #tpu.memory_space<hbm>>
      %dma_start3A_427 = tpu.memref_squeeze %dma_start3A_426 : memref<1x10000x128xf32, #tpu.memory_space<hbm>> -> memref<10000x128xf32, #tpu.memory_space<hbm>>
      %dma_start3A_428 = arith.constant 0 : i32
      %dma_start3A_429 = arith.constant 0 : i32
      %dma_start3A_430 = tpu.memref_slice %dma_start3A_427[%dma_start3A_428, %dma_start3A_429] : memref<10000x128xf32, #tpu.memory_space<hbm>> -> memref<10000x128xf32, #tpu.memory_space<hbm>>
      tpu.enqueue_indirect_dma source(%dma_start3A_430 : memref<10000x128xf32, #tpu.memory_space<hbm>>) target(%dma_start3A_416 : memref<128x128xf32, #tpu.memory_space<vmem>>) offsets(%dma_start3A_423 : memref<128xi32, #tpu.memory_space<vmem>>) semaphore(%arg11 : memref<!tpu.dma_semaphore, #tpu.memory_space<semaphore_mem>>)
      %dma_wait3A_431 = arith.constant 8 : i32
      %dma_wait3A_432 = arith.constant 0 : i32
      %dma_wait3A_433 = arith.constant 0 : i32
      %dma_wait3A_434 = arith.constant 0 : i32
      %dma_wait3A_435 = tpu.memref_slice %arg8[%dma_wait3A_432, %dma_wait3A_433, %dma_wait3A_434] : memref<2x128x128xf32, #tpu.memory_space<vmem>> -> memref<1x128x128xf32, #tpu.memory_space<vmem>>
      %dma_wait3A_436 = tpu.memref_squeeze %dma_wait3A_435 : memref<1x128x128xf32, #tpu.memory_space<vmem>> -> memref<128x128xf32, #tpu.memory_space<vmem>>
      %dma_wait3A_437 = arith.constant 0 : i32
      %dma_wait3A_438 = arith.constant 0 : i32
      %dma_wait3A_439 = tpu.memref_slice %arg6[%rem3A_46, %dma_wait3A_437, %dma_wait3A_438] : memref<2x16x128xi32, #tpu.memory_space<vmem>> -> memref<1x16x128xi32, #tpu.memory_space<vmem>>
      %dma_wait3A_440 = tpu.memref_squeeze %dma_wait3A_439 : memref<1x16x128xi32, #tpu.memory_space<vmem>> -> memref<16x128xi32, #tpu.memory_space<vmem>>
      %dma_wait3A_441 = arith.constant 0 : i32
      %dma_wait3A_442 = tpu.memref_slice %dma_wait3A_440[%dma_wait3A_431, %dma_wait3A_441] : memref<16x128xi32, #tpu.memory_space<vmem>> -> memref<1x128xi32, #tpu.memory_space<vmem>>
      %dma_wait3A_443 = tpu.memref_squeeze %dma_wait3A_442 : memref<1x128xi32, #tpu.memory_space<vmem>> -> memref<128xi32, #tpu.memory_space<vmem>>
      %dma_wait3A_444 = arith.constant 0 : i32
      %dma_wait3A_445 = arith.constant 0 : i32
      %dma_wait3A_446 = tpu.memref_slice %arg2[%arg0, %dma_wait3A_444, %dma_wait3A_445] : memref<2x10000x128xf32, #tpu.memory_space<hbm>> -> memref<1x10000x128xf32, #tpu.memory_space<hbm>>
      %dma_wait3A_447 = tpu.memref_squeeze %dma_wait3A_446 : memref<1x10000x128xf32, #tpu.memory_space<hbm>> -> memref<10000x128xf32, #tpu.memory_space<hbm>>
      %dma_wait3A_448 = arith.constant 0 : i32
      %dma_wait3A_449 = arith.constant 0 : i32
      %dma_wait3A_450 = tpu.memref_slice %dma_wait3A_447[%dma_wait3A_448, %dma_wait3A_449] : memref<10000x128xf32, #tpu.memory_space<hbm>> -> memref<10000x128xf32, #tpu.memory_space<hbm>>
      tpu.wait_indirect_dma semaphore(%arg10 : memref<!tpu.dma_semaphore, #tpu.memory_space<semaphore_mem>>) src(%dma_wait3A_450 : memref<10000x128xf32, #tpu.memory_space<hbm>>) dst(%dma_wait3A_436 : memref<128x128xf32, #tpu.memory_space<vmem>>)
      %run_scoped3A_451 = arith.constant 0 : i32
      %run_scoped3A_452 = arith.constant 8 : i32
      "tpu.region"() ({
        %run_scoped3A_734 = tpu.sem_alloc : memref<!tpu.dma_semaphore, #tpu.memory_space<semaphore_mem>>
        %dma_start3A_735 = arith.constant 0 : i32
        %dma_start3A_736 = arith.constant 0 : i32
        %dma_start3A_737 = tpu.memref_slice %arg8[%run_scoped3A_451, %dma_start3A_735, %dma_start3A_736] : memref<2x128x128xf32, #tpu.memory_space<vmem>> -> memref<1x128x128xf32, #tpu.memory_space<vmem>>
        %dma_start3A_738 = tpu.memref_squeeze %dma_start3A_737 : memref<1x128x128xf32, #tpu.memory_space<vmem>> -> memref<128x128xf32, #tpu.memory_space<vmem>>
        %dma_start3A_739 = arith.constant 0 : i32
        %dma_start3A_740 = arith.constant 0 : i32
        %dma_start3A_741 = tpu.memref_slice %arg7[%rem3A_46, %dma_start3A_739, %dma_start3A_740] : memref<2x16x128xi32, #tpu.memory_space<vmem>> -> memref<1x16x128xi32, #tpu.memory_space<vmem>>
        %dma_start3A_742 = tpu.memref_squeeze %dma_start3A_741 : memref<1x16x128xi32, #tpu.memory_space<vmem>> -> memref<16x128xi32, #tpu.memory_space<vmem>>
        %dma_start3A_743 = arith.constant 0 : i32
        %dma_start3A_744 = tpu.memref_slice %dma_start3A_742[%run_scoped3A_452, %dma_start3A_743] : memref<16x128xi32, #tpu.memory_space<vmem>> -> memref<1x128xi32, #tpu.memory_space<vmem>>
        %dma_start3A_745 = tpu.memref_squeeze %dma_start3A_744 : memref<1x128xi32, #tpu.memory_space<vmem>> -> memref<128xi32, #tpu.memory_space<vmem>>
        %dma_start3A_746 = arith.constant 0 : i32
        %dma_start3A_747 = arith.constant 0 : i32
        %dma_start3A_748 = tpu.memref_slice %arg9[%dma_start3A_746, %dma_start3A_747] : memref<10112x128xf32, #tpu.memory_space<vmem_shared>> -> memref<10112x128xf32, #tpu.memory_space<vmem_shared>>
        tpu.enqueue_indirect_dma source(%dma_start3A_738 : memref<128x128xf32, #tpu.memory_space<vmem>>) target(%dma_start3A_748 : memref<10112x128xf32, #tpu.memory_space<vmem_shared>>) offsets(%dma_start3A_745 : memref<128xi32, #tpu.memory_space<vmem>>) semaphore(%run_scoped3A_734 : memref<!tpu.dma_semaphore, #tpu.memory_space<semaphore_mem>>) {add = true}
        %dma_wait3A_749 = arith.constant 0 : i32
        %dma_wait3A_750 = arith.constant 0 : i32
        %dma_wait3A_751 = tpu.memref_slice %arg8[%run_scoped3A_451, %dma_wait3A_749, %dma_wait3A_750] : memref<2x128x128xf32, #tpu.memory_space<vmem>> -> memref<1x128x128xf32, #tpu.memory_space<vmem>>
        %dma_wait3A_752 = tpu.memref_squeeze %dma_wait3A_751 : memref<1x128x128xf32, #tpu.memory_space<vmem>> -> memref<128x128xf32, #tpu.memory_space<vmem>>
        %dma_wait3A_753 = arith.constant 0 : i32
        %dma_wait3A_754 = arith.constant 0 : i32
        %dma_wait3A_755 = tpu.memref_slice %arg7[%rem3A_46, %dma_wait3A_753, %dma_wait3A_754] : memref<2x16x128xi32, #tpu.memory_space<vmem>> -> memref<1x16x128xi32, #tpu.memory_space<vmem>>
        %dma_wait3A_756 = tpu.memref_squeeze %dma_wait3A_755 : memref<1x16x128xi32, #tpu.memory_space<vmem>> -> memref<16x128xi32, #tpu.memory_space<vmem>>
        %dma_wait3A_757 = arith.constant 0 : i32
        %dma_wait3A_758 = tpu.memref_slice %dma_wait3A_756[%run_scoped3A_452, %dma_wait3A_757] : memref<16x128xi32, #tpu.memory_space<vmem>> -> memref<1x128xi32, #tpu.memory_space<vmem>>
        %dma_wait3A_759 = tpu.memref_squeeze %dma_wait3A_758 : memref<1x128xi32, #tpu.memory_space<vmem>> -> memref<128xi32, #tpu.memory_space<vmem>>
        %dma_wait3A_760 = arith.constant 0 : i32
        %dma_wait3A_761 = arith.constant 0 : i32
        %dma_wait3A_762 = tpu.memref_slice %arg9[%dma_wait3A_760, %dma_wait3A_761] : memref<10112x128xf32, #tpu.memory_space<vmem_shared>> -> memref<10112x128xf32, #tpu.memory_space<vmem_shared>>
        tpu.wait_indirect_dma semaphore(%run_scoped3A_734 : memref<!tpu.dma_semaphore, #tpu.memory_space<semaphore_mem>>) src(%dma_wait3A_752 : memref<128x128xf32, #tpu.memory_space<vmem>>) dst(%dma_wait3A_762 : memref<10112x128xf32, #tpu.memory_space<vmem_shared>>)
        tpu.yield
      }) : () -> ()
      %dma_start3A_453 = arith.constant 10 : i32
      %dma_start3A_454 = arith.constant 0 : i32
      %dma_start3A_455 = arith.constant 0 : i32
      %dma_start3A_456 = arith.constant 0 : i32
      %dma_start3A_457 = tpu.memref_slice %arg8[%dma_start3A_454, %dma_start3A_455, %dma_start3A_456] : memref<2x128x128xf32, #tpu.memory_space<vmem>> -> memref<1x128x128xf32, #tpu.memory_space<vmem>>
      %dma_start3A_458 = tpu.memref_squeeze %dma_start3A_457 : memref<1x128x128xf32, #tpu.memory_space<vmem>> -> memref<128x128xf32, #tpu.memory_space<vmem>>
      %dma_start3A_459 = arith.constant 0 : i32
      %dma_start3A_460 = arith.constant 0 : i32
      %dma_start3A_461 = tpu.memref_slice %arg6[%rem3A_46, %dma_start3A_459, %dma_start3A_460] : memref<2x16x128xi32, #tpu.memory_space<vmem>> -> memref<1x16x128xi32, #tpu.memory_space<vmem>>
      %dma_start3A_462 = tpu.memref_squeeze %dma_start3A_461 : memref<1x16x128xi32, #tpu.memory_space<vmem>> -> memref<16x128xi32, #tpu.memory_space<vmem>>
      %dma_start3A_463 = arith.constant 0 : i32
      %dma_start3A_464 = tpu.memref_slice %dma_start3A_462[%dma_start3A_453, %dma_start3A_463] : memref<16x128xi32, #tpu.memory_space<vmem>> -> memref<1x128xi32, #tpu.memory_space<vmem>>
      %dma_start3A_465 = tpu.memref_squeeze %dma_start3A_464 : memref<1x128xi32, #tpu.memory_space<vmem>> -> memref<128xi32, #tpu.memory_space<vmem>>
      %dma_start3A_466 = arith.constant 0 : i32
      %dma_start3A_467 = arith.constant 0 : i32
      %dma_start3A_468 = tpu.memref_slice %arg2[%arg0, %dma_start3A_466, %dma_start3A_467] : memref<2x10000x128xf32, #tpu.memory_space<hbm>> -> memref<1x10000x128xf32, #tpu.memory_space<hbm>>
      %dma_start3A_469 = tpu.memref_squeeze %dma_start3A_468 : memref<1x10000x128xf32, #tpu.memory_space<hbm>> -> memref<10000x128xf32, #tpu.memory_space<hbm>>
      %dma_start3A_470 = arith.constant 0 : i32
      %dma_start3A_471 = arith.constant 0 : i32
      %dma_start3A_472 = tpu.memref_slice %dma_start3A_469[%dma_start3A_470, %dma_start3A_471] : memref<10000x128xf32, #tpu.memory_space<hbm>> -> memref<10000x128xf32, #tpu.memory_space<hbm>>
      tpu.enqueue_indirect_dma source(%dma_start3A_472 : memref<10000x128xf32, #tpu.memory_space<hbm>>) target(%dma_start3A_458 : memref<128x128xf32, #tpu.memory_space<vmem>>) offsets(%dma_start3A_465 : memref<128xi32, #tpu.memory_space<vmem>>) semaphore(%arg10 : memref<!tpu.dma_semaphore, #tpu.memory_space<semaphore_mem>>)
      %dma_wait3A_473 = arith.constant 9 : i32
      %dma_wait3A_474 = arith.constant 1 : i32
      %dma_wait3A_475 = arith.constant 0 : i32
      %dma_wait3A_476 = arith.constant 0 : i32
      %dma_wait3A_477 = tpu.memref_slice %arg8[%dma_wait3A_474, %dma_wait3A_475, %dma_wait3A_476] : memref<2x128x128xf32, #tpu.memory_space<vmem>> -> memref<1x128x128xf32, #tpu.memory_space<vmem>>
      %dma_wait3A_478 = tpu.memref_squeeze %dma_wait3A_477 : memref<1x128x128xf32, #tpu.memory_space<vmem>> -> memref<128x128xf32, #tpu.memory_space<vmem>>
      %dma_wait3A_479 = arith.constant 0 : i32
      %dma_wait3A_480 = arith.constant 0 : i32
      %dma_wait3A_481 = tpu.memref_slice %arg6[%rem3A_46, %dma_wait3A_479, %dma_wait3A_480] : memref<2x16x128xi32, #tpu.memory_space<vmem>> -> memref<1x16x128xi32, #tpu.memory_space<vmem>>
      %dma_wait3A_482 = tpu.memref_squeeze %dma_wait3A_481 : memref<1x16x128xi32, #tpu.memory_space<vmem>> -> memref<16x128xi32, #tpu.memory_space<vmem>>
      %dma_wait3A_483 = arith.constant 0 : i32
      %dma_wait3A_484 = tpu.memref_slice %dma_wait3A_482[%dma_wait3A_473, %dma_wait3A_483] : memref<16x128xi32, #tpu.memory_space<vmem>> -> memref<1x128xi32, #tpu.memory_space<vmem>>
      %dma_wait3A_485 = tpu.memref_squeeze %dma_wait3A_484 : memref<1x128xi32, #tpu.memory_space<vmem>> -> memref<128xi32, #tpu.memory_space<vmem>>
      %dma_wait3A_486 = arith.constant 0 : i32
      %dma_wait3A_487 = arith.constant 0 : i32
      %dma_wait3A_488 = tpu.memref_slice %arg2[%arg0, %dma_wait3A_486, %dma_wait3A_487] : memref<2x10000x128xf32, #tpu.memory_space<hbm>> -> memref<1x10000x128xf32, #tpu.memory_space<hbm>>
      %dma_wait3A_489 = tpu.memref_squeeze %dma_wait3A_488 : memref<1x10000x128xf32, #tpu.memory_space<hbm>> -> memref<10000x128xf32, #tpu.memory_space<hbm>>
      %dma_wait3A_490 = arith.constant 0 : i32
      %dma_wait3A_491 = arith.constant 0 : i32
      %dma_wait3A_492 = tpu.memref_slice %dma_wait3A_489[%dma_wait3A_490, %dma_wait3A_491] : memref<10000x128xf32, #tpu.memory_space<hbm>> -> memref<10000x128xf32, #tpu.memory_space<hbm>>
      tpu.wait_indirect_dma semaphore(%arg11 : memref<!tpu.dma_semaphore, #tpu.memory_space<semaphore_mem>>) src(%dma_wait3A_492 : memref<10000x128xf32, #tpu.memory_space<hbm>>) dst(%dma_wait3A_478 : memref<128x128xf32, #tpu.memory_space<vmem>>)
      %run_scoped3A_493 = arith.constant 1 : i32
      %run_scoped3A_494 = arith.constant 9 : i32
      "tpu.region"() ({
        %run_scoped3A_734 = tpu.sem_alloc : memref<!tpu.dma_semaphore, #tpu.memory_space<semaphore_mem>>
        %dma_start3A_735 = arith.constant 0 : i32
        %dma_start3A_736 = arith.constant 0 : i32
        %dma_start3A_737 = tpu.memref_slice %arg8[%run_scoped3A_493, %dma_start3A_735, %dma_start3A_736] : memref<2x128x128xf32, #tpu.memory_space<vmem>> -> memref<1x128x128xf32, #tpu.memory_space<vmem>>
        %dma_start3A_738 = tpu.memref_squeeze %dma_start3A_737 : memref<1x128x128xf32, #tpu.memory_space<vmem>> -> memref<128x128xf32, #tpu.memory_space<vmem>>
        %dma_start3A_739 = arith.constant 0 : i32
        %dma_start3A_740 = arith.constant 0 : i32
        %dma_start3A_741 = tpu.memref_slice %arg7[%rem3A_46, %dma_start3A_739, %dma_start3A_740] : memref<2x16x128xi32, #tpu.memory_space<vmem>> -> memref<1x16x128xi32, #tpu.memory_space<vmem>>
        %dma_start3A_742 = tpu.memref_squeeze %dma_start3A_741 : memref<1x16x128xi32, #tpu.memory_space<vmem>> -> memref<16x128xi32, #tpu.memory_space<vmem>>
        %dma_start3A_743 = arith.constant 0 : i32
        %dma_start3A_744 = tpu.memref_slice %dma_start3A_742[%run_scoped3A_494, %dma_start3A_743] : memref<16x128xi32, #tpu.memory_space<vmem>> -> memref<1x128xi32, #tpu.memory_space<vmem>>
        %dma_start3A_745 = tpu.memref_squeeze %dma_start3A_744 : memref<1x128xi32, #tpu.memory_space<vmem>> -> memref<128xi32, #tpu.memory_space<vmem>>
        %dma_start3A_746 = arith.constant 0 : i32
        %dma_start3A_747 = arith.constant 0 : i32
        %dma_start3A_748 = tpu.memref_slice %arg9[%dma_start3A_746, %dma_start3A_747] : memref<10112x128xf32, #tpu.memory_space<vmem_shared>> -> memref<10112x128xf32, #tpu.memory_space<vmem_shared>>
        tpu.enqueue_indirect_dma source(%dma_start3A_738 : memref<128x128xf32, #tpu.memory_space<vmem>>) target(%dma_start3A_748 : memref<10112x128xf32, #tpu.memory_space<vmem_shared>>) offsets(%dma_start3A_745 : memref<128xi32, #tpu.memory_space<vmem>>) semaphore(%run_scoped3A_734 : memref<!tpu.dma_semaphore, #tpu.memory_space<semaphore_mem>>) {add = true}
        %dma_wait3A_749 = arith.constant 0 : i32
        %dma_wait3A_750 = arith.constant 0 : i32
        %dma_wait3A_751 = tpu.memref_slice %arg8[%run_scoped3A_493, %dma_wait3A_749, %dma_wait3A_750] : memref<2x128x128xf32, #tpu.memory_space<vmem>> -> memref<1x128x128xf32, #tpu.memory_space<vmem>>
        %dma_wait3A_752 = tpu.memref_squeeze %dma_wait3A_751 : memref<1x128x128xf32, #tpu.memory_space<vmem>> -> memref<128x128xf32, #tpu.memory_space<vmem>>
        %dma_wait3A_753 = arith.constant 0 : i32
        %dma_wait3A_754 = arith.constant 0 : i32
        %dma_wait3A_755 = tpu.memref_slice %arg7[%rem3A_46, %dma_wait3A_753, %dma_wait3A_754] : memref<2x16x128xi32, #tpu.memory_space<vmem>> -> memref<1x16x128xi32, #tpu.memory_space<vmem>>
        %dma_wait3A_756 = tpu.memref_squeeze %dma_wait3A_755 : memref<1x16x128xi32, #tpu.memory_space<vmem>> -> memref<16x128xi32, #tpu.memory_space<vmem>>
        %dma_wait3A_757 = arith.constant 0 : i32
        %dma_wait3A_758 = tpu.memref_slice %dma_wait3A_756[%run_scoped3A_494, %dma_wait3A_757] : memref<16x128xi32, #tpu.memory_space<vmem>> -> memref<1x128xi32, #tpu.memory_space<vmem>>
        %dma_wait3A_759 = tpu.memref_squeeze %dma_wait3A_758 : memref<1x128xi32, #tpu.memory_space<vmem>> -> memref<128xi32, #tpu.memory_space<vmem>>
        %dma_wait3A_760 = arith.constant 0 : i32
        %dma_wait3A_761 = arith.constant 0 : i32
        %dma_wait3A_762 = tpu.memref_slice %arg9[%dma_wait3A_760, %dma_wait3A_761] : memref<10112x128xf32, #tpu.memory_space<vmem_shared>> -> memref<10112x128xf32, #tpu.memory_space<vmem_shared>>
        tpu.wait_indirect_dma semaphore(%run_scoped3A_734 : memref<!tpu.dma_semaphore, #tpu.memory_space<semaphore_mem>>) src(%dma_wait3A_752 : memref<128x128xf32, #tpu.memory_space<vmem>>) dst(%dma_wait3A_762 : memref<10112x128xf32, #tpu.memory_space<vmem_shared>>)
        tpu.yield
      }) : () -> ()
      %dma_start3A_495 = arith.constant 11 : i32
      %dma_start3A_496 = arith.constant 1 : i32
      %dma_start3A_497 = arith.constant 0 : i32
      %dma_start3A_498 = arith.constant 0 : i32
      %dma_start3A_499 = tpu.memref_slice %arg8[%dma_start3A_496, %dma_start3A_497, %dma_start3A_498] : memref<2x128x128xf32, #tpu.memory_space<vmem>> -> memref<1x128x128xf32, #tpu.memory_space<vmem>>
      %dma_start3A_500 = tpu.memref_squeeze %dma_start3A_499 : memref<1x128x128xf32, #tpu.memory_space<vmem>> -> memref<128x128xf32, #tpu.memory_space<vmem>>
      %dma_start3A_501 = arith.constant 0 : i32
      %dma_start3A_502 = arith.constant 0 : i32
      %dma_start3A_503 = tpu.memref_slice %arg6[%rem3A_46, %dma_start3A_501, %dma_start3A_502] : memref<2x16x128xi32, #tpu.memory_space<vmem>> -> memref<1x16x128xi32, #tpu.memory_space<vmem>>
      %dma_start3A_504 = tpu.memref_squeeze %dma_start3A_503 : memref<1x16x128xi32, #tpu.memory_space<vmem>> -> memref<16x128xi32, #tpu.memory_space<vmem>>
      %dma_start3A_505 = arith.constant 0 : i32
      %dma_start3A_506 = tpu.memref_slice %dma_start3A_504[%dma_start3A_495, %dma_start3A_505] : memref<16x128xi32, #tpu.memory_space<vmem>> -> memref<1x128xi32, #tpu.memory_space<vmem>>
      %dma_start3A_507 = tpu.memref_squeeze %dma_start3A_506 : memref<1x128xi32, #tpu.memory_space<vmem>> -> memref<128xi32, #tpu.memory_space<vmem>>
      %dma_start3A_508 = arith.constant 0 : i32
      %dma_start3A_509 = arith.constant 0 : i32
      %dma_start3A_510 = tpu.memref_slice %arg2[%arg0, %dma_start3A_508, %dma_start3A_509] : memref<2x10000x128xf32, #tpu.memory_space<hbm>> -> memref<1x10000x128xf32, #tpu.memory_space<hbm>>
      %dma_start3A_511 = tpu.memref_squeeze %dma_start3A_510 : memref<1x10000x128xf32, #tpu.memory_space<hbm>> -> memref<10000x128xf32, #tpu.memory_space<hbm>>
      %dma_start3A_512 = arith.constant 0 : i32
      %dma_start3A_513 = arith.constant 0 : i32
      %dma_start3A_514 = tpu.memref_slice %dma_start3A_511[%dma_start3A_512, %dma_start3A_513] : memref<10000x128xf32, #tpu.memory_space<hbm>> -> memref<10000x128xf32, #tpu.memory_space<hbm>>
      tpu.enqueue_indirect_dma source(%dma_start3A_514 : memref<10000x128xf32, #tpu.memory_space<hbm>>) target(%dma_start3A_500 : memref<128x128xf32, #tpu.memory_space<vmem>>) offsets(%dma_start3A_507 : memref<128xi32, #tpu.memory_space<vmem>>) semaphore(%arg11 : memref<!tpu.dma_semaphore, #tpu.memory_space<semaphore_mem>>)
      %dma_wait3A_515 = arith.constant 10 : i32
      %dma_wait3A_516 = arith.constant 0 : i32
      %dma_wait3A_517 = arith.constant 0 : i32
      %dma_wait3A_518 = arith.constant 0 : i32
      %dma_wait3A_519 = tpu.memref_slice %arg8[%dma_wait3A_516, %dma_wait3A_517, %dma_wait3A_518] : memref<2x128x128xf32, #tpu.memory_space<vmem>> -> memref<1x128x128xf32, #tpu.memory_space<vmem>>
      %dma_wait3A_520 = tpu.memref_squeeze %dma_wait3A_519 : memref<1x128x128xf32, #tpu.memory_space<vmem>> -> memref<128x128xf32, #tpu.memory_space<vmem>>
      %dma_wait3A_521 = arith.constant 0 : i32
      %dma_wait3A_522 = arith.constant 0 : i32
      %dma_wait3A_523 = tpu.memref_slice %arg6[%rem3A_46, %dma_wait3A_521, %dma_wait3A_522] : memref<2x16x128xi32, #tpu.memory_space<vmem>> -> memref<1x16x128xi32, #tpu.memory_space<vmem>>
      %dma_wait3A_524 = tpu.memref_squeeze %dma_wait3A_523 : memref<1x16x128xi32, #tpu.memory_space<vmem>> -> memref<16x128xi32, #tpu.memory_space<vmem>>
      %dma_wait3A_525 = arith.constant 0 : i32
      %dma_wait3A_526 = tpu.memref_slice %dma_wait3A_524[%dma_wait3A_515, %dma_wait3A_525] : memref<16x128xi32, #tpu.memory_space<vmem>> -> memref<1x128xi32, #tpu.memory_space<vmem>>
      %dma_wait3A_527 = tpu.memref_squeeze %dma_wait3A_526 : memref<1x128xi32, #tpu.memory_space<vmem>> -> memref<128xi32, #tpu.memory_space<vmem>>
      %dma_wait3A_528 = arith.constant 0 : i32
      %dma_wait3A_529 = arith.constant 0 : i32
      %dma_wait3A_530 = tpu.memref_slice %arg2[%arg0, %dma_wait3A_528, %dma_wait3A_529] : memref<2x10000x128xf32, #tpu.memory_space<hbm>> -> memref<1x10000x128xf32, #tpu.memory_space<hbm>>
      %dma_wait3A_531 = tpu.memref_squeeze %dma_wait3A_530 : memref<1x10000x128xf32, #tpu.memory_space<hbm>> -> memref<10000x128xf32, #tpu.memory_space<hbm>>
      %dma_wait3A_532 = arith.constant 0 : i32
      %dma_wait3A_533 = arith.constant 0 : i32
      %dma_wait3A_534 = tpu.memref_slice %dma_wait3A_531[%dma_wait3A_532, %dma_wait3A_533] : memref<10000x128xf32, #tpu.memory_space<hbm>> -> memref<10000x128xf32, #tpu.memory_space<hbm>>
      tpu.wait_indirect_dma semaphore(%arg10 : memref<!tpu.dma_semaphore, #tpu.memory_space<semaphore_mem>>) src(%dma_wait3A_534 : memref<10000x128xf32, #tpu.memory_space<hbm>>) dst(%dma_wait3A_520 : memref<128x128xf32, #tpu.memory_space<vmem>>)
      %run_scoped3A_535 = arith.constant 0 : i32
      %run_scoped3A_536 = arith.constant 10 : i32
      "tpu.region"() ({
        %run_scoped3A_734 = tpu.sem_alloc : memref<!tpu.dma_semaphore, #tpu.memory_space<semaphore_mem>>
        %dma_start3A_735 = arith.constant 0 : i32
        %dma_start3A_736 = arith.constant 0 : i32
        %dma_start3A_737 = tpu.memref_slice %arg8[%run_scoped3A_535, %dma_start3A_735, %dma_start3A_736] : memref<2x128x128xf32, #tpu.memory_space<vmem>> -> memref<1x128x128xf32, #tpu.memory_space<vmem>>
        %dma_start3A_738 = tpu.memref_squeeze %dma_start3A_737 : memref<1x128x128xf32, #tpu.memory_space<vmem>> -> memref<128x128xf32, #tpu.memory_space<vmem>>
        %dma_start3A_739 = arith.constant 0 : i32
        %dma_start3A_740 = arith.constant 0 : i32
        %dma_start3A_741 = tpu.memref_slice %arg7[%rem3A_46, %dma_start3A_739, %dma_start3A_740] : memref<2x16x128xi32, #tpu.memory_space<vmem>> -> memref<1x16x128xi32, #tpu.memory_space<vmem>>
        %dma_start3A_742 = tpu.memref_squeeze %dma_start3A_741 : memref<1x16x128xi32, #tpu.memory_space<vmem>> -> memref<16x128xi32, #tpu.memory_space<vmem>>
        %dma_start3A_743 = arith.constant 0 : i32
        %dma_start3A_744 = tpu.memref_slice %dma_start3A_742[%run_scoped3A_536, %dma_start3A_743] : memref<16x128xi32, #tpu.memory_space<vmem>> -> memref<1x128xi32, #tpu.memory_space<vmem>>
        %dma_start3A_745 = tpu.memref_squeeze %dma_start3A_744 : memref<1x128xi32, #tpu.memory_space<vmem>> -> memref<128xi32, #tpu.memory_space<vmem>>
        %dma_start3A_746 = arith.constant 0 : i32
        %dma_start3A_747 = arith.constant 0 : i32
        %dma_start3A_748 = tpu.memref_slice %arg9[%dma_start3A_746, %dma_start3A_747] : memref<10112x128xf32, #tpu.memory_space<vmem_shared>> -> memref<10112x128xf32, #tpu.memory_space<vmem_shared>>
        tpu.enqueue_indirect_dma source(%dma_start3A_738 : memref<128x128xf32, #tpu.memory_space<vmem>>) target(%dma_start3A_748 : memref<10112x128xf32, #tpu.memory_space<vmem_shared>>) offsets(%dma_start3A_745 : memref<128xi32, #tpu.memory_space<vmem>>) semaphore(%run_scoped3A_734 : memref<!tpu.dma_semaphore, #tpu.memory_space<semaphore_mem>>) {add = true}
        %dma_wait3A_749 = arith.constant 0 : i32
        %dma_wait3A_750 = arith.constant 0 : i32
        %dma_wait3A_751 = tpu.memref_slice %arg8[%run_scoped3A_535, %dma_wait3A_749, %dma_wait3A_750] : memref<2x128x128xf32, #tpu.memory_space<vmem>> -> memref<1x128x128xf32, #tpu.memory_space<vmem>>
        %dma_wait3A_752 = tpu.memref_squeeze %dma_wait3A_751 : memref<1x128x128xf32, #tpu.memory_space<vmem>> -> memref<128x128xf32, #tpu.memory_space<vmem>>
        %dma_wait3A_753 = arith.constant 0 : i32
        %dma_wait3A_754 = arith.constant 0 : i32
        %dma_wait3A_755 = tpu.memref_slice %arg7[%rem3A_46, %dma_wait3A_753, %dma_wait3A_754] : memref<2x16x128xi32, #tpu.memory_space<vmem>> -> memref<1x16x128xi32, #tpu.memory_space<vmem>>
        %dma_wait3A_756 = tpu.memref_squeeze %dma_wait3A_755 : memref<1x16x128xi32, #tpu.memory_space<vmem>> -> memref<16x128xi32, #tpu.memory_space<vmem>>
        %dma_wait3A_757 = arith.constant 0 : i32
        %dma_wait3A_758 = tpu.memref_slice %dma_wait3A_756[%run_scoped3A_536, %dma_wait3A_757] : memref<16x128xi32, #tpu.memory_space<vmem>> -> memref<1x128xi32, #tpu.memory_space<vmem>>
        %dma_wait3A_759 = tpu.memref_squeeze %dma_wait3A_758 : memref<1x128xi32, #tpu.memory_space<vmem>> -> memref<128xi32, #tpu.memory_space<vmem>>
        %dma_wait3A_760 = arith.constant 0 : i32
        %dma_wait3A_761 = arith.constant 0 : i32
        %dma_wait3A_762 = tpu.memref_slice %arg9[%dma_wait3A_760, %dma_wait3A_761] : memref<10112x128xf32, #tpu.memory_space<vmem_shared>> -> memref<10112x128xf32, #tpu.memory_space<vmem_shared>>
        tpu.wait_indirect_dma semaphore(%run_scoped3A_734 : memref<!tpu.dma_semaphore, #tpu.memory_space<semaphore_mem>>) src(%dma_wait3A_752 : memref<128x128xf32, #tpu.memory_space<vmem>>) dst(%dma_wait3A_762 : memref<10112x128xf32, #tpu.memory_space<vmem_shared>>)
        tpu.yield
      }) : () -> ()
      %dma_start3A_537 = arith.constant 12 : i32
      %dma_start3A_538 = arith.constant 0 : i32
      %dma_start3A_539 = arith.constant 0 : i32
      %dma_start3A_540 = arith.constant 0 : i32
      %dma_start3A_541 = tpu.memref_slice %arg8[%dma_start3A_538, %dma_start3A_539, %dma_start3A_540] : memref<2x128x128xf32, #tpu.memory_space<vmem>> -> memref<1x128x128xf32, #tpu.memory_space<vmem>>
      %dma_start3A_542 = tpu.memref_squeeze %dma_start3A_541 : memref<1x128x128xf32, #tpu.memory_space<vmem>> -> memref<128x128xf32, #tpu.memory_space<vmem>>
      %dma_start3A_543 = arith.constant 0 : i32
      %dma_start3A_544 = arith.constant 0 : i32
      %dma_start3A_545 = tpu.memref_slice %arg6[%rem3A_46, %dma_start3A_543, %dma_start3A_544] : memref<2x16x128xi32, #tpu.memory_space<vmem>> -> memref<1x16x128xi32, #tpu.memory_space<vmem>>
      %dma_start3A_546 = tpu.memref_squeeze %dma_start3A_545 : memref<1x16x128xi32, #tpu.memory_space<vmem>> -> memref<16x128xi32, #tpu.memory_space<vmem>>
      %dma_start3A_547 = arith.constant 0 : i32
      %dma_start3A_548 = tpu.memref_slice %dma_start3A_546[%dma_start3A_537, %dma_start3A_547] : memref<16x128xi32, #tpu.memory_space<vmem>> -> memref<1x128xi32, #tpu.memory_space<vmem>>
      %dma_start3A_549 = tpu.memref_squeeze %dma_start3A_548 : memref<1x128xi32, #tpu.memory_space<vmem>> -> memref<128xi32, #tpu.memory_space<vmem>>
      %dma_start3A_550 = arith.constant 0 : i32
      %dma_start3A_551 = arith.constant 0 : i32
      %dma_start3A_552 = tpu.memref_slice %arg2[%arg0, %dma_start3A_550, %dma_start3A_551] : memref<2x10000x128xf32, #tpu.memory_space<hbm>> -> memref<1x10000x128xf32, #tpu.memory_space<hbm>>
      %dma_start3A_553 = tpu.memref_squeeze %dma_start3A_552 : memref<1x10000x128xf32, #tpu.memory_space<hbm>> -> memref<10000x128xf32, #tpu.memory_space<hbm>>
      %dma_start3A_554 = arith.constant 0 : i32
      %dma_start3A_555 = arith.constant 0 : i32
      %dma_start3A_556 = tpu.memref_slice %dma_start3A_553[%dma_start3A_554, %dma_start3A_555] : memref<10000x128xf32, #tpu.memory_space<hbm>> -> memref<10000x128xf32, #tpu.memory_space<hbm>>
      tpu.enqueue_indirect_dma source(%dma_start3A_556 : memref<10000x128xf32, #tpu.memory_space<hbm>>) target(%dma_start3A_542 : memref<128x128xf32, #tpu.memory_space<vmem>>) offsets(%dma_start3A_549 : memref<128xi32, #tpu.memory_space<vmem>>) semaphore(%arg10 : memref<!tpu.dma_semaphore, #tpu.memory_space<semaphore_mem>>)
      %dma_wait3A_557 = arith.constant 11 : i32
      %dma_wait3A_558 = arith.constant 1 : i32
      %dma_wait3A_559 = arith.constant 0 : i32
      %dma_wait3A_560 = arith.constant 0 : i32
      %dma_wait3A_561 = tpu.memref_slice %arg8[%dma_wait3A_558, %dma_wait3A_559, %dma_wait3A_560] : memref<2x128x128xf32, #tpu.memory_space<vmem>> -> memref<1x128x128xf32, #tpu.memory_space<vmem>>
      %dma_wait3A_562 = tpu.memref_squeeze %dma_wait3A_561 : memref<1x128x128xf32, #tpu.memory_space<vmem>> -> memref<128x128xf32, #tpu.memory_space<vmem>>
      %dma_wait3A_563 = arith.constant 0 : i32
      %dma_wait3A_564 = arith.constant 0 : i32
      %dma_wait3A_565 = tpu.memref_slice %arg6[%rem3A_46, %dma_wait3A_563, %dma_wait3A_564] : memref<2x16x128xi32, #tpu.memory_space<vmem>> -> memref<1x16x128xi32, #tpu.memory_space<vmem>>
      %dma_wait3A_566 = tpu.memref_squeeze %dma_wait3A_565 : memref<1x16x128xi32, #tpu.memory_space<vmem>> -> memref<16x128xi32, #tpu.memory_space<vmem>>
      %dma_wait3A_567 = arith.constant 0 : i32
      %dma_wait3A_568 = tpu.memref_slice %dma_wait3A_566[%dma_wait3A_557, %dma_wait3A_567] : memref<16x128xi32, #tpu.memory_space<vmem>> -> memref<1x128xi32, #tpu.memory_space<vmem>>
      %dma_wait3A_569 = tpu.memref_squeeze %dma_wait3A_568 : memref<1x128xi32, #tpu.memory_space<vmem>> -> memref<128xi32, #tpu.memory_space<vmem>>
      %dma_wait3A_570 = arith.constant 0 : i32
      %dma_wait3A_571 = arith.constant 0 : i32
      %dma_wait3A_572 = tpu.memref_slice %arg2[%arg0, %dma_wait3A_570, %dma_wait3A_571] : memref<2x10000x128xf32, #tpu.memory_space<hbm>> -> memref<1x10000x128xf32, #tpu.memory_space<hbm>>
      %dma_wait3A_573 = tpu.memref_squeeze %dma_wait3A_572 : memref<1x10000x128xf32, #tpu.memory_space<hbm>> -> memref<10000x128xf32, #tpu.memory_space<hbm>>
      %dma_wait3A_574 = arith.constant 0 : i32
      %dma_wait3A_575 = arith.constant 0 : i32
      %dma_wait3A_576 = tpu.memref_slice %dma_wait3A_573[%dma_wait3A_574, %dma_wait3A_575] : memref<10000x128xf32, #tpu.memory_space<hbm>> -> memref<10000x128xf32, #tpu.memory_space<hbm>>
      tpu.wait_indirect_dma semaphore(%arg11 : memref<!tpu.dma_semaphore, #tpu.memory_space<semaphore_mem>>) src(%dma_wait3A_576 : memref<10000x128xf32, #tpu.memory_space<hbm>>) dst(%dma_wait3A_562 : memref<128x128xf32, #tpu.memory_space<vmem>>)
      %run_scoped3A_577 = arith.constant 1 : i32
      %run_scoped3A_578 = arith.constant 11 : i32
      "tpu.region"() ({
        %run_scoped3A_734 = tpu.sem_alloc : memref<!tpu.dma_semaphore, #tpu.memory_space<semaphore_mem>>
        %dma_start3A_735 = arith.constant 0 : i32
        %dma_start3A_736 = arith.constant 0 : i32
        %dma_start3A_737 = tpu.memref_slice %arg8[%run_scoped3A_577, %dma_start3A_735, %dma_start3A_736] : memref<2x128x128xf32, #tpu.memory_space<vmem>> -> memref<1x128x128xf32, #tpu.memory_space<vmem>>
        %dma_start3A_738 = tpu.memref_squeeze %dma_start3A_737 : memref<1x128x128xf32, #tpu.memory_space<vmem>> -> memref<128x128xf32, #tpu.memory_space<vmem>>
        %dma_start3A_739 = arith.constant 0 : i32
        %dma_start3A_740 = arith.constant 0 : i32
        %dma_start3A_741 = tpu.memref_slice %arg7[%rem3A_46, %dma_start3A_739, %dma_start3A_740] : memref<2x16x128xi32, #tpu.memory_space<vmem>> -> memref<1x16x128xi32, #tpu.memory_space<vmem>>
        %dma_start3A_742 = tpu.memref_squeeze %dma_start3A_741 : memref<1x16x128xi32, #tpu.memory_space<vmem>> -> memref<16x128xi32, #tpu.memory_space<vmem>>
        %dma_start3A_743 = arith.constant 0 : i32
        %dma_start3A_744 = tpu.memref_slice %dma_start3A_742[%run_scoped3A_578, %dma_start3A_743] : memref<16x128xi32, #tpu.memory_space<vmem>> -> memref<1x128xi32, #tpu.memory_space<vmem>>
        %dma_start3A_745 = tpu.memref_squeeze %dma_start3A_744 : memref<1x128xi32, #tpu.memory_space<vmem>> -> memref<128xi32, #tpu.memory_space<vmem>>
        %dma_start3A_746 = arith.constant 0 : i32
        %dma_start3A_747 = arith.constant 0 : i32
        %dma_start3A_748 = tpu.memref_slice %arg9[%dma_start3A_746, %dma_start3A_747] : memref<10112x128xf32, #tpu.memory_space<vmem_shared>> -> memref<10112x128xf32, #tpu.memory_space<vmem_shared>>
        tpu.enqueue_indirect_dma source(%dma_start3A_738 : memref<128x128xf32, #tpu.memory_space<vmem>>) target(%dma_start3A_748 : memref<10112x128xf32, #tpu.memory_space<vmem_shared>>) offsets(%dma_start3A_745 : memref<128xi32, #tpu.memory_space<vmem>>) semaphore(%run_scoped3A_734 : memref<!tpu.dma_semaphore, #tpu.memory_space<semaphore_mem>>) {add = true}
        %dma_wait3A_749 = arith.constant 0 : i32
        %dma_wait3A_750 = arith.constant 0 : i32
        %dma_wait3A_751 = tpu.memref_slice %arg8[%run_scoped3A_577, %dma_wait3A_749, %dma_wait3A_750] : memref<2x128x128xf32, #tpu.memory_space<vmem>> -> memref<1x128x128xf32, #tpu.memory_space<vmem>>
        %dma_wait3A_752 = tpu.memref_squeeze %dma_wait3A_751 : memref<1x128x128xf32, #tpu.memory_space<vmem>> -> memref<128x128xf32, #tpu.memory_space<vmem>>
        %dma_wait3A_753 = arith.constant 0 : i32
        %dma_wait3A_754 = arith.constant 0 : i32
        %dma_wait3A_755 = tpu.memref_slice %arg7[%rem3A_46, %dma_wait3A_753, %dma_wait3A_754] : memref<2x16x128xi32, #tpu.memory_space<vmem>> -> memref<1x16x128xi32, #tpu.memory_space<vmem>>
        %dma_wait3A_756 = tpu.memref_squeeze %dma_wait3A_755 : memref<1x16x128xi32, #tpu.memory_space<vmem>> -> memref<16x128xi32, #tpu.memory_space<vmem>>
        %dma_wait3A_757 = arith.constant 0 : i32
        %dma_wait3A_758 = tpu.memref_slice %dma_wait3A_756[%run_scoped3A_578, %dma_wait3A_757] : memref<16x128xi32, #tpu.memory_space<vmem>> -> memref<1x128xi32, #tpu.memory_space<vmem>>
        %dma_wait3A_759 = tpu.memref_squeeze %dma_wait3A_758 : memref<1x128xi32, #tpu.memory_space<vmem>> -> memref<128xi32, #tpu.memory_space<vmem>>
        %dma_wait3A_760 = arith.constant 0 : i32
        %dma_wait3A_761 = arith.constant 0 : i32
        %dma_wait3A_762 = tpu.memref_slice %arg9[%dma_wait3A_760, %dma_wait3A_761] : memref<10112x128xf32, #tpu.memory_space<vmem_shared>> -> memref<10112x128xf32, #tpu.memory_space<vmem_shared>>
        tpu.wait_indirect_dma semaphore(%run_scoped3A_734 : memref<!tpu.dma_semaphore, #tpu.memory_space<semaphore_mem>>) src(%dma_wait3A_752 : memref<128x128xf32, #tpu.memory_space<vmem>>) dst(%dma_wait3A_762 : memref<10112x128xf32, #tpu.memory_space<vmem_shared>>)
        tpu.yield
      }) : () -> ()
      %dma_start3A_579 = arith.constant 13 : i32
      %dma_start3A_580 = arith.constant 1 : i32
      %dma_start3A_581 = arith.constant 0 : i32
      %dma_start3A_582 = arith.constant 0 : i32
      %dma_start3A_583 = tpu.memref_slice %arg8[%dma_start3A_580, %dma_start3A_581, %dma_start3A_582] : memref<2x128x128xf32, #tpu.memory_space<vmem>> -> memref<1x128x128xf32, #tpu.memory_space<vmem>>
      %dma_start3A_584 = tpu.memref_squeeze %dma_start3A_583 : memref<1x128x128xf32, #tpu.memory_space<vmem>> -> memref<128x128xf32, #tpu.memory_space<vmem>>
      %dma_start3A_585 = arith.constant 0 : i32
      %dma_start3A_586 = arith.constant 0 : i32
      %dma_start3A_587 = tpu.memref_slice %arg6[%rem3A_46, %dma_start3A_585, %dma_start3A_586] : memref<2x16x128xi32, #tpu.memory_space<vmem>> -> memref<1x16x128xi32, #tpu.memory_space<vmem>>
      %dma_start3A_588 = tpu.memref_squeeze %dma_start3A_587 : memref<1x16x128xi32, #tpu.memory_space<vmem>> -> memref<16x128xi32, #tpu.memory_space<vmem>>
      %dma_start3A_589 = arith.constant 0 : i32
      %dma_start3A_590 = tpu.memref_slice %dma_start3A_588[%dma_start3A_579, %dma_start3A_589] : memref<16x128xi32, #tpu.memory_space<vmem>> -> memref<1x128xi32, #tpu.memory_space<vmem>>
      %dma_start3A_591 = tpu.memref_squeeze %dma_start3A_590 : memref<1x128xi32, #tpu.memory_space<vmem>> -> memref<128xi32, #tpu.memory_space<vmem>>
      %dma_start3A_592 = arith.constant 0 : i32
      %dma_start3A_593 = arith.constant 0 : i32
      %dma_start3A_594 = tpu.memref_slice %arg2[%arg0, %dma_start3A_592, %dma_start3A_593] : memref<2x10000x128xf32, #tpu.memory_space<hbm>> -> memref<1x10000x128xf32, #tpu.memory_space<hbm>>
      %dma_start3A_595 = tpu.memref_squeeze %dma_start3A_594 : memref<1x10000x128xf32, #tpu.memory_space<hbm>> -> memref<10000x128xf32, #tpu.memory_space<hbm>>
      %dma_start3A_596 = arith.constant 0 : i32
      %dma_start3A_597 = arith.constant 0 : i32
      %dma_start3A_598 = tpu.memref_slice %dma_start3A_595[%dma_start3A_596, %dma_start3A_597] : memref<10000x128xf32, #tpu.memory_space<hbm>> -> memref<10000x128xf32, #tpu.memory_space<hbm>>
      tpu.enqueue_indirect_dma source(%dma_start3A_598 : memref<10000x128xf32, #tpu.memory_space<hbm>>) target(%dma_start3A_584 : memref<128x128xf32, #tpu.memory_space<vmem>>) offsets(%dma_start3A_591 : memref<128xi32, #tpu.memory_space<vmem>>) semaphore(%arg11 : memref<!tpu.dma_semaphore, #tpu.memory_space<semaphore_mem>>)
      %dma_wait3A_599 = arith.constant 12 : i32
      %dma_wait3A_600 = arith.constant 0 : i32
      %dma_wait3A_601 = arith.constant 0 : i32
      %dma_wait3A_602 = arith.constant 0 : i32
      %dma_wait3A_603 = tpu.memref_slice %arg8[%dma_wait3A_600, %dma_wait3A_601, %dma_wait3A_602] : memref<2x128x128xf32, #tpu.memory_space<vmem>> -> memref<1x128x128xf32, #tpu.memory_space<vmem>>
      %dma_wait3A_604 = tpu.memref_squeeze %dma_wait3A_603 : memref<1x128x128xf32, #tpu.memory_space<vmem>> -> memref<128x128xf32, #tpu.memory_space<vmem>>
      %dma_wait3A_605 = arith.constant 0 : i32
      %dma_wait3A_606 = arith.constant 0 : i32
      %dma_wait3A_607 = tpu.memref_slice %arg6[%rem3A_46, %dma_wait3A_605, %dma_wait3A_606] : memref<2x16x128xi32, #tpu.memory_space<vmem>> -> memref<1x16x128xi32, #tpu.memory_space<vmem>>
      %dma_wait3A_608 = tpu.memref_squeeze %dma_wait3A_607 : memref<1x16x128xi32, #tpu.memory_space<vmem>> -> memref<16x128xi32, #tpu.memory_space<vmem>>
      %dma_wait3A_609 = arith.constant 0 : i32
      %dma_wait3A_610 = tpu.memref_slice %dma_wait3A_608[%dma_wait3A_599, %dma_wait3A_609] : memref<16x128xi32, #tpu.memory_space<vmem>> -> memref<1x128xi32, #tpu.memory_space<vmem>>
      %dma_wait3A_611 = tpu.memref_squeeze %dma_wait3A_610 : memref<1x128xi32, #tpu.memory_space<vmem>> -> memref<128xi32, #tpu.memory_space<vmem>>
      %dma_wait3A_612 = arith.constant 0 : i32
      %dma_wait3A_613 = arith.constant 0 : i32
      %dma_wait3A_614 = tpu.memref_slice %arg2[%arg0, %dma_wait3A_612, %dma_wait3A_613] : memref<2x10000x128xf32, #tpu.memory_space<hbm>> -> memref<1x10000x128xf32, #tpu.memory_space<hbm>>
      %dma_wait3A_615 = tpu.memref_squeeze %dma_wait3A_614 : memref<1x10000x128xf32, #tpu.memory_space<hbm>> -> memref<10000x128xf32, #tpu.memory_space<hbm>>
      %dma_wait3A_616 = arith.constant 0 : i32
      %dma_wait3A_617 = arith.constant 0 : i32
      %dma_wait3A_618 = tpu.memref_slice %dma_wait3A_615[%dma_wait3A_616, %dma_wait3A_617] : memref<10000x128xf32, #tpu.memory_space<hbm>> -> memref<10000x128xf32, #tpu.memory_space<hbm>>
      tpu.wait_indirect_dma semaphore(%arg10 : memref<!tpu.dma_semaphore, #tpu.memory_space<semaphore_mem>>) src(%dma_wait3A_618 : memref<10000x128xf32, #tpu.memory_space<hbm>>) dst(%dma_wait3A_604 : memref<128x128xf32, #tpu.memory_space<vmem>>)
      %run_scoped3A_619 = arith.constant 0 : i32
      %run_scoped3A_620 = arith.constant 12 : i32
      "tpu.region"() ({
        %run_scoped3A_734 = tpu.sem_alloc : memref<!tpu.dma_semaphore, #tpu.memory_space<semaphore_mem>>
        %dma_start3A_735 = arith.constant 0 : i32
        %dma_start3A_736 = arith.constant 0 : i32
        %dma_start3A_737 = tpu.memref_slice %arg8[%run_scoped3A_619, %dma_start3A_735, %dma_start3A_736] : memref<2x128x128xf32, #tpu.memory_space<vmem>> -> memref<1x128x128xf32, #tpu.memory_space<vmem>>
        %dma_start3A_738 = tpu.memref_squeeze %dma_start3A_737 : memref<1x128x128xf32, #tpu.memory_space<vmem>> -> memref<128x128xf32, #tpu.memory_space<vmem>>
        %dma_start3A_739 = arith.constant 0 : i32
        %dma_start3A_740 = arith.constant 0 : i32
        %dma_start3A_741 = tpu.memref_slice %arg7[%rem3A_46, %dma_start3A_739, %dma_start3A_740] : memref<2x16x128xi32, #tpu.memory_space<vmem>> -> memref<1x16x128xi32, #tpu.memory_space<vmem>>
        %dma_start3A_742 = tpu.memref_squeeze %dma_start3A_741 : memref<1x16x128xi32, #tpu.memory_space<vmem>> -> memref<16x128xi32, #tpu.memory_space<vmem>>
        %dma_start3A_743 = arith.constant 0 : i32
        %dma_start3A_744 = tpu.memref_slice %dma_start3A_742[%run_scoped3A_620, %dma_start3A_743] : memref<16x128xi32, #tpu.memory_space<vmem>> -> memref<1x128xi32, #tpu.memory_space<vmem>>
        %dma_start3A_745 = tpu.memref_squeeze %dma_start3A_744 : memref<1x128xi32, #tpu.memory_space<vmem>> -> memref<128xi32, #tpu.memory_space<vmem>>
        %dma_start3A_746 = arith.constant 0 : i32
        %dma_start3A_747 = arith.constant 0 : i32
        %dma_start3A_748 = tpu.memref_slice %arg9[%dma_start3A_746, %dma_start3A_747] : memref<10112x128xf32, #tpu.memory_space<vmem_shared>> -> memref<10112x128xf32, #tpu.memory_space<vmem_shared>>
        tpu.enqueue_indirect_dma source(%dma_start3A_738 : memref<128x128xf32, #tpu.memory_space<vmem>>) target(%dma_start3A_748 : memref<10112x128xf32, #tpu.memory_space<vmem_shared>>) offsets(%dma_start3A_745 : memref<128xi32, #tpu.memory_space<vmem>>) semaphore(%run_scoped3A_734 : memref<!tpu.dma_semaphore, #tpu.memory_space<semaphore_mem>>) {add = true}
        %dma_wait3A_749 = arith.constant 0 : i32
        %dma_wait3A_750 = arith.constant 0 : i32
        %dma_wait3A_751 = tpu.memref_slice %arg8[%run_scoped3A_619, %dma_wait3A_749, %dma_wait3A_750] : memref<2x128x128xf32, #tpu.memory_space<vmem>> -> memref<1x128x128xf32, #tpu.memory_space<vmem>>
        %dma_wait3A_752 = tpu.memref_squeeze %dma_wait3A_751 : memref<1x128x128xf32, #tpu.memory_space<vmem>> -> memref<128x128xf32, #tpu.memory_space<vmem>>
        %dma_wait3A_753 = arith.constant 0 : i32
        %dma_wait3A_754 = arith.constant 0 : i32
        %dma_wait3A_755 = tpu.memref_slice %arg7[%rem3A_46, %dma_wait3A_753, %dma_wait3A_754] : memref<2x16x128xi32, #tpu.memory_space<vmem>> -> memref<1x16x128xi32, #tpu.memory_space<vmem>>
        %dma_wait3A_756 = tpu.memref_squeeze %dma_wait3A_755 : memref<1x16x128xi32, #tpu.memory_space<vmem>> -> memref<16x128xi32, #tpu.memory_space<vmem>>
        %dma_wait3A_757 = arith.constant 0 : i32
        %dma_wait3A_758 = tpu.memref_slice %dma_wait3A_756[%run_scoped3A_620, %dma_wait3A_757] : memref<16x128xi32, #tpu.memory_space<vmem>> -> memref<1x128xi32, #tpu.memory_space<vmem>>
        %dma_wait3A_759 = tpu.memref_squeeze %dma_wait3A_758 : memref<1x128xi32, #tpu.memory_space<vmem>> -> memref<128xi32, #tpu.memory_space<vmem>>
        %dma_wait3A_760 = arith.constant 0 : i32
        %dma_wait3A_761 = arith.constant 0 : i32
        %dma_wait3A_762 = tpu.memref_slice %arg9[%dma_wait3A_760, %dma_wait3A_761] : memref<10112x128xf32, #tpu.memory_space<vmem_shared>> -> memref<10112x128xf32, #tpu.memory_space<vmem_shared>>
        tpu.wait_indirect_dma semaphore(%run_scoped3A_734 : memref<!tpu.dma_semaphore, #tpu.memory_space<semaphore_mem>>) src(%dma_wait3A_752 : memref<128x128xf32, #tpu.memory_space<vmem>>) dst(%dma_wait3A_762 : memref<10112x128xf32, #tpu.memory_space<vmem_shared>>)
        tpu.yield
      }) : () -> ()
      %dma_start3A_621 = arith.constant 14 : i32
      %dma_start3A_622 = arith.constant 0 : i32
      %dma_start3A_623 = arith.constant 0 : i32
      %dma_start3A_624 = arith.constant 0 : i32
      %dma_start3A_625 = tpu.memref_slice %arg8[%dma_start3A_622, %dma_start3A_623, %dma_start3A_624] : memref<2x128x128xf32, #tpu.memory_space<vmem>> -> memref<1x128x128xf32, #tpu.memory_space<vmem>>
      %dma_start3A_626 = tpu.memref_squeeze %dma_start3A_625 : memref<1x128x128xf32, #tpu.memory_space<vmem>> -> memref<128x128xf32, #tpu.memory_space<vmem>>
      %dma_start3A_627 = arith.constant 0 : i32
      %dma_start3A_628 = arith.constant 0 : i32
      %dma_start3A_629 = tpu.memref_slice %arg6[%rem3A_46, %dma_start3A_627, %dma_start3A_628] : memref<2x16x128xi32, #tpu.memory_space<vmem>> -> memref<1x16x128xi32, #tpu.memory_space<vmem>>
      %dma_start3A_630 = tpu.memref_squeeze %dma_start3A_629 : memref<1x16x128xi32, #tpu.memory_space<vmem>> -> memref<16x128xi32, #tpu.memory_space<vmem>>
      %dma_start3A_631 = arith.constant 0 : i32
      %dma_start3A_632 = tpu.memref_slice %dma_start3A_630[%dma_start3A_621, %dma_start3A_631] : memref<16x128xi32, #tpu.memory_space<vmem>> -> memref<1x128xi32, #tpu.memory_space<vmem>>
      %dma_start3A_633 = tpu.memref_squeeze %dma_start3A_632 : memref<1x128xi32, #tpu.memory_space<vmem>> -> memref<128xi32, #tpu.memory_space<vmem>>
      %dma_start3A_634 = arith.constant 0 : i32
      %dma_start3A_635 = arith.constant 0 : i32
      %dma_start3A_636 = tpu.memref_slice %arg2[%arg0, %dma_start3A_634, %dma_start3A_635] : memref<2x10000x128xf32, #tpu.memory_space<hbm>> -> memref<1x10000x128xf32, #tpu.memory_space<hbm>>
      %dma_start3A_637 = tpu.memref_squeeze %dma_start3A_636 : memref<1x10000x128xf32, #tpu.memory_space<hbm>> -> memref<10000x128xf32, #tpu.memory_space<hbm>>
      %dma_start3A_638 = arith.constant 0 : i32
      %dma_start3A_639 = arith.constant 0 : i32
      %dma_start3A_640 = tpu.memref_slice %dma_start3A_637[%dma_start3A_638, %dma_start3A_639] : memref<10000x128xf32, #tpu.memory_space<hbm>> -> memref<10000x128xf32, #tpu.memory_space<hbm>>
      tpu.enqueue_indirect_dma source(%dma_start3A_640 : memref<10000x128xf32, #tpu.memory_space<hbm>>) target(%dma_start3A_626 : memref<128x128xf32, #tpu.memory_space<vmem>>) offsets(%dma_start3A_633 : memref<128xi32, #tpu.memory_space<vmem>>) semaphore(%arg10 : memref<!tpu.dma_semaphore, #tpu.memory_space<semaphore_mem>>)
      %dma_wait3A_641 = arith.constant 13 : i32
      %dma_wait3A_642 = arith.constant 1 : i32
      %dma_wait3A_643 = arith.constant 0 : i32
      %dma_wait3A_644 = arith.constant 0 : i32
      %dma_wait3A_645 = tpu.memref_slice %arg8[%dma_wait3A_642, %dma_wait3A_643, %dma_wait3A_644] : memref<2x128x128xf32, #tpu.memory_space<vmem>> -> memref<1x128x128xf32, #tpu.memory_space<vmem>>
      %dma_wait3A_646 = tpu.memref_squeeze %dma_wait3A_645 : memref<1x128x128xf32, #tpu.memory_space<vmem>> -> memref<128x128xf32, #tpu.memory_space<vmem>>
      %dma_wait3A_647 = arith.constant 0 : i32
      %dma_wait3A_648 = arith.constant 0 : i32
      %dma_wait3A_649 = tpu.memref_slice %arg6[%rem3A_46, %dma_wait3A_647, %dma_wait3A_648] : memref<2x16x128xi32, #tpu.memory_space<vmem>> -> memref<1x16x128xi32, #tpu.memory_space<vmem>>
      %dma_wait3A_650 = tpu.memref_squeeze %dma_wait3A_649 : memref<1x16x128xi32, #tpu.memory_space<vmem>> -> memref<16x128xi32, #tpu.memory_space<vmem>>
      %dma_wait3A_651 = arith.constant 0 : i32
      %dma_wait3A_652 = tpu.memref_slice %dma_wait3A_650[%dma_wait3A_641, %dma_wait3A_651] : memref<16x128xi32, #tpu.memory_space<vmem>> -> memref<1x128xi32, #tpu.memory_space<vmem>>
      %dma_wait3A_653 = tpu.memref_squeeze %dma_wait3A_652 : memref<1x128xi32, #tpu.memory_space<vmem>> -> memref<128xi32, #tpu.memory_space<vmem>>
      %dma_wait3A_654 = arith.constant 0 : i32
      %dma_wait3A_655 = arith.constant 0 : i32
      %dma_wait3A_656 = tpu.memref_slice %arg2[%arg0, %dma_wait3A_654, %dma_wait3A_655] : memref<2x10000x128xf32, #tpu.memory_space<hbm>> -> memref<1x10000x128xf32, #tpu.memory_space<hbm>>
      %dma_wait3A_657 = tpu.memref_squeeze %dma_wait3A_656 : memref<1x10000x128xf32, #tpu.memory_space<hbm>> -> memref<10000x128xf32, #tpu.memory_space<hbm>>
      %dma_wait3A_658 = arith.constant 0 : i32
      %dma_wait3A_659 = arith.constant 0 : i32
      %dma_wait3A_660 = tpu.memref_slice %dma_wait3A_657[%dma_wait3A_658, %dma_wait3A_659] : memref<10000x128xf32, #tpu.memory_space<hbm>> -> memref<10000x128xf32, #tpu.memory_space<hbm>>
      tpu.wait_indirect_dma semaphore(%arg11 : memref<!tpu.dma_semaphore, #tpu.memory_space<semaphore_mem>>) src(%dma_wait3A_660 : memref<10000x128xf32, #tpu.memory_space<hbm>>) dst(%dma_wait3A_646 : memref<128x128xf32, #tpu.memory_space<vmem>>)
      %run_scoped3A_661 = arith.constant 1 : i32
      %run_scoped3A_662 = arith.constant 13 : i32
      "tpu.region"() ({
        %run_scoped3A_734 = tpu.sem_alloc : memref<!tpu.dma_semaphore, #tpu.memory_space<semaphore_mem>>
        %dma_start3A_735 = arith.constant 0 : i32
        %dma_start3A_736 = arith.constant 0 : i32
        %dma_start3A_737 = tpu.memref_slice %arg8[%run_scoped3A_661, %dma_start3A_735, %dma_start3A_736] : memref<2x128x128xf32, #tpu.memory_space<vmem>> -> memref<1x128x128xf32, #tpu.memory_space<vmem>>
        %dma_start3A_738 = tpu.memref_squeeze %dma_start3A_737 : memref<1x128x128xf32, #tpu.memory_space<vmem>> -> memref<128x128xf32, #tpu.memory_space<vmem>>
        %dma_start3A_739 = arith.constant 0 : i32
        %dma_start3A_740 = arith.constant 0 : i32
        %dma_start3A_741 = tpu.memref_slice %arg7[%rem3A_46, %dma_start3A_739, %dma_start3A_740] : memref<2x16x128xi32, #tpu.memory_space<vmem>> -> memref<1x16x128xi32, #tpu.memory_space<vmem>>
        %dma_start3A_742 = tpu.memref_squeeze %dma_start3A_741 : memref<1x16x128xi32, #tpu.memory_space<vmem>> -> memref<16x128xi32, #tpu.memory_space<vmem>>
        %dma_start3A_743 = arith.constant 0 : i32
        %dma_start3A_744 = tpu.memref_slice %dma_start3A_742[%run_scoped3A_662, %dma_start3A_743] : memref<16x128xi32, #tpu.memory_space<vmem>> -> memref<1x128xi32, #tpu.memory_space<vmem>>
        %dma_start3A_745 = tpu.memref_squeeze %dma_start3A_744 : memref<1x128xi32, #tpu.memory_space<vmem>> -> memref<128xi32, #tpu.memory_space<vmem>>
        %dma_start3A_746 = arith.constant 0 : i32
        %dma_start3A_747 = arith.constant 0 : i32
        %dma_start3A_748 = tpu.memref_slice %arg9[%dma_start3A_746, %dma_start3A_747] : memref<10112x128xf32, #tpu.memory_space<vmem_shared>> -> memref<10112x128xf32, #tpu.memory_space<vmem_shared>>
        tpu.enqueue_indirect_dma source(%dma_start3A_738 : memref<128x128xf32, #tpu.memory_space<vmem>>) target(%dma_start3A_748 : memref<10112x128xf32, #tpu.memory_space<vmem_shared>>) offsets(%dma_start3A_745 : memref<128xi32, #tpu.memory_space<vmem>>) semaphore(%run_scoped3A_734 : memref<!tpu.dma_semaphore, #tpu.memory_space<semaphore_mem>>) {add = true}
        %dma_wait3A_749 = arith.constant 0 : i32
        %dma_wait3A_750 = arith.constant 0 : i32
        %dma_wait3A_751 = tpu.memref_slice %arg8[%run_scoped3A_661, %dma_wait3A_749, %dma_wait3A_750] : memref<2x128x128xf32, #tpu.memory_space<vmem>> -> memref<1x128x128xf32, #tpu.memory_space<vmem>>
        %dma_wait3A_752 = tpu.memref_squeeze %dma_wait3A_751 : memref<1x128x128xf32, #tpu.memory_space<vmem>> -> memref<128x128xf32, #tpu.memory_space<vmem>>
        %dma_wait3A_753 = arith.constant 0 : i32
        %dma_wait3A_754 = arith.constant 0 : i32
        %dma_wait3A_755 = tpu.memref_slice %arg7[%rem3A_46, %dma_wait3A_753, %dma_wait3A_754] : memref<2x16x128xi32, #tpu.memory_space<vmem>> -> memref<1x16x128xi32, #tpu.memory_space<vmem>>
        %dma_wait3A_756 = tpu.memref_squeeze %dma_wait3A_755 : memref<1x16x128xi32, #tpu.memory_space<vmem>> -> memref<16x128xi32, #tpu.memory_space<vmem>>
        %dma_wait3A_757 = arith.constant 0 : i32
        %dma_wait3A_758 = tpu.memref_slice %dma_wait3A_756[%run_scoped3A_662, %dma_wait3A_757] : memref<16x128xi32, #tpu.memory_space<vmem>> -> memref<1x128xi32, #tpu.memory_space<vmem>>
        %dma_wait3A_759 = tpu.memref_squeeze %dma_wait3A_758 : memref<1x128xi32, #tpu.memory_space<vmem>> -> memref<128xi32, #tpu.memory_space<vmem>>
        %dma_wait3A_760 = arith.constant 0 : i32
        %dma_wait3A_761 = arith.constant 0 : i32
        %dma_wait3A_762 = tpu.memref_slice %arg9[%dma_wait3A_760, %dma_wait3A_761] : memref<10112x128xf32, #tpu.memory_space<vmem_shared>> -> memref<10112x128xf32, #tpu.memory_space<vmem_shared>>
        tpu.wait_indirect_dma semaphore(%run_scoped3A_734 : memref<!tpu.dma_semaphore, #tpu.memory_space<semaphore_mem>>) src(%dma_wait3A_752 : memref<128x128xf32, #tpu.memory_space<vmem>>) dst(%dma_wait3A_762 : memref<10112x128xf32, #tpu.memory_space<vmem_shared>>)
        tpu.yield
      }) : () -> ()
      %dma_start3A_663 = arith.constant 15 : i32
      %dma_start3A_664 = arith.constant 1 : i32
      %dma_start3A_665 = arith.constant 0 : i32
      %dma_start3A_666 = arith.constant 0 : i32
      %dma_start3A_667 = tpu.memref_slice %arg8[%dma_start3A_664, %dma_start3A_665, %dma_start3A_666] : memref<2x128x128xf32, #tpu.memory_space<vmem>> -> memref<1x128x128xf32, #tpu.memory_space<vmem>>
      %dma_start3A_668 = tpu.memref_squeeze %dma_start3A_667 : memref<1x128x128xf32, #tpu.memory_space<vmem>> -> memref<128x128xf32, #tpu.memory_space<vmem>>
      %dma_start3A_669 = arith.constant 0 : i32
      %dma_start3A_670 = arith.constant 0 : i32
      %dma_start3A_671 = tpu.memref_slice %arg6[%rem3A_46, %dma_start3A_669, %dma_start3A_670] : memref<2x16x128xi32, #tpu.memory_space<vmem>> -> memref<1x16x128xi32, #tpu.memory_space<vmem>>
      %dma_start3A_672 = tpu.memref_squeeze %dma_start3A_671 : memref<1x16x128xi32, #tpu.memory_space<vmem>> -> memref<16x128xi32, #tpu.memory_space<vmem>>
      %dma_start3A_673 = arith.constant 0 : i32
      %dma_start3A_674 = tpu.memref_slice %dma_start3A_672[%dma_start3A_663, %dma_start3A_673] : memref<16x128xi32, #tpu.memory_space<vmem>> -> memref<1x128xi32, #tpu.memory_space<vmem>>
      %dma_start3A_675 = tpu.memref_squeeze %dma_start3A_674 : memref<1x128xi32, #tpu.memory_space<vmem>> -> memref<128xi32, #tpu.memory_space<vmem>>
      %dma_start3A_676 = arith.constant 0 : i32
      %dma_start3A_677 = arith.constant 0 : i32
      %dma_start3A_678 = tpu.memref_slice %arg2[%arg0, %dma_start3A_676, %dma_start3A_677] : memref<2x10000x128xf32, #tpu.memory_space<hbm>> -> memref<1x10000x128xf32, #tpu.memory_space<hbm>>
      %dma_start3A_679 = tpu.memref_squeeze %dma_start3A_678 : memref<1x10000x128xf32, #tpu.memory_space<hbm>> -> memref<10000x128xf32, #tpu.memory_space<hbm>>
      %dma_start3A_680 = arith.constant 0 : i32
      %dma_start3A_681 = arith.constant 0 : i32
      %dma_start3A_682 = tpu.memref_slice %dma_start3A_679[%dma_start3A_680, %dma_start3A_681] : memref<10000x128xf32, #tpu.memory_space<hbm>> -> memref<10000x128xf32, #tpu.memory_space<hbm>>
      tpu.enqueue_indirect_dma source(%dma_start3A_682 : memref<10000x128xf32, #tpu.memory_space<hbm>>) target(%dma_start3A_668 : memref<128x128xf32, #tpu.memory_space<vmem>>) offsets(%dma_start3A_675 : memref<128xi32, #tpu.memory_space<vmem>>) semaphore(%arg11 : memref<!tpu.dma_semaphore, #tpu.memory_space<semaphore_mem>>)
      %dma_wait3A_683 = arith.constant 14 : i32
      %dma_wait3A_684 = arith.constant 0 : i32
      %dma_wait3A_685 = arith.constant 0 : i32
      %dma_wait3A_686 = arith.constant 0 : i32
      %dma_wait3A_687 = tpu.memref_slice %arg8[%dma_wait3A_684, %dma_wait3A_685, %dma_wait3A_686] : memref<2x128x128xf32, #tpu.memory_space<vmem>> -> memref<1x128x128xf32, #tpu.memory_space<vmem>>
      %dma_wait3A_688 = tpu.memref_squeeze %dma_wait3A_687 : memref<1x128x128xf32, #tpu.memory_space<vmem>> -> memref<128x128xf32, #tpu.memory_space<vmem>>
      %dma_wait3A_689 = arith.constant 0 : i32
      %dma_wait3A_690 = arith.constant 0 : i32
      %dma_wait3A_691 = tpu.memref_slice %arg6[%rem3A_46, %dma_wait3A_689, %dma_wait3A_690] : memref<2x16x128xi32, #tpu.memory_space<vmem>> -> memref<1x16x128xi32, #tpu.memory_space<vmem>>
      %dma_wait3A_692 = tpu.memref_squeeze %dma_wait3A_691 : memref<1x16x128xi32, #tpu.memory_space<vmem>> -> memref<16x128xi32, #tpu.memory_space<vmem>>
      %dma_wait3A_693 = arith.constant 0 : i32
      %dma_wait3A_694 = tpu.memref_slice %dma_wait3A_692[%dma_wait3A_683, %dma_wait3A_693] : memref<16x128xi32, #tpu.memory_space<vmem>> -> memref<1x128xi32, #tpu.memory_space<vmem>>
      %dma_wait3A_695 = tpu.memref_squeeze %dma_wait3A_694 : memref<1x128xi32, #tpu.memory_space<vmem>> -> memref<128xi32, #tpu.memory_space<vmem>>
      %dma_wait3A_696 = arith.constant 0 : i32
      %dma_wait3A_697 = arith.constant 0 : i32
      %dma_wait3A_698 = tpu.memref_slice %arg2[%arg0, %dma_wait3A_696, %dma_wait3A_697] : memref<2x10000x128xf32, #tpu.memory_space<hbm>> -> memref<1x10000x128xf32, #tpu.memory_space<hbm>>
      %dma_wait3A_699 = tpu.memref_squeeze %dma_wait3A_698 : memref<1x10000x128xf32, #tpu.memory_space<hbm>> -> memref<10000x128xf32, #tpu.memory_space<hbm>>
      %dma_wait3A_700 = arith.constant 0 : i32
      %dma_wait3A_701 = arith.constant 0 : i32
      %dma_wait3A_702 = tpu.memref_slice %dma_wait3A_699[%dma_wait3A_700, %dma_wait3A_701] : memref<10000x128xf32, #tpu.memory_space<hbm>> -> memref<10000x128xf32, #tpu.memory_space<hbm>>
      tpu.wait_indirect_dma semaphore(%arg10 : memref<!tpu.dma_semaphore, #tpu.memory_space<semaphore_mem>>) src(%dma_wait3A_702 : memref<10000x128xf32, #tpu.memory_space<hbm>>) dst(%dma_wait3A_688 : memref<128x128xf32, #tpu.memory_space<vmem>>)
      %run_scoped3A_703 = arith.constant 0 : i32
      %run_scoped3A_704 = arith.constant 14 : i32
      "tpu.region"() ({
        %run_scoped3A_734 = tpu.sem_alloc : memref<!tpu.dma_semaphore, #tpu.memory_space<semaphore_mem>>
        %dma_start3A_735 = arith.constant 0 : i32
        %dma_start3A_736 = arith.constant 0 : i32
        %dma_start3A_737 = tpu.memref_slice %arg8[%run_scoped3A_703, %dma_start3A_735, %dma_start3A_736] : memref<2x128x128xf32, #tpu.memory_space<vmem>> -> memref<1x128x128xf32, #tpu.memory_space<vmem>>
        %dma_start3A_738 = tpu.memref_squeeze %dma_start3A_737 : memref<1x128x128xf32, #tpu.memory_space<vmem>> -> memref<128x128xf32, #tpu.memory_space<vmem>>
        %dma_start3A_739 = arith.constant 0 : i32
        %dma_start3A_740 = arith.constant 0 : i32
        %dma_start3A_741 = tpu.memref_slice %arg7[%rem3A_46, %dma_start3A_739, %dma_start3A_740] : memref<2x16x128xi32, #tpu.memory_space<vmem>> -> memref<1x16x128xi32, #tpu.memory_space<vmem>>
        %dma_start3A_742 = tpu.memref_squeeze %dma_start3A_741 : memref<1x16x128xi32, #tpu.memory_space<vmem>> -> memref<16x128xi32, #tpu.memory_space<vmem>>
        %dma_start3A_743 = arith.constant 0 : i32
        %dma_start3A_744 = tpu.memref_slice %dma_start3A_742[%run_scoped3A_704, %dma_start3A_743] : memref<16x128xi32, #tpu.memory_space<vmem>> -> memref<1x128xi32, #tpu.memory_space<vmem>>
        %dma_start3A_745 = tpu.memref_squeeze %dma_start3A_744 : memref<1x128xi32, #tpu.memory_space<vmem>> -> memref<128xi32, #tpu.memory_space<vmem>>
        %dma_start3A_746 = arith.constant 0 : i32
        %dma_start3A_747 = arith.constant 0 : i32
        %dma_start3A_748 = tpu.memref_slice %arg9[%dma_start3A_746, %dma_start3A_747] : memref<10112x128xf32, #tpu.memory_space<vmem_shared>> -> memref<10112x128xf32, #tpu.memory_space<vmem_shared>>
        tpu.enqueue_indirect_dma source(%dma_start3A_738 : memref<128x128xf32, #tpu.memory_space<vmem>>) target(%dma_start3A_748 : memref<10112x128xf32, #tpu.memory_space<vmem_shared>>) offsets(%dma_start3A_745 : memref<128xi32, #tpu.memory_space<vmem>>) semaphore(%run_scoped3A_734 : memref<!tpu.dma_semaphore, #tpu.memory_space<semaphore_mem>>) {add = true}
        %dma_wait3A_749 = arith.constant 0 : i32
        %dma_wait3A_750 = arith.constant 0 : i32
        %dma_wait3A_751 = tpu.memref_slice %arg8[%run_scoped3A_703, %dma_wait3A_749, %dma_wait3A_750] : memref<2x128x128xf32, #tpu.memory_space<vmem>> -> memref<1x128x128xf32, #tpu.memory_space<vmem>>
        %dma_wait3A_752 = tpu.memref_squeeze %dma_wait3A_751 : memref<1x128x128xf32, #tpu.memory_space<vmem>> -> memref<128x128xf32, #tpu.memory_space<vmem>>
        %dma_wait3A_753 = arith.constant 0 : i32
        %dma_wait3A_754 = arith.constant 0 : i32
        %dma_wait3A_755 = tpu.memref_slice %arg7[%rem3A_46, %dma_wait3A_753, %dma_wait3A_754] : memref<2x16x128xi32, #tpu.memory_space<vmem>> -> memref<1x16x128xi32, #tpu.memory_space<vmem>>
        %dma_wait3A_756 = tpu.memref_squeeze %dma_wait3A_755 : memref<1x16x128xi32, #tpu.memory_space<vmem>> -> memref<16x128xi32, #tpu.memory_space<vmem>>
        %dma_wait3A_757 = arith.constant 0 : i32
        %dma_wait3A_758 = tpu.memref_slice %dma_wait3A_756[%run_scoped3A_704, %dma_wait3A_757] : memref<16x128xi32, #tpu.memory_space<vmem>> -> memref<1x128xi32, #tpu.memory_space<vmem>>
        %dma_wait3A_759 = tpu.memref_squeeze %dma_wait3A_758 : memref<1x128xi32, #tpu.memory_space<vmem>> -> memref<128xi32, #tpu.memory_space<vmem>>
        %dma_wait3A_760 = arith.constant 0 : i32
        %dma_wait3A_761 = arith.constant 0 : i32
        %dma_wait3A_762 = tpu.memref_slice %arg9[%dma_wait3A_760, %dma_wait3A_761] : memref<10112x128xf32, #tpu.memory_space<vmem_shared>> -> memref<10112x128xf32, #tpu.memory_space<vmem_shared>>
        tpu.wait_indirect_dma semaphore(%run_scoped3A_734 : memref<!tpu.dma_semaphore, #tpu.memory_space<semaphore_mem>>) src(%dma_wait3A_752 : memref<128x128xf32, #tpu.memory_space<vmem>>) dst(%dma_wait3A_762 : memref<10112x128xf32, #tpu.memory_space<vmem_shared>>)
        tpu.yield
      }) : () -> ()
      %dma_wait3A_705 = arith.constant 15 : i32
      %dma_wait3A_706 = arith.constant 1 : i32
      %dma_wait3A_707 = arith.constant 0 : i32
      %dma_wait3A_708 = arith.constant 0 : i32
      %dma_wait3A_709 = tpu.memref_slice %arg8[%dma_wait3A_706, %dma_wait3A_707, %dma_wait3A_708] : memref<2x128x128xf32, #tpu.memory_space<vmem>> -> memref<1x128x128xf32, #tpu.memory_space<vmem>>
      %dma_wait3A_710 = tpu.memref_squeeze %dma_wait3A_709 : memref<1x128x128xf32, #tpu.memory_space<vmem>> -> memref<128x128xf32, #tpu.memory_space<vmem>>
      %dma_wait3A_711 = arith.constant 0 : i32
      %dma_wait3A_712 = arith.constant 0 : i32
      %dma_wait3A_713 = tpu.memref_slice %arg6[%rem3A_46, %dma_wait3A_711, %dma_wait3A_712] : memref<2x16x128xi32, #tpu.memory_space<vmem>> -> memref<1x16x128xi32, #tpu.memory_space<vmem>>
      %dma_wait3A_714 = tpu.memref_squeeze %dma_wait3A_713 : memref<1x16x128xi32, #tpu.memory_space<vmem>> -> memref<16x128xi32, #tpu.memory_space<vmem>>
      %dma_wait3A_715 = arith.constant 0 : i32
      %dma_wait3A_716 = tpu.memref_slice %dma_wait3A_714[%dma_wait3A_705, %dma_wait3A_715] : memref<16x128xi32, #tpu.memory_space<vmem>> -> memref<1x128xi32, #tpu.memory_space<vmem>>
      %dma_wait3A_717 = tpu.memref_squeeze %dma_wait3A_716 : memref<1x128xi32, #tpu.memory_space<vmem>> -> memref<128xi32, #tpu.memory_space<vmem>>
      %dma_wait3A_718 = arith.constant 0 : i32
      %dma_wait3A_719 = arith.constant 0 : i32
      %dma_wait3A_720 = tpu.memref_slice %arg2[%arg0, %dma_wait3A_718, %dma_wait3A_719] : memref<2x10000x128xf32, #tpu.memory_space<hbm>> -> memref<1x10000x128xf32, #tpu.memory_space<hbm>>
      %dma_wait3A_721 = tpu.memref_squeeze %dma_wait3A_720 : memref<1x10000x128xf32, #tpu.memory_space<hbm>> -> memref<10000x128xf32, #tpu.memory_space<hbm>>
      %dma_wait3A_722 = arith.constant 0 : i32
      %dma_wait3A_723 = arith.constant 0 : i32
      %dma_wait3A_724 = tpu.memref_slice %dma_wait3A_721[%dma_wait3A_722, %dma_wait3A_723] : memref<10000x128xf32, #tpu.memory_space<hbm>> -> memref<10000x128xf32, #tpu.memory_space<hbm>>
      tpu.wait_indirect_dma semaphore(%arg11 : memref<!tpu.dma_semaphore, #tpu.memory_space<semaphore_mem>>) src(%dma_wait3A_724 : memref<10000x128xf32, #tpu.memory_space<hbm>>) dst(%dma_wait3A_710 : memref<128x128xf32, #tpu.memory_space<vmem>>)
      %run_scoped3A_725 = arith.constant 1 : i32
      %run_scoped3A_726 = arith.constant 15 : i32
      "tpu.region"() ({
        %run_scoped3A_734 = tpu.sem_alloc : memref<!tpu.dma_semaphore, #tpu.memory_space<semaphore_mem>>
        %dma_start3A_735 = arith.constant 0 : i32
        %dma_start3A_736 = arith.constant 0 : i32
        %dma_start3A_737 = tpu.memref_slice %arg8[%run_scoped3A_725, %dma_start3A_735, %dma_start3A_736] : memref<2x128x128xf32, #tpu.memory_space<vmem>> -> memref<1x128x128xf32, #tpu.memory_space<vmem>>
        %dma_start3A_738 = tpu.memref_squeeze %dma_start3A_737 : memref<1x128x128xf32, #tpu.memory_space<vmem>> -> memref<128x128xf32, #tpu.memory_space<vmem>>
        %dma_start3A_739 = arith.constant 0 : i32
        %dma_start3A_740 = arith.constant 0 : i32
        %dma_start3A_741 = tpu.memref_slice %arg7[%rem3A_46, %dma_start3A_739, %dma_start3A_740] : memref<2x16x128xi32, #tpu.memory_space<vmem>> -> memref<1x16x128xi32, #tpu.memory_space<vmem>>
        %dma_start3A_742 = tpu.memref_squeeze %dma_start3A_741 : memref<1x16x128xi32, #tpu.memory_space<vmem>> -> memref<16x128xi32, #tpu.memory_space<vmem>>
        %dma_start3A_743 = arith.constant 0 : i32
        %dma_start3A_744 = tpu.memref_slice %dma_start3A_742[%run_scoped3A_726, %dma_start3A_743] : memref<16x128xi32, #tpu.memory_space<vmem>> -> memref<1x128xi32, #tpu.memory_space<vmem>>
        %dma_start3A_745 = tpu.memref_squeeze %dma_start3A_744 : memref<1x128xi32, #tpu.memory_space<vmem>> -> memref<128xi32, #tpu.memory_space<vmem>>
        %dma_start3A_746 = arith.constant 0 : i32
        %dma_start3A_747 = arith.constant 0 : i32
        %dma_start3A_748 = tpu.memref_slice %arg9[%dma_start3A_746, %dma_start3A_747] : memref<10112x128xf32, #tpu.memory_space<vmem_shared>> -> memref<10112x128xf32, #tpu.memory_space<vmem_shared>>
        tpu.enqueue_indirect_dma source(%dma_start3A_738 : memref<128x128xf32, #tpu.memory_space<vmem>>) target(%dma_start3A_748 : memref<10112x128xf32, #tpu.memory_space<vmem_shared>>) offsets(%dma_start3A_745 : memref<128xi32, #tpu.memory_space<vmem>>) semaphore(%run_scoped3A_734 : memref<!tpu.dma_semaphore, #tpu.memory_space<semaphore_mem>>) {add = true}
        %dma_wait3A_749 = arith.constant 0 : i32
        %dma_wait3A_750 = arith.constant 0 : i32
        %dma_wait3A_751 = tpu.memref_slice %arg8[%run_scoped3A_725, %dma_wait3A_749, %dma_wait3A_750] : memref<2x128x128xf32, #tpu.memory_space<vmem>> -> memref<1x128x128xf32, #tpu.memory_space<vmem>>
        %dma_wait3A_752 = tpu.memref_squeeze %dma_wait3A_751 : memref<1x128x128xf32, #tpu.memory_space<vmem>> -> memref<128x128xf32, #tpu.memory_space<vmem>>
        %dma_wait3A_753 = arith.constant 0 : i32
        %dma_wait3A_754 = arith.constant 0 : i32
        %dma_wait3A_755 = tpu.memref_slice %arg7[%rem3A_46, %dma_wait3A_753, %dma_wait3A_754] : memref<2x16x128xi32, #tpu.memory_space<vmem>> -> memref<1x16x128xi32, #tpu.memory_space<vmem>>
        %dma_wait3A_756 = tpu.memref_squeeze %dma_wait3A_755 : memref<1x16x128xi32, #tpu.memory_space<vmem>> -> memref<16x128xi32, #tpu.memory_space<vmem>>
        %dma_wait3A_757 = arith.constant 0 : i32
        %dma_wait3A_758 = tpu.memref_slice %dma_wait3A_756[%run_scoped3A_726, %dma_wait3A_757] : memref<16x128xi32, #tpu.memory_space<vmem>> -> memref<1x128xi32, #tpu.memory_space<vmem>>
        %dma_wait3A_759 = tpu.memref_squeeze %dma_wait3A_758 : memref<1x128xi32, #tpu.memory_space<vmem>> -> memref<128xi32, #tpu.memory_space<vmem>>
        %dma_wait3A_760 = arith.constant 0 : i32
        %dma_wait3A_761 = arith.constant 0 : i32
        %dma_wait3A_762 = tpu.memref_slice %arg9[%dma_wait3A_760, %dma_wait3A_761] : memref<10112x128xf32, #tpu.memory_space<vmem_shared>> -> memref<10112x128xf32, #tpu.memory_space<vmem_shared>>
        tpu.wait_indirect_dma semaphore(%run_scoped3A_734 : memref<!tpu.dma_semaphore, #tpu.memory_space<semaphore_mem>>) src(%dma_wait3A_752 : memref<128x128xf32, #tpu.memory_space<vmem>>) dst(%dma_wait3A_762 : memref<10112x128xf32, #tpu.memory_space<vmem_shared>>)
        tpu.yield
      }) : () -> ()
      %add3A_727 = arith.constant 1 : i32
      %add3A_728 = arith.addi %scan3A_45, %add3A_727 : i32
      %lt3A_729 = arith.constant 10 : i32
      %lt3A_730 = arith.cmpi slt, %add3A_728, %lt3A_729 : i32
      %convert_element_type3A_731 = arith.extui %lt3A_730 : i1 to i32
      %cond3A_732 = arith.constant 0 : i32
      %cond3A_733 = arith.cmpi ne, %convert_element_type3A_731, %cond3A_732 : i32
      scf.if %cond3A_733 {
        %add3A_734 = arith.constant 1 : i32
        %add3A_735 = arith.addi %scan3A_45, %add3A_734 : i32
        %dma_wait3A_736 = arith.constant 0 : i32
        %dma_wait3A_737 = arith.constant 0 : i32
        %dma_wait3A_738 = tpu.memref_slice %arg6[%rem3A_50, %dma_wait3A_736, %dma_wait3A_737] : memref<2x16x128xi32, #tpu.memory_space<vmem>> -> memref<1x16x128xi32, #tpu.memory_space<vmem>>
        %dma_wait3A_739 = tpu.memref_squeeze %dma_wait3A_738 : memref<1x16x128xi32, #tpu.memory_space<vmem>> -> memref<16x128xi32, #tpu.memory_space<vmem>>
        %dma_wait3A_740 = arith.constant 0 : i32
        %dma_wait3A_741 = arith.constant 0 : i32
        %dma_wait3A_742 = tpu.memref_slice %arg3[%arg1, %add3A_735, %dma_wait3A_740, %dma_wait3A_741] : memref<16x10x16x128xi32, #tpu.memory_space<hbm>> -> memref<1x1x16x128xi32, #tpu.memory_space<hbm>>
        %dma_wait3A_743 = tpu.memref_squeeze %dma_wait3A_742 : memref<1x1x16x128xi32, #tpu.memory_space<hbm>> -> memref<16x128xi32, #tpu.memory_space<hbm>>
        %dma_wait3A_744 = arith.constant 0 : i32
        %dma_wait3A_745 = arith.constant 0 : i32
        %dma_wait3A_746 = tpu.memref_slice %arg6[%rem3A_50, %dma_wait3A_744, %dma_wait3A_745] : memref<2x16x128xi32, #tpu.memory_space<vmem>> -> memref<1x16x128xi32, #tpu.memory_space<vmem>>
        %dma_wait3A_747 = tpu.memref_squeeze %dma_wait3A_746 : memref<1x16x128xi32, #tpu.memory_space<vmem>> -> memref<16x128xi32, #tpu.memory_space<vmem>>
        %dma_wait3A_748 = arith.constant 0 : i32
        %dma_wait3A_749 = arith.constant 0 : i32
        %dma_wait3A_750 = tpu.memref_slice %arg3[%arg1, %add3A_735, %dma_wait3A_748, %dma_wait3A_749] : memref<16x10x16x128xi32, #tpu.memory_space<hbm>> -> memref<1x1x16x128xi32, #tpu.memory_space<hbm>>
        %dma_wait3A_751 = tpu.memref_squeeze %dma_wait3A_750 : memref<1x1x16x128xi32, #tpu.memory_space<hbm>> -> memref<16x128xi32, #tpu.memory_space<hbm>>
        tpu.wait_dma2 semaphore(%arg12 : memref<!tpu.dma_semaphore, #tpu.memory_space<semaphore_mem>>) src(%dma_wait3A_751 : memref<16x128xi32, #tpu.memory_space<hbm>>) dst(%dma_wait3A_747 : memref<16x128xi32, #tpu.memory_space<vmem>>)
        %add3A_752 = arith.constant 1 : i32
        %add3A_753 = arith.addi %scan3A_45, %add3A_752 : i32
        %dma_wait3A_754 = arith.constant 0 : i32
        %dma_wait3A_755 = arith.constant 0 : i32
        %dma_wait3A_756 = tpu.memref_slice %arg7[%rem3A_50, %dma_wait3A_754, %dma_wait3A_755] : memref<2x16x128xi32, #tpu.memory_space<vmem>> -> memref<1x16x128xi32, #tpu.memory_space<vmem>>
        %dma_wait3A_757 = tpu.memref_squeeze %dma_wait3A_756 : memref<1x16x128xi32, #tpu.memory_space<vmem>> -> memref<16x128xi32, #tpu.memory_space<vmem>>
        %dma_wait3A_758 = arith.constant 0 : i32
        %dma_wait3A_759 = arith.constant 0 : i32
        %dma_wait3A_760 = tpu.memref_slice %arg4[%arg1, %add3A_753, %dma_wait3A_758, %dma_wait3A_759] : memref<16x10x16x128xi32, #tpu.memory_space<hbm>> -> memref<1x1x16x128xi32, #tpu.memory_space<hbm>>
        %dma_wait3A_761 = tpu.memref_squeeze %dma_wait3A_760 : memref<1x1x16x128xi32, #tpu.memory_space<hbm>> -> memref<16x128xi32, #tpu.memory_space<hbm>>
        %dma_wait3A_762 = arith.constant 0 : i32
        %dma_wait3A_763 = arith.constant 0 : i32
        %dma_wait3A_764 = tpu.memref_slice %arg7[%rem3A_50, %dma_wait3A_762, %dma_wait3A_763] : memref<2x16x128xi32, #tpu.memory_space<vmem>> -> memref<1x16x128xi32, #tpu.memory_space<vmem>>
        %dma_wait3A_765 = tpu.memref_squeeze %dma_wait3A_764 : memref<1x16x128xi32, #tpu.memory_space<vmem>> -> memref<16x128xi32, #tpu.memory_space<vmem>>
        %dma_wait3A_766 = arith.constant 0 : i32
        %dma_wait3A_767 = arith.constant 0 : i32
        %dma_wait3A_768 = tpu.memref_slice %arg4[%arg1, %add3A_753, %dma_wait3A_766, %dma_wait3A_767] : memref<16x10x16x128xi32, #tpu.memory_space<hbm>> -> memref<1x1x16x128xi32, #tpu.memory_space<hbm>>
        %dma_wait3A_769 = tpu.memref_squeeze %dma_wait3A_768 : memref<1x1x16x128xi32, #tpu.memory_space<hbm>> -> memref<16x128xi32, #tpu.memory_space<hbm>>
        tpu.wait_dma2 semaphore(%arg12 : memref<!tpu.dma_semaphore, #tpu.memory_space<semaphore_mem>>) src(%dma_wait3A_769 : memref<16x128xi32, #tpu.memory_space<hbm>>) dst(%dma_wait3A_765 : memref<16x128xi32, #tpu.memory_space<vmem>>)
      } else {
      }
    }
    %scan3A_37 = arith.constant 10 : i32
    %barrier3A_38 = arith.constant 0 : index
    tpu.barrier barrier_id(%barrier3A_38)
    %eq3A = arith.constant 15 : i32
    %eq3A_39 = arith.cmpi eq, %arg1, %eq3A : i32
    %convert_element_type3A = arith.extui %eq3A_39 : i1 to i32
    %cond3A = arith.constant 0 : i32
    %cond3A_40 = arith.cmpi ne, %convert_element_type3A, %cond3A : i32
    scf.if %cond3A_40 {
      "tpu.region"() ({
        %run_scoped3A_45 = tpu.sem_alloc : memref<!tpu.dma_semaphore, #tpu.memory_space<semaphore_mem>>
        %dma_start3A = arith.constant 0 : i32
        %dma_start3A_46 = arith.constant 0 : i32
        %dma_start3A_47 = tpu.memref_slice %arg5[%arg0, %dma_start3A, %dma_start3A_46] : memref<2x10000x128xf32, #tpu.memory_space<hbm>> -> memref<1x10000x128xf32, #tpu.memory_space<hbm>>
        %dma_start3A_48 = tpu.memref_squeeze %dma_start3A_47 : memref<1x10000x128xf32, #tpu.memory_space<hbm>> -> memref<10000x128xf32, #tpu.memory_space<hbm>>
        %dma_start3A_49 = arith.constant 9360 : i32
        %dma_start3A_50 = arith.constant 0 : i32
        %dma_start3A_51 = tpu.memref_slice %dma_start3A_48[%dma_start3A_49, %dma_start3A_50] : memref<10000x128xf32, #tpu.memory_space<hbm>> -> memref<640x128xf32, #tpu.memory_space<hbm>>
        %dma_start3A_52 = arith.constant 9360 : i32
        %dma_start3A_53 = arith.constant 0 : i32
        %dma_start3A_54 = tpu.memref_slice %arg9[%dma_start3A_52, %dma_start3A_53] : memref<10112x128xf32, #tpu.memory_space<vmem_shared>> -> memref<640x128xf32, #tpu.memory_space<vmem_shared>>
        tpu.enqueue_dma source(%dma_start3A_54 : memref<640x128xf32, #tpu.memory_space<vmem_shared>>) target(%dma_start3A_51 : memref<640x128xf32, #tpu.memory_space<hbm>>) target_semaphore(%run_scoped3A_45 : memref<!tpu.dma_semaphore, #tpu.memory_space<semaphore_mem>>)
        %dma_wait3A = arith.constant 0 : i32
        %dma_wait3A_55 = arith.constant 0 : i32
        %dma_wait3A_56 = tpu.memref_slice %arg5[%arg0, %dma_wait3A, %dma_wait3A_55] : memref<2x10000x128xf32, #tpu.memory_space<hbm>> -> memref<1x10000x128xf32, #tpu.memory_space<hbm>>
        %dma_wait3A_57 = tpu.memref_squeeze %dma_wait3A_56 : memref<1x10000x128xf32, #tpu.memory_space<hbm>> -> memref<10000x128xf32, #tpu.memory_space<hbm>>
        %dma_wait3A_58 = arith.constant 9360 : i32
        %dma_wait3A_59 = arith.constant 0 : i32
        %dma_wait3A_60 = tpu.memref_slice %dma_wait3A_57[%dma_wait3A_58, %dma_wait3A_59] : memref<10000x128xf32, #tpu.memory_space<hbm>> -> memref<640x128xf32, #tpu.memory_space<hbm>>
        %dma_wait3A_61 = arith.constant 9360 : i32
        %dma_wait3A_62 = arith.constant 0 : i32
        %dma_wait3A_63 = tpu.memref_slice %arg9[%dma_wait3A_61, %dma_wait3A_62] : memref<10112x128xf32, #tpu.memory_space<vmem_shared>> -> memref<640x128xf32, #tpu.memory_space<vmem_shared>>
        tpu.wait_dma2 semaphore(%run_scoped3A_45 : memref<!tpu.dma_semaphore, #tpu.memory_space<semaphore_mem>>) src(%dma_wait3A_63 : memref<640x128xf32, #tpu.memory_space<vmem_shared>>) dst(%dma_wait3A_60 : memref<640x128xf32, #tpu.memory_space<hbm>>)
        tpu.yield
      }) : () -> ()
    } else {
    }
    %ne3A = arith.constant 15 : i32
    %ne3A_41 = arith.cmpi ne, %arg1, %ne3A : i32
    %convert_element_type3A_42 = arith.extui %ne3A_41 : i1 to i32
    %cond3A_43 = arith.constant 0 : i32
    %cond3A_44 = arith.cmpi ne, %convert_element_type3A_42, %cond3A_43 : i32
    scf.if %cond3A_44 {
      %mul3A_45 = arith.constant 624 : i32
      %mul3A_46 = arith.muli %arg1, %mul3A_45 : i32
      %mul3A_47 = arith.constant 624 : i32
      %mul3A_48 = arith.muli %arg1, %mul3A_47 : i32
      "tpu.region"() ({
        %run_scoped3A_49 = tpu.sem_alloc : memref<!tpu.dma_semaphore, #tpu.memory_space<semaphore_mem>>
        %dma_start3A = arith.constant 0 : i32
        %dma_start3A_50 = arith.constant 0 : i32
        %dma_start3A_51 = tpu.memref_slice %arg5[%arg0, %dma_start3A, %dma_start3A_50] : memref<2x10000x128xf32, #tpu.memory_space<hbm>> -> memref<1x10000x128xf32, #tpu.memory_space<hbm>>
        %dma_start3A_52 = tpu.memref_squeeze %dma_start3A_51 : memref<1x10000x128xf32, #tpu.memory_space<hbm>> -> memref<10000x128xf32, #tpu.memory_space<hbm>>
        %dma_start3A_53 = arith.constant 0 : i32
        %dma_start3A_54 = tpu.memref_slice %dma_start3A_52[%mul3A_48, %dma_start3A_53] : memref<10000x128xf32, #tpu.memory_space<hbm>> -> memref<624x128xf32, #tpu.memory_space<hbm>>
        %dma_start3A_55 = arith.constant 0 : i32
        %dma_start3A_56 = tpu.memref_slice %arg9[%mul3A_46, %dma_start3A_55] : memref<10112x128xf32, #tpu.memory_space<vmem_shared>> -> memref<624x128xf32, #tpu.memory_space<vmem_shared>>
        tpu.enqueue_dma source(%dma_start3A_56 : memref<624x128xf32, #tpu.memory_space<vmem_shared>>) target(%dma_start3A_54 : memref<624x128xf32, #tpu.memory_space<hbm>>) target_semaphore(%run_scoped3A_49 : memref<!tpu.dma_semaphore, #tpu.memory_space<semaphore_mem>>)
        %dma_wait3A = arith.constant 0 : i32
        %dma_wait3A_57 = arith.constant 0 : i32
        %dma_wait3A_58 = tpu.memref_slice %arg5[%arg0, %dma_wait3A, %dma_wait3A_57] : memref<2x10000x128xf32, #tpu.memory_space<hbm>> -> memref<1x10000x128xf32, #tpu.memory_space<hbm>>
        %dma_wait3A_59 = tpu.memref_squeeze %dma_wait3A_58 : memref<1x10000x128xf32, #tpu.memory_space<hbm>> -> memref<10000x128xf32, #tpu.memory_space<hbm>>
        %dma_wait3A_60 = arith.constant 0 : i32
        %dma_wait3A_61 = tpu.memref_slice %dma_wait3A_59[%mul3A_48, %dma_wait3A_60] : memref<10000x128xf32, #tpu.memory_space<hbm>> -> memref<624x128xf32, #tpu.memory_space<hbm>>
        %dma_wait3A_62 = arith.constant 0 : i32
        %dma_wait3A_63 = tpu.memref_slice %arg9[%mul3A_46, %dma_wait3A_62] : memref<10112x128xf32, #tpu.memory_space<vmem_shared>> -> memref<624x128xf32, #tpu.memory_space<vmem_shared>>
        tpu.wait_dma2 semaphore(%run_scoped3A_49 : memref<!tpu.dma_semaphore, #tpu.memory_space<semaphore_mem>>) src(%dma_wait3A_63 : memref<624x128xf32, #tpu.memory_space<vmem_shared>>) dst(%dma_wait3A_61 : memref<624x128xf32, #tpu.memory_space<hbm>>)
        tpu.yield
      }) : () -> ()
    } else {
    }
    return
  }
}

#map = affine_map<(d0, d1) -> (0, 0, 0)>
#map1 = affine_map<(d0, d1) -> (0, 0, 0, 0)>
module attributes {stable_mosaic.version = 14 : i64} {
  func.func @k(%arg0: i32, %arg1: i32, %arg2: memref<2x10000x128xf32, #tpu.memory_space<hbm>>, %arg3: memref<16x10x16x128xi32, #tpu.memory_space<hbm>>, %arg4: memref<16x10x16x128xi32, #tpu.memory_space<hbm>>, %arg5: memref<2x10000x128xf32, #tpu.memory_space<hbm>>, %arg6: memref<2x16x128xi32, #tpu.memory_space<vmem>>, %arg7: memref<2x16x128xi32, #tpu.memory_space<vmem>>, %arg8: memref<2x128x128xf32, #tpu.memory_space<vmem>>, %arg9: memref<10112x128xf32, #tpu.memory_space<vmem_shared>>, %arg10: memref<!tpu.dma_semaphore, #tpu.memory_space<semaphore_mem>>, %arg11: memref<!tpu.dma_semaphore, #tpu.memory_space<semaphore_mem>>, %arg12: memref<!tpu.dma_semaphore, #tpu.memory_space<semaphore_mem>>) attributes {dimension_semantics = [#tpu.dimension_semantics<core_parallel>, #tpu.dimension_semantics<subcore_parallel>], iteration_bounds = array<i64: 2, 16>, scalar_prefetch = 0 : i64, scratch_operands = 7 : i64, tpu.core_type = #tpu.core_type<sc_vector_subcore>, window_params = [{transform_indices = #map}, {transform_indices = #map1}, {transform_indices = #map1}, {transform_indices = #map}]} {
    %broadcast_in_dim3A = arith.constant 0.000000e+00 : f32
    %broadcast_in_dim3A_0 = vector.broadcast %broadcast_in_dim3A : f32 to vector<16xf32>
    %scan3A = arith.constant 0 : i32
    %scan3A_1 = arith.constant 0 : i32
    %scan3A_2 = arith.constant 128 : i32
    %scan3A_3 = arith.addi %scan3A_1, %scan3A_2 : i32
    %scan3A_4 = arith.constant 1 : i32
    scf.for %scan3A_45 = %scan3A_1 to %scan3A_3 step %scan3A_4  : i32 {
      %swap3A = arith.constant 0 : i32
      %swap3A_46 = arith.index_cast %swap3A : i32 to index
      %swap3A_47 = arith.index_cast %scan3A_45 : i32 to index
      %swap3A_48 = arith.constant 0 : index
      %swap3A_49 = tpu.vector_load %arg8[%swap3A_46, %swap3A_47, %swap3A_48] {strides = array<i32>} : memref<2x128x128xf32, #tpu.memory_space<vmem>>, vector<1x1x16xf32>,
      %swap3A_50 = vector.shape_cast %swap3A_49 : vector<1x1x16xf32> to vector<16xf32>
      %swap3A_51 = vector.shape_cast %broadcast_in_dim3A_0 : vector<16xf32> to vector<1x1x16xf32>
      tpu.vector_store %arg8[%swap3A_46, %swap3A_47, %swap3A_48], %swap3A_51 {strides = array<i32>} : memref<2x128x128xf32, #tpu.memory_space<vmem>>, vector<1x1x16xf32>,
      %swap3A_52 = arith.constant 0 : i32
      %swap3A_53 = arith.index_cast %swap3A_52 : i32 to index
      %swap3A_54 = arith.index_cast %scan3A_45 : i32 to index
      %swap3A_55 = arith.constant 16 : index
      %swap3A_56 = tpu.vector_load %arg8[%swap3A_53, %swap3A_54, %swap3A_55] {strides = array<i32>} : memref<2x128x128xf32, #tpu.memory_space<vmem>>, vector<1x1x16xf32>,
      %swap3A_57 = vector.shape_cast %swap3A_56 : vector<1x1x16xf32> to vector<16xf32>
      %swap3A_58 = vector.shape_cast %broadcast_in_dim3A_0 : vector<16xf32> to vector<1x1x16xf32>
      tpu.vector_store %arg8[%swap3A_53, %swap3A_54, %swap3A_55], %swap3A_58 {strides = array<i32>} : memref<2x128x128xf32, #tpu.memory_space<vmem>>, vector<1x1x16xf32>,
      %swap3A_59 = arith.constant 0 : i32
      %swap3A_60 = arith.index_cast %swap3A_59 : i32 to index
      %swap3A_61 = arith.index_cast %scan3A_45 : i32 to index
      %swap3A_62 = arith.constant 32 : index
      %swap3A_63 = tpu.vector_load %arg8[%swap3A_60, %swap3A_61, %swap3A_62] {strides = array<i32>} : memref<2x128x128xf32, #tpu.memory_space<vmem>>, vector<1x1x16xf32>,
      %swap3A_64 = vector.shape_cast %swap3A_63 : vector<1x1x16xf32> to vector<16xf32>
      %swap3A_65 = vector.shape_cast %broadcast_in_dim3A_0 : vector<16xf32> to vector<1x1x16xf32>
      tpu.vector_store %arg8[%swap3A_60, %swap3A_61, %swap3A_62], %swap3A_65 {strides = array<i32>} : memref<2x128x128xf32, #tpu.memory_space<vmem>>, vector<1x1x16xf32>,
      %swap3A_66 = arith.constant 0 : i32
      %swap3A_67 = arith.index_cast %swap3A_66 : i32 to index
      %swap3A_68 = arith.index_cast %scan3A_45 : i32 to index
      %swap3A_69 = arith.constant 48 : index
      %swap3A_70 = tpu.vector_load %arg8[%swap3A_67, %swap3A_68, %swap3A_69] {strides = array<i32>} : memref<2x128x128xf32, #tpu.memory_space<vmem>>, vector<1x1x16xf32>,
      %swap3A_71 = vector.shape_cast %swap3A_70 : vector<1x1x16xf32> to vector<16xf32>
      %swap3A_72 = vector.shape_cast %broadcast_in_dim3A_0 : vector<16xf32> to vector<1x1x16xf32>
      tpu.vector_store %arg8[%swap3A_67, %swap3A_68, %swap3A_69], %swap3A_72 {strides = array<i32>} : memref<2x128x128xf32, #tpu.memory_space<vmem>>, vector<1x1x16xf32>,
      %swap3A_73 = arith.constant 0 : i32
      %swap3A_74 = arith.index_cast %swap3A_73 : i32 to index
      %swap3A_75 = arith.index_cast %scan3A_45 : i32 to index
      %swap3A_76 = arith.constant 64 : index
      %swap3A_77 = tpu.vector_load %arg8[%swap3A_74, %swap3A_75, %swap3A_76] {strides = array<i32>} : memref<2x128x128xf32, #tpu.memory_space<vmem>>, vector<1x1x16xf32>,
      %swap3A_78 = vector.shape_cast %swap3A_77 : vector<1x1x16xf32> to vector<16xf32>
      %swap3A_79 = vector.shape_cast %broadcast_in_dim3A_0 : vector<16xf32> to vector<1x1x16xf32>
      tpu.vector_store %arg8[%swap3A_74, %swap3A_75, %swap3A_76], %swap3A_79 {strides = array<i32>} : memref<2x128x128xf32, #tpu.memory_space<vmem>>, vector<1x1x16xf32>,
      %swap3A_80 = arith.constant 0 : i32
      %swap3A_81 = arith.index_cast %swap3A_80 : i32 to index
      %swap3A_82 = arith.index_cast %scan3A_45 : i32 to index
      %swap3A_83 = arith.constant 80 : index
      %swap3A_84 = tpu.vector_load %arg8[%swap3A_81, %swap3A_82, %swap3A_83] {strides = array<i32>} : memref<2x128x128xf32, #tpu.memory_space<vmem>>, vector<1x1x16xf32>,
      %swap3A_85 = vector.shape_cast %swap3A_84 : vector<1x1x16xf32> to vector<16xf32>
      %swap3A_86 = vector.shape_cast %broadcast_in_dim3A_0 : vector<16xf32> to vector<1x1x16xf32>
      tpu.vector_store %arg8[%swap3A_81, %swap3A_82, %swap3A_83], %swap3A_86 {strides = array<i32>} : memref<2x128x128xf32, #tpu.memory_space<vmem>>, vector<1x1x16xf32>,
      %swap3A_87 = arith.constant 0 : i32
      %swap3A_88 = arith.index_cast %swap3A_87 : i32 to index
      %swap3A_89 = arith.index_cast %scan3A_45 : i32 to index
      %swap3A_90 = arith.constant 96 : index
      %swap3A_91 = tpu.vector_load %arg8[%swap3A_88, %swap3A_89, %swap3A_90] {strides = array<i32>} : memref<2x128x128xf32, #tpu.memory_space<vmem>>, vector<1x1x16xf32>,
      %swap3A_92 = vector.shape_cast %swap3A_91 : vector<1x1x16xf32> to vector<16xf32>
      %swap3A_93 = vector.shape_cast %broadcast_in_dim3A_0 : vector<16xf32> to vector<1x1x16xf32>
      tpu.vector_store %arg8[%swap3A_88, %swap3A_89, %swap3A_90], %swap3A_93 {strides = array<i32>} : memref<2x128x128xf32, #tpu.memory_space<vmem>>, vector<1x1x16xf32>,
      %swap3A_94 = arith.constant 0 : i32
      %swap3A_95 = arith.index_cast %swap3A_94 : i32 to index
      %swap3A_96 = arith.index_cast %scan3A_45 : i32 to index
      %swap3A_97 = arith.constant 112 : index
      %swap3A_98 = tpu.vector_load %arg8[%swap3A_95, %swap3A_96, %swap3A_97] {strides = array<i32>} : memref<2x128x128xf32, #tpu.memory_space<vmem>>, vector<1x1x16xf32>,
      %swap3A_99 = vector.shape_cast %swap3A_98 : vector<1x1x16xf32> to vector<16xf32>
      %swap3A_100 = vector.shape_cast %broadcast_in_dim3A_0 : vector<16xf32> to vector<1x1x16xf32>
      tpu.vector_store %arg8[%swap3A_95, %swap3A_96, %swap3A_97], %swap3A_100 {strides = array<i32>} : memref<2x128x128xf32, #tpu.memory_space<vmem>>, vector<1x1x16xf32>,
    }
    %scan3A_5 = arith.constant 128 : i32
    %mul3A = arith.constant 632 : i32
    %mul3A_6 = arith.muli %arg1, %mul3A : i32
    %add3A = arith.constant 0 : i32
    %add3A_7 = arith.addi %mul3A_6, %add3A : i32
    %run_scoped3A = arith.constant 0 : i32
    "tpu.region"() ({
      %run_scoped3A_45 = tpu.sem_alloc : memref<!tpu.dma_semaphore, #tpu.memory_space<semaphore_mem>>
      %dma_start3A = arith.constant 0 : i32
      %dma_start3A_46 = arith.constant 0 : i32
      %dma_start3A_47 = tpu.memref_slice %arg8[%run_scoped3A, %dma_start3A, %dma_start3A_46] : memref<2x128x128xf32, #tpu.memory_space<vmem>> -> memref<1x128x128xf32, #tpu.memory_space<vmem>>
      %dma_start3A_48 = tpu.memref_squeeze %dma_start3A_47 : memref<1x128x128xf32, #tpu.memory_space<vmem>> -> memref<128x128xf32, #tpu.memory_space<vmem>>
      %dma_start3A_49 = arith.constant 0 : i32
      %dma_start3A_50 = tpu.memref_slice %arg9[%add3A_7, %dma_start3A_49] : memref<10112x128xf32, #tpu.memory_space<vmem_shared>> -> memref<128x128xf32, #tpu.memory_space<vmem_shared>>
      %dma_start3A_51 = arith.constant 0 : i32
      %dma_start3A_52 = tpu.memref_slice %arg9[%add3A_7, %dma_start3A_51] : memref<10112x128xf32, #tpu.memory_space<vmem_shared>> -> memref<128x128xf32, #tpu.memory_space<vmem_shared>>
      %dma_start3A_53 = arith.constant 0 : i32
      %dma_start3A_54 = arith.constant 0 : i32
      %dma_start3A_55 = tpu.memref_slice %arg8[%run_scoped3A, %dma_start3A_53, %dma_start3A_54] : memref<2x128x128xf32, #tpu.memory_space<vmem>> -> memref<1x128x128xf32, #tpu.memory_space<vmem>>
      %dma_start3A_56 = tpu.memref_squeeze %dma_start3A_55 : memref<1x128x128xf32, #tpu.memory_space<vmem>> -> memref<128x128xf32, #tpu.memory_space<vmem>>
      tpu.enqueue_dma source(%dma_start3A_56 : memref<128x128xf32, #tpu.memory_space<vmem>>) target(%dma_start3A_52 : memref<128x128xf32, #tpu.memory_space<vmem_shared>>) target_semaphore(%run_scoped3A_45 : memref<!tpu.dma_semaphore, #tpu.memory_space<semaphore_mem>>)
      %dma_wait3A = arith.constant 0 : i32
      %dma_wait3A_57 = arith.constant 0 : i32
      %dma_wait3A_58 = tpu.memref_slice %arg8[%run_scoped3A, %dma_wait3A, %dma_wait3A_57] : memref<2x128x128xf32, #tpu.memory_space<vmem>> -> memref<1x128x128xf32, #tpu.memory_space<vmem>>
      %dma_wait3A_59 = tpu.memref_squeeze %dma_wait3A_58 : memref<1x128x128xf32, #tpu.memory_space<vmem>> -> memref<128x128xf32, #tpu.memory_space<vmem>>
      %dma_wait3A_60 = arith.constant 0 : i32
      %dma_wait3A_61 = tpu.memref_slice %arg9[%add3A_7, %dma_wait3A_60] : memref<10112x128xf32, #tpu.memory_space<vmem_shared>> -> memref<128x128xf32, #tpu.memory_space<vmem_shared>>
      %dma_wait3A_62 = arith.constant 0 : i32
      %dma_wait3A_63 = tpu.memref_slice %arg9[%add3A_7, %dma_wait3A_62] : memref<10112x128xf32, #tpu.memory_space<vmem_shared>> -> memref<128x128xf32, #tpu.memory_space<vmem_shared>>
      %dma_wait3A_64 = arith.constant 0 : i32
      %dma_wait3A_65 = arith.constant 0 : i32
      %dma_wait3A_66 = tpu.memref_slice %arg8[%run_scoped3A, %dma_wait3A_64, %dma_wait3A_65] : memref<2x128x128xf32, #tpu.memory_space<vmem>> -> memref<1x128x128xf32, #tpu.memory_space<vmem>>
      %dma_wait3A_67 = tpu.memref_squeeze %dma_wait3A_66 : memref<1x128x128xf32, #tpu.memory_space<vmem>> -> memref<128x128xf32, #tpu.memory_space<vmem>>
      tpu.wait_dma2 semaphore(%run_scoped3A_45 : memref<!tpu.dma_semaphore, #tpu.memory_space<semaphore_mem>>) src(%dma_wait3A_67 : memref<128x128xf32, #tpu.memory_space<vmem>>) dst(%dma_wait3A_63 : memref<128x128xf32, #tpu.memory_space<vmem_shared>>)
      tpu.yield
    }) : () -> ()
    %mul3A_8 = arith.constant 632 : i32
    %mul3A_9 = arith.muli %arg1, %mul3A_8 : i32
    %add3A_10 = arith.constant 128 : i32
    %add3A_11 = arith.addi %mul3A_9, %add3A_10 : i32
    %run_scoped3A_12 = arith.constant 0 : i32
    "tpu.region"() ({
      %run_scoped3A_45 = tpu.sem_alloc : memref<!tpu.dma_semaphore, #tpu.memory_space<semaphore_mem>>
      %dma_start3A = arith.constant 0 : i32
      %dma_start3A_46 = arith.constant 0 : i32
      %dma_start3A_47 = tpu.memref_slice %arg8[%run_scoped3A_12, %dma_start3A, %dma_start3A_46] : memref<2x128x128xf32, #tpu.memory_space<vmem>> -> memref<1x128x128xf32, #tpu.memory_space<vmem>>
      %dma_start3A_48 = tpu.memref_squeeze %dma_start3A_47 : memref<1x128x128xf32, #tpu.memory_space<vmem>> -> memref<128x128xf32, #tpu.memory_space<vmem>>
      %dma_start3A_49 = arith.constant 0 : i32
      %dma_start3A_50 = tpu.memref_slice %arg9[%add3A_11, %dma_start3A_49] : memref<10112x128xf32, #tpu.memory_space<vmem_shared>> -> memref<128x128xf32, #tpu.memory_space<vmem_shared>>
      %dma_start3A_51 = arith.constant 0 : i32
      %dma_start3A_52 = tpu.memref_slice %arg9[%add3A_11, %dma_start3A_51] : memref<10112x128xf32, #tpu.memory_space<vmem_shared>> -> memref<128x128xf32, #tpu.memory_space<vmem_shared>>
      %dma_start3A_53 = arith.constant 0 : i32
      %dma_start3A_54 = arith.constant 0 : i32
      %dma_start3A_55 = tpu.memref_slice %arg8[%run_scoped3A_12, %dma_start3A_53, %dma_start3A_54] : memref<2x128x128xf32, #tpu.memory_space<vmem>> -> memref<1x128x128xf32, #tpu.memory_space<vmem>>
      %dma_start3A_56 = tpu.memref_squeeze %dma_start3A_55 : memref<1x128x128xf32, #tpu.memory_space<vmem>> -> memref<128x128xf32, #tpu.memory_space<vmem>>
      tpu.enqueue_dma source(%dma_start3A_56 : memref<128x128xf32, #tpu.memory_space<vmem>>) target(%dma_start3A_52 : memref<128x128xf32, #tpu.memory_space<vmem_shared>>) target_semaphore(%run_scoped3A_45 : memref<!tpu.dma_semaphore, #tpu.memory_space<semaphore_mem>>)
      %dma_wait3A = arith.constant 0 : i32
      %dma_wait3A_57 = arith.constant 0 : i32
      %dma_wait3A_58 = tpu.memref_slice %arg8[%run_scoped3A_12, %dma_wait3A, %dma_wait3A_57] : memref<2x128x128xf32, #tpu.memory_space<vmem>> -> memref<1x128x128xf32, #tpu.memory_space<vmem>>
      %dma_wait3A_59 = tpu.memref_squeeze %dma_wait3A_58 : memref<1x128x128xf32, #tpu.memory_space<vmem>> -> memref<128x128xf32, #tpu.memory_space<vmem>>
      %dma_wait3A_60 = arith.constant 0 : i32
      %dma_wait3A_61 = tpu.memref_slice %arg9[%add3A_11, %dma_wait3A_60] : memref<10112x128xf32, #tpu.memory_space<vmem_shared>> -> memref<128x128xf32, #tpu.memory_space<vmem_shared>>
      %dma_wait3A_62 = arith.constant 0 : i32
      %dma_wait3A_63 = tpu.memref_slice %arg9[%add3A_11, %dma_wait3A_62] : memref<10112x128xf32, #tpu.memory_space<vmem_shared>> -> memref<128x128xf32, #tpu.memory_space<vmem_shared>>
      %dma_wait3A_64 = arith.constant 0 : i32
      %dma_wait3A_65 = arith.constant 0 : i32
      %dma_wait3A_66 = tpu.memref_slice %arg8[%run_scoped3A_12, %dma_wait3A_64, %dma_wait3A_65] : memref<2x128x128xf32, #tpu.memory_space<vmem>> -> memref<1x128x128xf32, #tpu.memory_space<vmem>>
      %dma_wait3A_67 = tpu.memref_squeeze %dma_wait3A_66 : memref<1x128x128xf32, #tpu.memory_space<vmem>> -> memref<128x128xf32, #tpu.memory_space<vmem>>
      tpu.wait_dma2 semaphore(%run_scoped3A_45 : memref<!tpu.dma_semaphore, #tpu.memory_space<semaphore_mem>>) src(%dma_wait3A_67 : memref<128x128xf32, #tpu.memory_space<vmem>>) dst(%dma_wait3A_63 : memref<128x128xf32, #tpu.memory_space<vmem_shared>>)
      tpu.yield
    }) : () -> ()
    %mul3A_13 = arith.constant 632 : i32
    %mul3A_14 = arith.muli %arg1, %mul3A_13 : i32
    %add3A_15 = arith.constant 256 : i32
    %add3A_16 = arith.addi %mul3A_14, %add3A_15 : i32
    %run_scoped3A_17 = arith.constant 0 : i32
    "tpu.region"() ({
      %run_scoped3A_45 = tpu.sem_alloc : memref<!tpu.dma_semaphore, #tpu.memory_space<semaphore_mem>>
      %dma_start3A = arith.constant 0 : i32
      %dma_start3A_46 = arith.constant 0 : i32
      %dma_start3A_47 = tpu.memref_slice %arg8[%run_scoped3A_17, %dma_start3A, %dma_start3A_46] : memref<2x128x128xf32, #tpu.memory_space<vmem>> -> memref<1x128x128xf32, #tpu.memory_space<vmem>>
      %dma_start3A_48 = tpu.memref_squeeze %dma_start3A_47 : memref<1x128x128xf32, #tpu.memory_space<vmem>> -> memref<128x128xf32, #tpu.memory_space<vmem>>
      %dma_start3A_49 = arith.constant 0 : i32
      %dma_start3A_50 = tpu.memref_slice %arg9[%add3A_16, %dma_start3A_49] : memref<10112x128xf32, #tpu.memory_space<vmem_shared>> -> memref<128x128xf32, #tpu.memory_space<vmem_shared>>
      %dma_start3A_51 = arith.constant 0 : i32
      %dma_start3A_52 = tpu.memref_slice %arg9[%add3A_16, %dma_start3A_51] : memref<10112x128xf32, #tpu.memory_space<vmem_shared>> -> memref<128x128xf32, #tpu.memory_space<vmem_shared>>
      %dma_start3A_53 = arith.constant 0 : i32
      %dma_start3A_54 = arith.constant 0 : i32
      %dma_start3A_55 = tpu.memref_slice %arg8[%run_scoped3A_17, %dma_start3A_53, %dma_start3A_54] : memref<2x128x128xf32, #tpu.memory_space<vmem>> -> memref<1x128x128xf32, #tpu.memory_space<vmem>>
      %dma_start3A_56 = tpu.memref_squeeze %dma_start3A_55 : memref<1x128x128xf32, #tpu.memory_space<vmem>> -> memref<128x128xf32, #tpu.memory_space<vmem>>
      tpu.enqueue_dma source(%dma_start3A_56 : memref<128x128xf32, #tpu.memory_space<vmem>>) target(%dma_start3A_52 : memref<128x128xf32, #tpu.memory_space<vmem_shared>>) target_semaphore(%run_scoped3A_45 : memref<!tpu.dma_semaphore, #tpu.memory_space<semaphore_mem>>)
      %dma_wait3A = arith.constant 0 : i32
      %dma_wait3A_57 = arith.constant 0 : i32
      %dma_wait3A_58 = tpu.memref_slice %arg8[%run_scoped3A_17, %dma_wait3A, %dma_wait3A_57] : memref<2x128x128xf32, #tpu.memory_space<vmem>> -> memref<1x128x128xf32, #tpu.memory_space<vmem>>
      %dma_wait3A_59 = tpu.memref_squeeze %dma_wait3A_58 : memref<1x128x128xf32, #tpu.memory_space<vmem>> -> memref<128x128xf32, #tpu.memory_space<vmem>>
      %dma_wait3A_60 = arith.constant 0 : i32
      %dma_wait3A_61 = tpu.memref_slice %arg9[%add3A_16, %dma_wait3A_60] : memref<10112x128xf32, #tpu.memory_space<vmem_shared>> -> memref<128x128xf32, #tpu.memory_space<vmem_shared>>
      %dma_wait3A_62 = arith.constant 0 : i32
      %dma_wait3A_63 = tpu.memref_slice %arg9[%add3A_16, %dma_wait3A_62] : memref<10112x128xf32, #tpu.memory_space<vmem_shared>> -> memref<128x128xf32, #tpu.memory_space<vmem_shared>>
      %dma_wait3A_64 = arith.constant 0 : i32
      %dma_wait3A_65 = arith.constant 0 : i32
      %dma_wait3A_66 = tpu.memref_slice %arg8[%run_scoped3A_17, %dma_wait3A_64, %dma_wait3A_65] : memref<2x128x128xf32, #tpu.memory_space<vmem>> -> memref<1x128x128xf32, #tpu.memory_space<vmem>>
      %dma_wait3A_67 = tpu.memref_squeeze %dma_wait3A_66 : memref<1x128x128xf32, #tpu.memory_space<vmem>> -> memref<128x128xf32, #tpu.memory_space<vmem>>
      tpu.wait_dma2 semaphore(%run_scoped3A_45 : memref<!tpu.dma_semaphore, #tpu.memory_space<semaphore_mem>>) src(%dma_wait3A_67 : memref<128x128xf32, #tpu.memory_space<vmem>>) dst(%dma_wait3A_63 : memref<128x128xf32, #tpu.memory_space<vmem_shared>>)
      tpu.yield
    }) : () -> ()
    %mul3A_18 = arith.constant 632 : i32
    %mul3A_19 = arith.muli %arg1, %mul3A_18 : i32
    %add3A_20 = arith.constant 384 : i32
    %add3A_21 = arith.addi %mul3A_19, %add3A_20 : i32
    %run_scoped3A_22 = arith.constant 0 : i32
    "tpu.region"() ({
      %run_scoped3A_45 = tpu.sem_alloc : memref<!tpu.dma_semaphore, #tpu.memory_space<semaphore_mem>>
      %dma_start3A = arith.constant 0 : i32
      %dma_start3A_46 = arith.constant 0 : i32
      %dma_start3A_47 = tpu.memref_slice %arg8[%run_scoped3A_22, %dma_start3A, %dma_start3A_46] : memref<2x128x128xf32, #tpu.memory_space<vmem>> -> memref<1x128x128xf32, #tpu.memory_space<vmem>>
      %dma_start3A_48 = tpu.memref_squeeze %dma_start3A_47 : memref<1x128x128xf32, #tpu.memory_space<vmem>> -> memref<128x128xf32, #tpu.memory_space<vmem>>
      %dma_start3A_49 = arith.constant 0 : i32
      %dma_start3A_50 = tpu.memref_slice %arg9[%add3A_21, %dma_start3A_49] : memref<10112x128xf32, #tpu.memory_space<vmem_shared>> -> memref<128x128xf32, #tpu.memory_space<vmem_shared>>
      %dma_start3A_51 = arith.constant 0 : i32
      %dma_start3A_52 = tpu.memref_slice %arg9[%add3A_21, %dma_start3A_51] : memref<10112x128xf32, #tpu.memory_space<vmem_shared>> -> memref<128x128xf32, #tpu.memory_space<vmem_shared>>
      %dma_start3A_53 = arith.constant 0 : i32
      %dma_start3A_54 = arith.constant 0 : i32
      %dma_start3A_55 = tpu.memref_slice %arg8[%run_scoped3A_22, %dma_start3A_53, %dma_start3A_54] : memref<2x128x128xf32, #tpu.memory_space<vmem>> -> memref<1x128x128xf32, #tpu.memory_space<vmem>>
      %dma_start3A_56 = tpu.memref_squeeze %dma_start3A_55 : memref<1x128x128xf32, #tpu.memory_space<vmem>> -> memref<128x128xf32, #tpu.memory_space<vmem>>
      tpu.enqueue_dma source(%dma_start3A_56 : memref<128x128xf32, #tpu.memory_space<vmem>>) target(%dma_start3A_52 : memref<128x128xf32, #tpu.memory_space<vmem_shared>>) target_semaphore(%run_scoped3A_45 : memref<!tpu.dma_semaphore, #tpu.memory_space<semaphore_mem>>)
      %dma_wait3A = arith.constant 0 : i32
      %dma_wait3A_57 = arith.constant 0 : i32
      %dma_wait3A_58 = tpu.memref_slice %arg8[%run_scoped3A_22, %dma_wait3A, %dma_wait3A_57] : memref<2x128x128xf32, #tpu.memory_space<vmem>> -> memref<1x128x128xf32, #tpu.memory_space<vmem>>
      %dma_wait3A_59 = tpu.memref_squeeze %dma_wait3A_58 : memref<1x128x128xf32, #tpu.memory_space<vmem>> -> memref<128x128xf32, #tpu.memory_space<vmem>>
      %dma_wait3A_60 = arith.constant 0 : i32
      %dma_wait3A_61 = tpu.memref_slice %arg9[%add3A_21, %dma_wait3A_60] : memref<10112x128xf32, #tpu.memory_space<vmem_shared>> -> memref<128x128xf32, #tpu.memory_space<vmem_shared>>
      %dma_wait3A_62 = arith.constant 0 : i32
      %dma_wait3A_63 = tpu.memref_slice %arg9[%add3A_21, %dma_wait3A_62] : memref<10112x128xf32, #tpu.memory_space<vmem_shared>> -> memref<128x128xf32, #tpu.memory_space<vmem_shared>>
      %dma_wait3A_64 = arith.constant 0 : i32
      %dma_wait3A_65 = arith.constant 0 : i32
      %dma_wait3A_66 = tpu.memref_slice %arg8[%run_scoped3A_22, %dma_wait3A_64, %dma_wait3A_65] : memref<2x128x128xf32, #tpu.memory_space<vmem>> -> memref<1x128x128xf32, #tpu.memory_space<vmem>>
      %dma_wait3A_67 = tpu.memref_squeeze %dma_wait3A_66 : memref<1x128x128xf32, #tpu.memory_space<vmem>> -> memref<128x128xf32, #tpu.memory_space<vmem>>
      tpu.wait_dma2 semaphore(%run_scoped3A_45 : memref<!tpu.dma_semaphore, #tpu.memory_space<semaphore_mem>>) src(%dma_wait3A_67 : memref<128x128xf32, #tpu.memory_space<vmem>>) dst(%dma_wait3A_63 : memref<128x128xf32, #tpu.memory_space<vmem_shared>>)
      tpu.yield
    }) : () -> ()
    %mul3A_23 = arith.constant 632 : i32
    %mul3A_24 = arith.muli %arg1, %mul3A_23 : i32
    %add3A_25 = arith.constant 512 : i32
    %add3A_26 = arith.addi %mul3A_24, %add3A_25 : i32
    %run_scoped3A_27 = arith.constant 0 : i32
    "tpu.region"() ({
      %run_scoped3A_45 = tpu.sem_alloc : memref<!tpu.dma_semaphore, #tpu.memory_space<semaphore_mem>>
      %dma_start3A = arith.constant 0 : i32
      %dma_start3A_46 = arith.constant 0 : i32
      %dma_start3A_47 = tpu.memref_slice %arg8[%run_scoped3A_27, %dma_start3A, %dma_start3A_46] : memref<2x128x128xf32, #tpu.memory_space<vmem>> -> memref<1x128x128xf32, #tpu.memory_space<vmem>>
      %dma_start3A_48 = tpu.memref_squeeze %dma_start3A_47 : memref<1x128x128xf32, #tpu.memory_space<vmem>> -> memref<128x128xf32, #tpu.memory_space<vmem>>
      %dma_start3A_49 = arith.constant 0 : i32
      %dma_start3A_50 = arith.constant 0 : i32
      %dma_start3A_51 = tpu.memref_slice %dma_start3A_48[%dma_start3A_49, %dma_start3A_50] : memref<128x128xf32, #tpu.memory_space<vmem>> -> memref<120x128xf32, #tpu.memory_space<vmem>>
      %dma_start3A_52 = arith.constant 0 : i32
      %dma_start3A_53 = tpu.memref_slice %arg9[%add3A_26, %dma_start3A_52] : memref<10112x128xf32, #tpu.memory_space<vmem_shared>> -> memref<120x128xf32, #tpu.memory_space<vmem_shared>>
      %dma_start3A_54 = arith.constant 0 : i32
      %dma_start3A_55 = tpu.memref_slice %arg9[%add3A_26, %dma_start3A_54] : memref<10112x128xf32, #tpu.memory_space<vmem_shared>> -> memref<120x128xf32, #tpu.memory_space<vmem_shared>>
      %dma_start3A_56 = arith.constant 0 : i32
      %dma_start3A_57 = arith.constant 0 : i32
      %dma_start3A_58 = tpu.memref_slice %arg8[%run_scoped3A_27, %dma_start3A_56, %dma_start3A_57] : memref<2x128x128xf32, #tpu.memory_space<vmem>> -> memref<1x128x128xf32, #tpu.memory_space<vmem>>
      %dma_start3A_59 = tpu.memref_squeeze %dma_start3A_58 : memref<1x128x128xf32, #tpu.memory_space<vmem>> -> memref<128x128xf32, #tpu.memory_space<vmem>>
      %dma_start3A_60 = arith.constant 0 : i32
      %dma_start3A_61 = arith.constant 0 : i32
      %dma_start3A_62 = tpu.memref_slice %dma_start3A_59[%dma_start3A_60, %dma_start3A_61] : memref<128x128xf32, #tpu.memory_space<vmem>> -> memref<120x128xf32, #tpu.memory_space<vmem>>
      tpu.enqueue_dma source(%dma_start3A_62 : memref<120x128xf32, #tpu.memory_space<vmem>>) target(%dma_start3A_55 : memref<120x128xf32, #tpu.memory_space<vmem_shared>>) target_semaphore(%run_scoped3A_45 : memref<!tpu.dma_semaphore, #tpu.memory_space<semaphore_mem>>)
      %dma_wait3A = arith.constant 0 : i32
      %dma_wait3A_63 = arith.constant 0 : i32
      %dma_wait3A_64 = tpu.memref_slice %arg8[%run_scoped3A_27, %dma_wait3A, %dma_wait3A_63] : memref<2x128x128xf32, #tpu.memory_space<vmem>> -> memref<1x128x128xf32, #tpu.memory_space<vmem>>
      %dma_wait3A_65 = tpu.memref_squeeze %dma_wait3A_64 : memref<1x128x128xf32, #tpu.memory_space<vmem>> -> memref<128x128xf32, #tpu.memory_space<vmem>>
      %dma_wait3A_66 = arith.constant 0 : i32
      %dma_wait3A_67 = arith.constant 0 : i32
      %dma_wait3A_68 = tpu.memref_slice %dma_wait3A_65[%dma_wait3A_66, %dma_wait3A_67] : memref<128x128xf32, #tpu.memory_space<vmem>> -> memref<120x128xf32, #tpu.memory_space<vmem>>
      %dma_wait3A_69 = arith.constant 0 : i32
      %dma_wait3A_70 = tpu.memref_slice %arg9[%add3A_26, %dma_wait3A_69] : memref<10112x128xf32, #tpu.memory_space<vmem_shared>> -> memref<120x128xf32, #tpu.memory_space<vmem_shared>>
      %dma_wait3A_71 = arith.constant 0 : i32
      %dma_wait3A_72 = tpu.memref_slice %arg9[%add3A_26, %dma_wait3A_71] : memref<10112x128xf32, #tpu.memory_space<vmem_shared>> -> memref<120x128xf32, #tpu.memory_space<vmem_shared>>
      %dma_wait3A_73 = arith.constant 0 : i32
      %dma_wait3A_74 = arith.constant 0 : i32
      %dma_wait3A_75 = tpu.memref_slice %arg8[%run_scoped3A_27, %dma_wait3A_73, %dma_wait3A_74] : memref<2x128x128xf32, #tpu.memory_space<vmem>> -> memref<1x128x128xf32, #tpu.memory_space<vmem>>
      %dma_wait3A_76 = tpu.memref_squeeze %dma_wait3A_75 : memref<1x128x128xf32, #tpu.memory_space<vmem>> -> memref<128x128xf32, #tpu.memory_space<vmem>>
      %dma_wait3A_77 = arith.constant 0 : i32
      %dma_wait3A_78 = arith.constant 0 : i32
      %dma_wait3A_79 = tpu.memref_slice %dma_wait3A_76[%dma_wait3A_77, %dma_wait3A_78] : memref<128x128xf32, #tpu.memory_space<vmem>> -> memref<120x128xf32, #tpu.memory_space<vmem>>
      tpu.wait_dma2 semaphore(%run_scoped3A_45 : memref<!tpu.dma_semaphore, #tpu.memory_space<semaphore_mem>>) src(%dma_wait3A_79 : memref<120x128xf32, #tpu.memory_space<vmem>>) dst(%dma_wait3A_72 : memref<120x128xf32, #tpu.memory_space<vmem_shared>>)
      tpu.yield
    }) : () -> ()
    %barrier3A = arith.constant 0 : index
    tpu.barrier barrier_id(%barrier3A)
    %run_scoped3A_28 = arith.constant 0 : i32
    %run_scoped3A_29 = arith.constant 0 : i32
    "tpu.region"() ({
      %run_scoped3A_45 = tpu.sem_alloc : memref<!tpu.dma_semaphore, #tpu.memory_space<semaphore_mem>>
      %dma_start3A = arith.constant 0 : i32
      %dma_start3A_46 = arith.constant 0 : i32
      %dma_start3A_47 = tpu.memref_slice %arg6[%run_scoped3A_29, %dma_start3A, %dma_start3A_46] : memref<2x16x128xi32, #tpu.memory_space<vmem>> -> memref<1x16x128xi32, #tpu.memory_space<vmem>>
      %dma_start3A_48 = tpu.memref_squeeze %dma_start3A_47 : memref<1x16x128xi32, #tpu.memory_space<vmem>> -> memref<16x128xi32, #tpu.memory_space<vmem>>
      %dma_start3A_49 = arith.constant 0 : i32
      %dma_start3A_50 = arith.constant 0 : i32
      %dma_start3A_51 = tpu.memref_slice %arg3[%arg1, %run_scoped3A_28, %dma_start3A_49, %dma_start3A_50] : memref<16x10x16x128xi32, #tpu.memory_space<hbm>> -> memref<1x1x16x128xi32, #tpu.memory_space<hbm>>
      %dma_start3A_52 = tpu.memref_squeeze %dma_start3A_51 : memref<1x1x16x128xi32, #tpu.memory_space<hbm>> -> memref<16x128xi32, #tpu.memory_space<hbm>>
      %dma_start3A_53 = arith.constant 0 : i32
      %dma_start3A_54 = arith.constant 0 : i32
      %dma_start3A_55 = tpu.memref_slice %arg6[%run_scoped3A_29, %dma_start3A_53, %dma_start3A_54] : memref<2x16x128xi32, #tpu.memory_space<vmem>> -> memref<1x16x128xi32, #tpu.memory_space<vmem>>
      %dma_start3A_56 = tpu.memref_squeeze %dma_start3A_55 : memref<1x16x128xi32, #tpu.memory_space<vmem>> -> memref<16x128xi32, #tpu.memory_space<vmem>>
      %dma_start3A_57 = arith.constant 0 : i32
      %dma_start3A_58 = arith.constant 0 : i32
      %dma_start3A_59 = tpu.memref_slice %arg3[%arg1, %run_scoped3A_28, %dma_start3A_57, %dma_start3A_58] : memref<16x10x16x128xi32, #tpu.memory_space<hbm>> -> memref<1x1x16x128xi32, #tpu.memory_space<hbm>>
      %dma_start3A_60 = tpu.memref_squeeze %dma_start3A_59 : memref<1x1x16x128xi32, #tpu.memory_space<hbm>> -> memref<16x128xi32, #tpu.memory_space<hbm>>
      tpu.enqueue_dma source(%dma_start3A_60 : memref<16x128xi32, #tpu.memory_space<hbm>>) target(%dma_start3A_56 : memref<16x128xi32, #tpu.memory_space<vmem>>) target_semaphore(%run_scoped3A_45 : memref<!tpu.dma_semaphore, #tpu.memory_space<semaphore_mem>>)
      %dma_wait3A = arith.constant 0 : i32
      %dma_wait3A_61 = arith.constant 0 : i32
      %dma_wait3A_62 = tpu.memref_slice %arg6[%run_scoped3A_29, %dma_wait3A, %dma_wait3A_61] : memref<2x16x128xi32, #tpu.memory_space<vmem>> -> memref<1x16x128xi32, #tpu.memory_space<vmem>>
      %dma_wait3A_63 = tpu.memref_squeeze %dma_wait3A_62 : memref<1x16x128xi32, #tpu.memory_space<vmem>> -> memref<16x128xi32, #tpu.memory_space<vmem>>
      %dma_wait3A_64 = arith.constant 0 : i32
      %dma_wait3A_65 = arith.constant 0 : i32
      %dma_wait3A_66 = tpu.memref_slice %arg3[%arg1, %run_scoped3A_28, %dma_wait3A_64, %dma_wait3A_65] : memref<16x10x16x128xi32, #tpu.memory_space<hbm>> -> memref<1x1x16x128xi32, #tpu.memory_space<hbm>>
      %dma_wait3A_67 = tpu.memref_squeeze %dma_wait3A_66 : memref<1x1x16x128xi32, #tpu.memory_space<hbm>> -> memref<16x128xi32, #tpu.memory_space<hbm>>
      %dma_wait3A_68 = arith.constant 0 : i32
      %dma_wait3A_69 = arith.constant 0 : i32
      %dma_wait3A_70 = tpu.memref_slice %arg6[%run_scoped3A_29, %dma_wait3A_68, %dma_wait3A_69] : memref<2x16x128xi32, #tpu.memory_space<vmem>> -> memref<1x16x128xi32, #tpu.memory_space<vmem>>
      %dma_wait3A_71 = tpu.memref_squeeze %dma_wait3A_70 : memref<1x16x128xi32, #tpu.memory_space<vmem>> -> memref<16x128xi32, #tpu.memory_space<vmem>>
      %dma_wait3A_72 = arith.constant 0 : i32
      %dma_wait3A_73 = arith.constant 0 : i32
      %dma_wait3A_74 = tpu.memref_slice %arg3[%arg1, %run_scoped3A_28, %dma_wait3A_72, %dma_wait3A_73] : memref<16x10x16x128xi32, #tpu.memory_space<hbm>> -> memref<1x1x16x128xi32, #tpu.memory_space<hbm>>
      %dma_wait3A_75 = tpu.memref_squeeze %dma_wait3A_74 : memref<1x1x16x128xi32, #tpu.memory_space<hbm>> -> memref<16x128xi32, #tpu.memory_space<hbm>>
      tpu.wait_dma2 semaphore(%run_scoped3A_45 : memref<!tpu.dma_semaphore, #tpu.memory_space<semaphore_mem>>) src(%dma_wait3A_75 : memref<16x128xi32, #tpu.memory_space<hbm>>) dst(%dma_wait3A_71 : memref<16x128xi32, #tpu.memory_space<vmem>>)
      tpu.yield
    }) : () -> ()
    %run_scoped3A_30 = arith.constant 0 : i32
    %run_scoped3A_31 = arith.constant 0 : i32
    "tpu.region"() ({
      %run_scoped3A_45 = tpu.sem_alloc : memref<!tpu.dma_semaphore, #tpu.memory_space<semaphore_mem>>
      %dma_start3A = arith.constant 0 : i32
      %dma_start3A_46 = arith.constant 0 : i32
      %dma_start3A_47 = tpu.memref_slice %arg7[%run_scoped3A_31, %dma_start3A, %dma_start3A_46] : memref<2x16x128xi32, #tpu.memory_space<vmem>> -> memref<1x16x128xi32, #tpu.memory_space<vmem>>
      %dma_start3A_48 = tpu.memref_squeeze %dma_start3A_47 : memref<1x16x128xi32, #tpu.memory_space<vmem>> -> memref<16x128xi32, #tpu.memory_space<vmem>>
      %dma_start3A_49 = arith.constant 0 : i32
      %dma_start3A_50 = arith.constant 0 : i32
      %dma_start3A_51 = tpu.memref_slice %arg4[%arg1, %run_scoped3A_30, %dma_start3A_49, %dma_start3A_50] : memref<16x10x16x128xi32, #tpu.memory_space<hbm>> -> memref<1x1x16x128xi32, #tpu.memory_space<hbm>>
      %dma_start3A_52 = tpu.memref_squeeze %dma_start3A_51 : memref<1x1x16x128xi32, #tpu.memory_space<hbm>> -> memref<16x128xi32, #tpu.memory_space<hbm>>
      %dma_start3A_53 = arith.constant 0 : i32
      %dma_start3A_54 = arith.constant 0 : i32
      %dma_start3A_55 = tpu.memref_slice %arg7[%run_scoped3A_31, %dma_start3A_53, %dma_start3A_54] : memref<2x16x128xi32, #tpu.memory_space<vmem>> -> memref<1x16x128xi32, #tpu.memory_space<vmem>>
      %dma_start3A_56 = tpu.memref_squeeze %dma_start3A_55 : memref<1x16x128xi32, #tpu.memory_space<vmem>> -> memref<16x128xi32, #tpu.memory_space<vmem>>
      %dma_start3A_57 = arith.constant 0 : i32
      %dma_start3A_58 = arith.constant 0 : i32
      %dma_start3A_59 = tpu.memref_slice %arg4[%arg1, %run_scoped3A_30, %dma_start3A_57, %dma_start3A_58] : memref<16x10x16x128xi32, #tpu.memory_space<hbm>> -> memref<1x1x16x128xi32, #tpu.memory_space<hbm>>
      %dma_start3A_60 = tpu.memref_squeeze %dma_start3A_59 : memref<1x1x16x128xi32, #tpu.memory_space<hbm>> -> memref<16x128xi32, #tpu.memory_space<hbm>>
      tpu.enqueue_dma source(%dma_start3A_60 : memref<16x128xi32, #tpu.memory_space<hbm>>) target(%dma_start3A_56 : memref<16x128xi32, #tpu.memory_space<vmem>>) target_semaphore(%run_scoped3A_45 : memref<!tpu.dma_semaphore, #tpu.memory_space<semaphore_mem>>)
      %dma_wait3A = arith.constant 0 : i32
      %dma_wait3A_61 = arith.constant 0 : i32
      %dma_wait3A_62 = tpu.memref_slice %arg7[%run_scoped3A_31, %dma_wait3A, %dma_wait3A_61] : memref<2x16x128xi32, #tpu.memory_space<vmem>> -> memref<1x16x128xi32, #tpu.memory_space<vmem>>
      %dma_wait3A_63 = tpu.memref_squeeze %dma_wait3A_62 : memref<1x16x128xi32, #tpu.memory_space<vmem>> -> memref<16x128xi32, #tpu.memory_space<vmem>>
      %dma_wait3A_64 = arith.constant 0 : i32
      %dma_wait3A_65 = arith.constant 0 : i32
      %dma_wait3A_66 = tpu.memref_slice %arg4[%arg1, %run_scoped3A_30, %dma_wait3A_64, %dma_wait3A_65] : memref<16x10x16x128xi32, #tpu.memory_space<hbm>> -> memref<1x1x16x128xi32, #tpu.memory_space<hbm>>
      %dma_wait3A_67 = tpu.memref_squeeze %dma_wait3A_66 : memref<1x1x16x128xi32, #tpu.memory_space<hbm>> -> memref<16x128xi32, #tpu.memory_space<hbm>>
      %dma_wait3A_68 = arith.constant 0 : i32
      %dma_wait3A_69 = arith.constant 0 : i32
      %dma_wait3A_70 = tpu.memref_slice %arg7[%run_scoped3A_31, %dma_wait3A_68, %dma_wait3A_69] : memref<2x16x128xi32, #tpu.memory_space<vmem>> -> memref<1x16x128xi32, #tpu.memory_space<vmem>>
      %dma_wait3A_71 = tpu.memref_squeeze %dma_wait3A_70 : memref<1x16x128xi32, #tpu.memory_space<vmem>> -> memref<16x128xi32, #tpu.memory_space<vmem>>
      %dma_wait3A_72 = arith.constant 0 : i32
      %dma_wait3A_73 = arith.constant 0 : i32
      %dma_wait3A_74 = tpu.memref_slice %arg4[%arg1, %run_scoped3A_30, %dma_wait3A_72, %dma_wait3A_73] : memref<16x10x16x128xi32, #tpu.memory_space<hbm>> -> memref<1x1x16x128xi32, #tpu.memory_space<hbm>>
      %dma_wait3A_75 = tpu.memref_squeeze %dma_wait3A_74 : memref<1x1x16x128xi32, #tpu.memory_space<hbm>> -> memref<16x128xi32, #tpu.memory_space<hbm>>
      tpu.wait_dma2 semaphore(%run_scoped3A_45 : memref<!tpu.dma_semaphore, #tpu.memory_space<semaphore_mem>>) src(%dma_wait3A_75 : memref<16x128xi32, #tpu.memory_space<hbm>>) dst(%dma_wait3A_71 : memref<16x128xi32, #tpu.memory_space<vmem>>)
      tpu.yield
    }) : () -> ()
    %scan3A_32 = arith.constant 0 : i32
    %scan3A_33 = arith.constant 0 : i32
    %scan3A_34 = arith.constant 10 : i32
    %scan3A_35 = arith.addi %scan3A_33, %scan3A_34 : i32
    %scan3A_36 = arith.constant 1 : i32
    scf.for %scan3A_45 = %scan3A_33 to %scan3A_35 step %scan3A_36  : i32 {
      %rem3A = arith.constant 2 : i32
      %rem3A_46 = arith.remsi %scan3A_45, %rem3A : i32
      %add3A_47 = arith.constant 1 : i32
      %add3A_48 = arith.addi %scan3A_45, %add3A_47 : i32
      %rem3A_49 = arith.constant 2 : i32
      %rem3A_50 = arith.remsi %add3A_48, %rem3A_49 : i32
      %add3A_51 = arith.constant 1 : i32
      %add3A_52 = arith.addi %scan3A_45, %add3A_51 : i32
      %lt3A = arith.constant 10 : i32
      %lt3A_53 = arith.cmpi slt, %add3A_52, %lt3A : i32
      %convert_element_type3A_54 = arith.extui %lt3A_53 : i1 to i32
      %cond3A_55 = arith.constant 0 : i32
      %cond3A_56 = arith.cmpi ne, %convert_element_type3A_54, %cond3A_55 : i32
      scf.if %cond3A_56 {
        %add3A_734 = arith.constant 1 : i32
        %add3A_735 = arith.addi %scan3A_45, %add3A_734 : i32
        %dma_start3A_736 = arith.constant 0 : i32
        %dma_start3A_737 = arith.constant 0 : i32
        %dma_start3A_738 = tpu.memref_slice %arg6[%rem3A_50, %dma_start3A_736, %dma_start3A_737] : memref<2x16x128xi32, #tpu.memory_space<vmem>> -> memref<1x16x128xi32, #tpu.memory_space<vmem>>
        %dma_start3A_739 = tpu.memref_squeeze %dma_start3A_738 : memref<1x16x128xi32, #tpu.memory_space<vmem>> -> memref<16x128xi32, #tpu.memory_space<vmem>>
        %dma_start3A_740 = arith.constant 0 : i32
        %dma_start3A_741 = arith.constant 0 : i32
        %dma_start3A_742 = tpu.memref_slice %arg3[%arg1, %add3A_735, %dma_start3A_740, %dma_start3A_741] : memref<16x10x16x128xi32, #tpu.memory_space<hbm>> -> memref<1x1x16x128xi32, #tpu.memory_space<hbm>>
        %dma_start3A_743 = tpu.memref_squeeze %dma_start3A_742 : memref<1x1x16x128xi32, #tpu.memory_space<hbm>> -> memref<16x128xi32, #tpu.memory_space<hbm>>
        %dma_start3A_744 = arith.constant 0 : i32
        %dma_start3A_745 = arith.constant 0 : i32
        %dma_start3A_746 = tpu.memref_slice %arg6[%rem3A_50, %dma_start3A_744, %dma_start3A_745] : memref<2x16x128xi32, #tpu.memory_space<vmem>> -> memref<1x16x128xi32, #tpu.memory_space<vmem>>
        %dma_start3A_747 = tpu.memref_squeeze %dma_start3A_746 : memref<1x16x128xi32, #tpu.memory_space<vmem>> -> memref<16x128xi32, #tpu.memory_space<vmem>>
        %dma_start3A_748 = arith.constant 0 : i32
        %dma_start3A_749 = arith.constant 0 : i32
        %dma_start3A_750 = tpu.memref_slice %arg3[%arg1, %add3A_735, %dma_start3A_748, %dma_start3A_749] : memref<16x10x16x128xi32, #tpu.memory_space<hbm>> -> memref<1x1x16x128xi32, #tpu.memory_space<hbm>>
        %dma_start3A_751 = tpu.memref_squeeze %dma_start3A_750 : memref<1x1x16x128xi32, #tpu.memory_space<hbm>> -> memref<16x128xi32, #tpu.memory_space<hbm>>
        tpu.enqueue_dma source(%dma_start3A_751 : memref<16x128xi32, #tpu.memory_space<hbm>>) target(%dma_start3A_747 : memref<16x128xi32, #tpu.memory_space<vmem>>) target_semaphore(%arg12 : memref<!tpu.dma_semaphore, #tpu.memory_space<semaphore_mem>>)
        %add3A_752 = arith.constant 1 : i32
        %add3A_753 = arith.addi %scan3A_45, %add3A_752 : i32
        %dma_start3A_754 = arith.constant 0 : i32
        %dma_start3A_755 = arith.constant 0 : i32
        %dma_start3A_756 = tpu.memref_slice %arg7[%rem3A_50, %dma_start3A_754, %dma_start3A_755] : memref<2x16x128xi32, #tpu.memory_space<vmem>> -> memref<1x16x128xi32, #tpu.memory_space<vmem>>
        %dma_start3A_757 = tpu.memref_squeeze %dma_start3A_756 : memref<1x16x128xi32, #tpu.memory_space<vmem>> -> memref<16x128xi32, #tpu.memory_space<vmem>>
        %dma_start3A_758 = arith.constant 0 : i32
        %dma_start3A_759 = arith.constant 0 : i32
        %dma_start3A_760 = tpu.memref_slice %arg4[%arg1, %add3A_753, %dma_start3A_758, %dma_start3A_759] : memref<16x10x16x128xi32, #tpu.memory_space<hbm>> -> memref<1x1x16x128xi32, #tpu.memory_space<hbm>>
        %dma_start3A_761 = tpu.memref_squeeze %dma_start3A_760 : memref<1x1x16x128xi32, #tpu.memory_space<hbm>> -> memref<16x128xi32, #tpu.memory_space<hbm>>
        %dma_start3A_762 = arith.constant 0 : i32
        %dma_start3A_763 = arith.constant 0 : i32
        %dma_start3A_764 = tpu.memref_slice %arg7[%rem3A_50, %dma_start3A_762, %dma_start3A_763] : memref<2x16x128xi32, #tpu.memory_space<vmem>> -> memref<1x16x128xi32, #tpu.memory_space<vmem>>
        %dma_start3A_765 = tpu.memref_squeeze %dma_start3A_764 : memref<1x16x128xi32, #tpu.memory_space<vmem>> -> memref<16x128xi32, #tpu.memory_space<vmem>>
        %dma_start3A_766 = arith.constant 0 : i32
        %dma_start3A_767 = arith.constant 0 : i32
        %dma_start3A_768 = tpu.memref_slice %arg4[%arg1, %add3A_753, %dma_start3A_766, %dma_start3A_767] : memref<16x10x16x128xi32, #tpu.memory_space<hbm>> -> memref<1x1x16x128xi32, #tpu.memory_space<hbm>>
        %dma_start3A_769 = tpu.memref_squeeze %dma_start3A_768 : memref<1x1x16x128xi32, #tpu.memory_space<hbm>> -> memref<16x128xi32, #tpu.memory_space<hbm>>
        tpu.enqueue_dma source(%dma_start3A_769 : memref<16x128xi32, #tpu.memory_space<hbm>>) target(%dma_start3A_765 : memref<16x128xi32, #tpu.memory_space<vmem>>) target_semaphore(%arg12 : memref<!tpu.dma_semaphore, #tpu.memory_space<semaphore_mem>>)
      } else {
      }
      %dma_start3A = arith.constant 0 : i32
      %dma_start3A_57 = arith.constant 0 : i32
      %dma_start3A_58 = arith.constant 0 : i32
      %dma_start3A_59 = arith.constant 0 : i32
      %dma_start3A_60 = tpu.memref_slice %arg8[%dma_start3A_57, %dma_start3A_58, %dma_start3A_59] : memref<2x128x128xf32, #tpu.memory_space<vmem>> -> memref<1x128x128xf32, #tpu.memory_space<vmem>>
      %dma_start3A_61 = tpu.memref_squeeze %dma_start3A_60 : memref<1x128x128xf32, #tpu.memory_space<vmem>> -> memref<128x128xf32, #tpu.memory_space<vmem>>
      %dma_start3A_62 = arith.constant 0 : i32
      %dma_start3A_63 = arith.constant 0 : i32
      %dma_start3A_64 = tpu.memref_slice %arg6[%rem3A_46, %dma_start3A_62, %dma_start3A_63] : memref<2x16x128xi32, #tpu.memory_space<vmem>> -> memref<1x16x128xi32, #tpu.memory_space<vmem>>
      %dma_start3A_65 = tpu.memref_squeeze %dma_start3A_64 : memref<1x16x128xi32, #tpu.memory_space<vmem>> -> memref<16x128xi32, #tpu.memory_space<vmem>>
      %dma_start3A_66 = arith.constant 0 : i32
      %dma_start3A_67 = tpu.memref_slice %dma_start3A_65[%dma_start3A, %dma_start3A_66] : memref<16x128xi32, #tpu.memory_space<vmem>> -> memref<1x128xi32, #tpu.memory_space<vmem>>
      %dma_start3A_68 = tpu.memref_squeeze %dma_start3A_67 : memref<1x128xi32, #tpu.memory_space<vmem>> -> memref<128xi32, #tpu.memory_space<vmem>>
      %dma_start3A_69 = arith.constant 0 : i32
      %dma_start3A_70 = arith.constant 0 : i32
      %dma_start3A_71 = tpu.memref_slice %arg2[%arg0, %dma_start3A_69, %dma_start3A_70] : memref<2x10000x128xf32, #tpu.memory_space<hbm>> -> memref<1x10000x128xf32, #tpu.memory_space<hbm>>
      %dma_start3A_72 = tpu.memref_squeeze %dma_start3A_71 : memref<1x10000x128xf32, #tpu.memory_space<hbm>> -> memref<10000x128xf32, #tpu.memory_space<hbm>>
      %dma_start3A_73 = arith.constant 0 : i32
      %dma_start3A_74 = arith.constant 0 : i32
      %dma_start3A_75 = tpu.memref_slice %dma_start3A_72[%dma_start3A_73, %dma_start3A_74] : memref<10000x128xf32, #tpu.memory_space<hbm>> -> memref<10000x128xf32, #tpu.memory_space<hbm>>
      tpu.enqueue_indirect_dma source(%dma_start3A_75 : memref<10000x128xf32, #tpu.memory_space<hbm>>) target(%dma_start3A_61 : memref<128x128xf32, #tpu.memory_space<vmem>>) offsets(%dma_start3A_68 : memref<128xi32, #tpu.memory_space<vmem>>) semaphore(%arg10 : memref<!tpu.dma_semaphore, #tpu.memory_space<semaphore_mem>>)
      %dma_start3A_76 = arith.constant 1 : i32
      %dma_start3A_77 = arith.constant 1 : i32
      %dma_start3A_78 = arith.constant 0 : i32
      %dma_start3A_79 = arith.constant 0 : i32
      %dma_start3A_80 = tpu.memref_slice %arg8[%dma_start3A_77, %dma_start3A_78, %dma_start3A_79] : memref<2x128x128xf32, #tpu.memory_space<vmem>> -> memref<1x128x128xf32, #tpu.memory_space<vmem>>
      %dma_start3A_81 = tpu.memref_squeeze %dma_start3A_80 : memref<1x128x128xf32, #tpu.memory_space<vmem>> -> memref<128x128xf32, #tpu.memory_space<vmem>>
      %dma_start3A_82 = arith.constant 0 : i32
      %dma_start3A_83 = arith.constant 0 : i32
      %dma_start3A_84 = tpu.memref_slice %arg6[%rem3A_46, %dma_start3A_82, %dma_start3A_83] : memref<2x16x128xi32, #tpu.memory_space<vmem>> -> memref<1x16x128xi32, #tpu.memory_space<vmem>>
      %dma_start3A_85 = tpu.memref_squeeze %dma_start3A_84 : memref<1x16x128xi32, #tpu.memory_space<vmem>> -> memref<16x128xi32, #tpu.memory_space<vmem>>
      %dma_start3A_86 = arith.constant 0 : i32
      %dma_start3A_87 = tpu.memref_slice %dma_start3A_85[%dma_start3A_76, %dma_start3A_86] : memref<16x128xi32, #tpu.memory_space<vmem>> -> memref<1x128xi32, #tpu.memory_space<vmem>>
      %dma_start3A_88 = tpu.memref_squeeze %dma_start3A_87 : memref<1x128xi32, #tpu.memory_space<vmem>> -> memref<128xi32, #tpu.memory_space<vmem>>
      %dma_start3A_89 = arith.constant 0 : i32
      %dma_start3A_90 = arith.constant 0 : i32
      %dma_start3A_91 = tpu.memref_slice %arg2[%arg0, %dma_start3A_89, %dma_start3A_90] : memref<2x10000x128xf32, #tpu.memory_space<hbm>> -> memref<1x10000x128xf32, #tpu.memory_space<hbm>>
      %dma_start3A_92 = tpu.memref_squeeze %dma_start3A_91 : memref<1x10000x128xf32, #tpu.memory_space<hbm>> -> memref<10000x128xf32, #tpu.memory_space<hbm>>
      %dma_start3A_93 = arith.constant 0 : i32
      %dma_start3A_94 = arith.constant 0 : i32
      %dma_start3A_95 = tpu.memref_slice %dma_start3A_92[%dma_start3A_93, %dma_start3A_94] : memref<10000x128xf32, #tpu.memory_space<hbm>> -> memref<10000x128xf32, #tpu.memory_space<hbm>>
      tpu.enqueue_indirect_dma source(%dma_start3A_95 : memref<10000x128xf32, #tpu.memory_space<hbm>>) target(%dma_start3A_81 : memref<128x128xf32, #tpu.memory_space<vmem>>) offsets(%dma_start3A_88 : memref<128xi32, #tpu.memory_space<vmem>>) semaphore(%arg11 : memref<!tpu.dma_semaphore, #tpu.memory_space<semaphore_mem>>)
      %dma_wait3A = arith.constant 0 : i32
      %dma_wait3A_96 = arith.constant 0 : i32
      %dma_wait3A_97 = arith.constant 0 : i32
      %dma_wait3A_98 = arith.constant 0 : i32
      %dma_wait3A_99 = tpu.memref_slice %arg8[%dma_wait3A_96, %dma_wait3A_97, %dma_wait3A_98] : memref<2x128x128xf32, #tpu.memory_space<vmem>> -> memref<1x128x128xf32, #tpu.memory_space<vmem>>
      %dma_wait3A_100 = tpu.memref_squeeze %dma_wait3A_99 : memref<1x128x128xf32, #tpu.memory_space<vmem>> -> memref<128x128xf32, #tpu.memory_space<vmem>>
      %dma_wait3A_101 = arith.constant 0 : i32
      %dma_wait3A_102 = arith.constant 0 : i32
      %dma_wait3A_103 = tpu.memref_slice %arg6[%rem3A_46, %dma_wait3A_101, %dma_wait3A_102] : memref<2x16x128xi32, #tpu.memory_space<vmem>> -> memref<1x16x128xi32, #tpu.memory_space<vmem>>
      %dma_wait3A_104 = tpu.memref_squeeze %dma_wait3A_103 : memref<1x16x128xi32, #tpu.memory_space<vmem>> -> memref<16x128xi32, #tpu.memory_space<vmem>>
      %dma_wait3A_105 = arith.constant 0 : i32
      %dma_wait3A_106 = tpu.memref_slice %dma_wait3A_104[%dma_wait3A, %dma_wait3A_105] : memref<16x128xi32, #tpu.memory_space<vmem>> -> memref<1x128xi32, #tpu.memory_space<vmem>>
      %dma_wait3A_107 = tpu.memref_squeeze %dma_wait3A_106 : memref<1x128xi32, #tpu.memory_space<vmem>> -> memref<128xi32, #tpu.memory_space<vmem>>
      %dma_wait3A_108 = arith.constant 0 : i32
      %dma_wait3A_109 = arith.constant 0 : i32
      %dma_wait3A_110 = tpu.memref_slice %arg2[%arg0, %dma_wait3A_108, %dma_wait3A_109] : memref<2x10000x128xf32, #tpu.memory_space<hbm>> -> memref<1x10000x128xf32, #tpu.memory_space<hbm>>
      %dma_wait3A_111 = tpu.memref_squeeze %dma_wait3A_110 : memref<1x10000x128xf32, #tpu.memory_space<hbm>> -> memref<10000x128xf32, #tpu.memory_space<hbm>>
      %dma_wait3A_112 = arith.constant 0 : i32
      %dma_wait3A_113 = arith.constant 0 : i32
      %dma_wait3A_114 = tpu.memref_slice %dma_wait3A_111[%dma_wait3A_112, %dma_wait3A_113] : memref<10000x128xf32, #tpu.memory_space<hbm>> -> memref<10000x128xf32, #tpu.memory_space<hbm>>
      tpu.wait_indirect_dma semaphore(%arg10 : memref<!tpu.dma_semaphore, #tpu.memory_space<semaphore_mem>>) src(%dma_wait3A_114 : memref<10000x128xf32, #tpu.memory_space<hbm>>) dst(%dma_wait3A_100 : memref<128x128xf32, #tpu.memory_space<vmem>>)
      %run_scoped3A_115 = arith.constant 0 : i32
      %run_scoped3A_116 = arith.constant 0 : i32
      "tpu.region"() ({
        %run_scoped3A_734 = tpu.sem_alloc : memref<!tpu.dma_semaphore, #tpu.memory_space<semaphore_mem>>
        %dma_start3A_735 = arith.constant 0 : i32
        %dma_start3A_736 = arith.constant 0 : i32
        %dma_start3A_737 = tpu.memref_slice %arg8[%run_scoped3A_115, %dma_start3A_735, %dma_start3A_736] : memref<2x128x128xf32, #tpu.memory_space<vmem>> -> memref<1x128x128xf32, #tpu.memory_space<vmem>>
        %dma_start3A_738 = tpu.memref_squeeze %dma_start3A_737 : memref<1x128x128xf32, #tpu.memory_space<vmem>> -> memref<128x128xf32, #tpu.memory_space<vmem>>
        %dma_start3A_739 = arith.constant 0 : i32
        %dma_start3A_740 = arith.constant 0 : i32
        %dma_start3A_741 = tpu.memref_slice %arg7[%rem3A_46, %dma_start3A_739, %dma_start3A_740] : memref<2x16x128xi32, #tpu.memory_space<vmem>> -> memref<1x16x128xi32, #tpu.memory_space<vmem>>
        %dma_start3A_742 = tpu.memref_squeeze %dma_start3A_741 : memref<1x16x128xi32, #tpu.memory_space<vmem>> -> memref<16x128xi32, #tpu.memory_space<vmem>>
        %dma_start3A_743 = arith.constant 0 : i32
        %dma_start3A_744 = tpu.memref_slice %dma_start3A_742[%run_scoped3A_116, %dma_start3A_743] : memref<16x128xi32, #tpu.memory_space<vmem>> -> memref<1x128xi32, #tpu.memory_space<vmem>>
        %dma_start3A_745 = tpu.memref_squeeze %dma_start3A_744 : memref<1x128xi32, #tpu.memory_space<vmem>> -> memref<128xi32, #tpu.memory_space<vmem>>
        %dma_start3A_746 = arith.constant 0 : i32
        %dma_start3A_747 = arith.constant 0 : i32
        %dma_start3A_748 = tpu.memref_slice %arg9[%dma_start3A_746, %dma_start3A_747] : memref<10112x128xf32, #tpu.memory_space<vmem_shared>> -> memref<10112x128xf32, #tpu.memory_space<vmem_shared>>
        tpu.enqueue_indirect_dma source(%dma_start3A_738 : memref<128x128xf32, #tpu.memory_space<vmem>>) target(%dma_start3A_748 : memref<10112x128xf32, #tpu.memory_space<vmem_shared>>) offsets(%dma_start3A_745 : memref<128xi32, #tpu.memory_space<vmem>>) semaphore(%run_scoped3A_734 : memref<!tpu.dma_semaphore, #tpu.memory_space<semaphore_mem>>) {add = true}
        %dma_wait3A_749 = arith.constant 0 : i32
        %dma_wait3A_750 = arith.constant 0 : i32
        %dma_wait3A_751 = tpu.memref_slice %arg8[%run_scoped3A_115, %dma_wait3A_749, %dma_wait3A_750] : memref<2x128x128xf32, #tpu.memory_space<vmem>> -> memref<1x128x128xf32, #tpu.memory_space<vmem>>
        %dma_wait3A_752 = tpu.memref_squeeze %dma_wait3A_751 : memref<1x128x128xf32, #tpu.memory_space<vmem>> -> memref<128x128xf32, #tpu.memory_space<vmem>>
        %dma_wait3A_753 = arith.constant 0 : i32
        %dma_wait3A_754 = arith.constant 0 : i32
        %dma_wait3A_755 = tpu.memref_slice %arg7[%rem3A_46, %dma_wait3A_753, %dma_wait3A_754] : memref<2x16x128xi32, #tpu.memory_space<vmem>> -> memref<1x16x128xi32, #tpu.memory_space<vmem>>
        %dma_wait3A_756 = tpu.memref_squeeze %dma_wait3A_755 : memref<1x16x128xi32, #tpu.memory_space<vmem>> -> memref<16x128xi32, #tpu.memory_space<vmem>>
        %dma_wait3A_757 = arith.constant 0 : i32
        %dma_wait3A_758 = tpu.memref_slice %dma_wait3A_756[%run_scoped3A_116, %dma_wait3A_757] : memref<16x128xi32, #tpu.memory_space<vmem>> -> memref<1x128xi32, #tpu.memory_space<vmem>>
        %dma_wait3A_759 = tpu.memref_squeeze %dma_wait3A_758 : memref<1x128xi32, #tpu.memory_space<vmem>> -> memref<128xi32, #tpu.memory_space<vmem>>
        %dma_wait3A_760 = arith.constant 0 : i32
        %dma_wait3A_761 = arith.constant 0 : i32
        %dma_wait3A_762 = tpu.memref_slice %arg9[%dma_wait3A_760, %dma_wait3A_761] : memref<10112x128xf32, #tpu.memory_space<vmem_shared>> -> memref<10112x128xf32, #tpu.memory_space<vmem_shared>>
        tpu.wait_indirect_dma semaphore(%run_scoped3A_734 : memref<!tpu.dma_semaphore, #tpu.memory_space<semaphore_mem>>) src(%dma_wait3A_752 : memref<128x128xf32, #tpu.memory_space<vmem>>) dst(%dma_wait3A_762 : memref<10112x128xf32, #tpu.memory_space<vmem_shared>>)
        tpu.yield
      }) : () -> ()
      %dma_start3A_117 = arith.constant 2 : i32
      %dma_start3A_118 = arith.constant 0 : i32
      %dma_start3A_119 = arith.constant 0 : i32
      %dma_start3A_120 = arith.constant 0 : i32
      %dma_start3A_121 = tpu.memref_slice %arg8[%dma_start3A_118, %dma_start3A_119, %dma_start3A_120] : memref<2x128x128xf32, #tpu.memory_space<vmem>> -> memref<1x128x128xf32, #tpu.memory_space<vmem>>
      %dma_start3A_122 = tpu.memref_squeeze %dma_start3A_121 : memref<1x128x128xf32, #tpu.memory_space<vmem>> -> memref<128x128xf32, #tpu.memory_space<vmem>>
      %dma_start3A_123 = arith.constant 0 : i32
      %dma_start3A_124 = arith.constant 0 : i32
      %dma_start3A_125 = tpu.memref_slice %arg6[%rem3A_46, %dma_start3A_123, %dma_start3A_124] : memref<2x16x128xi32, #tpu.memory_space<vmem>> -> memref<1x16x128xi32, #tpu.memory_space<vmem>>
      %dma_start3A_126 = tpu.memref_squeeze %dma_start3A_125 : memref<1x16x128xi32, #tpu.memory_space<vmem>> -> memref<16x128xi32, #tpu.memory_space<vmem>>
      %dma_start3A_127 = arith.constant 0 : i32
      %dma_start3A_128 = tpu.memref_slice %dma_start3A_126[%dma_start3A_117, %dma_start3A_127] : memref<16x128xi32, #tpu.memory_space<vmem>> -> memref<1x128xi32, #tpu.memory_space<vmem>>
      %dma_start3A_129 = tpu.memref_squeeze %dma_start3A_128 : memref<1x128xi32, #tpu.memory_space<vmem>> -> memref<128xi32, #tpu.memory_space<vmem>>
      %dma_start3A_130 = arith.constant 0 : i32
      %dma_start3A_131 = arith.constant 0 : i32
      %dma_start3A_132 = tpu.memref_slice %arg2[%arg0, %dma_start3A_130, %dma_start3A_131] : memref<2x10000x128xf32, #tpu.memory_space<hbm>> -> memref<1x10000x128xf32, #tpu.memory_space<hbm>>
      %dma_start3A_133 = tpu.memref_squeeze %dma_start3A_132 : memref<1x10000x128xf32, #tpu.memory_space<hbm>> -> memref<10000x128xf32, #tpu.memory_space<hbm>>
      %dma_start3A_134 = arith.constant 0 : i32
      %dma_start3A_135 = arith.constant 0 : i32
      %dma_start3A_136 = tpu.memref_slice %dma_start3A_133[%dma_start3A_134, %dma_start3A_135] : memref<10000x128xf32, #tpu.memory_space<hbm>> -> memref<10000x128xf32, #tpu.memory_space<hbm>>
      tpu.enqueue_indirect_dma source(%dma_start3A_136 : memref<10000x128xf32, #tpu.memory_space<hbm>>) target(%dma_start3A_122 : memref<128x128xf32, #tpu.memory_space<vmem>>) offsets(%dma_start3A_129 : memref<128xi32, #tpu.memory_space<vmem>>) semaphore(%arg10 : memref<!tpu.dma_semaphore, #tpu.memory_space<semaphore_mem>>)
      %dma_wait3A_137 = arith.constant 1 : i32
      %dma_wait3A_138 = arith.constant 1 : i32
      %dma_wait3A_139 = arith.constant 0 : i32
      %dma_wait3A_140 = arith.constant 0 : i32
      %dma_wait3A_141 = tpu.memref_slice %arg8[%dma_wait3A_138, %dma_wait3A_139, %dma_wait3A_140] : memref<2x128x128xf32, #tpu.memory_space<vmem>> -> memref<1x128x128xf32, #tpu.memory_space<vmem>>
      %dma_wait3A_142 = tpu.memref_squeeze %dma_wait3A_141 : memref<1x128x128xf32, #tpu.memory_space<vmem>> -> memref<128x128xf32, #tpu.memory_space<vmem>>
      %dma_wait3A_143 = arith.constant 0 : i32
      %dma_wait3A_144 = arith.constant 0 : i32
      %dma_wait3A_145 = tpu.memref_slice %arg6[%rem3A_46, %dma_wait3A_143, %dma_wait3A_144] : memref<2x16x128xi32, #tpu.memory_space<vmem>> -> memref<1x16x128xi32, #tpu.memory_space<vmem>>
      %dma_wait3A_146 = tpu.memref_squeeze %dma_wait3A_145 : memref<1x16x128xi32, #tpu.memory_space<vmem>> -> memref<16x128xi32, #tpu.memory_space<vmem>>
      %dma_wait3A_147 = arith.constant 0 : i32
      %dma_wait3A_148 = tpu.memref_slice %dma_wait3A_146[%dma_wait3A_137, %dma_wait3A_147] : memref<16x128xi32, #tpu.memory_space<vmem>> -> memref<1x128xi32, #tpu.memory_space<vmem>>
      %dma_wait3A_149 = tpu.memref_squeeze %dma_wait3A_148 : memref<1x128xi32, #tpu.memory_space<vmem>> -> memref<128xi32, #tpu.memory_space<vmem>>
      %dma_wait3A_150 = arith.constant 0 : i32
      %dma_wait3A_151 = arith.constant 0 : i32
      %dma_wait3A_152 = tpu.memref_slice %arg2[%arg0, %dma_wait3A_150, %dma_wait3A_151] : memref<2x10000x128xf32, #tpu.memory_space<hbm>> -> memref<1x10000x128xf32, #tpu.memory_space<hbm>>
      %dma_wait3A_153 = tpu.memref_squeeze %dma_wait3A_152 : memref<1x10000x128xf32, #tpu.memory_space<hbm>> -> memref<10000x128xf32, #tpu.memory_space<hbm>>
      %dma_wait3A_154 = arith.constant 0 : i32
      %dma_wait3A_155 = arith.constant 0 : i32
      %dma_wait3A_156 = tpu.memref_slice %dma_wait3A_153[%dma_wait3A_154, %dma_wait3A_155] : memref<10000x128xf32, #tpu.memory_space<hbm>> -> memref<10000x128xf32, #tpu.memory_space<hbm>>
      tpu.wait_indirect_dma semaphore(%arg11 : memref<!tpu.dma_semaphore, #tpu.memory_space<semaphore_mem>>) src(%dma_wait3A_156 : memref<10000x128xf32, #tpu.memory_space<hbm>>) dst(%dma_wait3A_142 : memref<128x128xf32, #tpu.memory_space<vmem>>)
      %run_scoped3A_157 = arith.constant 1 : i32
      %run_scoped3A_158 = arith.constant 1 : i32
      "tpu.region"() ({
        %run_scoped3A_734 = tpu.sem_alloc : memref<!tpu.dma_semaphore, #tpu.memory_space<semaphore_mem>>
        %dma_start3A_735 = arith.constant 0 : i32
        %dma_start3A_736 = arith.constant 0 : i32
        %dma_start3A_737 = tpu.memref_slice %arg8[%run_scoped3A_157, %dma_start3A_735, %dma_start3A_736] : memref<2x128x128xf32, #tpu.memory_space<vmem>> -> memref<1x128x128xf32, #tpu.memory_space<vmem>>
        %dma_start3A_738 = tpu.memref_squeeze %dma_start3A_737 : memref<1x128x128xf32, #tpu.memory_space<vmem>> -> memref<128x128xf32, #tpu.memory_space<vmem>>
        %dma_start3A_739 = arith.constant 0 : i32
        %dma_start3A_740 = arith.constant 0 : i32
        %dma_start3A_741 = tpu.memref_slice %arg7[%rem3A_46, %dma_start3A_739, %dma_start3A_740] : memref<2x16x128xi32, #tpu.memory_space<vmem>> -> memref<1x16x128xi32, #tpu.memory_space<vmem>>
        %dma_start3A_742 = tpu.memref_squeeze %dma_start3A_741 : memref<1x16x128xi32, #tpu.memory_space<vmem>> -> memref<16x128xi32, #tpu.memory_space<vmem>>
        %dma_start3A_743 = arith.constant 0 : i32
        %dma_start3A_744 = tpu.memref_slice %dma_start3A_742[%run_scoped3A_158, %dma_start3A_743] : memref<16x128xi32, #tpu.memory_space<vmem>> -> memref<1x128xi32, #tpu.memory_space<vmem>>
        %dma_start3A_745 = tpu.memref_squeeze %dma_start3A_744 : memref<1x128xi32, #tpu.memory_space<vmem>> -> memref<128xi32, #tpu.memory_space<vmem>>
        %dma_start3A_746 = arith.constant 0 : i32
        %dma_start3A_747 = arith.constant 0 : i32
        %dma_start3A_748 = tpu.memref_slice %arg9[%dma_start3A_746, %dma_start3A_747] : memref<10112x128xf32, #tpu.memory_space<vmem_shared>> -> memref<10112x128xf32, #tpu.memory_space<vmem_shared>>
        tpu.enqueue_indirect_dma source(%dma_start3A_738 : memref<128x128xf32, #tpu.memory_space<vmem>>) target(%dma_start3A_748 : memref<10112x128xf32, #tpu.memory_space<vmem_shared>>) offsets(%dma_start3A_745 : memref<128xi32, #tpu.memory_space<vmem>>) semaphore(%run_scoped3A_734 : memref<!tpu.dma_semaphore, #tpu.memory_space<semaphore_mem>>) {add = true}
        %dma_wait3A_749 = arith.constant 0 : i32
        %dma_wait3A_750 = arith.constant 0 : i32
        %dma_wait3A_751 = tpu.memref_slice %arg8[%run_scoped3A_157, %dma_wait3A_749, %dma_wait3A_750] : memref<2x128x128xf32, #tpu.memory_space<vmem>> -> memref<1x128x128xf32, #tpu.memory_space<vmem>>
        %dma_wait3A_752 = tpu.memref_squeeze %dma_wait3A_751 : memref<1x128x128xf32, #tpu.memory_space<vmem>> -> memref<128x128xf32, #tpu.memory_space<vmem>>
        %dma_wait3A_753 = arith.constant 0 : i32
        %dma_wait3A_754 = arith.constant 0 : i32
        %dma_wait3A_755 = tpu.memref_slice %arg7[%rem3A_46, %dma_wait3A_753, %dma_wait3A_754] : memref<2x16x128xi32, #tpu.memory_space<vmem>> -> memref<1x16x128xi32, #tpu.memory_space<vmem>>
        %dma_wait3A_756 = tpu.memref_squeeze %dma_wait3A_755 : memref<1x16x128xi32, #tpu.memory_space<vmem>> -> memref<16x128xi32, #tpu.memory_space<vmem>>
        %dma_wait3A_757 = arith.constant 0 : i32
        %dma_wait3A_758 = tpu.memref_slice %dma_wait3A_756[%run_scoped3A_158, %dma_wait3A_757] : memref<16x128xi32, #tpu.memory_space<vmem>> -> memref<1x128xi32, #tpu.memory_space<vmem>>
        %dma_wait3A_759 = tpu.memref_squeeze %dma_wait3A_758 : memref<1x128xi32, #tpu.memory_space<vmem>> -> memref<128xi32, #tpu.memory_space<vmem>>
        %dma_wait3A_760 = arith.constant 0 : i32
        %dma_wait3A_761 = arith.constant 0 : i32
        %dma_wait3A_762 = tpu.memref_slice %arg9[%dma_wait3A_760, %dma_wait3A_761] : memref<10112x128xf32, #tpu.memory_space<vmem_shared>> -> memref<10112x128xf32, #tpu.memory_space<vmem_shared>>
        tpu.wait_indirect_dma semaphore(%run_scoped3A_734 : memref<!tpu.dma_semaphore, #tpu.memory_space<semaphore_mem>>) src(%dma_wait3A_752 : memref<128x128xf32, #tpu.memory_space<vmem>>) dst(%dma_wait3A_762 : memref<10112x128xf32, #tpu.memory_space<vmem_shared>>)
        tpu.yield
      }) : () -> ()
      %dma_start3A_159 = arith.constant 3 : i32
      %dma_start3A_160 = arith.constant 1 : i32
      %dma_start3A_161 = arith.constant 0 : i32
      %dma_start3A_162 = arith.constant 0 : i32
      %dma_start3A_163 = tpu.memref_slice %arg8[%dma_start3A_160, %dma_start3A_161, %dma_start3A_162] : memref<2x128x128xf32, #tpu.memory_space<vmem>> -> memref<1x128x128xf32, #tpu.memory_space<vmem>>
      %dma_start3A_164 = tpu.memref_squeeze %dma_start3A_163 : memref<1x128x128xf32, #tpu.memory_space<vmem>> -> memref<128x128xf32, #tpu.memory_space<vmem>>
      %dma_start3A_165 = arith.constant 0 : i32
      %dma_start3A_166 = arith.constant 0 : i32
      %dma_start3A_167 = tpu.memref_slice %arg6[%rem3A_46, %dma_start3A_165, %dma_start3A_166] : memref<2x16x128xi32, #tpu.memory_space<vmem>> -> memref<1x16x128xi32, #tpu.memory_space<vmem>>
      %dma_start3A_168 = tpu.memref_squeeze %dma_start3A_167 : memref<1x16x128xi32, #tpu.memory_space<vmem>> -> memref<16x128xi32, #tpu.memory_space<vmem>>
      %dma_start3A_169 = arith.constant 0 : i32
      %dma_start3A_170 = tpu.memref_slice %dma_start3A_168[%dma_start3A_159, %dma_start3A_169] : memref<16x128xi32, #tpu.memory_space<vmem>> -> memref<1x128xi32, #tpu.memory_space<vmem>>
      %dma_start3A_171 = tpu.memref_squeeze %dma_start3A_170 : memref<1x128xi32, #tpu.memory_space<vmem>> -> memref<128xi32, #tpu.memory_space<vmem>>
      %dma_start3A_172 = arith.constant 0 : i32
      %dma_start3A_173 = arith.constant 0 : i32
      %dma_start3A_174 = tpu.memref_slice %arg2[%arg0, %dma_start3A_172, %dma_start3A_173] : memref<2x10000x128xf32, #tpu.memory_space<hbm>> -> memref<1x10000x128xf32, #tpu.memory_space<hbm>>
      %dma_start3A_175 = tpu.memref_squeeze %dma_start3A_174 : memref<1x10000x128xf32, #tpu.memory_space<hbm>> -> memref<10000x128xf32, #tpu.memory_space<hbm>>
      %dma_start3A_176 = arith.constant 0 : i32
      %dma_start3A_177 = arith.constant 0 : i32
      %dma_start3A_178 = tpu.memref_slice %dma_start3A_175[%dma_start3A_176, %dma_start3A_177] : memref<10000x128xf32, #tpu.memory_space<hbm>> -> memref<10000x128xf32, #tpu.memory_space<hbm>>
      tpu.enqueue_indirect_dma source(%dma_start3A_178 : memref<10000x128xf32, #tpu.memory_space<hbm>>) target(%dma_start3A_164 : memref<128x128xf32, #tpu.memory_space<vmem>>) offsets(%dma_start3A_171 : memref<128xi32, #tpu.memory_space<vmem>>) semaphore(%arg11 : memref<!tpu.dma_semaphore, #tpu.memory_space<semaphore_mem>>)
      %dma_wait3A_179 = arith.constant 2 : i32
      %dma_wait3A_180 = arith.constant 0 : i32
      %dma_wait3A_181 = arith.constant 0 : i32
      %dma_wait3A_182 = arith.constant 0 : i32
      %dma_wait3A_183 = tpu.memref_slice %arg8[%dma_wait3A_180, %dma_wait3A_181, %dma_wait3A_182] : memref<2x128x128xf32, #tpu.memory_space<vmem>> -> memref<1x128x128xf32, #tpu.memory_space<vmem>>
      %dma_wait3A_184 = tpu.memref_squeeze %dma_wait3A_183 : memref<1x128x128xf32, #tpu.memory_space<vmem>> -> memref<128x128xf32, #tpu.memory_space<vmem>>
      %dma_wait3A_185 = arith.constant 0 : i32
      %dma_wait3A_186 = arith.constant 0 : i32
      %dma_wait3A_187 = tpu.memref_slice %arg6[%rem3A_46, %dma_wait3A_185, %dma_wait3A_186] : memref<2x16x128xi32, #tpu.memory_space<vmem>> -> memref<1x16x128xi32, #tpu.memory_space<vmem>>
      %dma_wait3A_188 = tpu.memref_squeeze %dma_wait3A_187 : memref<1x16x128xi32, #tpu.memory_space<vmem>> -> memref<16x128xi32, #tpu.memory_space<vmem>>
      %dma_wait3A_189 = arith.constant 0 : i32
      %dma_wait3A_190 = tpu.memref_slice %dma_wait3A_188[%dma_wait3A_179, %dma_wait3A_189] : memref<16x128xi32, #tpu.memory_space<vmem>> -> memref<1x128xi32, #tpu.memory_space<vmem>>
      %dma_wait3A_191 = tpu.memref_squeeze %dma_wait3A_190 : memref<1x128xi32, #tpu.memory_space<vmem>> -> memref<128xi32, #tpu.memory_space<vmem>>
      %dma_wait3A_192 = arith.constant 0 : i32
      %dma_wait3A_193 = arith.constant 0 : i32
      %dma_wait3A_194 = tpu.memref_slice %arg2[%arg0, %dma_wait3A_192, %dma_wait3A_193] : memref<2x10000x128xf32, #tpu.memory_space<hbm>> -> memref<1x10000x128xf32, #tpu.memory_space<hbm>>
      %dma_wait3A_195 = tpu.memref_squeeze %dma_wait3A_194 : memref<1x10000x128xf32, #tpu.memory_space<hbm>> -> memref<10000x128xf32, #tpu.memory_space<hbm>>
      %dma_wait3A_196 = arith.constant 0 : i32
      %dma_wait3A_197 = arith.constant 0 : i32
      %dma_wait3A_198 = tpu.memref_slice %dma_wait3A_195[%dma_wait3A_196, %dma_wait3A_197] : memref<10000x128xf32, #tpu.memory_space<hbm>> -> memref<10000x128xf32, #tpu.memory_space<hbm>>
      tpu.wait_indirect_dma semaphore(%arg10 : memref<!tpu.dma_semaphore, #tpu.memory_space<semaphore_mem>>) src(%dma_wait3A_198 : memref<10000x128xf32, #tpu.memory_space<hbm>>) dst(%dma_wait3A_184 : memref<128x128xf32, #tpu.memory_space<vmem>>)
      %run_scoped3A_199 = arith.constant 0 : i32
      %run_scoped3A_200 = arith.constant 2 : i32
      "tpu.region"() ({
        %run_scoped3A_734 = tpu.sem_alloc : memref<!tpu.dma_semaphore, #tpu.memory_space<semaphore_mem>>
        %dma_start3A_735 = arith.constant 0 : i32
        %dma_start3A_736 = arith.constant 0 : i32
        %dma_start3A_737 = tpu.memref_slice %arg8[%run_scoped3A_199, %dma_start3A_735, %dma_start3A_736] : memref<2x128x128xf32, #tpu.memory_space<vmem>> -> memref<1x128x128xf32, #tpu.memory_space<vmem>>
        %dma_start3A_738 = tpu.memref_squeeze %dma_start3A_737 : memref<1x128x128xf32, #tpu.memory_space<vmem>> -> memref<128x128xf32, #tpu.memory_space<vmem>>
        %dma_start3A_739 = arith.constant 0 : i32
        %dma_start3A_740 = arith.constant 0 : i32
        %dma_start3A_741 = tpu.memref_slice %arg7[%rem3A_46, %dma_start3A_739, %dma_start3A_740] : memref<2x16x128xi32, #tpu.memory_space<vmem>> -> memref<1x16x128xi32, #tpu.memory_space<vmem>>
        %dma_start3A_742 = tpu.memref_squeeze %dma_start3A_741 : memref<1x16x128xi32, #tpu.memory_space<vmem>> -> memref<16x128xi32, #tpu.memory_space<vmem>>
        %dma_start3A_743 = arith.constant 0 : i32
        %dma_start3A_744 = tpu.memref_slice %dma_start3A_742[%run_scoped3A_200, %dma_start3A_743] : memref<16x128xi32, #tpu.memory_space<vmem>> -> memref<1x128xi32, #tpu.memory_space<vmem>>
        %dma_start3A_745 = tpu.memref_squeeze %dma_start3A_744 : memref<1x128xi32, #tpu.memory_space<vmem>> -> memref<128xi32, #tpu.memory_space<vmem>>
        %dma_start3A_746 = arith.constant 0 : i32
        %dma_start3A_747 = arith.constant 0 : i32
        %dma_start3A_748 = tpu.memref_slice %arg9[%dma_start3A_746, %dma_start3A_747] : memref<10112x128xf32, #tpu.memory_space<vmem_shared>> -> memref<10112x128xf32, #tpu.memory_space<vmem_shared>>
        tpu.enqueue_indirect_dma source(%dma_start3A_738 : memref<128x128xf32, #tpu.memory_space<vmem>>) target(%dma_start3A_748 : memref<10112x128xf32, #tpu.memory_space<vmem_shared>>) offsets(%dma_start3A_745 : memref<128xi32, #tpu.memory_space<vmem>>) semaphore(%run_scoped3A_734 : memref<!tpu.dma_semaphore, #tpu.memory_space<semaphore_mem>>) {add = true}
        %dma_wait3A_749 = arith.constant 0 : i32
        %dma_wait3A_750 = arith.constant 0 : i32
        %dma_wait3A_751 = tpu.memref_slice %arg8[%run_scoped3A_199, %dma_wait3A_749, %dma_wait3A_750] : memref<2x128x128xf32, #tpu.memory_space<vmem>> -> memref<1x128x128xf32, #tpu.memory_space<vmem>>
        %dma_wait3A_752 = tpu.memref_squeeze %dma_wait3A_751 : memref<1x128x128xf32, #tpu.memory_space<vmem>> -> memref<128x128xf32, #tpu.memory_space<vmem>>
        %dma_wait3A_753 = arith.constant 0 : i32
        %dma_wait3A_754 = arith.constant 0 : i32
        %dma_wait3A_755 = tpu.memref_slice %arg7[%rem3A_46, %dma_wait3A_753, %dma_wait3A_754] : memref<2x16x128xi32, #tpu.memory_space<vmem>> -> memref<1x16x128xi32, #tpu.memory_space<vmem>>
        %dma_wait3A_756 = tpu.memref_squeeze %dma_wait3A_755 : memref<1x16x128xi32, #tpu.memory_space<vmem>> -> memref<16x128xi32, #tpu.memory_space<vmem>>
        %dma_wait3A_757 = arith.constant 0 : i32
        %dma_wait3A_758 = tpu.memref_slice %dma_wait3A_756[%run_scoped3A_200, %dma_wait3A_757] : memref<16x128xi32, #tpu.memory_space<vmem>> -> memref<1x128xi32, #tpu.memory_space<vmem>>
        %dma_wait3A_759 = tpu.memref_squeeze %dma_wait3A_758 : memref<1x128xi32, #tpu.memory_space<vmem>> -> memref<128xi32, #tpu.memory_space<vmem>>
        %dma_wait3A_760 = arith.constant 0 : i32
        %dma_wait3A_761 = arith.constant 0 : i32
        %dma_wait3A_762 = tpu.memref_slice %arg9[%dma_wait3A_760, %dma_wait3A_761] : memref<10112x128xf32, #tpu.memory_space<vmem_shared>> -> memref<10112x128xf32, #tpu.memory_space<vmem_shared>>
        tpu.wait_indirect_dma semaphore(%run_scoped3A_734 : memref<!tpu.dma_semaphore, #tpu.memory_space<semaphore_mem>>) src(%dma_wait3A_752 : memref<128x128xf32, #tpu.memory_space<vmem>>) dst(%dma_wait3A_762 : memref<10112x128xf32, #tpu.memory_space<vmem_shared>>)
        tpu.yield
      }) : () -> ()
      %dma_start3A_201 = arith.constant 4 : i32
      %dma_start3A_202 = arith.constant 0 : i32
      %dma_start3A_203 = arith.constant 0 : i32
      %dma_start3A_204 = arith.constant 0 : i32
      %dma_start3A_205 = tpu.memref_slice %arg8[%dma_start3A_202, %dma_start3A_203, %dma_start3A_204] : memref<2x128x128xf32, #tpu.memory_space<vmem>> -> memref<1x128x128xf32, #tpu.memory_space<vmem>>
      %dma_start3A_206 = tpu.memref_squeeze %dma_start3A_205 : memref<1x128x128xf32, #tpu.memory_space<vmem>> -> memref<128x128xf32, #tpu.memory_space<vmem>>
      %dma_start3A_207 = arith.constant 0 : i32
      %dma_start3A_208 = arith.constant 0 : i32
      %dma_start3A_209 = tpu.memref_slice %arg6[%rem3A_46, %dma_start3A_207, %dma_start3A_208] : memref<2x16x128xi32, #tpu.memory_space<vmem>> -> memref<1x16x128xi32, #tpu.memory_space<vmem>>
      %dma_start3A_210 = tpu.memref_squeeze %dma_start3A_209 : memref<1x16x128xi32, #tpu.memory_space<vmem>> -> memref<16x128xi32, #tpu.memory_space<vmem>>
      %dma_start3A_211 = arith.constant 0 : i32
      %dma_start3A_212 = tpu.memref_slice %dma_start3A_210[%dma_start3A_201, %dma_start3A_211] : memref<16x128xi32, #tpu.memory_space<vmem>> -> memref<1x128xi32, #tpu.memory_space<vmem>>
      %dma_start3A_213 = tpu.memref_squeeze %dma_start3A_212 : memref<1x128xi32, #tpu.memory_space<vmem>> -> memref<128xi32, #tpu.memory_space<vmem>>
      %dma_start3A_214 = arith.constant 0 : i32
      %dma_start3A_215 = arith.constant 0 : i32
      %dma_start3A_216 = tpu.memref_slice %arg2[%arg0, %dma_start3A_214, %dma_start3A_215] : memref<2x10000x128xf32, #tpu.memory_space<hbm>> -> memref<1x10000x128xf32, #tpu.memory_space<hbm>>
      %dma_start3A_217 = tpu.memref_squeeze %dma_start3A_216 : memref<1x10000x128xf32, #tpu.memory_space<hbm>> -> memref<10000x128xf32, #tpu.memory_space<hbm>>
      %dma_start3A_218 = arith.constant 0 : i32
      %dma_start3A_219 = arith.constant 0 : i32
      %dma_start3A_220 = tpu.memref_slice %dma_start3A_217[%dma_start3A_218, %dma_start3A_219] : memref<10000x128xf32, #tpu.memory_space<hbm>> -> memref<10000x128xf32, #tpu.memory_space<hbm>>
      tpu.enqueue_indirect_dma source(%dma_start3A_220 : memref<10000x128xf32, #tpu.memory_space<hbm>>) target(%dma_start3A_206 : memref<128x128xf32, #tpu.memory_space<vmem>>) offsets(%dma_start3A_213 : memref<128xi32, #tpu.memory_space<vmem>>) semaphore(%arg10 : memref<!tpu.dma_semaphore, #tpu.memory_space<semaphore_mem>>)
      %dma_wait3A_221 = arith.constant 3 : i32
      %dma_wait3A_222 = arith.constant 1 : i32
      %dma_wait3A_223 = arith.constant 0 : i32
      %dma_wait3A_224 = arith.constant 0 : i32
      %dma_wait3A_225 = tpu.memref_slice %arg8[%dma_wait3A_222, %dma_wait3A_223, %dma_wait3A_224] : memref<2x128x128xf32, #tpu.memory_space<vmem>> -> memref<1x128x128xf32, #tpu.memory_space<vmem>>
      %dma_wait3A_226 = tpu.memref_squeeze %dma_wait3A_225 : memref<1x128x128xf32, #tpu.memory_space<vmem>> -> memref<128x128xf32, #tpu.memory_space<vmem>>
      %dma_wait3A_227 = arith.constant 0 : i32
      %dma_wait3A_228 = arith.constant 0 : i32
      %dma_wait3A_229 = tpu.memref_slice %arg6[%rem3A_46, %dma_wait3A_227, %dma_wait3A_228] : memref<2x16x128xi32, #tpu.memory_space<vmem>> -> memref<1x16x128xi32, #tpu.memory_space<vmem>>
      %dma_wait3A_230 = tpu.memref_squeeze %dma_wait3A_229 : memref<1x16x128xi32, #tpu.memory_space<vmem>> -> memref<16x128xi32, #tpu.memory_space<vmem>>
      %dma_wait3A_231 = arith.constant 0 : i32
      %dma_wait3A_232 = tpu.memref_slice %dma_wait3A_230[%dma_wait3A_221, %dma_wait3A_231] : memref<16x128xi32, #tpu.memory_space<vmem>> -> memref<1x128xi32, #tpu.memory_space<vmem>>
      %dma_wait3A_233 = tpu.memref_squeeze %dma_wait3A_232 : memref<1x128xi32, #tpu.memory_space<vmem>> -> memref<128xi32, #tpu.memory_space<vmem>>
      %dma_wait3A_234 = arith.constant 0 : i32
      %dma_wait3A_235 = arith.constant 0 : i32
      %dma_wait3A_236 = tpu.memref_slice %arg2[%arg0, %dma_wait3A_234, %dma_wait3A_235] : memref<2x10000x128xf32, #tpu.memory_space<hbm>> -> memref<1x10000x128xf32, #tpu.memory_space<hbm>>
      %dma_wait3A_237 = tpu.memref_squeeze %dma_wait3A_236 : memref<1x10000x128xf32, #tpu.memory_space<hbm>> -> memref<10000x128xf32, #tpu.memory_space<hbm>>
      %dma_wait3A_238 = arith.constant 0 : i32
      %dma_wait3A_239 = arith.constant 0 : i32
      %dma_wait3A_240 = tpu.memref_slice %dma_wait3A_237[%dma_wait3A_238, %dma_wait3A_239] : memref<10000x128xf32, #tpu.memory_space<hbm>> -> memref<10000x128xf32, #tpu.memory_space<hbm>>
      tpu.wait_indirect_dma semaphore(%arg11 : memref<!tpu.dma_semaphore, #tpu.memory_space<semaphore_mem>>) src(%dma_wait3A_240 : memref<10000x128xf32, #tpu.memory_space<hbm>>) dst(%dma_wait3A_226 : memref<128x128xf32, #tpu.memory_space<vmem>>)
      %run_scoped3A_241 = arith.constant 1 : i32
      %run_scoped3A_242 = arith.constant 3 : i32
      "tpu.region"() ({
        %run_scoped3A_734 = tpu.sem_alloc : memref<!tpu.dma_semaphore, #tpu.memory_space<semaphore_mem>>
        %dma_start3A_735 = arith.constant 0 : i32
        %dma_start3A_736 = arith.constant 0 : i32
        %dma_start3A_737 = tpu.memref_slice %arg8[%run_scoped3A_241, %dma_start3A_735, %dma_start3A_736] : memref<2x128x128xf32, #tpu.memory_space<vmem>> -> memref<1x128x128xf32, #tpu.memory_space<vmem>>
        %dma_start3A_738 = tpu.memref_squeeze %dma_start3A_737 : memref<1x128x128xf32, #tpu.memory_space<vmem>> -> memref<128x128xf32, #tpu.memory_space<vmem>>
        %dma_start3A_739 = arith.constant 0 : i32
        %dma_start3A_740 = arith.constant 0 : i32
        %dma_start3A_741 = tpu.memref_slice %arg7[%rem3A_46, %dma_start3A_739, %dma_start3A_740] : memref<2x16x128xi32, #tpu.memory_space<vmem>> -> memref<1x16x128xi32, #tpu.memory_space<vmem>>
        %dma_start3A_742 = tpu.memref_squeeze %dma_start3A_741 : memref<1x16x128xi32, #tpu.memory_space<vmem>> -> memref<16x128xi32, #tpu.memory_space<vmem>>
        %dma_start3A_743 = arith.constant 0 : i32
        %dma_start3A_744 = tpu.memref_slice %dma_start3A_742[%run_scoped3A_242, %dma_start3A_743] : memref<16x128xi32, #tpu.memory_space<vmem>> -> memref<1x128xi32, #tpu.memory_space<vmem>>
        %dma_start3A_745 = tpu.memref_squeeze %dma_start3A_744 : memref<1x128xi32, #tpu.memory_space<vmem>> -> memref<128xi32, #tpu.memory_space<vmem>>
        %dma_start3A_746 = arith.constant 0 : i32
        %dma_start3A_747 = arith.constant 0 : i32
        %dma_start3A_748 = tpu.memref_slice %arg9[%dma_start3A_746, %dma_start3A_747] : memref<10112x128xf32, #tpu.memory_space<vmem_shared>> -> memref<10112x128xf32, #tpu.memory_space<vmem_shared>>
        tpu.enqueue_indirect_dma source(%dma_start3A_738 : memref<128x128xf32, #tpu.memory_space<vmem>>) target(%dma_start3A_748 : memref<10112x128xf32, #tpu.memory_space<vmem_shared>>) offsets(%dma_start3A_745 : memref<128xi32, #tpu.memory_space<vmem>>) semaphore(%run_scoped3A_734 : memref<!tpu.dma_semaphore, #tpu.memory_space<semaphore_mem>>) {add = true}
        %dma_wait3A_749 = arith.constant 0 : i32
        %dma_wait3A_750 = arith.constant 0 : i32
        %dma_wait3A_751 = tpu.memref_slice %arg8[%run_scoped3A_241, %dma_wait3A_749, %dma_wait3A_750] : memref<2x128x128xf32, #tpu.memory_space<vmem>> -> memref<1x128x128xf32, #tpu.memory_space<vmem>>
        %dma_wait3A_752 = tpu.memref_squeeze %dma_wait3A_751 : memref<1x128x128xf32, #tpu.memory_space<vmem>> -> memref<128x128xf32, #tpu.memory_space<vmem>>
        %dma_wait3A_753 = arith.constant 0 : i32
        %dma_wait3A_754 = arith.constant 0 : i32
        %dma_wait3A_755 = tpu.memref_slice %arg7[%rem3A_46, %dma_wait3A_753, %dma_wait3A_754] : memref<2x16x128xi32, #tpu.memory_space<vmem>> -> memref<1x16x128xi32, #tpu.memory_space<vmem>>
        %dma_wait3A_756 = tpu.memref_squeeze %dma_wait3A_755 : memref<1x16x128xi32, #tpu.memory_space<vmem>> -> memref<16x128xi32, #tpu.memory_space<vmem>>
        %dma_wait3A_757 = arith.constant 0 : i32
        %dma_wait3A_758 = tpu.memref_slice %dma_wait3A_756[%run_scoped3A_242, %dma_wait3A_757] : memref<16x128xi32, #tpu.memory_space<vmem>> -> memref<1x128xi32, #tpu.memory_space<vmem>>
        %dma_wait3A_759 = tpu.memref_squeeze %dma_wait3A_758 : memref<1x128xi32, #tpu.memory_space<vmem>> -> memref<128xi32, #tpu.memory_space<vmem>>
        %dma_wait3A_760 = arith.constant 0 : i32
        %dma_wait3A_761 = arith.constant 0 : i32
        %dma_wait3A_762 = tpu.memref_slice %arg9[%dma_wait3A_760, %dma_wait3A_761] : memref<10112x128xf32, #tpu.memory_space<vmem_shared>> -> memref<10112x128xf32, #tpu.memory_space<vmem_shared>>
        tpu.wait_indirect_dma semaphore(%run_scoped3A_734 : memref<!tpu.dma_semaphore, #tpu.memory_space<semaphore_mem>>) src(%dma_wait3A_752 : memref<128x128xf32, #tpu.memory_space<vmem>>) dst(%dma_wait3A_762 : memref<10112x128xf32, #tpu.memory_space<vmem_shared>>)
        tpu.yield
      }) : () -> ()
      %dma_start3A_243 = arith.constant 5 : i32
      %dma_start3A_244 = arith.constant 1 : i32
      %dma_start3A_245 = arith.constant 0 : i32
      %dma_start3A_246 = arith.constant 0 : i32
      %dma_start3A_247 = tpu.memref_slice %arg8[%dma_start3A_244, %dma_start3A_245, %dma_start3A_246] : memref<2x128x128xf32, #tpu.memory_space<vmem>> -> memref<1x128x128xf32, #tpu.memory_space<vmem>>
      %dma_start3A_248 = tpu.memref_squeeze %dma_start3A_247 : memref<1x128x128xf32, #tpu.memory_space<vmem>> -> memref<128x128xf32, #tpu.memory_space<vmem>>
      %dma_start3A_249 = arith.constant 0 : i32
      %dma_start3A_250 = arith.constant 0 : i32
      %dma_start3A_251 = tpu.memref_slice %arg6[%rem3A_46, %dma_start3A_249, %dma_start3A_250] : memref<2x16x128xi32, #tpu.memory_space<vmem>> -> memref<1x16x128xi32, #tpu.memory_space<vmem>>
      %dma_start3A_252 = tpu.memref_squeeze %dma_start3A_251 : memref<1x16x128xi32, #tpu.memory_space<vmem>> -> memref<16x128xi32, #tpu.memory_space<vmem>>
      %dma_start3A_253 = arith.constant 0 : i32
      %dma_start3A_254 = tpu.memref_slice %dma_start3A_252[%dma_start3A_243, %dma_start3A_253] : memref<16x128xi32, #tpu.memory_space<vmem>> -> memref<1x128xi32, #tpu.memory_space<vmem>>
      %dma_start3A_255 = tpu.memref_squeeze %dma_start3A_254 : memref<1x128xi32, #tpu.memory_space<vmem>> -> memref<128xi32, #tpu.memory_space<vmem>>
      %dma_start3A_256 = arith.constant 0 : i32
      %dma_start3A_257 = arith.constant 0 : i32
      %dma_start3A_258 = tpu.memref_slice %arg2[%arg0, %dma_start3A_256, %dma_start3A_257] : memref<2x10000x128xf32, #tpu.memory_space<hbm>> -> memref<1x10000x128xf32, #tpu.memory_space<hbm>>
      %dma_start3A_259 = tpu.memref_squeeze %dma_start3A_258 : memref<1x10000x128xf32, #tpu.memory_space<hbm>> -> memref<10000x128xf32, #tpu.memory_space<hbm>>
      %dma_start3A_260 = arith.constant 0 : i32
      %dma_start3A_261 = arith.constant 0 : i32
      %dma_start3A_262 = tpu.memref_slice %dma_start3A_259[%dma_start3A_260, %dma_start3A_261] : memref<10000x128xf32, #tpu.memory_space<hbm>> -> memref<10000x128xf32, #tpu.memory_space<hbm>>
      tpu.enqueue_indirect_dma source(%dma_start3A_262 : memref<10000x128xf32, #tpu.memory_space<hbm>>) target(%dma_start3A_248 : memref<128x128xf32, #tpu.memory_space<vmem>>) offsets(%dma_start3A_255 : memref<128xi32, #tpu.memory_space<vmem>>) semaphore(%arg11 : memref<!tpu.dma_semaphore, #tpu.memory_space<semaphore_mem>>)
      %dma_wait3A_263 = arith.constant 4 : i32
      %dma_wait3A_264 = arith.constant 0 : i32
      %dma_wait3A_265 = arith.constant 0 : i32
      %dma_wait3A_266 = arith.constant 0 : i32
      %dma_wait3A_267 = tpu.memref_slice %arg8[%dma_wait3A_264, %dma_wait3A_265, %dma_wait3A_266] : memref<2x128x128xf32, #tpu.memory_space<vmem>> -> memref<1x128x128xf32, #tpu.memory_space<vmem>>
      %dma_wait3A_268 = tpu.memref_squeeze %dma_wait3A_267 : memref<1x128x128xf32, #tpu.memory_space<vmem>> -> memref<128x128xf32, #tpu.memory_space<vmem>>
      %dma_wait3A_269 = arith.constant 0 : i32
      %dma_wait3A_270 = arith.constant 0 : i32
      %dma_wait3A_271 = tpu.memref_slice %arg6[%rem3A_46, %dma_wait3A_269, %dma_wait3A_270] : memref<2x16x128xi32, #tpu.memory_space<vmem>> -> memref<1x16x128xi32, #tpu.memory_space<vmem>>
      %dma_wait3A_272 = tpu.memref_squeeze %dma_wait3A_271 : memref<1x16x128xi32, #tpu.memory_space<vmem>> -> memref<16x128xi32, #tpu.memory_space<vmem>>
      %dma_wait3A_273 = arith.constant 0 : i32
      %dma_wait3A_274 = tpu.memref_slice %dma_wait3A_272[%dma_wait3A_263, %dma_wait3A_273] : memref<16x128xi32, #tpu.memory_space<vmem>> -> memref<1x128xi32, #tpu.memory_space<vmem>>
      %dma_wait3A_275 = tpu.memref_squeeze %dma_wait3A_274 : memref<1x128xi32, #tpu.memory_space<vmem>> -> memref<128xi32, #tpu.memory_space<vmem>>
      %dma_wait3A_276 = arith.constant 0 : i32
      %dma_wait3A_277 = arith.constant 0 : i32
      %dma_wait3A_278 = tpu.memref_slice %arg2[%arg0, %dma_wait3A_276, %dma_wait3A_277] : memref<2x10000x128xf32, #tpu.memory_space<hbm>> -> memref<1x10000x128xf32, #tpu.memory_space<hbm>>
      %dma_wait3A_279 = tpu.memref_squeeze %dma_wait3A_278 : memref<1x10000x128xf32, #tpu.memory_space<hbm>> -> memref<10000x128xf32, #tpu.memory_space<hbm>>
      %dma_wait3A_280 = arith.constant 0 : i32
      %dma_wait3A_281 = arith.constant 0 : i32
      %dma_wait3A_282 = tpu.memref_slice %dma_wait3A_279[%dma_wait3A_280, %dma_wait3A_281] : memref<10000x128xf32, #tpu.memory_space<hbm>> -> memref<10000x128xf32, #tpu.memory_space<hbm>>
      tpu.wait_indirect_dma semaphore(%arg10 : memref<!tpu.dma_semaphore, #tpu.memory_space<semaphore_mem>>) src(%dma_wait3A_282 : memref<10000x128xf32, #tpu.memory_space<hbm>>) dst(%dma_wait3A_268 : memref<128x128xf32, #tpu.memory_space<vmem>>)
      %run_scoped3A_283 = arith.constant 0 : i32
      %run_scoped3A_284 = arith.constant 4 : i32
      "tpu.region"() ({
        %run_scoped3A_734 = tpu.sem_alloc : memref<!tpu.dma_semaphore, #tpu.memory_space<semaphore_mem>>
        %dma_start3A_735 = arith.constant 0 : i32
        %dma_start3A_736 = arith.constant 0 : i32
        %dma_start3A_737 = tpu.memref_slice %arg8[%run_scoped3A_283, %dma_start3A_735, %dma_start3A_736] : memref<2x128x128xf32, #tpu.memory_space<vmem>> -> memref<1x128x128xf32, #tpu.memory_space<vmem>>
        %dma_start3A_738 = tpu.memref_squeeze %dma_start3A_737 : memref<1x128x128xf32, #tpu.memory_space<vmem>> -> memref<128x128xf32, #tpu.memory_space<vmem>>
        %dma_start3A_739 = arith.constant 0 : i32
        %dma_start3A_740 = arith.constant 0 : i32
        %dma_start3A_741 = tpu.memref_slice %arg7[%rem3A_46, %dma_start3A_739, %dma_start3A_740] : memref<2x16x128xi32, #tpu.memory_space<vmem>> -> memref<1x16x128xi32, #tpu.memory_space<vmem>>
        %dma_start3A_742 = tpu.memref_squeeze %dma_start3A_741 : memref<1x16x128xi32, #tpu.memory_space<vmem>> -> memref<16x128xi32, #tpu.memory_space<vmem>>
        %dma_start3A_743 = arith.constant 0 : i32
        %dma_start3A_744 = tpu.memref_slice %dma_start3A_742[%run_scoped3A_284, %dma_start3A_743] : memref<16x128xi32, #tpu.memory_space<vmem>> -> memref<1x128xi32, #tpu.memory_space<vmem>>
        %dma_start3A_745 = tpu.memref_squeeze %dma_start3A_744 : memref<1x128xi32, #tpu.memory_space<vmem>> -> memref<128xi32, #tpu.memory_space<vmem>>
        %dma_start3A_746 = arith.constant 0 : i32
        %dma_start3A_747 = arith.constant 0 : i32
        %dma_start3A_748 = tpu.memref_slice %arg9[%dma_start3A_746, %dma_start3A_747] : memref<10112x128xf32, #tpu.memory_space<vmem_shared>> -> memref<10112x128xf32, #tpu.memory_space<vmem_shared>>
        tpu.enqueue_indirect_dma source(%dma_start3A_738 : memref<128x128xf32, #tpu.memory_space<vmem>>) target(%dma_start3A_748 : memref<10112x128xf32, #tpu.memory_space<vmem_shared>>) offsets(%dma_start3A_745 : memref<128xi32, #tpu.memory_space<vmem>>) semaphore(%run_scoped3A_734 : memref<!tpu.dma_semaphore, #tpu.memory_space<semaphore_mem>>) {add = true}
        %dma_wait3A_749 = arith.constant 0 : i32
        %dma_wait3A_750 = arith.constant 0 : i32
        %dma_wait3A_751 = tpu.memref_slice %arg8[%run_scoped3A_283, %dma_wait3A_749, %dma_wait3A_750] : memref<2x128x128xf32, #tpu.memory_space<vmem>> -> memref<1x128x128xf32, #tpu.memory_space<vmem>>
        %dma_wait3A_752 = tpu.memref_squeeze %dma_wait3A_751 : memref<1x128x128xf32, #tpu.memory_space<vmem>> -> memref<128x128xf32, #tpu.memory_space<vmem>>
        %dma_wait3A_753 = arith.constant 0 : i32
        %dma_wait3A_754 = arith.constant 0 : i32
        %dma_wait3A_755 = tpu.memref_slice %arg7[%rem3A_46, %dma_wait3A_753, %dma_wait3A_754] : memref<2x16x128xi32, #tpu.memory_space<vmem>> -> memref<1x16x128xi32, #tpu.memory_space<vmem>>
        %dma_wait3A_756 = tpu.memref_squeeze %dma_wait3A_755 : memref<1x16x128xi32, #tpu.memory_space<vmem>> -> memref<16x128xi32, #tpu.memory_space<vmem>>
        %dma_wait3A_757 = arith.constant 0 : i32
        %dma_wait3A_758 = tpu.memref_slice %dma_wait3A_756[%run_scoped3A_284, %dma_wait3A_757] : memref<16x128xi32, #tpu.memory_space<vmem>> -> memref<1x128xi32, #tpu.memory_space<vmem>>
        %dma_wait3A_759 = tpu.memref_squeeze %dma_wait3A_758 : memref<1x128xi32, #tpu.memory_space<vmem>> -> memref<128xi32, #tpu.memory_space<vmem>>
        %dma_wait3A_760 = arith.constant 0 : i32
        %dma_wait3A_761 = arith.constant 0 : i32
        %dma_wait3A_762 = tpu.memref_slice %arg9[%dma_wait3A_760, %dma_wait3A_761] : memref<10112x128xf32, #tpu.memory_space<vmem_shared>> -> memref<10112x128xf32, #tpu.memory_space<vmem_shared>>
        tpu.wait_indirect_dma semaphore(%run_scoped3A_734 : memref<!tpu.dma_semaphore, #tpu.memory_space<semaphore_mem>>) src(%dma_wait3A_752 : memref<128x128xf32, #tpu.memory_space<vmem>>) dst(%dma_wait3A_762 : memref<10112x128xf32, #tpu.memory_space<vmem_shared>>)
        tpu.yield
      }) : () -> ()
      %dma_start3A_285 = arith.constant 6 : i32
      %dma_start3A_286 = arith.constant 0 : i32
      %dma_start3A_287 = arith.constant 0 : i32
      %dma_start3A_288 = arith.constant 0 : i32
      %dma_start3A_289 = tpu.memref_slice %arg8[%dma_start3A_286, %dma_start3A_287, %dma_start3A_288] : memref<2x128x128xf32, #tpu.memory_space<vmem>> -> memref<1x128x128xf32, #tpu.memory_space<vmem>>
      %dma_start3A_290 = tpu.memref_squeeze %dma_start3A_289 : memref<1x128x128xf32, #tpu.memory_space<vmem>> -> memref<128x128xf32, #tpu.memory_space<vmem>>
      %dma_start3A_291 = arith.constant 0 : i32
      %dma_start3A_292 = arith.constant 0 : i32
      %dma_start3A_293 = tpu.memref_slice %arg6[%rem3A_46, %dma_start3A_291, %dma_start3A_292] : memref<2x16x128xi32, #tpu.memory_space<vmem>> -> memref<1x16x128xi32, #tpu.memory_space<vmem>>
      %dma_start3A_294 = tpu.memref_squeeze %dma_start3A_293 : memref<1x16x128xi32, #tpu.memory_space<vmem>> -> memref<16x128xi32, #tpu.memory_space<vmem>>
      %dma_start3A_295 = arith.constant 0 : i32
      %dma_start3A_296 = tpu.memref_slice %dma_start3A_294[%dma_start3A_285, %dma_start3A_295] : memref<16x128xi32, #tpu.memory_space<vmem>> -> memref<1x128xi32, #tpu.memory_space<vmem>>
      %dma_start3A_297 = tpu.memref_squeeze %dma_start3A_296 : memref<1x128xi32, #tpu.memory_space<vmem>> -> memref<128xi32, #tpu.memory_space<vmem>>
      %dma_start3A_298 = arith.constant 0 : i32
      %dma_start3A_299 = arith.constant 0 : i32
      %dma_start3A_300 = tpu.memref_slice %arg2[%arg0, %dma_start3A_298, %dma_start3A_299] : memref<2x10000x128xf32, #tpu.memory_space<hbm>> -> memref<1x10000x128xf32, #tpu.memory_space<hbm>>
      %dma_start3A_301 = tpu.memref_squeeze %dma_start3A_300 : memref<1x10000x128xf32, #tpu.memory_space<hbm>> -> memref<10000x128xf32, #tpu.memory_space<hbm>>
      %dma_start3A_302 = arith.constant 0 : i32
      %dma_start3A_303 = arith.constant 0 : i32
      %dma_start3A_304 = tpu.memref_slice %dma_start3A_301[%dma_start3A_302, %dma_start3A_303] : memref<10000x128xf32, #tpu.memory_space<hbm>> -> memref<10000x128xf32, #tpu.memory_space<hbm>>
      tpu.enqueue_indirect_dma source(%dma_start3A_304 : memref<10000x128xf32, #tpu.memory_space<hbm>>) target(%dma_start3A_290 : memref<128x128xf32, #tpu.memory_space<vmem>>) offsets(%dma_start3A_297 : memref<128xi32, #tpu.memory_space<vmem>>) semaphore(%arg10 : memref<!tpu.dma_semaphore, #tpu.memory_space<semaphore_mem>>)
      %dma_wait3A_305 = arith.constant 5 : i32
      %dma_wait3A_306 = arith.constant 1 : i32
      %dma_wait3A_307 = arith.constant 0 : i32
      %dma_wait3A_308 = arith.constant 0 : i32
      %dma_wait3A_309 = tpu.memref_slice %arg8[%dma_wait3A_306, %dma_wait3A_307, %dma_wait3A_308] : memref<2x128x128xf32, #tpu.memory_space<vmem>> -> memref<1x128x128xf32, #tpu.memory_space<vmem>>
      %dma_wait3A_310 = tpu.memref_squeeze %dma_wait3A_309 : memref<1x128x128xf32, #tpu.memory_space<vmem>> -> memref<128x128xf32, #tpu.memory_space<vmem>>
      %dma_wait3A_311 = arith.constant 0 : i32
      %dma_wait3A_312 = arith.constant 0 : i32
      %dma_wait3A_313 = tpu.memref_slice %arg6[%rem3A_46, %dma_wait3A_311, %dma_wait3A_312] : memref<2x16x128xi32, #tpu.memory_space<vmem>> -> memref<1x16x128xi32, #tpu.memory_space<vmem>>
      %dma_wait3A_314 = tpu.memref_squeeze %dma_wait3A_313 : memref<1x16x128xi32, #tpu.memory_space<vmem>> -> memref<16x128xi32, #tpu.memory_space<vmem>>
      %dma_wait3A_315 = arith.constant 0 : i32
      %dma_wait3A_316 = tpu.memref_slice %dma_wait3A_314[%dma_wait3A_305, %dma_wait3A_315] : memref<16x128xi32, #tpu.memory_space<vmem>> -> memref<1x128xi32, #tpu.memory_space<vmem>>
      %dma_wait3A_317 = tpu.memref_squeeze %dma_wait3A_316 : memref<1x128xi32, #tpu.memory_space<vmem>> -> memref<128xi32, #tpu.memory_space<vmem>>
      %dma_wait3A_318 = arith.constant 0 : i32
      %dma_wait3A_319 = arith.constant 0 : i32
      %dma_wait3A_320 = tpu.memref_slice %arg2[%arg0, %dma_wait3A_318, %dma_wait3A_319] : memref<2x10000x128xf32, #tpu.memory_space<hbm>> -> memref<1x10000x128xf32, #tpu.memory_space<hbm>>
      %dma_wait3A_321 = tpu.memref_squeeze %dma_wait3A_320 : memref<1x10000x128xf32, #tpu.memory_space<hbm>> -> memref<10000x128xf32, #tpu.memory_space<hbm>>
      %dma_wait3A_322 = arith.constant 0 : i32
      %dma_wait3A_323 = arith.constant 0 : i32
      %dma_wait3A_324 = tpu.memref_slice %dma_wait3A_321[%dma_wait3A_322, %dma_wait3A_323] : memref<10000x128xf32, #tpu.memory_space<hbm>> -> memref<10000x128xf32, #tpu.memory_space<hbm>>
      tpu.wait_indirect_dma semaphore(%arg11 : memref<!tpu.dma_semaphore, #tpu.memory_space<semaphore_mem>>) src(%dma_wait3A_324 : memref<10000x128xf32, #tpu.memory_space<hbm>>) dst(%dma_wait3A_310 : memref<128x128xf32, #tpu.memory_space<vmem>>)
      %run_scoped3A_325 = arith.constant 1 : i32
      %run_scoped3A_326 = arith.constant 5 : i32
      "tpu.region"() ({
        %run_scoped3A_734 = tpu.sem_alloc : memref<!tpu.dma_semaphore, #tpu.memory_space<semaphore_mem>>
        %dma_start3A_735 = arith.constant 0 : i32
        %dma_start3A_736 = arith.constant 0 : i32
        %dma_start3A_737 = tpu.memref_slice %arg8[%run_scoped3A_325, %dma_start3A_735, %dma_start3A_736] : memref<2x128x128xf32, #tpu.memory_space<vmem>> -> memref<1x128x128xf32, #tpu.memory_space<vmem>>
        %dma_start3A_738 = tpu.memref_squeeze %dma_start3A_737 : memref<1x128x128xf32, #tpu.memory_space<vmem>> -> memref<128x128xf32, #tpu.memory_space<vmem>>
        %dma_start3A_739 = arith.constant 0 : i32
        %dma_start3A_740 = arith.constant 0 : i32
        %dma_start3A_741 = tpu.memref_slice %arg7[%rem3A_46, %dma_start3A_739, %dma_start3A_740] : memref<2x16x128xi32, #tpu.memory_space<vmem>> -> memref<1x16x128xi32, #tpu.memory_space<vmem>>
        %dma_start3A_742 = tpu.memref_squeeze %dma_start3A_741 : memref<1x16x128xi32, #tpu.memory_space<vmem>> -> memref<16x128xi32, #tpu.memory_space<vmem>>
        %dma_start3A_743 = arith.constant 0 : i32
        %dma_start3A_744 = tpu.memref_slice %dma_start3A_742[%run_scoped3A_326, %dma_start3A_743] : memref<16x128xi32, #tpu.memory_space<vmem>> -> memref<1x128xi32, #tpu.memory_space<vmem>>
        %dma_start3A_745 = tpu.memref_squeeze %dma_start3A_744 : memref<1x128xi32, #tpu.memory_space<vmem>> -> memref<128xi32, #tpu.memory_space<vmem>>
        %dma_start3A_746 = arith.constant 0 : i32
        %dma_start3A_747 = arith.constant 0 : i32
        %dma_start3A_748 = tpu.memref_slice %arg9[%dma_start3A_746, %dma_start3A_747] : memref<10112x128xf32, #tpu.memory_space<vmem_shared>> -> memref<10112x128xf32, #tpu.memory_space<vmem_shared>>
        tpu.enqueue_indirect_dma source(%dma_start3A_738 : memref<128x128xf32, #tpu.memory_space<vmem>>) target(%dma_start3A_748 : memref<10112x128xf32, #tpu.memory_space<vmem_shared>>) offsets(%dma_start3A_745 : memref<128xi32, #tpu.memory_space<vmem>>) semaphore(%run_scoped3A_734 : memref<!tpu.dma_semaphore, #tpu.memory_space<semaphore_mem>>) {add = true}
        %dma_wait3A_749 = arith.constant 0 : i32
        %dma_wait3A_750 = arith.constant 0 : i32
        %dma_wait3A_751 = tpu.memref_slice %arg8[%run_scoped3A_325, %dma_wait3A_749, %dma_wait3A_750] : memref<2x128x128xf32, #tpu.memory_space<vmem>> -> memref<1x128x128xf32, #tpu.memory_space<vmem>>
        %dma_wait3A_752 = tpu.memref_squeeze %dma_wait3A_751 : memref<1x128x128xf32, #tpu.memory_space<vmem>> -> memref<128x128xf32, #tpu.memory_space<vmem>>
        %dma_wait3A_753 = arith.constant 0 : i32
        %dma_wait3A_754 = arith.constant 0 : i32
        %dma_wait3A_755 = tpu.memref_slice %arg7[%rem3A_46, %dma_wait3A_753, %dma_wait3A_754] : memref<2x16x128xi32, #tpu.memory_space<vmem>> -> memref<1x16x128xi32, #tpu.memory_space<vmem>>
        %dma_wait3A_756 = tpu.memref_squeeze %dma_wait3A_755 : memref<1x16x128xi32, #tpu.memory_space<vmem>> -> memref<16x128xi32, #tpu.memory_space<vmem>>
        %dma_wait3A_757 = arith.constant 0 : i32
        %dma_wait3A_758 = tpu.memref_slice %dma_wait3A_756[%run_scoped3A_326, %dma_wait3A_757] : memref<16x128xi32, #tpu.memory_space<vmem>> -> memref<1x128xi32, #tpu.memory_space<vmem>>
        %dma_wait3A_759 = tpu.memref_squeeze %dma_wait3A_758 : memref<1x128xi32, #tpu.memory_space<vmem>> -> memref<128xi32, #tpu.memory_space<vmem>>
        %dma_wait3A_760 = arith.constant 0 : i32
        %dma_wait3A_761 = arith.constant 0 : i32
        %dma_wait3A_762 = tpu.memref_slice %arg9[%dma_wait3A_760, %dma_wait3A_761] : memref<10112x128xf32, #tpu.memory_space<vmem_shared>> -> memref<10112x128xf32, #tpu.memory_space<vmem_shared>>
        tpu.wait_indirect_dma semaphore(%run_scoped3A_734 : memref<!tpu.dma_semaphore, #tpu.memory_space<semaphore_mem>>) src(%dma_wait3A_752 : memref<128x128xf32, #tpu.memory_space<vmem>>) dst(%dma_wait3A_762 : memref<10112x128xf32, #tpu.memory_space<vmem_shared>>)
        tpu.yield
      }) : () -> ()
      %dma_start3A_327 = arith.constant 7 : i32
      %dma_start3A_328 = arith.constant 1 : i32
      %dma_start3A_329 = arith.constant 0 : i32
      %dma_start3A_330 = arith.constant 0 : i32
      %dma_start3A_331 = tpu.memref_slice %arg8[%dma_start3A_328, %dma_start3A_329, %dma_start3A_330] : memref<2x128x128xf32, #tpu.memory_space<vmem>> -> memref<1x128x128xf32, #tpu.memory_space<vmem>>
      %dma_start3A_332 = tpu.memref_squeeze %dma_start3A_331 : memref<1x128x128xf32, #tpu.memory_space<vmem>> -> memref<128x128xf32, #tpu.memory_space<vmem>>
      %dma_start3A_333 = arith.constant 0 : i32
      %dma_start3A_334 = arith.constant 0 : i32
      %dma_start3A_335 = tpu.memref_slice %arg6[%rem3A_46, %dma_start3A_333, %dma_start3A_334] : memref<2x16x128xi32, #tpu.memory_space<vmem>> -> memref<1x16x128xi32, #tpu.memory_space<vmem>>
      %dma_start3A_336 = tpu.memref_squeeze %dma_start3A_335 : memref<1x16x128xi32, #tpu.memory_space<vmem>> -> memref<16x128xi32, #tpu.memory_space<vmem>>
      %dma_start3A_337 = arith.constant 0 : i32
      %dma_start3A_338 = tpu.memref_slice %dma_start3A_336[%dma_start3A_327, %dma_start3A_337] : memref<16x128xi32, #tpu.memory_space<vmem>> -> memref<1x128xi32, #tpu.memory_space<vmem>>
      %dma_start3A_339 = tpu.memref_squeeze %dma_start3A_338 : memref<1x128xi32, #tpu.memory_space<vmem>> -> memref<128xi32, #tpu.memory_space<vmem>>
      %dma_start3A_340 = arith.constant 0 : i32
      %dma_start3A_341 = arith.constant 0 : i32
      %dma_start3A_342 = tpu.memref_slice %arg2[%arg0, %dma_start3A_340, %dma_start3A_341] : memref<2x10000x128xf32, #tpu.memory_space<hbm>> -> memref<1x10000x128xf32, #tpu.memory_space<hbm>>
      %dma_start3A_343 = tpu.memref_squeeze %dma_start3A_342 : memref<1x10000x128xf32, #tpu.memory_space<hbm>> -> memref<10000x128xf32, #tpu.memory_space<hbm>>
      %dma_start3A_344 = arith.constant 0 : i32
      %dma_start3A_345 = arith.constant 0 : i32
      %dma_start3A_346 = tpu.memref_slice %dma_start3A_343[%dma_start3A_344, %dma_start3A_345] : memref<10000x128xf32, #tpu.memory_space<hbm>> -> memref<10000x128xf32, #tpu.memory_space<hbm>>
      tpu.enqueue_indirect_dma source(%dma_start3A_346 : memref<10000x128xf32, #tpu.memory_space<hbm>>) target(%dma_start3A_332 : memref<128x128xf32, #tpu.memory_space<vmem>>) offsets(%dma_start3A_339 : memref<128xi32, #tpu.memory_space<vmem>>) semaphore(%arg11 : memref<!tpu.dma_semaphore, #tpu.memory_space<semaphore_mem>>)
      %dma_wait3A_347 = arith.constant 6 : i32
      %dma_wait3A_348 = arith.constant 0 : i32
      %dma_wait3A_349 = arith.constant 0 : i32
      %dma_wait3A_350 = arith.constant 0 : i32
      %dma_wait3A_351 = tpu.memref_slice %arg8[%dma_wait3A_348, %dma_wait3A_349, %dma_wait3A_350] : memref<2x128x128xf32, #tpu.memory_space<vmem>> -> memref<1x128x128xf32, #tpu.memory_space<vmem>>
      %dma_wait3A_352 = tpu.memref_squeeze %dma_wait3A_351 : memref<1x128x128xf32, #tpu.memory_space<vmem>> -> memref<128x128xf32, #tpu.memory_space<vmem>>
      %dma_wait3A_353 = arith.constant 0 : i32
      %dma_wait3A_354 = arith.constant 0 : i32
      %dma_wait3A_355 = tpu.memref_slice %arg6[%rem3A_46, %dma_wait3A_353, %dma_wait3A_354] : memref<2x16x128xi32, #tpu.memory_space<vmem>> -> memref<1x16x128xi32, #tpu.memory_space<vmem>>
      %dma_wait3A_356 = tpu.memref_squeeze %dma_wait3A_355 : memref<1x16x128xi32, #tpu.memory_space<vmem>> -> memref<16x128xi32, #tpu.memory_space<vmem>>
      %dma_wait3A_357 = arith.constant 0 : i32
      %dma_wait3A_358 = tpu.memref_slice %dma_wait3A_356[%dma_wait3A_347, %dma_wait3A_357] : memref<16x128xi32, #tpu.memory_space<vmem>> -> memref<1x128xi32, #tpu.memory_space<vmem>>
      %dma_wait3A_359 = tpu.memref_squeeze %dma_wait3A_358 : memref<1x128xi32, #tpu.memory_space<vmem>> -> memref<128xi32, #tpu.memory_space<vmem>>
      %dma_wait3A_360 = arith.constant 0 : i32
      %dma_wait3A_361 = arith.constant 0 : i32
      %dma_wait3A_362 = tpu.memref_slice %arg2[%arg0, %dma_wait3A_360, %dma_wait3A_361] : memref<2x10000x128xf32, #tpu.memory_space<hbm>> -> memref<1x10000x128xf32, #tpu.memory_space<hbm>>
      %dma_wait3A_363 = tpu.memref_squeeze %dma_wait3A_362 : memref<1x10000x128xf32, #tpu.memory_space<hbm>> -> memref<10000x128xf32, #tpu.memory_space<hbm>>
      %dma_wait3A_364 = arith.constant 0 : i32
      %dma_wait3A_365 = arith.constant 0 : i32
      %dma_wait3A_366 = tpu.memref_slice %dma_wait3A_363[%dma_wait3A_364, %dma_wait3A_365] : memref<10000x128xf32, #tpu.memory_space<hbm>> -> memref<10000x128xf32, #tpu.memory_space<hbm>>
      tpu.wait_indirect_dma semaphore(%arg10 : memref<!tpu.dma_semaphore, #tpu.memory_space<semaphore_mem>>) src(%dma_wait3A_366 : memref<10000x128xf32, #tpu.memory_space<hbm>>) dst(%dma_wait3A_352 : memref<128x128xf32, #tpu.memory_space<vmem>>)
      %run_scoped3A_367 = arith.constant 0 : i32
      %run_scoped3A_368 = arith.constant 6 : i32
      "tpu.region"() ({
        %run_scoped3A_734 = tpu.sem_alloc : memref<!tpu.dma_semaphore, #tpu.memory_space<semaphore_mem>>
        %dma_start3A_735 = arith.constant 0 : i32
        %dma_start3A_736 = arith.constant 0 : i32
        %dma_start3A_737 = tpu.memref_slice %arg8[%run_scoped3A_367, %dma_start3A_735, %dma_start3A_736] : memref<2x128x128xf32, #tpu.memory_space<vmem>> -> memref<1x128x128xf32, #tpu.memory_space<vmem>>
        %dma_start3A_738 = tpu.memref_squeeze %dma_start3A_737 : memref<1x128x128xf32, #tpu.memory_space<vmem>> -> memref<128x128xf32, #tpu.memory_space<vmem>>
        %dma_start3A_739 = arith.constant 0 : i32
        %dma_start3A_740 = arith.constant 0 : i32
        %dma_start3A_741 = tpu.memref_slice %arg7[%rem3A_46, %dma_start3A_739, %dma_start3A_740] : memref<2x16x128xi32, #tpu.memory_space<vmem>> -> memref<1x16x128xi32, #tpu.memory_space<vmem>>
        %dma_start3A_742 = tpu.memref_squeeze %dma_start3A_741 : memref<1x16x128xi32, #tpu.memory_space<vmem>> -> memref<16x128xi32, #tpu.memory_space<vmem>>
        %dma_start3A_743 = arith.constant 0 : i32
        %dma_start3A_744 = tpu.memref_slice %dma_start3A_742[%run_scoped3A_368, %dma_start3A_743] : memref<16x128xi32, #tpu.memory_space<vmem>> -> memref<1x128xi32, #tpu.memory_space<vmem>>
        %dma_start3A_745 = tpu.memref_squeeze %dma_start3A_744 : memref<1x128xi32, #tpu.memory_space<vmem>> -> memref<128xi32, #tpu.memory_space<vmem>>
        %dma_start3A_746 = arith.constant 0 : i32
        %dma_start3A_747 = arith.constant 0 : i32
        %dma_start3A_748 = tpu.memref_slice %arg9[%dma_start3A_746, %dma_start3A_747] : memref<10112x128xf32, #tpu.memory_space<vmem_shared>> -> memref<10112x128xf32, #tpu.memory_space<vmem_shared>>
        tpu.enqueue_indirect_dma source(%dma_start3A_738 : memref<128x128xf32, #tpu.memory_space<vmem>>) target(%dma_start3A_748 : memref<10112x128xf32, #tpu.memory_space<vmem_shared>>) offsets(%dma_start3A_745 : memref<128xi32, #tpu.memory_space<vmem>>) semaphore(%run_scoped3A_734 : memref<!tpu.dma_semaphore, #tpu.memory_space<semaphore_mem>>) {add = true}
        %dma_wait3A_749 = arith.constant 0 : i32
        %dma_wait3A_750 = arith.constant 0 : i32
        %dma_wait3A_751 = tpu.memref_slice %arg8[%run_scoped3A_367, %dma_wait3A_749, %dma_wait3A_750] : memref<2x128x128xf32, #tpu.memory_space<vmem>> -> memref<1x128x128xf32, #tpu.memory_space<vmem>>
        %dma_wait3A_752 = tpu.memref_squeeze %dma_wait3A_751 : memref<1x128x128xf32, #tpu.memory_space<vmem>> -> memref<128x128xf32, #tpu.memory_space<vmem>>
        %dma_wait3A_753 = arith.constant 0 : i32
        %dma_wait3A_754 = arith.constant 0 : i32
        %dma_wait3A_755 = tpu.memref_slice %arg7[%rem3A_46, %dma_wait3A_753, %dma_wait3A_754] : memref<2x16x128xi32, #tpu.memory_space<vmem>> -> memref<1x16x128xi32, #tpu.memory_space<vmem>>
        %dma_wait3A_756 = tpu.memref_squeeze %dma_wait3A_755 : memref<1x16x128xi32, #tpu.memory_space<vmem>> -> memref<16x128xi32, #tpu.memory_space<vmem>>
        %dma_wait3A_757 = arith.constant 0 : i32
        %dma_wait3A_758 = tpu.memref_slice %dma_wait3A_756[%run_scoped3A_368, %dma_wait3A_757] : memref<16x128xi32, #tpu.memory_space<vmem>> -> memref<1x128xi32, #tpu.memory_space<vmem>>
        %dma_wait3A_759 = tpu.memref_squeeze %dma_wait3A_758 : memref<1x128xi32, #tpu.memory_space<vmem>> -> memref<128xi32, #tpu.memory_space<vmem>>
        %dma_wait3A_760 = arith.constant 0 : i32
        %dma_wait3A_761 = arith.constant 0 : i32
        %dma_wait3A_762 = tpu.memref_slice %arg9[%dma_wait3A_760, %dma_wait3A_761] : memref<10112x128xf32, #tpu.memory_space<vmem_shared>> -> memref<10112x128xf32, #tpu.memory_space<vmem_shared>>
        tpu.wait_indirect_dma semaphore(%run_scoped3A_734 : memref<!tpu.dma_semaphore, #tpu.memory_space<semaphore_mem>>) src(%dma_wait3A_752 : memref<128x128xf32, #tpu.memory_space<vmem>>) dst(%dma_wait3A_762 : memref<10112x128xf32, #tpu.memory_space<vmem_shared>>)
        tpu.yield
      }) : () -> ()
      %dma_start3A_369 = arith.constant 8 : i32
      %dma_start3A_370 = arith.constant 0 : i32
      %dma_start3A_371 = arith.constant 0 : i32
      %dma_start3A_372 = arith.constant 0 : i32
      %dma_start3A_373 = tpu.memref_slice %arg8[%dma_start3A_370, %dma_start3A_371, %dma_start3A_372] : memref<2x128x128xf32, #tpu.memory_space<vmem>> -> memref<1x128x128xf32, #tpu.memory_space<vmem>>
      %dma_start3A_374 = tpu.memref_squeeze %dma_start3A_373 : memref<1x128x128xf32, #tpu.memory_space<vmem>> -> memref<128x128xf32, #tpu.memory_space<vmem>>
      %dma_start3A_375 = arith.constant 0 : i32
      %dma_start3A_376 = arith.constant 0 : i32
      %dma_start3A_377 = tpu.memref_slice %arg6[%rem3A_46, %dma_start3A_375, %dma_start3A_376] : memref<2x16x128xi32, #tpu.memory_space<vmem>> -> memref<1x16x128xi32, #tpu.memory_space<vmem>>
      %dma_start3A_378 = tpu.memref_squeeze %dma_start3A_377 : memref<1x16x128xi32, #tpu.memory_space<vmem>> -> memref<16x128xi32, #tpu.memory_space<vmem>>
      %dma_start3A_379 = arith.constant 0 : i32
      %dma_start3A_380 = tpu.memref_slice %dma_start3A_378[%dma_start3A_369, %dma_start3A_379] : memref<16x128xi32, #tpu.memory_space<vmem>> -> memref<1x128xi32, #tpu.memory_space<vmem>>
      %dma_start3A_381 = tpu.memref_squeeze %dma_start3A_380 : memref<1x128xi32, #tpu.memory_space<vmem>> -> memref<128xi32, #tpu.memory_space<vmem>>
      %dma_start3A_382 = arith.constant 0 : i32
      %dma_start3A_383 = arith.constant 0 : i32
      %dma_start3A_384 = tpu.memref_slice %arg2[%arg0, %dma_start3A_382, %dma_start3A_383] : memref<2x10000x128xf32, #tpu.memory_space<hbm>> -> memref<1x10000x128xf32, #tpu.memory_space<hbm>>
      %dma_start3A_385 = tpu.memref_squeeze %dma_start3A_384 : memref<1x10000x128xf32, #tpu.memory_space<hbm>> -> memref<10000x128xf32, #tpu.memory_space<hbm>>
      %dma_start3A_386 = arith.constant 0 : i32
      %dma_start3A_387 = arith.constant 0 : i32
      %dma_start3A_388 = tpu.memref_slice %dma_start3A_385[%dma_start3A_386, %dma_start3A_387] : memref<10000x128xf32, #tpu.memory_space<hbm>> -> memref<10000x128xf32, #tpu.memory_space<hbm>>
      tpu.enqueue_indirect_dma source(%dma_start3A_388 : memref<10000x128xf32, #tpu.memory_space<hbm>>) target(%dma_start3A_374 : memref<128x128xf32, #tpu.memory_space<vmem>>) offsets(%dma_start3A_381 : memref<128xi32, #tpu.memory_space<vmem>>) semaphore(%arg10 : memref<!tpu.dma_semaphore, #tpu.memory_space<semaphore_mem>>)
      %dma_wait3A_389 = arith.constant 7 : i32
      %dma_wait3A_390 = arith.constant 1 : i32
      %dma_wait3A_391 = arith.constant 0 : i32
      %dma_wait3A_392 = arith.constant 0 : i32
      %dma_wait3A_393 = tpu.memref_slice %arg8[%dma_wait3A_390, %dma_wait3A_391, %dma_wait3A_392] : memref<2x128x128xf32, #tpu.memory_space<vmem>> -> memref<1x128x128xf32, #tpu.memory_space<vmem>>
      %dma_wait3A_394 = tpu.memref_squeeze %dma_wait3A_393 : memref<1x128x128xf32, #tpu.memory_space<vmem>> -> memref<128x128xf32, #tpu.memory_space<vmem>>
      %dma_wait3A_395 = arith.constant 0 : i32
      %dma_wait3A_396 = arith.constant 0 : i32
      %dma_wait3A_397 = tpu.memref_slice %arg6[%rem3A_46, %dma_wait3A_395, %dma_wait3A_396] : memref<2x16x128xi32, #tpu.memory_space<vmem>> -> memref<1x16x128xi32, #tpu.memory_space<vmem>>
      %dma_wait3A_398 = tpu.memref_squeeze %dma_wait3A_397 : memref<1x16x128xi32, #tpu.memory_space<vmem>> -> memref<16x128xi32, #tpu.memory_space<vmem>>
      %dma_wait3A_399 = arith.constant 0 : i32
      %dma_wait3A_400 = tpu.memref_slice %dma_wait3A_398[%dma_wait3A_389, %dma_wait3A_399] : memref<16x128xi32, #tpu.memory_space<vmem>> -> memref<1x128xi32, #tpu.memory_space<vmem>>
      %dma_wait3A_401 = tpu.memref_squeeze %dma_wait3A_400 : memref<1x128xi32, #tpu.memory_space<vmem>> -> memref<128xi32, #tpu.memory_space<vmem>>
      %dma_wait3A_402 = arith.constant 0 : i32
      %dma_wait3A_403 = arith.constant 0 : i32
      %dma_wait3A_404 = tpu.memref_slice %arg2[%arg0, %dma_wait3A_402, %dma_wait3A_403] : memref<2x10000x128xf32, #tpu.memory_space<hbm>> -> memref<1x10000x128xf32, #tpu.memory_space<hbm>>
      %dma_wait3A_405 = tpu.memref_squeeze %dma_wait3A_404 : memref<1x10000x128xf32, #tpu.memory_space<hbm>> -> memref<10000x128xf32, #tpu.memory_space<hbm>>
      %dma_wait3A_406 = arith.constant 0 : i32
      %dma_wait3A_407 = arith.constant 0 : i32
      %dma_wait3A_408 = tpu.memref_slice %dma_wait3A_405[%dma_wait3A_406, %dma_wait3A_407] : memref<10000x128xf32, #tpu.memory_space<hbm>> -> memref<10000x128xf32, #tpu.memory_space<hbm>>
      tpu.wait_indirect_dma semaphore(%arg11 : memref<!tpu.dma_semaphore, #tpu.memory_space<semaphore_mem>>) src(%dma_wait3A_408 : memref<10000x128xf32, #tpu.memory_space<hbm>>) dst(%dma_wait3A_394 : memref<128x128xf32, #tpu.memory_space<vmem>>)
      %run_scoped3A_409 = arith.constant 1 : i32
      %run_scoped3A_410 = arith.constant 7 : i32
      "tpu.region"() ({
        %run_scoped3A_734 = tpu.sem_alloc : memref<!tpu.dma_semaphore, #tpu.memory_space<semaphore_mem>>
        %dma_start3A_735 = arith.constant 0 : i32
        %dma_start3A_736 = arith.constant 0 : i32
        %dma_start3A_737 = tpu.memref_slice %arg8[%run_scoped3A_409, %dma_start3A_735, %dma_start3A_736] : memref<2x128x128xf32, #tpu.memory_space<vmem>> -> memref<1x128x128xf32, #tpu.memory_space<vmem>>
        %dma_start3A_738 = tpu.memref_squeeze %dma_start3A_737 : memref<1x128x128xf32, #tpu.memory_space<vmem>> -> memref<128x128xf32, #tpu.memory_space<vmem>>
        %dma_start3A_739 = arith.constant 0 : i32
        %dma_start3A_740 = arith.constant 0 : i32
        %dma_start3A_741 = tpu.memref_slice %arg7[%rem3A_46, %dma_start3A_739, %dma_start3A_740] : memref<2x16x128xi32, #tpu.memory_space<vmem>> -> memref<1x16x128xi32, #tpu.memory_space<vmem>>
        %dma_start3A_742 = tpu.memref_squeeze %dma_start3A_741 : memref<1x16x128xi32, #tpu.memory_space<vmem>> -> memref<16x128xi32, #tpu.memory_space<vmem>>
        %dma_start3A_743 = arith.constant 0 : i32
        %dma_start3A_744 = tpu.memref_slice %dma_start3A_742[%run_scoped3A_410, %dma_start3A_743] : memref<16x128xi32, #tpu.memory_space<vmem>> -> memref<1x128xi32, #tpu.memory_space<vmem>>
        %dma_start3A_745 = tpu.memref_squeeze %dma_start3A_744 : memref<1x128xi32, #tpu.memory_space<vmem>> -> memref<128xi32, #tpu.memory_space<vmem>>
        %dma_start3A_746 = arith.constant 0 : i32
        %dma_start3A_747 = arith.constant 0 : i32
        %dma_start3A_748 = tpu.memref_slice %arg9[%dma_start3A_746, %dma_start3A_747] : memref<10112x128xf32, #tpu.memory_space<vmem_shared>> -> memref<10112x128xf32, #tpu.memory_space<vmem_shared>>
        tpu.enqueue_indirect_dma source(%dma_start3A_738 : memref<128x128xf32, #tpu.memory_space<vmem>>) target(%dma_start3A_748 : memref<10112x128xf32, #tpu.memory_space<vmem_shared>>) offsets(%dma_start3A_745 : memref<128xi32, #tpu.memory_space<vmem>>) semaphore(%run_scoped3A_734 : memref<!tpu.dma_semaphore, #tpu.memory_space<semaphore_mem>>) {add = true}
        %dma_wait3A_749 = arith.constant 0 : i32
        %dma_wait3A_750 = arith.constant 0 : i32
        %dma_wait3A_751 = tpu.memref_slice %arg8[%run_scoped3A_409, %dma_wait3A_749, %dma_wait3A_750] : memref<2x128x128xf32, #tpu.memory_space<vmem>> -> memref<1x128x128xf32, #tpu.memory_space<vmem>>
        %dma_wait3A_752 = tpu.memref_squeeze %dma_wait3A_751 : memref<1x128x128xf32, #tpu.memory_space<vmem>> -> memref<128x128xf32, #tpu.memory_space<vmem>>
        %dma_wait3A_753 = arith.constant 0 : i32
        %dma_wait3A_754 = arith.constant 0 : i32
        %dma_wait3A_755 = tpu.memref_slice %arg7[%rem3A_46, %dma_wait3A_753, %dma_wait3A_754] : memref<2x16x128xi32, #tpu.memory_space<vmem>> -> memref<1x16x128xi32, #tpu.memory_space<vmem>>
        %dma_wait3A_756 = tpu.memref_squeeze %dma_wait3A_755 : memref<1x16x128xi32, #tpu.memory_space<vmem>> -> memref<16x128xi32, #tpu.memory_space<vmem>>
        %dma_wait3A_757 = arith.constant 0 : i32
        %dma_wait3A_758 = tpu.memref_slice %dma_wait3A_756[%run_scoped3A_410, %dma_wait3A_757] : memref<16x128xi32, #tpu.memory_space<vmem>> -> memref<1x128xi32, #tpu.memory_space<vmem>>
        %dma_wait3A_759 = tpu.memref_squeeze %dma_wait3A_758 : memref<1x128xi32, #tpu.memory_space<vmem>> -> memref<128xi32, #tpu.memory_space<vmem>>
        %dma_wait3A_760 = arith.constant 0 : i32
        %dma_wait3A_761 = arith.constant 0 : i32
        %dma_wait3A_762 = tpu.memref_slice %arg9[%dma_wait3A_760, %dma_wait3A_761] : memref<10112x128xf32, #tpu.memory_space<vmem_shared>> -> memref<10112x128xf32, #tpu.memory_space<vmem_shared>>
        tpu.wait_indirect_dma semaphore(%run_scoped3A_734 : memref<!tpu.dma_semaphore, #tpu.memory_space<semaphore_mem>>) src(%dma_wait3A_752 : memref<128x128xf32, #tpu.memory_space<vmem>>) dst(%dma_wait3A_762 : memref<10112x128xf32, #tpu.memory_space<vmem_shared>>)
        tpu.yield
      }) : () -> ()
      %dma_start3A_411 = arith.constant 9 : i32
      %dma_start3A_412 = arith.constant 1 : i32
      %dma_start3A_413 = arith.constant 0 : i32
      %dma_start3A_414 = arith.constant 0 : i32
      %dma_start3A_415 = tpu.memref_slice %arg8[%dma_start3A_412, %dma_start3A_413, %dma_start3A_414] : memref<2x128x128xf32, #tpu.memory_space<vmem>> -> memref<1x128x128xf32, #tpu.memory_space<vmem>>
      %dma_start3A_416 = tpu.memref_squeeze %dma_start3A_415 : memref<1x128x128xf32, #tpu.memory_space<vmem>> -> memref<128x128xf32, #tpu.memory_space<vmem>>
      %dma_start3A_417 = arith.constant 0 : i32
      %dma_start3A_418 = arith.constant 0 : i32
      %dma_start3A_419 = tpu.memref_slice %arg6[%rem3A_46, %dma_start3A_417, %dma_start3A_418] : memref<2x16x128xi32, #tpu.memory_space<vmem>> -> memref<1x16x128xi32, #tpu.memory_space<vmem>>
      %dma_start3A_420 = tpu.memref_squeeze %dma_start3A_419 : memref<1x16x128xi32, #tpu.memory_space<vmem>> -> memref<16x128xi32, #tpu.memory_space<vmem>>
      %dma_start3A_421 = arith.constant 0 : i32
      %dma_start3A_422 = tpu.memref_slice %dma_start3A_420[%dma_start3A_411, %dma_start3A_421] : memref<16x128xi32, #tpu.memory_space<vmem>> -> memref<1x128xi32, #tpu.memory_space<vmem>>
      %dma_start3A_423 = tpu.memref_squeeze %dma_start3A_422 : memref<1x128xi32, #tpu.memory_space<vmem>> -> memref<128xi32, #tpu.memory_space<vmem>>
      %dma_start3A_424 = arith.constant 0 : i32
      %dma_start3A_425 = arith.constant 0 : i32
      %dma_start3A_426 = tpu.memref_slice %arg2[%arg0, %dma_start3A_424, %dma_start3A_425] : memref<2x10000x128xf32, #tpu.memory_space<hbm>> -> memref<1x10000x128xf32, #tpu.memory_space<hbm>>
      %dma_start3A_427 = tpu.memref_squeeze %dma_start3A_426 : memref<1x10000x128xf32, #tpu.memory_space<hbm>> -> memref<10000x128xf32, #tpu.memory_space<hbm>>
      %dma_start3A_428 = arith.constant 0 : i32
      %dma_start3A_429 = arith.constant 0 : i32
      %dma_start3A_430 = tpu.memref_slice %dma_start3A_427[%dma_start3A_428, %dma_start3A_429] : memref<10000x128xf32, #tpu.memory_space<hbm>> -> memref<10000x128xf32, #tpu.memory_space<hbm>>
      tpu.enqueue_indirect_dma source(%dma_start3A_430 : memref<10000x128xf32, #tpu.memory_space<hbm>>) target(%dma_start3A_416 : memref<128x128xf32, #tpu.memory_space<vmem>>) offsets(%dma_start3A_423 : memref<128xi32, #tpu.memory_space<vmem>>) semaphore(%arg11 : memref<!tpu.dma_semaphore, #tpu.memory_space<semaphore_mem>>)
      %dma_wait3A_431 = arith.constant 8 : i32
      %dma_wait3A_432 = arith.constant 0 : i32
      %dma_wait3A_433 = arith.constant 0 : i32
      %dma_wait3A_434 = arith.constant 0 : i32
      %dma_wait3A_435 = tpu.memref_slice %arg8[%dma_wait3A_432, %dma_wait3A_433, %dma_wait3A_434] : memref<2x128x128xf32, #tpu.memory_space<vmem>> -> memref<1x128x128xf32, #tpu.memory_space<vmem>>
      %dma_wait3A_436 = tpu.memref_squeeze %dma_wait3A_435 : memref<1x128x128xf32, #tpu.memory_space<vmem>> -> memref<128x128xf32, #tpu.memory_space<vmem>>
      %dma_wait3A_437 = arith.constant 0 : i32
      %dma_wait3A_438 = arith.constant 0 : i32
      %dma_wait3A_439 = tpu.memref_slice %arg6[%rem3A_46, %dma_wait3A_437, %dma_wait3A_438] : memref<2x16x128xi32, #tpu.memory_space<vmem>> -> memref<1x16x128xi32, #tpu.memory_space<vmem>>
      %dma_wait3A_440 = tpu.memref_squeeze %dma_wait3A_439 : memref<1x16x128xi32, #tpu.memory_space<vmem>> -> memref<16x128xi32, #tpu.memory_space<vmem>>
      %dma_wait3A_441 = arith.constant 0 : i32
      %dma_wait3A_442 = tpu.memref_slice %dma_wait3A_440[%dma_wait3A_431, %dma_wait3A_441] : memref<16x128xi32, #tpu.memory_space<vmem>> -> memref<1x128xi32, #tpu.memory_space<vmem>>
      %dma_wait3A_443 = tpu.memref_squeeze %dma_wait3A_442 : memref<1x128xi32, #tpu.memory_space<vmem>> -> memref<128xi32, #tpu.memory_space<vmem>>
      %dma_wait3A_444 = arith.constant 0 : i32
      %dma_wait3A_445 = arith.constant 0 : i32
      %dma_wait3A_446 = tpu.memref_slice %arg2[%arg0, %dma_wait3A_444, %dma_wait3A_445] : memref<2x10000x128xf32, #tpu.memory_space<hbm>> -> memref<1x10000x128xf32, #tpu.memory_space<hbm>>
      %dma_wait3A_447 = tpu.memref_squeeze %dma_wait3A_446 : memref<1x10000x128xf32, #tpu.memory_space<hbm>> -> memref<10000x128xf32, #tpu.memory_space<hbm>>
      %dma_wait3A_448 = arith.constant 0 : i32
      %dma_wait3A_449 = arith.constant 0 : i32
      %dma_wait3A_450 = tpu.memref_slice %dma_wait3A_447[%dma_wait3A_448, %dma_wait3A_449] : memref<10000x128xf32, #tpu.memory_space<hbm>> -> memref<10000x128xf32, #tpu.memory_space<hbm>>
      tpu.wait_indirect_dma semaphore(%arg10 : memref<!tpu.dma_semaphore, #tpu.memory_space<semaphore_mem>>) src(%dma_wait3A_450 : memref<10000x128xf32, #tpu.memory_space<hbm>>) dst(%dma_wait3A_436 : memref<128x128xf32, #tpu.memory_space<vmem>>)
      %run_scoped3A_451 = arith.constant 0 : i32
      %run_scoped3A_452 = arith.constant 8 : i32
      "tpu.region"() ({
        %run_scoped3A_734 = tpu.sem_alloc : memref<!tpu.dma_semaphore, #tpu.memory_space<semaphore_mem>>
        %dma_start3A_735 = arith.constant 0 : i32
        %dma_start3A_736 = arith.constant 0 : i32
        %dma_start3A_737 = tpu.memref_slice %arg8[%run_scoped3A_451, %dma_start3A_735, %dma_start3A_736] : memref<2x128x128xf32, #tpu.memory_space<vmem>> -> memref<1x128x128xf32, #tpu.memory_space<vmem>>
        %dma_start3A_738 = tpu.memref_squeeze %dma_start3A_737 : memref<1x128x128xf32, #tpu.memory_space<vmem>> -> memref<128x128xf32, #tpu.memory_space<vmem>>
        %dma_start3A_739 = arith.constant 0 : i32
        %dma_start3A_740 = arith.constant 0 : i32
        %dma_start3A_741 = tpu.memref_slice %arg7[%rem3A_46, %dma_start3A_739, %dma_start3A_740] : memref<2x16x128xi32, #tpu.memory_space<vmem>> -> memref<1x16x128xi32, #tpu.memory_space<vmem>>
        %dma_start3A_742 = tpu.memref_squeeze %dma_start3A_741 : memref<1x16x128xi32, #tpu.memory_space<vmem>> -> memref<16x128xi32, #tpu.memory_space<vmem>>
        %dma_start3A_743 = arith.constant 0 : i32
        %dma_start3A_744 = tpu.memref_slice %dma_start3A_742[%run_scoped3A_452, %dma_start3A_743] : memref<16x128xi32, #tpu.memory_space<vmem>> -> memref<1x128xi32, #tpu.memory_space<vmem>>
        %dma_start3A_745 = tpu.memref_squeeze %dma_start3A_744 : memref<1x128xi32, #tpu.memory_space<vmem>> -> memref<128xi32, #tpu.memory_space<vmem>>
        %dma_start3A_746 = arith.constant 0 : i32
        %dma_start3A_747 = arith.constant 0 : i32
        %dma_start3A_748 = tpu.memref_slice %arg9[%dma_start3A_746, %dma_start3A_747] : memref<10112x128xf32, #tpu.memory_space<vmem_shared>> -> memref<10112x128xf32, #tpu.memory_space<vmem_shared>>
        tpu.enqueue_indirect_dma source(%dma_start3A_738 : memref<128x128xf32, #tpu.memory_space<vmem>>) target(%dma_start3A_748 : memref<10112x128xf32, #tpu.memory_space<vmem_shared>>) offsets(%dma_start3A_745 : memref<128xi32, #tpu.memory_space<vmem>>) semaphore(%run_scoped3A_734 : memref<!tpu.dma_semaphore, #tpu.memory_space<semaphore_mem>>) {add = true}
        %dma_wait3A_749 = arith.constant 0 : i32
        %dma_wait3A_750 = arith.constant 0 : i32
        %dma_wait3A_751 = tpu.memref_slice %arg8[%run_scoped3A_451, %dma_wait3A_749, %dma_wait3A_750] : memref<2x128x128xf32, #tpu.memory_space<vmem>> -> memref<1x128x128xf32, #tpu.memory_space<vmem>>
        %dma_wait3A_752 = tpu.memref_squeeze %dma_wait3A_751 : memref<1x128x128xf32, #tpu.memory_space<vmem>> -> memref<128x128xf32, #tpu.memory_space<vmem>>
        %dma_wait3A_753 = arith.constant 0 : i32
        %dma_wait3A_754 = arith.constant 0 : i32
        %dma_wait3A_755 = tpu.memref_slice %arg7[%rem3A_46, %dma_wait3A_753, %dma_wait3A_754] : memref<2x16x128xi32, #tpu.memory_space<vmem>> -> memref<1x16x128xi32, #tpu.memory_space<vmem>>
        %dma_wait3A_756 = tpu.memref_squeeze %dma_wait3A_755 : memref<1x16x128xi32, #tpu.memory_space<vmem>> -> memref<16x128xi32, #tpu.memory_space<vmem>>
        %dma_wait3A_757 = arith.constant 0 : i32
        %dma_wait3A_758 = tpu.memref_slice %dma_wait3A_756[%run_scoped3A_452, %dma_wait3A_757] : memref<16x128xi32, #tpu.memory_space<vmem>> -> memref<1x128xi32, #tpu.memory_space<vmem>>
        %dma_wait3A_759 = tpu.memref_squeeze %dma_wait3A_758 : memref<1x128xi32, #tpu.memory_space<vmem>> -> memref<128xi32, #tpu.memory_space<vmem>>
        %dma_wait3A_760 = arith.constant 0 : i32
        %dma_wait3A_761 = arith.constant 0 : i32
        %dma_wait3A_762 = tpu.memref_slice %arg9[%dma_wait3A_760, %dma_wait3A_761] : memref<10112x128xf32, #tpu.memory_space<vmem_shared>> -> memref<10112x128xf32, #tpu.memory_space<vmem_shared>>
        tpu.wait_indirect_dma semaphore(%run_scoped3A_734 : memref<!tpu.dma_semaphore, #tpu.memory_space<semaphore_mem>>) src(%dma_wait3A_752 : memref<128x128xf32, #tpu.memory_space<vmem>>) dst(%dma_wait3A_762 : memref<10112x128xf32, #tpu.memory_space<vmem_shared>>)
        tpu.yield
      }) : () -> ()
      %dma_start3A_453 = arith.constant 10 : i32
      %dma_start3A_454 = arith.constant 0 : i32
      %dma_start3A_455 = arith.constant 0 : i32
      %dma_start3A_456 = arith.constant 0 : i32
      %dma_start3A_457 = tpu.memref_slice %arg8[%dma_start3A_454, %dma_start3A_455, %dma_start3A_456] : memref<2x128x128xf32, #tpu.memory_space<vmem>> -> memref<1x128x128xf32, #tpu.memory_space<vmem>>
      %dma_start3A_458 = tpu.memref_squeeze %dma_start3A_457 : memref<1x128x128xf32, #tpu.memory_space<vmem>> -> memref<128x128xf32, #tpu.memory_space<vmem>>
      %dma_start3A_459 = arith.constant 0 : i32
      %dma_start3A_460 = arith.constant 0 : i32
      %dma_start3A_461 = tpu.memref_slice %arg6[%rem3A_46, %dma_start3A_459, %dma_start3A_460] : memref<2x16x128xi32, #tpu.memory_space<vmem>> -> memref<1x16x128xi32, #tpu.memory_space<vmem>>
      %dma_start3A_462 = tpu.memref_squeeze %dma_start3A_461 : memref<1x16x128xi32, #tpu.memory_space<vmem>> -> memref<16x128xi32, #tpu.memory_space<vmem>>
      %dma_start3A_463 = arith.constant 0 : i32
      %dma_start3A_464 = tpu.memref_slice %dma_start3A_462[%dma_start3A_453, %dma_start3A_463] : memref<16x128xi32, #tpu.memory_space<vmem>> -> memref<1x128xi32, #tpu.memory_space<vmem>>
      %dma_start3A_465 = tpu.memref_squeeze %dma_start3A_464 : memref<1x128xi32, #tpu.memory_space<vmem>> -> memref<128xi32, #tpu.memory_space<vmem>>
      %dma_start3A_466 = arith.constant 0 : i32
      %dma_start3A_467 = arith.constant 0 : i32
      %dma_start3A_468 = tpu.memref_slice %arg2[%arg0, %dma_start3A_466, %dma_start3A_467] : memref<2x10000x128xf32, #tpu.memory_space<hbm>> -> memref<1x10000x128xf32, #tpu.memory_space<hbm>>
      %dma_start3A_469 = tpu.memref_squeeze %dma_start3A_468 : memref<1x10000x128xf32, #tpu.memory_space<hbm>> -> memref<10000x128xf32, #tpu.memory_space<hbm>>
      %dma_start3A_470 = arith.constant 0 : i32
      %dma_start3A_471 = arith.constant 0 : i32
      %dma_start3A_472 = tpu.memref_slice %dma_start3A_469[%dma_start3A_470, %dma_start3A_471] : memref<10000x128xf32, #tpu.memory_space<hbm>> -> memref<10000x128xf32, #tpu.memory_space<hbm>>
      tpu.enqueue_indirect_dma source(%dma_start3A_472 : memref<10000x128xf32, #tpu.memory_space<hbm>>) target(%dma_start3A_458 : memref<128x128xf32, #tpu.memory_space<vmem>>) offsets(%dma_start3A_465 : memref<128xi32, #tpu.memory_space<vmem>>) semaphore(%arg10 : memref<!tpu.dma_semaphore, #tpu.memory_space<semaphore_mem>>)
      %dma_wait3A_473 = arith.constant 9 : i32
      %dma_wait3A_474 = arith.constant 1 : i32
      %dma_wait3A_475 = arith.constant 0 : i32
      %dma_wait3A_476 = arith.constant 0 : i32
      %dma_wait3A_477 = tpu.memref_slice %arg8[%dma_wait3A_474, %dma_wait3A_475, %dma_wait3A_476] : memref<2x128x128xf32, #tpu.memory_space<vmem>> -> memref<1x128x128xf32, #tpu.memory_space<vmem>>
      %dma_wait3A_478 = tpu.memref_squeeze %dma_wait3A_477 : memref<1x128x128xf32, #tpu.memory_space<vmem>> -> memref<128x128xf32, #tpu.memory_space<vmem>>
      %dma_wait3A_479 = arith.constant 0 : i32
      %dma_wait3A_480 = arith.constant 0 : i32
      %dma_wait3A_481 = tpu.memref_slice %arg6[%rem3A_46, %dma_wait3A_479, %dma_wait3A_480] : memref<2x16x128xi32, #tpu.memory_space<vmem>> -> memref<1x16x128xi32, #tpu.memory_space<vmem>>
      %dma_wait3A_482 = tpu.memref_squeeze %dma_wait3A_481 : memref<1x16x128xi32, #tpu.memory_space<vmem>> -> memref<16x128xi32, #tpu.memory_space<vmem>>
      %dma_wait3A_483 = arith.constant 0 : i32
      %dma_wait3A_484 = tpu.memref_slice %dma_wait3A_482[%dma_wait3A_473, %dma_wait3A_483] : memref<16x128xi32, #tpu.memory_space<vmem>> -> memref<1x128xi32, #tpu.memory_space<vmem>>
      %dma_wait3A_485 = tpu.memref_squeeze %dma_wait3A_484 : memref<1x128xi32, #tpu.memory_space<vmem>> -> memref<128xi32, #tpu.memory_space<vmem>>
      %dma_wait3A_486 = arith.constant 0 : i32
      %dma_wait3A_487 = arith.constant 0 : i32
      %dma_wait3A_488 = tpu.memref_slice %arg2[%arg0, %dma_wait3A_486, %dma_wait3A_487] : memref<2x10000x128xf32, #tpu.memory_space<hbm>> -> memref<1x10000x128xf32, #tpu.memory_space<hbm>>
      %dma_wait3A_489 = tpu.memref_squeeze %dma_wait3A_488 : memref<1x10000x128xf32, #tpu.memory_space<hbm>> -> memref<10000x128xf32, #tpu.memory_space<hbm>>
      %dma_wait3A_490 = arith.constant 0 : i32
      %dma_wait3A_491 = arith.constant 0 : i32
      %dma_wait3A_492 = tpu.memref_slice %dma_wait3A_489[%dma_wait3A_490, %dma_wait3A_491] : memref<10000x128xf32, #tpu.memory_space<hbm>> -> memref<10000x128xf32, #tpu.memory_space<hbm>>
      tpu.wait_indirect_dma semaphore(%arg11 : memref<!tpu.dma_semaphore, #tpu.memory_space<semaphore_mem>>) src(%dma_wait3A_492 : memref<10000x128xf32, #tpu.memory_space<hbm>>) dst(%dma_wait3A_478 : memref<128x128xf32, #tpu.memory_space<vmem>>)
      %run_scoped3A_493 = arith.constant 1 : i32
      %run_scoped3A_494 = arith.constant 9 : i32
      "tpu.region"() ({
        %run_scoped3A_734 = tpu.sem_alloc : memref<!tpu.dma_semaphore, #tpu.memory_space<semaphore_mem>>
        %dma_start3A_735 = arith.constant 0 : i32
        %dma_start3A_736 = arith.constant 0 : i32
        %dma_start3A_737 = tpu.memref_slice %arg8[%run_scoped3A_493, %dma_start3A_735, %dma_start3A_736] : memref<2x128x128xf32, #tpu.memory_space<vmem>> -> memref<1x128x128xf32, #tpu.memory_space<vmem>>
        %dma_start3A_738 = tpu.memref_squeeze %dma_start3A_737 : memref<1x128x128xf32, #tpu.memory_space<vmem>> -> memref<128x128xf32, #tpu.memory_space<vmem>>
        %dma_start3A_739 = arith.constant 0 : i32
        %dma_start3A_740 = arith.constant 0 : i32
        %dma_start3A_741 = tpu.memref_slice %arg7[%rem3A_46, %dma_start3A_739, %dma_start3A_740] : memref<2x16x128xi32, #tpu.memory_space<vmem>> -> memref<1x16x128xi32, #tpu.memory_space<vmem>>
        %dma_start3A_742 = tpu.memref_squeeze %dma_start3A_741 : memref<1x16x128xi32, #tpu.memory_space<vmem>> -> memref<16x128xi32, #tpu.memory_space<vmem>>
        %dma_start3A_743 = arith.constant 0 : i32
        %dma_start3A_744 = tpu.memref_slice %dma_start3A_742[%run_scoped3A_494, %dma_start3A_743] : memref<16x128xi32, #tpu.memory_space<vmem>> -> memref<1x128xi32, #tpu.memory_space<vmem>>
        %dma_start3A_745 = tpu.memref_squeeze %dma_start3A_744 : memref<1x128xi32, #tpu.memory_space<vmem>> -> memref<128xi32, #tpu.memory_space<vmem>>
        %dma_start3A_746 = arith.constant 0 : i32
        %dma_start3A_747 = arith.constant 0 : i32
        %dma_start3A_748 = tpu.memref_slice %arg9[%dma_start3A_746, %dma_start3A_747] : memref<10112x128xf32, #tpu.memory_space<vmem_shared>> -> memref<10112x128xf32, #tpu.memory_space<vmem_shared>>
        tpu.enqueue_indirect_dma source(%dma_start3A_738 : memref<128x128xf32, #tpu.memory_space<vmem>>) target(%dma_start3A_748 : memref<10112x128xf32, #tpu.memory_space<vmem_shared>>) offsets(%dma_start3A_745 : memref<128xi32, #tpu.memory_space<vmem>>) semaphore(%run_scoped3A_734 : memref<!tpu.dma_semaphore, #tpu.memory_space<semaphore_mem>>) {add = true}
        %dma_wait3A_749 = arith.constant 0 : i32
        %dma_wait3A_750 = arith.constant 0 : i32
        %dma_wait3A_751 = tpu.memref_slice %arg8[%run_scoped3A_493, %dma_wait3A_749, %dma_wait3A_750] : memref<2x128x128xf32, #tpu.memory_space<vmem>> -> memref<1x128x128xf32, #tpu.memory_space<vmem>>
        %dma_wait3A_752 = tpu.memref_squeeze %dma_wait3A_751 : memref<1x128x128xf32, #tpu.memory_space<vmem>> -> memref<128x128xf32, #tpu.memory_space<vmem>>
        %dma_wait3A_753 = arith.constant 0 : i32
        %dma_wait3A_754 = arith.constant 0 : i32
        %dma_wait3A_755 = tpu.memref_slice %arg7[%rem3A_46, %dma_wait3A_753, %dma_wait3A_754] : memref<2x16x128xi32, #tpu.memory_space<vmem>> -> memref<1x16x128xi32, #tpu.memory_space<vmem>>
        %dma_wait3A_756 = tpu.memref_squeeze %dma_wait3A_755 : memref<1x16x128xi32, #tpu.memory_space<vmem>> -> memref<16x128xi32, #tpu.memory_space<vmem>>
        %dma_wait3A_757 = arith.constant 0 : i32
        %dma_wait3A_758 = tpu.memref_slice %dma_wait3A_756[%run_scoped3A_494, %dma_wait3A_757] : memref<16x128xi32, #tpu.memory_space<vmem>> -> memref<1x128xi32, #tpu.memory_space<vmem>>
        %dma_wait3A_759 = tpu.memref_squeeze %dma_wait3A_758 : memref<1x128xi32, #tpu.memory_space<vmem>> -> memref<128xi32, #tpu.memory_space<vmem>>
        %dma_wait3A_760 = arith.constant 0 : i32
        %dma_wait3A_761 = arith.constant 0 : i32
        %dma_wait3A_762 = tpu.memref_slice %arg9[%dma_wait3A_760, %dma_wait3A_761] : memref<10112x128xf32, #tpu.memory_space<vmem_shared>> -> memref<10112x128xf32, #tpu.memory_space<vmem_shared>>
        tpu.wait_indirect_dma semaphore(%run_scoped3A_734 : memref<!tpu.dma_semaphore, #tpu.memory_space<semaphore_mem>>) src(%dma_wait3A_752 : memref<128x128xf32, #tpu.memory_space<vmem>>) dst(%dma_wait3A_762 : memref<10112x128xf32, #tpu.memory_space<vmem_shared>>)
        tpu.yield
      }) : () -> ()
      %dma_start3A_495 = arith.constant 11 : i32
      %dma_start3A_496 = arith.constant 1 : i32
      %dma_start3A_497 = arith.constant 0 : i32
      %dma_start3A_498 = arith.constant 0 : i32
      %dma_start3A_499 = tpu.memref_slice %arg8[%dma_start3A_496, %dma_start3A_497, %dma_start3A_498] : memref<2x128x128xf32, #tpu.memory_space<vmem>> -> memref<1x128x128xf32, #tpu.memory_space<vmem>>
      %dma_start3A_500 = tpu.memref_squeeze %dma_start3A_499 : memref<1x128x128xf32, #tpu.memory_space<vmem>> -> memref<128x128xf32, #tpu.memory_space<vmem>>
      %dma_start3A_501 = arith.constant 0 : i32
      %dma_start3A_502 = arith.constant 0 : i32
      %dma_start3A_503 = tpu.memref_slice %arg6[%rem3A_46, %dma_start3A_501, %dma_start3A_502] : memref<2x16x128xi32, #tpu.memory_space<vmem>> -> memref<1x16x128xi32, #tpu.memory_space<vmem>>
      %dma_start3A_504 = tpu.memref_squeeze %dma_start3A_503 : memref<1x16x128xi32, #tpu.memory_space<vmem>> -> memref<16x128xi32, #tpu.memory_space<vmem>>
      %dma_start3A_505 = arith.constant 0 : i32
      %dma_start3A_506 = tpu.memref_slice %dma_start3A_504[%dma_start3A_495, %dma_start3A_505] : memref<16x128xi32, #tpu.memory_space<vmem>> -> memref<1x128xi32, #tpu.memory_space<vmem>>
      %dma_start3A_507 = tpu.memref_squeeze %dma_start3A_506 : memref<1x128xi32, #tpu.memory_space<vmem>> -> memref<128xi32, #tpu.memory_space<vmem>>
      %dma_start3A_508 = arith.constant 0 : i32
      %dma_start3A_509 = arith.constant 0 : i32
      %dma_start3A_510 = tpu.memref_slice %arg2[%arg0, %dma_start3A_508, %dma_start3A_509] : memref<2x10000x128xf32, #tpu.memory_space<hbm>> -> memref<1x10000x128xf32, #tpu.memory_space<hbm>>
      %dma_start3A_511 = tpu.memref_squeeze %dma_start3A_510 : memref<1x10000x128xf32, #tpu.memory_space<hbm>> -> memref<10000x128xf32, #tpu.memory_space<hbm>>
      %dma_start3A_512 = arith.constant 0 : i32
      %dma_start3A_513 = arith.constant 0 : i32
      %dma_start3A_514 = tpu.memref_slice %dma_start3A_511[%dma_start3A_512, %dma_start3A_513] : memref<10000x128xf32, #tpu.memory_space<hbm>> -> memref<10000x128xf32, #tpu.memory_space<hbm>>
      tpu.enqueue_indirect_dma source(%dma_start3A_514 : memref<10000x128xf32, #tpu.memory_space<hbm>>) target(%dma_start3A_500 : memref<128x128xf32, #tpu.memory_space<vmem>>) offsets(%dma_start3A_507 : memref<128xi32, #tpu.memory_space<vmem>>) semaphore(%arg11 : memref<!tpu.dma_semaphore, #tpu.memory_space<semaphore_mem>>)
      %dma_wait3A_515 = arith.constant 10 : i32
      %dma_wait3A_516 = arith.constant 0 : i32
      %dma_wait3A_517 = arith.constant 0 : i32
      %dma_wait3A_518 = arith.constant 0 : i32
      %dma_wait3A_519 = tpu.memref_slice %arg8[%dma_wait3A_516, %dma_wait3A_517, %dma_wait3A_518] : memref<2x128x128xf32, #tpu.memory_space<vmem>> -> memref<1x128x128xf32, #tpu.memory_space<vmem>>
      %dma_wait3A_520 = tpu.memref_squeeze %dma_wait3A_519 : memref<1x128x128xf32, #tpu.memory_space<vmem>> -> memref<128x128xf32, #tpu.memory_space<vmem>>
      %dma_wait3A_521 = arith.constant 0 : i32
      %dma_wait3A_522 = arith.constant 0 : i32
      %dma_wait3A_523 = tpu.memref_slice %arg6[%rem3A_46, %dma_wait3A_521, %dma_wait3A_522] : memref<2x16x128xi32, #tpu.memory_space<vmem>> -> memref<1x16x128xi32, #tpu.memory_space<vmem>>
      %dma_wait3A_524 = tpu.memref_squeeze %dma_wait3A_523 : memref<1x16x128xi32, #tpu.memory_space<vmem>> -> memref<16x128xi32, #tpu.memory_space<vmem>>
      %dma_wait3A_525 = arith.constant 0 : i32
      %dma_wait3A_526 = tpu.memref_slice %dma_wait3A_524[%dma_wait3A_515, %dma_wait3A_525] : memref<16x128xi32, #tpu.memory_space<vmem>> -> memref<1x128xi32, #tpu.memory_space<vmem>>
      %dma_wait3A_527 = tpu.memref_squeeze %dma_wait3A_526 : memref<1x128xi32, #tpu.memory_space<vmem>> -> memref<128xi32, #tpu.memory_space<vmem>>
      %dma_wait3A_528 = arith.constant 0 : i32
      %dma_wait3A_529 = arith.constant 0 : i32
      %dma_wait3A_530 = tpu.memref_slice %arg2[%arg0, %dma_wait3A_528, %dma_wait3A_529] : memref<2x10000x128xf32, #tpu.memory_space<hbm>> -> memref<1x10000x128xf32, #tpu.memory_space<hbm>>
      %dma_wait3A_531 = tpu.memref_squeeze %dma_wait3A_530 : memref<1x10000x128xf32, #tpu.memory_space<hbm>> -> memref<10000x128xf32, #tpu.memory_space<hbm>>
      %dma_wait3A_532 = arith.constant 0 : i32
      %dma_wait3A_533 = arith.constant 0 : i32
      %dma_wait3A_534 = tpu.memref_slice %dma_wait3A_531[%dma_wait3A_532, %dma_wait3A_533] : memref<10000x128xf32, #tpu.memory_space<hbm>> -> memref<10000x128xf32, #tpu.memory_space<hbm>>
      tpu.wait_indirect_dma semaphore(%arg10 : memref<!tpu.dma_semaphore, #tpu.memory_space<semaphore_mem>>) src(%dma_wait3A_534 : memref<10000x128xf32, #tpu.memory_space<hbm>>) dst(%dma_wait3A_520 : memref<128x128xf32, #tpu.memory_space<vmem>>)
      %run_scoped3A_535 = arith.constant 0 : i32
      %run_scoped3A_536 = arith.constant 10 : i32
      "tpu.region"() ({
        %run_scoped3A_734 = tpu.sem_alloc : memref<!tpu.dma_semaphore, #tpu.memory_space<semaphore_mem>>
        %dma_start3A_735 = arith.constant 0 : i32
        %dma_start3A_736 = arith.constant 0 : i32
        %dma_start3A_737 = tpu.memref_slice %arg8[%run_scoped3A_535, %dma_start3A_735, %dma_start3A_736] : memref<2x128x128xf32, #tpu.memory_space<vmem>> -> memref<1x128x128xf32, #tpu.memory_space<vmem>>
        %dma_start3A_738 = tpu.memref_squeeze %dma_start3A_737 : memref<1x128x128xf32, #tpu.memory_space<vmem>> -> memref<128x128xf32, #tpu.memory_space<vmem>>
        %dma_start3A_739 = arith.constant 0 : i32
        %dma_start3A_740 = arith.constant 0 : i32
        %dma_start3A_741 = tpu.memref_slice %arg7[%rem3A_46, %dma_start3A_739, %dma_start3A_740] : memref<2x16x128xi32, #tpu.memory_space<vmem>> -> memref<1x16x128xi32, #tpu.memory_space<vmem>>
        %dma_start3A_742 = tpu.memref_squeeze %dma_start3A_741 : memref<1x16x128xi32, #tpu.memory_space<vmem>> -> memref<16x128xi32, #tpu.memory_space<vmem>>
        %dma_start3A_743 = arith.constant 0 : i32
        %dma_start3A_744 = tpu.memref_slice %dma_start3A_742[%run_scoped3A_536, %dma_start3A_743] : memref<16x128xi32, #tpu.memory_space<vmem>> -> memref<1x128xi32, #tpu.memory_space<vmem>>
        %dma_start3A_745 = tpu.memref_squeeze %dma_start3A_744 : memref<1x128xi32, #tpu.memory_space<vmem>> -> memref<128xi32, #tpu.memory_space<vmem>>
        %dma_start3A_746 = arith.constant 0 : i32
        %dma_start3A_747 = arith.constant 0 : i32
        %dma_start3A_748 = tpu.memref_slice %arg9[%dma_start3A_746, %dma_start3A_747] : memref<10112x128xf32, #tpu.memory_space<vmem_shared>> -> memref<10112x128xf32, #tpu.memory_space<vmem_shared>>
        tpu.enqueue_indirect_dma source(%dma_start3A_738 : memref<128x128xf32, #tpu.memory_space<vmem>>) target(%dma_start3A_748 : memref<10112x128xf32, #tpu.memory_space<vmem_shared>>) offsets(%dma_start3A_745 : memref<128xi32, #tpu.memory_space<vmem>>) semaphore(%run_scoped3A_734 : memref<!tpu.dma_semaphore, #tpu.memory_space<semaphore_mem>>) {add = true}
        %dma_wait3A_749 = arith.constant 0 : i32
        %dma_wait3A_750 = arith.constant 0 : i32
        %dma_wait3A_751 = tpu.memref_slice %arg8[%run_scoped3A_535, %dma_wait3A_749, %dma_wait3A_750] : memref<2x128x128xf32, #tpu.memory_space<vmem>> -> memref<1x128x128xf32, #tpu.memory_space<vmem>>
        %dma_wait3A_752 = tpu.memref_squeeze %dma_wait3A_751 : memref<1x128x128xf32, #tpu.memory_space<vmem>> -> memref<128x128xf32, #tpu.memory_space<vmem>>
        %dma_wait3A_753 = arith.constant 0 : i32
        %dma_wait3A_754 = arith.constant 0 : i32
        %dma_wait3A_755 = tpu.memref_slice %arg7[%rem3A_46, %dma_wait3A_753, %dma_wait3A_754] : memref<2x16x128xi32, #tpu.memory_space<vmem>> -> memref<1x16x128xi32, #tpu.memory_space<vmem>>
        %dma_wait3A_756 = tpu.memref_squeeze %dma_wait3A_755 : memref<1x16x128xi32, #tpu.memory_space<vmem>> -> memref<16x128xi32, #tpu.memory_space<vmem>>
        %dma_wait3A_757 = arith.constant 0 : i32
        %dma_wait3A_758 = tpu.memref_slice %dma_wait3A_756[%run_scoped3A_536, %dma_wait3A_757] : memref<16x128xi32, #tpu.memory_space<vmem>> -> memref<1x128xi32, #tpu.memory_space<vmem>>
        %dma_wait3A_759 = tpu.memref_squeeze %dma_wait3A_758 : memref<1x128xi32, #tpu.memory_space<vmem>> -> memref<128xi32, #tpu.memory_space<vmem>>
        %dma_wait3A_760 = arith.constant 0 : i32
        %dma_wait3A_761 = arith.constant 0 : i32
        %dma_wait3A_762 = tpu.memref_slice %arg9[%dma_wait3A_760, %dma_wait3A_761] : memref<10112x128xf32, #tpu.memory_space<vmem_shared>> -> memref<10112x128xf32, #tpu.memory_space<vmem_shared>>
        tpu.wait_indirect_dma semaphore(%run_scoped3A_734 : memref<!tpu.dma_semaphore, #tpu.memory_space<semaphore_mem>>) src(%dma_wait3A_752 : memref<128x128xf32, #tpu.memory_space<vmem>>) dst(%dma_wait3A_762 : memref<10112x128xf32, #tpu.memory_space<vmem_shared>>)
        tpu.yield
      }) : () -> ()
      %dma_start3A_537 = arith.constant 12 : i32
      %dma_start3A_538 = arith.constant 0 : i32
      %dma_start3A_539 = arith.constant 0 : i32
      %dma_start3A_540 = arith.constant 0 : i32
      %dma_start3A_541 = tpu.memref_slice %arg8[%dma_start3A_538, %dma_start3A_539, %dma_start3A_540] : memref<2x128x128xf32, #tpu.memory_space<vmem>> -> memref<1x128x128xf32, #tpu.memory_space<vmem>>
      %dma_start3A_542 = tpu.memref_squeeze %dma_start3A_541 : memref<1x128x128xf32, #tpu.memory_space<vmem>> -> memref<128x128xf32, #tpu.memory_space<vmem>>
      %dma_start3A_543 = arith.constant 0 : i32
      %dma_start3A_544 = arith.constant 0 : i32
      %dma_start3A_545 = tpu.memref_slice %arg6[%rem3A_46, %dma_start3A_543, %dma_start3A_544] : memref<2x16x128xi32, #tpu.memory_space<vmem>> -> memref<1x16x128xi32, #tpu.memory_space<vmem>>
      %dma_start3A_546 = tpu.memref_squeeze %dma_start3A_545 : memref<1x16x128xi32, #tpu.memory_space<vmem>> -> memref<16x128xi32, #tpu.memory_space<vmem>>
      %dma_start3A_547 = arith.constant 0 : i32
      %dma_start3A_548 = tpu.memref_slice %dma_start3A_546[%dma_start3A_537, %dma_start3A_547] : memref<16x128xi32, #tpu.memory_space<vmem>> -> memref<1x128xi32, #tpu.memory_space<vmem>>
      %dma_start3A_549 = tpu.memref_squeeze %dma_start3A_548 : memref<1x128xi32, #tpu.memory_space<vmem>> -> memref<128xi32, #tpu.memory_space<vmem>>
      %dma_start3A_550 = arith.constant 0 : i32
      %dma_start3A_551 = arith.constant 0 : i32
      %dma_start3A_552 = tpu.memref_slice %arg2[%arg0, %dma_start3A_550, %dma_start3A_551] : memref<2x10000x128xf32, #tpu.memory_space<hbm>> -> memref<1x10000x128xf32, #tpu.memory_space<hbm>>
      %dma_start3A_553 = tpu.memref_squeeze %dma_start3A_552 : memref<1x10000x128xf32, #tpu.memory_space<hbm>> -> memref<10000x128xf32, #tpu.memory_space<hbm>>
      %dma_start3A_554 = arith.constant 0 : i32
      %dma_start3A_555 = arith.constant 0 : i32
      %dma_start3A_556 = tpu.memref_slice %dma_start3A_553[%dma_start3A_554, %dma_start3A_555] : memref<10000x128xf32, #tpu.memory_space<hbm>> -> memref<10000x128xf32, #tpu.memory_space<hbm>>
      tpu.enqueue_indirect_dma source(%dma_start3A_556 : memref<10000x128xf32, #tpu.memory_space<hbm>>) target(%dma_start3A_542 : memref<128x128xf32, #tpu.memory_space<vmem>>) offsets(%dma_start3A_549 : memref<128xi32, #tpu.memory_space<vmem>>) semaphore(%arg10 : memref<!tpu.dma_semaphore, #tpu.memory_space<semaphore_mem>>)
      %dma_wait3A_557 = arith.constant 11 : i32
      %dma_wait3A_558 = arith.constant 1 : i32
      %dma_wait3A_559 = arith.constant 0 : i32
      %dma_wait3A_560 = arith.constant 0 : i32
      %dma_wait3A_561 = tpu.memref_slice %arg8[%dma_wait3A_558, %dma_wait3A_559, %dma_wait3A_560] : memref<2x128x128xf32, #tpu.memory_space<vmem>> -> memref<1x128x128xf32, #tpu.memory_space<vmem>>
      %dma_wait3A_562 = tpu.memref_squeeze %dma_wait3A_561 : memref<1x128x128xf32, #tpu.memory_space<vmem>> -> memref<128x128xf32, #tpu.memory_space<vmem>>
      %dma_wait3A_563 = arith.constant 0 : i32
      %dma_wait3A_564 = arith.constant 0 : i32
      %dma_wait3A_565 = tpu.memref_slice %arg6[%rem3A_46, %dma_wait3A_563, %dma_wait3A_564] : memref<2x16x128xi32, #tpu.memory_space<vmem>> -> memref<1x16x128xi32, #tpu.memory_space<vmem>>
      %dma_wait3A_566 = tpu.memref_squeeze %dma_wait3A_565 : memref<1x16x128xi32, #tpu.memory_space<vmem>> -> memref<16x128xi32, #tpu.memory_space<vmem>>
      %dma_wait3A_567 = arith.constant 0 : i32
      %dma_wait3A_568 = tpu.memref_slice %dma_wait3A_566[%dma_wait3A_557, %dma_wait3A_567] : memref<16x128xi32, #tpu.memory_space<vmem>> -> memref<1x128xi32, #tpu.memory_space<vmem>>
      %dma_wait3A_569 = tpu.memref_squeeze %dma_wait3A_568 : memref<1x128xi32, #tpu.memory_space<vmem>> -> memref<128xi32, #tpu.memory_space<vmem>>
      %dma_wait3A_570 = arith.constant 0 : i32
      %dma_wait3A_571 = arith.constant 0 : i32
      %dma_wait3A_572 = tpu.memref_slice %arg2[%arg0, %dma_wait3A_570, %dma_wait3A_571] : memref<2x10000x128xf32, #tpu.memory_space<hbm>> -> memref<1x10000x128xf32, #tpu.memory_space<hbm>>
      %dma_wait3A_573 = tpu.memref_squeeze %dma_wait3A_572 : memref<1x10000x128xf32, #tpu.memory_space<hbm>> -> memref<10000x128xf32, #tpu.memory_space<hbm>>
      %dma_wait3A_574 = arith.constant 0 : i32
      %dma_wait3A_575 = arith.constant 0 : i32
      %dma_wait3A_576 = tpu.memref_slice %dma_wait3A_573[%dma_wait3A_574, %dma_wait3A_575] : memref<10000x128xf32, #tpu.memory_space<hbm>> -> memref<10000x128xf32, #tpu.memory_space<hbm>>
      tpu.wait_indirect_dma semaphore(%arg11 : memref<!tpu.dma_semaphore, #tpu.memory_space<semaphore_mem>>) src(%dma_wait3A_576 : memref<10000x128xf32, #tpu.memory_space<hbm>>) dst(%dma_wait3A_562 : memref<128x128xf32, #tpu.memory_space<vmem>>)
      %run_scoped3A_577 = arith.constant 1 : i32
      %run_scoped3A_578 = arith.constant 11 : i32
      "tpu.region"() ({
        %run_scoped3A_734 = tpu.sem_alloc : memref<!tpu.dma_semaphore, #tpu.memory_space<semaphore_mem>>
        %dma_start3A_735 = arith.constant 0 : i32
        %dma_start3A_736 = arith.constant 0 : i32
        %dma_start3A_737 = tpu.memref_slice %arg8[%run_scoped3A_577, %dma_start3A_735, %dma_start3A_736] : memref<2x128x128xf32, #tpu.memory_space<vmem>> -> memref<1x128x128xf32, #tpu.memory_space<vmem>>
        %dma_start3A_738 = tpu.memref_squeeze %dma_start3A_737 : memref<1x128x128xf32, #tpu.memory_space<vmem>> -> memref<128x128xf32, #tpu.memory_space<vmem>>
        %dma_start3A_739 = arith.constant 0 : i32
        %dma_start3A_740 = arith.constant 0 : i32
        %dma_start3A_741 = tpu.memref_slice %arg7[%rem3A_46, %dma_start3A_739, %dma_start3A_740] : memref<2x16x128xi32, #tpu.memory_space<vmem>> -> memref<1x16x128xi32, #tpu.memory_space<vmem>>
        %dma_start3A_742 = tpu.memref_squeeze %dma_start3A_741 : memref<1x16x128xi32, #tpu.memory_space<vmem>> -> memref<16x128xi32, #tpu.memory_space<vmem>>
        %dma_start3A_743 = arith.constant 0 : i32
        %dma_start3A_744 = tpu.memref_slice %dma_start3A_742[%run_scoped3A_578, %dma_start3A_743] : memref<16x128xi32, #tpu.memory_space<vmem>> -> memref<1x128xi32, #tpu.memory_space<vmem>>
        %dma_start3A_745 = tpu.memref_squeeze %dma_start3A_744 : memref<1x128xi32, #tpu.memory_space<vmem>> -> memref<128xi32, #tpu.memory_space<vmem>>
        %dma_start3A_746 = arith.constant 0 : i32
        %dma_start3A_747 = arith.constant 0 : i32
        %dma_start3A_748 = tpu.memref_slice %arg9[%dma_start3A_746, %dma_start3A_747] : memref<10112x128xf32, #tpu.memory_space<vmem_shared>> -> memref<10112x128xf32, #tpu.memory_space<vmem_shared>>
        tpu.enqueue_indirect_dma source(%dma_start3A_738 : memref<128x128xf32, #tpu.memory_space<vmem>>) target(%dma_start3A_748 : memref<10112x128xf32, #tpu.memory_space<vmem_shared>>) offsets(%dma_start3A_745 : memref<128xi32, #tpu.memory_space<vmem>>) semaphore(%run_scoped3A_734 : memref<!tpu.dma_semaphore, #tpu.memory_space<semaphore_mem>>) {add = true}
        %dma_wait3A_749 = arith.constant 0 : i32
        %dma_wait3A_750 = arith.constant 0 : i32
        %dma_wait3A_751 = tpu.memref_slice %arg8[%run_scoped3A_577, %dma_wait3A_749, %dma_wait3A_750] : memref<2x128x128xf32, #tpu.memory_space<vmem>> -> memref<1x128x128xf32, #tpu.memory_space<vmem>>
        %dma_wait3A_752 = tpu.memref_squeeze %dma_wait3A_751 : memref<1x128x128xf32, #tpu.memory_space<vmem>> -> memref<128x128xf32, #tpu.memory_space<vmem>>
        %dma_wait3A_753 = arith.constant 0 : i32
        %dma_wait3A_754 = arith.constant 0 : i32
        %dma_wait3A_755 = tpu.memref_slice %arg7[%rem3A_46, %dma_wait3A_753, %dma_wait3A_754] : memref<2x16x128xi32, #tpu.memory_space<vmem>> -> memref<1x16x128xi32, #tpu.memory_space<vmem>>
        %dma_wait3A_756 = tpu.memref_squeeze %dma_wait3A_755 : memref<1x16x128xi32, #tpu.memory_space<vmem>> -> memref<16x128xi32, #tpu.memory_space<vmem>>
        %dma_wait3A_757 = arith.constant 0 : i32
        %dma_wait3A_758 = tpu.memref_slice %dma_wait3A_756[%run_scoped3A_578, %dma_wait3A_757] : memref<16x128xi32, #tpu.memory_space<vmem>> -> memref<1x128xi32, #tpu.memory_space<vmem>>
        %dma_wait3A_759 = tpu.memref_squeeze %dma_wait3A_758 : memref<1x128xi32, #tpu.memory_space<vmem>> -> memref<128xi32, #tpu.memory_space<vmem>>
        %dma_wait3A_760 = arith.constant 0 : i32
        %dma_wait3A_761 = arith.constant 0 : i32
        %dma_wait3A_762 = tpu.memref_slice %arg9[%dma_wait3A_760, %dma_wait3A_761] : memref<10112x128xf32, #tpu.memory_space<vmem_shared>> -> memref<10112x128xf32, #tpu.memory_space<vmem_shared>>
        tpu.wait_indirect_dma semaphore(%run_scoped3A_734 : memref<!tpu.dma_semaphore, #tpu.memory_space<semaphore_mem>>) src(%dma_wait3A_752 : memref<128x128xf32, #tpu.memory_space<vmem>>) dst(%dma_wait3A_762 : memref<10112x128xf32, #tpu.memory_space<vmem_shared>>)
        tpu.yield
      }) : () -> ()
      %dma_start3A_579 = arith.constant 13 : i32
      %dma_start3A_580 = arith.constant 1 : i32
      %dma_start3A_581 = arith.constant 0 : i32
      %dma_start3A_582 = arith.constant 0 : i32
      %dma_start3A_583 = tpu.memref_slice %arg8[%dma_start3A_580, %dma_start3A_581, %dma_start3A_582] : memref<2x128x128xf32, #tpu.memory_space<vmem>> -> memref<1x128x128xf32, #tpu.memory_space<vmem>>
      %dma_start3A_584 = tpu.memref_squeeze %dma_start3A_583 : memref<1x128x128xf32, #tpu.memory_space<vmem>> -> memref<128x128xf32, #tpu.memory_space<vmem>>
      %dma_start3A_585 = arith.constant 0 : i32
      %dma_start3A_586 = arith.constant 0 : i32
      %dma_start3A_587 = tpu.memref_slice %arg6[%rem3A_46, %dma_start3A_585, %dma_start3A_586] : memref<2x16x128xi32, #tpu.memory_space<vmem>> -> memref<1x16x128xi32, #tpu.memory_space<vmem>>
      %dma_start3A_588 = tpu.memref_squeeze %dma_start3A_587 : memref<1x16x128xi32, #tpu.memory_space<vmem>> -> memref<16x128xi32, #tpu.memory_space<vmem>>
      %dma_start3A_589 = arith.constant 0 : i32
      %dma_start3A_590 = tpu.memref_slice %dma_start3A_588[%dma_start3A_579, %dma_start3A_589] : memref<16x128xi32, #tpu.memory_space<vmem>> -> memref<1x128xi32, #tpu.memory_space<vmem>>
      %dma_start3A_591 = tpu.memref_squeeze %dma_start3A_590 : memref<1x128xi32, #tpu.memory_space<vmem>> -> memref<128xi32, #tpu.memory_space<vmem>>
      %dma_start3A_592 = arith.constant 0 : i32
      %dma_start3A_593 = arith.constant 0 : i32
      %dma_start3A_594 = tpu.memref_slice %arg2[%arg0, %dma_start3A_592, %dma_start3A_593] : memref<2x10000x128xf32, #tpu.memory_space<hbm>> -> memref<1x10000x128xf32, #tpu.memory_space<hbm>>
      %dma_start3A_595 = tpu.memref_squeeze %dma_start3A_594 : memref<1x10000x128xf32, #tpu.memory_space<hbm>> -> memref<10000x128xf32, #tpu.memory_space<hbm>>
      %dma_start3A_596 = arith.constant 0 : i32
      %dma_start3A_597 = arith.constant 0 : i32
      %dma_start3A_598 = tpu.memref_slice %dma_start3A_595[%dma_start3A_596, %dma_start3A_597] : memref<10000x128xf32, #tpu.memory_space<hbm>> -> memref<10000x128xf32, #tpu.memory_space<hbm>>
      tpu.enqueue_indirect_dma source(%dma_start3A_598 : memref<10000x128xf32, #tpu.memory_space<hbm>>) target(%dma_start3A_584 : memref<128x128xf32, #tpu.memory_space<vmem>>) offsets(%dma_start3A_591 : memref<128xi32, #tpu.memory_space<vmem>>) semaphore(%arg11 : memref<!tpu.dma_semaphore, #tpu.memory_space<semaphore_mem>>)
      %dma_wait3A_599 = arith.constant 12 : i32
      %dma_wait3A_600 = arith.constant 0 : i32
      %dma_wait3A_601 = arith.constant 0 : i32
      %dma_wait3A_602 = arith.constant 0 : i32
      %dma_wait3A_603 = tpu.memref_slice %arg8[%dma_wait3A_600, %dma_wait3A_601, %dma_wait3A_602] : memref<2x128x128xf32, #tpu.memory_space<vmem>> -> memref<1x128x128xf32, #tpu.memory_space<vmem>>
      %dma_wait3A_604 = tpu.memref_squeeze %dma_wait3A_603 : memref<1x128x128xf32, #tpu.memory_space<vmem>> -> memref<128x128xf32, #tpu.memory_space<vmem>>
      %dma_wait3A_605 = arith.constant 0 : i32
      %dma_wait3A_606 = arith.constant 0 : i32
      %dma_wait3A_607 = tpu.memref_slice %arg6[%rem3A_46, %dma_wait3A_605, %dma_wait3A_606] : memref<2x16x128xi32, #tpu.memory_space<vmem>> -> memref<1x16x128xi32, #tpu.memory_space<vmem>>
      %dma_wait3A_608 = tpu.memref_squeeze %dma_wait3A_607 : memref<1x16x128xi32, #tpu.memory_space<vmem>> -> memref<16x128xi32, #tpu.memory_space<vmem>>
      %dma_wait3A_609 = arith.constant 0 : i32
      %dma_wait3A_610 = tpu.memref_slice %dma_wait3A_608[%dma_wait3A_599, %dma_wait3A_609] : memref<16x128xi32, #tpu.memory_space<vmem>> -> memref<1x128xi32, #tpu.memory_space<vmem>>
      %dma_wait3A_611 = tpu.memref_squeeze %dma_wait3A_610 : memref<1x128xi32, #tpu.memory_space<vmem>> -> memref<128xi32, #tpu.memory_space<vmem>>
      %dma_wait3A_612 = arith.constant 0 : i32
      %dma_wait3A_613 = arith.constant 0 : i32
      %dma_wait3A_614 = tpu.memref_slice %arg2[%arg0, %dma_wait3A_612, %dma_wait3A_613] : memref<2x10000x128xf32, #tpu.memory_space<hbm>> -> memref<1x10000x128xf32, #tpu.memory_space<hbm>>
      %dma_wait3A_615 = tpu.memref_squeeze %dma_wait3A_614 : memref<1x10000x128xf32, #tpu.memory_space<hbm>> -> memref<10000x128xf32, #tpu.memory_space<hbm>>
      %dma_wait3A_616 = arith.constant 0 : i32
      %dma_wait3A_617 = arith.constant 0 : i32
      %dma_wait3A_618 = tpu.memref_slice %dma_wait3A_615[%dma_wait3A_616, %dma_wait3A_617] : memref<10000x128xf32, #tpu.memory_space<hbm>> -> memref<10000x128xf32, #tpu.memory_space<hbm>>
      tpu.wait_indirect_dma semaphore(%arg10 : memref<!tpu.dma_semaphore, #tpu.memory_space<semaphore_mem>>) src(%dma_wait3A_618 : memref<10000x128xf32, #tpu.memory_space<hbm>>) dst(%dma_wait3A_604 : memref<128x128xf32, #tpu.memory_space<vmem>>)
      %run_scoped3A_619 = arith.constant 0 : i32
      %run_scoped3A_620 = arith.constant 12 : i32
      "tpu.region"() ({
        %run_scoped3A_734 = tpu.sem_alloc : memref<!tpu.dma_semaphore, #tpu.memory_space<semaphore_mem>>
        %dma_start3A_735 = arith.constant 0 : i32
        %dma_start3A_736 = arith.constant 0 : i32
        %dma_start3A_737 = tpu.memref_slice %arg8[%run_scoped3A_619, %dma_start3A_735, %dma_start3A_736] : memref<2x128x128xf32, #tpu.memory_space<vmem>> -> memref<1x128x128xf32, #tpu.memory_space<vmem>>
        %dma_start3A_738 = tpu.memref_squeeze %dma_start3A_737 : memref<1x128x128xf32, #tpu.memory_space<vmem>> -> memref<128x128xf32, #tpu.memory_space<vmem>>
        %dma_start3A_739 = arith.constant 0 : i32
        %dma_start3A_740 = arith.constant 0 : i32
        %dma_start3A_741 = tpu.memref_slice %arg7[%rem3A_46, %dma_start3A_739, %dma_start3A_740] : memref<2x16x128xi32, #tpu.memory_space<vmem>> -> memref<1x16x128xi32, #tpu.memory_space<vmem>>
        %dma_start3A_742 = tpu.memref_squeeze %dma_start3A_741 : memref<1x16x128xi32, #tpu.memory_space<vmem>> -> memref<16x128xi32, #tpu.memory_space<vmem>>
        %dma_start3A_743 = arith.constant 0 : i32
        %dma_start3A_744 = tpu.memref_slice %dma_start3A_742[%run_scoped3A_620, %dma_start3A_743] : memref<16x128xi32, #tpu.memory_space<vmem>> -> memref<1x128xi32, #tpu.memory_space<vmem>>
        %dma_start3A_745 = tpu.memref_squeeze %dma_start3A_744 : memref<1x128xi32, #tpu.memory_space<vmem>> -> memref<128xi32, #tpu.memory_space<vmem>>
        %dma_start3A_746 = arith.constant 0 : i32
        %dma_start3A_747 = arith.constant 0 : i32
        %dma_start3A_748 = tpu.memref_slice %arg9[%dma_start3A_746, %dma_start3A_747] : memref<10112x128xf32, #tpu.memory_space<vmem_shared>> -> memref<10112x128xf32, #tpu.memory_space<vmem_shared>>
        tpu.enqueue_indirect_dma source(%dma_start3A_738 : memref<128x128xf32, #tpu.memory_space<vmem>>) target(%dma_start3A_748 : memref<10112x128xf32, #tpu.memory_space<vmem_shared>>) offsets(%dma_start3A_745 : memref<128xi32, #tpu.memory_space<vmem>>) semaphore(%run_scoped3A_734 : memref<!tpu.dma_semaphore, #tpu.memory_space<semaphore_mem>>) {add = true}
        %dma_wait3A_749 = arith.constant 0 : i32
        %dma_wait3A_750 = arith.constant 0 : i32
        %dma_wait3A_751 = tpu.memref_slice %arg8[%run_scoped3A_619, %dma_wait3A_749, %dma_wait3A_750] : memref<2x128x128xf32, #tpu.memory_space<vmem>> -> memref<1x128x128xf32, #tpu.memory_space<vmem>>
        %dma_wait3A_752 = tpu.memref_squeeze %dma_wait3A_751 : memref<1x128x128xf32, #tpu.memory_space<vmem>> -> memref<128x128xf32, #tpu.memory_space<vmem>>
        %dma_wait3A_753 = arith.constant 0 : i32
        %dma_wait3A_754 = arith.constant 0 : i32
        %dma_wait3A_755 = tpu.memref_slice %arg7[%rem3A_46, %dma_wait3A_753, %dma_wait3A_754] : memref<2x16x128xi32, #tpu.memory_space<vmem>> -> memref<1x16x128xi32, #tpu.memory_space<vmem>>
        %dma_wait3A_756 = tpu.memref_squeeze %dma_wait3A_755 : memref<1x16x128xi32, #tpu.memory_space<vmem>> -> memref<16x128xi32, #tpu.memory_space<vmem>>
        %dma_wait3A_757 = arith.constant 0 : i32
        %dma_wait3A_758 = tpu.memref_slice %dma_wait3A_756[%run_scoped3A_620, %dma_wait3A_757] : memref<16x128xi32, #tpu.memory_space<vmem>> -> memref<1x128xi32, #tpu.memory_space<vmem>>
        %dma_wait3A_759 = tpu.memref_squeeze %dma_wait3A_758 : memref<1x128xi32, #tpu.memory_space<vmem>> -> memref<128xi32, #tpu.memory_space<vmem>>
        %dma_wait3A_760 = arith.constant 0 : i32
        %dma_wait3A_761 = arith.constant 0 : i32
        %dma_wait3A_762 = tpu.memref_slice %arg9[%dma_wait3A_760, %dma_wait3A_761] : memref<10112x128xf32, #tpu.memory_space<vmem_shared>> -> memref<10112x128xf32, #tpu.memory_space<vmem_shared>>
        tpu.wait_indirect_dma semaphore(%run_scoped3A_734 : memref<!tpu.dma_semaphore, #tpu.memory_space<semaphore_mem>>) src(%dma_wait3A_752 : memref<128x128xf32, #tpu.memory_space<vmem>>) dst(%dma_wait3A_762 : memref<10112x128xf32, #tpu.memory_space<vmem_shared>>)
        tpu.yield
      }) : () -> ()
      %dma_start3A_621 = arith.constant 14 : i32
      %dma_start3A_622 = arith.constant 0 : i32
      %dma_start3A_623 = arith.constant 0 : i32
      %dma_start3A_624 = arith.constant 0 : i32
      %dma_start3A_625 = tpu.memref_slice %arg8[%dma_start3A_622, %dma_start3A_623, %dma_start3A_624] : memref<2x128x128xf32, #tpu.memory_space<vmem>> -> memref<1x128x128xf32, #tpu.memory_space<vmem>>
      %dma_start3A_626 = tpu.memref_squeeze %dma_start3A_625 : memref<1x128x128xf32, #tpu.memory_space<vmem>> -> memref<128x128xf32, #tpu.memory_space<vmem>>
      %dma_start3A_627 = arith.constant 0 : i32
      %dma_start3A_628 = arith.constant 0 : i32
      %dma_start3A_629 = tpu.memref_slice %arg6[%rem3A_46, %dma_start3A_627, %dma_start3A_628] : memref<2x16x128xi32, #tpu.memory_space<vmem>> -> memref<1x16x128xi32, #tpu.memory_space<vmem>>
      %dma_start3A_630 = tpu.memref_squeeze %dma_start3A_629 : memref<1x16x128xi32, #tpu.memory_space<vmem>> -> memref<16x128xi32, #tpu.memory_space<vmem>>
      %dma_start3A_631 = arith.constant 0 : i32
      %dma_start3A_632 = tpu.memref_slice %dma_start3A_630[%dma_start3A_621, %dma_start3A_631] : memref<16x128xi32, #tpu.memory_space<vmem>> -> memref<1x128xi32, #tpu.memory_space<vmem>>
      %dma_start3A_633 = tpu.memref_squeeze %dma_start3A_632 : memref<1x128xi32, #tpu.memory_space<vmem>> -> memref<128xi32, #tpu.memory_space<vmem>>
      %dma_start3A_634 = arith.constant 0 : i32
      %dma_start3A_635 = arith.constant 0 : i32
      %dma_start3A_636 = tpu.memref_slice %arg2[%arg0, %dma_start3A_634, %dma_start3A_635] : memref<2x10000x128xf32, #tpu.memory_space<hbm>> -> memref<1x10000x128xf32, #tpu.memory_space<hbm>>
      %dma_start3A_637 = tpu.memref_squeeze %dma_start3A_636 : memref<1x10000x128xf32, #tpu.memory_space<hbm>> -> memref<10000x128xf32, #tpu.memory_space<hbm>>
      %dma_start3A_638 = arith.constant 0 : i32
      %dma_start3A_639 = arith.constant 0 : i32
      %dma_start3A_640 = tpu.memref_slice %dma_start3A_637[%dma_start3A_638, %dma_start3A_639] : memref<10000x128xf32, #tpu.memory_space<hbm>> -> memref<10000x128xf32, #tpu.memory_space<hbm>>
      tpu.enqueue_indirect_dma source(%dma_start3A_640 : memref<10000x128xf32, #tpu.memory_space<hbm>>) target(%dma_start3A_626 : memref<128x128xf32, #tpu.memory_space<vmem>>) offsets(%dma_start3A_633 : memref<128xi32, #tpu.memory_space<vmem>>) semaphore(%arg10 : memref<!tpu.dma_semaphore, #tpu.memory_space<semaphore_mem>>)
      %dma_wait3A_641 = arith.constant 13 : i32
      %dma_wait3A_642 = arith.constant 1 : i32
      %dma_wait3A_643 = arith.constant 0 : i32
      %dma_wait3A_644 = arith.constant 0 : i32
      %dma_wait3A_645 = tpu.memref_slice %arg8[%dma_wait3A_642, %dma_wait3A_643, %dma_wait3A_644] : memref<2x128x128xf32, #tpu.memory_space<vmem>> -> memref<1x128x128xf32, #tpu.memory_space<vmem>>
      %dma_wait3A_646 = tpu.memref_squeeze %dma_wait3A_645 : memref<1x128x128xf32, #tpu.memory_space<vmem>> -> memref<128x128xf32, #tpu.memory_space<vmem>>
      %dma_wait3A_647 = arith.constant 0 : i32
      %dma_wait3A_648 = arith.constant 0 : i32
      %dma_wait3A_649 = tpu.memref_slice %arg6[%rem3A_46, %dma_wait3A_647, %dma_wait3A_648] : memref<2x16x128xi32, #tpu.memory_space<vmem>> -> memref<1x16x128xi32, #tpu.memory_space<vmem>>
      %dma_wait3A_650 = tpu.memref_squeeze %dma_wait3A_649 : memref<1x16x128xi32, #tpu.memory_space<vmem>> -> memref<16x128xi32, #tpu.memory_space<vmem>>
      %dma_wait3A_651 = arith.constant 0 : i32
      %dma_wait3A_652 = tpu.memref_slice %dma_wait3A_650[%dma_wait3A_641, %dma_wait3A_651] : memref<16x128xi32, #tpu.memory_space<vmem>> -> memref<1x128xi32, #tpu.memory_space<vmem>>
      %dma_wait3A_653 = tpu.memref_squeeze %dma_wait3A_652 : memref<1x128xi32, #tpu.memory_space<vmem>> -> memref<128xi32, #tpu.memory_space<vmem>>
      %dma_wait3A_654 = arith.constant 0 : i32
      %dma_wait3A_655 = arith.constant 0 : i32
      %dma_wait3A_656 = tpu.memref_slice %arg2[%arg0, %dma_wait3A_654, %dma_wait3A_655] : memref<2x10000x128xf32, #tpu.memory_space<hbm>> -> memref<1x10000x128xf32, #tpu.memory_space<hbm>>
      %dma_wait3A_657 = tpu.memref_squeeze %dma_wait3A_656 : memref<1x10000x128xf32, #tpu.memory_space<hbm>> -> memref<10000x128xf32, #tpu.memory_space<hbm>>
      %dma_wait3A_658 = arith.constant 0 : i32
      %dma_wait3A_659 = arith.constant 0 : i32
      %dma_wait3A_660 = tpu.memref_slice %dma_wait3A_657[%dma_wait3A_658, %dma_wait3A_659] : memref<10000x128xf32, #tpu.memory_space<hbm>> -> memref<10000x128xf32, #tpu.memory_space<hbm>>
      tpu.wait_indirect_dma semaphore(%arg11 : memref<!tpu.dma_semaphore, #tpu.memory_space<semaphore_mem>>) src(%dma_wait3A_660 : memref<10000x128xf32, #tpu.memory_space<hbm>>) dst(%dma_wait3A_646 : memref<128x128xf32, #tpu.memory_space<vmem>>)
      %run_scoped3A_661 = arith.constant 1 : i32
      %run_scoped3A_662 = arith.constant 13 : i32
      "tpu.region"() ({
        %run_scoped3A_734 = tpu.sem_alloc : memref<!tpu.dma_semaphore, #tpu.memory_space<semaphore_mem>>
        %dma_start3A_735 = arith.constant 0 : i32
        %dma_start3A_736 = arith.constant 0 : i32
        %dma_start3A_737 = tpu.memref_slice %arg8[%run_scoped3A_661, %dma_start3A_735, %dma_start3A_736] : memref<2x128x128xf32, #tpu.memory_space<vmem>> -> memref<1x128x128xf32, #tpu.memory_space<vmem>>
        %dma_start3A_738 = tpu.memref_squeeze %dma_start3A_737 : memref<1x128x128xf32, #tpu.memory_space<vmem>> -> memref<128x128xf32, #tpu.memory_space<vmem>>
        %dma_start3A_739 = arith.constant 0 : i32
        %dma_start3A_740 = arith.constant 0 : i32
        %dma_start3A_741 = tpu.memref_slice %arg7[%rem3A_46, %dma_start3A_739, %dma_start3A_740] : memref<2x16x128xi32, #tpu.memory_space<vmem>> -> memref<1x16x128xi32, #tpu.memory_space<vmem>>
        %dma_start3A_742 = tpu.memref_squeeze %dma_start3A_741 : memref<1x16x128xi32, #tpu.memory_space<vmem>> -> memref<16x128xi32, #tpu.memory_space<vmem>>
        %dma_start3A_743 = arith.constant 0 : i32
        %dma_start3A_744 = tpu.memref_slice %dma_start3A_742[%run_scoped3A_662, %dma_start3A_743] : memref<16x128xi32, #tpu.memory_space<vmem>> -> memref<1x128xi32, #tpu.memory_space<vmem>>
        %dma_start3A_745 = tpu.memref_squeeze %dma_start3A_744 : memref<1x128xi32, #tpu.memory_space<vmem>> -> memref<128xi32, #tpu.memory_space<vmem>>
        %dma_start3A_746 = arith.constant 0 : i32
        %dma_start3A_747 = arith.constant 0 : i32
        %dma_start3A_748 = tpu.memref_slice %arg9[%dma_start3A_746, %dma_start3A_747] : memref<10112x128xf32, #tpu.memory_space<vmem_shared>> -> memref<10112x128xf32, #tpu.memory_space<vmem_shared>>
        tpu.enqueue_indirect_dma source(%dma_start3A_738 : memref<128x128xf32, #tpu.memory_space<vmem>>) target(%dma_start3A_748 : memref<10112x128xf32, #tpu.memory_space<vmem_shared>>) offsets(%dma_start3A_745 : memref<128xi32, #tpu.memory_space<vmem>>) semaphore(%run_scoped3A_734 : memref<!tpu.dma_semaphore, #tpu.memory_space<semaphore_mem>>) {add = true}
        %dma_wait3A_749 = arith.constant 0 : i32
        %dma_wait3A_750 = arith.constant 0 : i32
        %dma_wait3A_751 = tpu.memref_slice %arg8[%run_scoped3A_661, %dma_wait3A_749, %dma_wait3A_750] : memref<2x128x128xf32, #tpu.memory_space<vmem>> -> memref<1x128x128xf32, #tpu.memory_space<vmem>>
        %dma_wait3A_752 = tpu.memref_squeeze %dma_wait3A_751 : memref<1x128x128xf32, #tpu.memory_space<vmem>> -> memref<128x128xf32, #tpu.memory_space<vmem>>
        %dma_wait3A_753 = arith.constant 0 : i32
        %dma_wait3A_754 = arith.constant 0 : i32
        %dma_wait3A_755 = tpu.memref_slice %arg7[%rem3A_46, %dma_wait3A_753, %dma_wait3A_754] : memref<2x16x128xi32, #tpu.memory_space<vmem>> -> memref<1x16x128xi32, #tpu.memory_space<vmem>>
        %dma_wait3A_756 = tpu.memref_squeeze %dma_wait3A_755 : memref<1x16x128xi32, #tpu.memory_space<vmem>> -> memref<16x128xi32, #tpu.memory_space<vmem>>
        %dma_wait3A_757 = arith.constant 0 : i32
        %dma_wait3A_758 = tpu.memref_slice %dma_wait3A_756[%run_scoped3A_662, %dma_wait3A_757] : memref<16x128xi32, #tpu.memory_space<vmem>> -> memref<1x128xi32, #tpu.memory_space<vmem>>
        %dma_wait3A_759 = tpu.memref_squeeze %dma_wait3A_758 : memref<1x128xi32, #tpu.memory_space<vmem>> -> memref<128xi32, #tpu.memory_space<vmem>>
        %dma_wait3A_760 = arith.constant 0 : i32
        %dma_wait3A_761 = arith.constant 0 : i32
        %dma_wait3A_762 = tpu.memref_slice %arg9[%dma_wait3A_760, %dma_wait3A_761] : memref<10112x128xf32, #tpu.memory_space<vmem_shared>> -> memref<10112x128xf32, #tpu.memory_space<vmem_shared>>
        tpu.wait_indirect_dma semaphore(%run_scoped3A_734 : memref<!tpu.dma_semaphore, #tpu.memory_space<semaphore_mem>>) src(%dma_wait3A_752 : memref<128x128xf32, #tpu.memory_space<vmem>>) dst(%dma_wait3A_762 : memref<10112x128xf32, #tpu.memory_space<vmem_shared>>)
        tpu.yield
      }) : () -> ()
      %dma_start3A_663 = arith.constant 15 : i32
      %dma_start3A_664 = arith.constant 1 : i32
      %dma_start3A_665 = arith.constant 0 : i32
      %dma_start3A_666 = arith.constant 0 : i32
      %dma_start3A_667 = tpu.memref_slice %arg8[%dma_start3A_664, %dma_start3A_665, %dma_start3A_666] : memref<2x128x128xf32, #tpu.memory_space<vmem>> -> memref<1x128x128xf32, #tpu.memory_space<vmem>>
      %dma_start3A_668 = tpu.memref_squeeze %dma_start3A_667 : memref<1x128x128xf32, #tpu.memory_space<vmem>> -> memref<128x128xf32, #tpu.memory_space<vmem>>
      %dma_start3A_669 = arith.constant 0 : i32
      %dma_start3A_670 = arith.constant 0 : i32
      %dma_start3A_671 = tpu.memref_slice %arg6[%rem3A_46, %dma_start3A_669, %dma_start3A_670] : memref<2x16x128xi32, #tpu.memory_space<vmem>> -> memref<1x16x128xi32, #tpu.memory_space<vmem>>
      %dma_start3A_672 = tpu.memref_squeeze %dma_start3A_671 : memref<1x16x128xi32, #tpu.memory_space<vmem>> -> memref<16x128xi32, #tpu.memory_space<vmem>>
      %dma_start3A_673 = arith.constant 0 : i32
      %dma_start3A_674 = tpu.memref_slice %dma_start3A_672[%dma_start3A_663, %dma_start3A_673] : memref<16x128xi32, #tpu.memory_space<vmem>> -> memref<1x128xi32, #tpu.memory_space<vmem>>
      %dma_start3A_675 = tpu.memref_squeeze %dma_start3A_674 : memref<1x128xi32, #tpu.memory_space<vmem>> -> memref<128xi32, #tpu.memory_space<vmem>>
      %dma_start3A_676 = arith.constant 0 : i32
      %dma_start3A_677 = arith.constant 0 : i32
      %dma_start3A_678 = tpu.memref_slice %arg2[%arg0, %dma_start3A_676, %dma_start3A_677] : memref<2x10000x128xf32, #tpu.memory_space<hbm>> -> memref<1x10000x128xf32, #tpu.memory_space<hbm>>
      %dma_start3A_679 = tpu.memref_squeeze %dma_start3A_678 : memref<1x10000x128xf32, #tpu.memory_space<hbm>> -> memref<10000x128xf32, #tpu.memory_space<hbm>>
      %dma_start3A_680 = arith.constant 0 : i32
      %dma_start3A_681 = arith.constant 0 : i32
      %dma_start3A_682 = tpu.memref_slice %dma_start3A_679[%dma_start3A_680, %dma_start3A_681] : memref<10000x128xf32, #tpu.memory_space<hbm>> -> memref<10000x128xf32, #tpu.memory_space<hbm>>
      tpu.enqueue_indirect_dma source(%dma_start3A_682 : memref<10000x128xf32, #tpu.memory_space<hbm>>) target(%dma_start3A_668 : memref<128x128xf32, #tpu.memory_space<vmem>>) offsets(%dma_start3A_675 : memref<128xi32, #tpu.memory_space<vmem>>) semaphore(%arg11 : memref<!tpu.dma_semaphore, #tpu.memory_space<semaphore_mem>>)
      %dma_wait3A_683 = arith.constant 14 : i32
      %dma_wait3A_684 = arith.constant 0 : i32
      %dma_wait3A_685 = arith.constant 0 : i32
      %dma_wait3A_686 = arith.constant 0 : i32
      %dma_wait3A_687 = tpu.memref_slice %arg8[%dma_wait3A_684, %dma_wait3A_685, %dma_wait3A_686] : memref<2x128x128xf32, #tpu.memory_space<vmem>> -> memref<1x128x128xf32, #tpu.memory_space<vmem>>
      %dma_wait3A_688 = tpu.memref_squeeze %dma_wait3A_687 : memref<1x128x128xf32, #tpu.memory_space<vmem>> -> memref<128x128xf32, #tpu.memory_space<vmem>>
      %dma_wait3A_689 = arith.constant 0 : i32
      %dma_wait3A_690 = arith.constant 0 : i32
      %dma_wait3A_691 = tpu.memref_slice %arg6[%rem3A_46, %dma_wait3A_689, %dma_wait3A_690] : memref<2x16x128xi32, #tpu.memory_space<vmem>> -> memref<1x16x128xi32, #tpu.memory_space<vmem>>
      %dma_wait3A_692 = tpu.memref_squeeze %dma_wait3A_691 : memref<1x16x128xi32, #tpu.memory_space<vmem>> -> memref<16x128xi32, #tpu.memory_space<vmem>>
      %dma_wait3A_693 = arith.constant 0 : i32
      %dma_wait3A_694 = tpu.memref_slice %dma_wait3A_692[%dma_wait3A_683, %dma_wait3A_693] : memref<16x128xi32, #tpu.memory_space<vmem>> -> memref<1x128xi32, #tpu.memory_space<vmem>>
      %dma_wait3A_695 = tpu.memref_squeeze %dma_wait3A_694 : memref<1x128xi32, #tpu.memory_space<vmem>> -> memref<128xi32, #tpu.memory_space<vmem>>
      %dma_wait3A_696 = arith.constant 0 : i32
      %dma_wait3A_697 = arith.constant 0 : i32
      %dma_wait3A_698 = tpu.memref_slice %arg2[%arg0, %dma_wait3A_696, %dma_wait3A_697] : memref<2x10000x128xf32, #tpu.memory_space<hbm>> -> memref<1x10000x128xf32, #tpu.memory_space<hbm>>
      %dma_wait3A_699 = tpu.memref_squeeze %dma_wait3A_698 : memref<1x10000x128xf32, #tpu.memory_space<hbm>> -> memref<10000x128xf32, #tpu.memory_space<hbm>>
      %dma_wait3A_700 = arith.constant 0 : i32
      %dma_wait3A_701 = arith.constant 0 : i32
      %dma_wait3A_702 = tpu.memref_slice %dma_wait3A_699[%dma_wait3A_700, %dma_wait3A_701] : memref<10000x128xf32, #tpu.memory_space<hbm>> -> memref<10000x128xf32, #tpu.memory_space<hbm>>
      tpu.wait_indirect_dma semaphore(%arg10 : memref<!tpu.dma_semaphore, #tpu.memory_space<semaphore_mem>>) src(%dma_wait3A_702 : memref<10000x128xf32, #tpu.memory_space<hbm>>) dst(%dma_wait3A_688 : memref<128x128xf32, #tpu.memory_space<vmem>>)
      %run_scoped3A_703 = arith.constant 0 : i32
      %run_scoped3A_704 = arith.constant 14 : i32
      "tpu.region"() ({
        %run_scoped3A_734 = tpu.sem_alloc : memref<!tpu.dma_semaphore, #tpu.memory_space<semaphore_mem>>
        %dma_start3A_735 = arith.constant 0 : i32
        %dma_start3A_736 = arith.constant 0 : i32
        %dma_start3A_737 = tpu.memref_slice %arg8[%run_scoped3A_703, %dma_start3A_735, %dma_start3A_736] : memref<2x128x128xf32, #tpu.memory_space<vmem>> -> memref<1x128x128xf32, #tpu.memory_space<vmem>>
        %dma_start3A_738 = tpu.memref_squeeze %dma_start3A_737 : memref<1x128x128xf32, #tpu.memory_space<vmem>> -> memref<128x128xf32, #tpu.memory_space<vmem>>
        %dma_start3A_739 = arith.constant 0 : i32
        %dma_start3A_740 = arith.constant 0 : i32
        %dma_start3A_741 = tpu.memref_slice %arg7[%rem3A_46, %dma_start3A_739, %dma_start3A_740] : memref<2x16x128xi32, #tpu.memory_space<vmem>> -> memref<1x16x128xi32, #tpu.memory_space<vmem>>
        %dma_start3A_742 = tpu.memref_squeeze %dma_start3A_741 : memref<1x16x128xi32, #tpu.memory_space<vmem>> -> memref<16x128xi32, #tpu.memory_space<vmem>>
        %dma_start3A_743 = arith.constant 0 : i32
        %dma_start3A_744 = tpu.memref_slice %dma_start3A_742[%run_scoped3A_704, %dma_start3A_743] : memref<16x128xi32, #tpu.memory_space<vmem>> -> memref<1x128xi32, #tpu.memory_space<vmem>>
        %dma_start3A_745 = tpu.memref_squeeze %dma_start3A_744 : memref<1x128xi32, #tpu.memory_space<vmem>> -> memref<128xi32, #tpu.memory_space<vmem>>
        %dma_start3A_746 = arith.constant 0 : i32
        %dma_start3A_747 = arith.constant 0 : i32
        %dma_start3A_748 = tpu.memref_slice %arg9[%dma_start3A_746, %dma_start3A_747] : memref<10112x128xf32, #tpu.memory_space<vmem_shared>> -> memref<10112x128xf32, #tpu.memory_space<vmem_shared>>
        tpu.enqueue_indirect_dma source(%dma_start3A_738 : memref<128x128xf32, #tpu.memory_space<vmem>>) target(%dma_start3A_748 : memref<10112x128xf32, #tpu.memory_space<vmem_shared>>) offsets(%dma_start3A_745 : memref<128xi32, #tpu.memory_space<vmem>>) semaphore(%run_scoped3A_734 : memref<!tpu.dma_semaphore, #tpu.memory_space<semaphore_mem>>) {add = true}
        %dma_wait3A_749 = arith.constant 0 : i32
        %dma_wait3A_750 = arith.constant 0 : i32
        %dma_wait3A_751 = tpu.memref_slice %arg8[%run_scoped3A_703, %dma_wait3A_749, %dma_wait3A_750] : memref<2x128x128xf32, #tpu.memory_space<vmem>> -> memref<1x128x128xf32, #tpu.memory_space<vmem>>
        %dma_wait3A_752 = tpu.memref_squeeze %dma_wait3A_751 : memref<1x128x128xf32, #tpu.memory_space<vmem>> -> memref<128x128xf32, #tpu.memory_space<vmem>>
        %dma_wait3A_753 = arith.constant 0 : i32
        %dma_wait3A_754 = arith.constant 0 : i32
        %dma_wait3A_755 = tpu.memref_slice %arg7[%rem3A_46, %dma_wait3A_753, %dma_wait3A_754] : memref<2x16x128xi32, #tpu.memory_space<vmem>> -> memref<1x16x128xi32, #tpu.memory_space<vmem>>
        %dma_wait3A_756 = tpu.memref_squeeze %dma_wait3A_755 : memref<1x16x128xi32, #tpu.memory_space<vmem>> -> memref<16x128xi32, #tpu.memory_space<vmem>>
        %dma_wait3A_757 = arith.constant 0 : i32
        %dma_wait3A_758 = tpu.memref_slice %dma_wait3A_756[%run_scoped3A_704, %dma_wait3A_757] : memref<16x128xi32, #tpu.memory_space<vmem>> -> memref<1x128xi32, #tpu.memory_space<vmem>>
        %dma_wait3A_759 = tpu.memref_squeeze %dma_wait3A_758 : memref<1x128xi32, #tpu.memory_space<vmem>> -> memref<128xi32, #tpu.memory_space<vmem>>
        %dma_wait3A_760 = arith.constant 0 : i32
        %dma_wait3A_761 = arith.constant 0 : i32
        %dma_wait3A_762 = tpu.memref_slice %arg9[%dma_wait3A_760, %dma_wait3A_761] : memref<10112x128xf32, #tpu.memory_space<vmem_shared>> -> memref<10112x128xf32, #tpu.memory_space<vmem_shared>>
        tpu.wait_indirect_dma semaphore(%run_scoped3A_734 : memref<!tpu.dma_semaphore, #tpu.memory_space<semaphore_mem>>) src(%dma_wait3A_752 : memref<128x128xf32, #tpu.memory_space<vmem>>) dst(%dma_wait3A_762 : memref<10112x128xf32, #tpu.memory_space<vmem_shared>>)
        tpu.yield
      }) : () -> ()
      %dma_wait3A_705 = arith.constant 15 : i32
      %dma_wait3A_706 = arith.constant 1 : i32
      %dma_wait3A_707 = arith.constant 0 : i32
      %dma_wait3A_708 = arith.constant 0 : i32
      %dma_wait3A_709 = tpu.memref_slice %arg8[%dma_wait3A_706, %dma_wait3A_707, %dma_wait3A_708] : memref<2x128x128xf32, #tpu.memory_space<vmem>> -> memref<1x128x128xf32, #tpu.memory_space<vmem>>
      %dma_wait3A_710 = tpu.memref_squeeze %dma_wait3A_709 : memref<1x128x128xf32, #tpu.memory_space<vmem>> -> memref<128x128xf32, #tpu.memory_space<vmem>>
      %dma_wait3A_711 = arith.constant 0 : i32
      %dma_wait3A_712 = arith.constant 0 : i32
      %dma_wait3A_713 = tpu.memref_slice %arg6[%rem3A_46, %dma_wait3A_711, %dma_wait3A_712] : memref<2x16x128xi32, #tpu.memory_space<vmem>> -> memref<1x16x128xi32, #tpu.memory_space<vmem>>
      %dma_wait3A_714 = tpu.memref_squeeze %dma_wait3A_713 : memref<1x16x128xi32, #tpu.memory_space<vmem>> -> memref<16x128xi32, #tpu.memory_space<vmem>>
      %dma_wait3A_715 = arith.constant 0 : i32
      %dma_wait3A_716 = tpu.memref_slice %dma_wait3A_714[%dma_wait3A_705, %dma_wait3A_715] : memref<16x128xi32, #tpu.memory_space<vmem>> -> memref<1x128xi32, #tpu.memory_space<vmem>>
      %dma_wait3A_717 = tpu.memref_squeeze %dma_wait3A_716 : memref<1x128xi32, #tpu.memory_space<vmem>> -> memref<128xi32, #tpu.memory_space<vmem>>
      %dma_wait3A_718 = arith.constant 0 : i32
      %dma_wait3A_719 = arith.constant 0 : i32
      %dma_wait3A_720 = tpu.memref_slice %arg2[%arg0, %dma_wait3A_718, %dma_wait3A_719] : memref<2x10000x128xf32, #tpu.memory_space<hbm>> -> memref<1x10000x128xf32, #tpu.memory_space<hbm>>
      %dma_wait3A_721 = tpu.memref_squeeze %dma_wait3A_720 : memref<1x10000x128xf32, #tpu.memory_space<hbm>> -> memref<10000x128xf32, #tpu.memory_space<hbm>>
      %dma_wait3A_722 = arith.constant 0 : i32
      %dma_wait3A_723 = arith.constant 0 : i32
      %dma_wait3A_724 = tpu.memref_slice %dma_wait3A_721[%dma_wait3A_722, %dma_wait3A_723] : memref<10000x128xf32, #tpu.memory_space<hbm>> -> memref<10000x128xf32, #tpu.memory_space<hbm>>
      tpu.wait_indirect_dma semaphore(%arg11 : memref<!tpu.dma_semaphore, #tpu.memory_space<semaphore_mem>>) src(%dma_wait3A_724 : memref<10000x128xf32, #tpu.memory_space<hbm>>) dst(%dma_wait3A_710 : memref<128x128xf32, #tpu.memory_space<vmem>>)
      %run_scoped3A_725 = arith.constant 1 : i32
      %run_scoped3A_726 = arith.constant 15 : i32
      "tpu.region"() ({
        %run_scoped3A_734 = tpu.sem_alloc : memref<!tpu.dma_semaphore, #tpu.memory_space<semaphore_mem>>
        %dma_start3A_735 = arith.constant 0 : i32
        %dma_start3A_736 = arith.constant 0 : i32
        %dma_start3A_737 = tpu.memref_slice %arg8[%run_scoped3A_725, %dma_start3A_735, %dma_start3A_736] : memref<2x128x128xf32, #tpu.memory_space<vmem>> -> memref<1x128x128xf32, #tpu.memory_space<vmem>>
        %dma_start3A_738 = tpu.memref_squeeze %dma_start3A_737 : memref<1x128x128xf32, #tpu.memory_space<vmem>> -> memref<128x128xf32, #tpu.memory_space<vmem>>
        %dma_start3A_739 = arith.constant 0 : i32
        %dma_start3A_740 = arith.constant 0 : i32
        %dma_start3A_741 = tpu.memref_slice %arg7[%rem3A_46, %dma_start3A_739, %dma_start3A_740] : memref<2x16x128xi32, #tpu.memory_space<vmem>> -> memref<1x16x128xi32, #tpu.memory_space<vmem>>
        %dma_start3A_742 = tpu.memref_squeeze %dma_start3A_741 : memref<1x16x128xi32, #tpu.memory_space<vmem>> -> memref<16x128xi32, #tpu.memory_space<vmem>>
        %dma_start3A_743 = arith.constant 0 : i32
        %dma_start3A_744 = tpu.memref_slice %dma_start3A_742[%run_scoped3A_726, %dma_start3A_743] : memref<16x128xi32, #tpu.memory_space<vmem>> -> memref<1x128xi32, #tpu.memory_space<vmem>>
        %dma_start3A_745 = tpu.memref_squeeze %dma_start3A_744 : memref<1x128xi32, #tpu.memory_space<vmem>> -> memref<128xi32, #tpu.memory_space<vmem>>
        %dma_start3A_746 = arith.constant 0 : i32
        %dma_start3A_747 = arith.constant 0 : i32
        %dma_start3A_748 = tpu.memref_slice %arg9[%dma_start3A_746, %dma_start3A_747] : memref<10112x128xf32, #tpu.memory_space<vmem_shared>> -> memref<10112x128xf32, #tpu.memory_space<vmem_shared>>
        tpu.enqueue_indirect_dma source(%dma_start3A_738 : memref<128x128xf32, #tpu.memory_space<vmem>>) target(%dma_start3A_748 : memref<10112x128xf32, #tpu.memory_space<vmem_shared>>) offsets(%dma_start3A_745 : memref<128xi32, #tpu.memory_space<vmem>>) semaphore(%run_scoped3A_734 : memref<!tpu.dma_semaphore, #tpu.memory_space<semaphore_mem>>) {add = true}
        %dma_wait3A_749 = arith.constant 0 : i32
        %dma_wait3A_750 = arith.constant 0 : i32
        %dma_wait3A_751 = tpu.memref_slice %arg8[%run_scoped3A_725, %dma_wait3A_749, %dma_wait3A_750] : memref<2x128x128xf32, #tpu.memory_space<vmem>> -> memref<1x128x128xf32, #tpu.memory_space<vmem>>
        %dma_wait3A_752 = tpu.memref_squeeze %dma_wait3A_751 : memref<1x128x128xf32, #tpu.memory_space<vmem>> -> memref<128x128xf32, #tpu.memory_space<vmem>>
        %dma_wait3A_753 = arith.constant 0 : i32
        %dma_wait3A_754 = arith.constant 0 : i32
        %dma_wait3A_755 = tpu.memref_slice %arg7[%rem3A_46, %dma_wait3A_753, %dma_wait3A_754] : memref<2x16x128xi32, #tpu.memory_space<vmem>> -> memref<1x16x128xi32, #tpu.memory_space<vmem>>
        %dma_wait3A_756 = tpu.memref_squeeze %dma_wait3A_755 : memref<1x16x128xi32, #tpu.memory_space<vmem>> -> memref<16x128xi32, #tpu.memory_space<vmem>>
        %dma_wait3A_757 = arith.constant 0 : i32
        %dma_wait3A_758 = tpu.memref_slice %dma_wait3A_756[%run_scoped3A_726, %dma_wait3A_757] : memref<16x128xi32, #tpu.memory_space<vmem>> -> memref<1x128xi32, #tpu.memory_space<vmem>>
        %dma_wait3A_759 = tpu.memref_squeeze %dma_wait3A_758 : memref<1x128xi32, #tpu.memory_space<vmem>> -> memref<128xi32, #tpu.memory_space<vmem>>
        %dma_wait3A_760 = arith.constant 0 : i32
        %dma_wait3A_761 = arith.constant 0 : i32
        %dma_wait3A_762 = tpu.memref_slice %arg9[%dma_wait3A_760, %dma_wait3A_761] : memref<10112x128xf32, #tpu.memory_space<vmem_shared>> -> memref<10112x128xf32, #tpu.memory_space<vmem_shared>>
        tpu.wait_indirect_dma semaphore(%run_scoped3A_734 : memref<!tpu.dma_semaphore, #tpu.memory_space<semaphore_mem>>) src(%dma_wait3A_752 : memref<128x128xf32, #tpu.memory_space<vmem>>) dst(%dma_wait3A_762 : memref<10112x128xf32, #tpu.memory_space<vmem_shared>>)
        tpu.yield
      }) : () -> ()
      %add3A_727 = arith.constant 1 : i32
      %add3A_728 = arith.addi %scan3A_45, %add3A_727 : i32
      %lt3A_729 = arith.constant 10 : i32
      %lt3A_730 = arith.cmpi slt, %add3A_728, %lt3A_729 : i32
      %convert_element_type3A_731 = arith.extui %lt3A_730 : i1 to i32
      %cond3A_732 = arith.constant 0 : i32
      %cond3A_733 = arith.cmpi ne, %convert_element_type3A_731, %cond3A_732 : i32
      scf.if %cond3A_733 {
        %add3A_734 = arith.constant 1 : i32
        %add3A_735 = arith.addi %scan3A_45, %add3A_734 : i32
        %dma_wait3A_736 = arith.constant 0 : i32
        %dma_wait3A_737 = arith.constant 0 : i32
        %dma_wait3A_738 = tpu.memref_slice %arg6[%rem3A_50, %dma_wait3A_736, %dma_wait3A_737] : memref<2x16x128xi32, #tpu.memory_space<vmem>> -> memref<1x16x128xi32, #tpu.memory_space<vmem>>
        %dma_wait3A_739 = tpu.memref_squeeze %dma_wait3A_738 : memref<1x16x128xi32, #tpu.memory_space<vmem>> -> memref<16x128xi32, #tpu.memory_space<vmem>>
        %dma_wait3A_740 = arith.constant 0 : i32
        %dma_wait3A_741 = arith.constant 0 : i32
        %dma_wait3A_742 = tpu.memref_slice %arg3[%arg1, %add3A_735, %dma_wait3A_740, %dma_wait3A_741] : memref<16x10x16x128xi32, #tpu.memory_space<hbm>> -> memref<1x1x16x128xi32, #tpu.memory_space<hbm>>
        %dma_wait3A_743 = tpu.memref_squeeze %dma_wait3A_742 : memref<1x1x16x128xi32, #tpu.memory_space<hbm>> -> memref<16x128xi32, #tpu.memory_space<hbm>>
        %dma_wait3A_744 = arith.constant 0 : i32
        %dma_wait3A_745 = arith.constant 0 : i32
        %dma_wait3A_746 = tpu.memref_slice %arg6[%rem3A_50, %dma_wait3A_744, %dma_wait3A_745] : memref<2x16x128xi32, #tpu.memory_space<vmem>> -> memref<1x16x128xi32, #tpu.memory_space<vmem>>
        %dma_wait3A_747 = tpu.memref_squeeze %dma_wait3A_746 : memref<1x16x128xi32, #tpu.memory_space<vmem>> -> memref<16x128xi32, #tpu.memory_space<vmem>>
        %dma_wait3A_748 = arith.constant 0 : i32
        %dma_wait3A_749 = arith.constant 0 : i32
        %dma_wait3A_750 = tpu.memref_slice %arg3[%arg1, %add3A_735, %dma_wait3A_748, %dma_wait3A_749] : memref<16x10x16x128xi32, #tpu.memory_space<hbm>> -> memref<1x1x16x128xi32, #tpu.memory_space<hbm>>
        %dma_wait3A_751 = tpu.memref_squeeze %dma_wait3A_750 : memref<1x1x16x128xi32, #tpu.memory_space<hbm>> -> memref<16x128xi32, #tpu.memory_space<hbm>>
        tpu.wait_dma2 semaphore(%arg12 : memref<!tpu.dma_semaphore, #tpu.memory_space<semaphore_mem>>) src(%dma_wait3A_751 : memref<16x128xi32, #tpu.memory_space<hbm>>) dst(%dma_wait3A_747 : memref<16x128xi32, #tpu.memory_space<vmem>>)
        %add3A_752 = arith.constant 1 : i32
        %add3A_753 = arith.addi %scan3A_45, %add3A_752 : i32
        %dma_wait3A_754 = arith.constant 0 : i32
        %dma_wait3A_755 = arith.constant 0 : i32
        %dma_wait3A_756 = tpu.memref_slice %arg7[%rem3A_50, %dma_wait3A_754, %dma_wait3A_755] : memref<2x16x128xi32, #tpu.memory_space<vmem>> -> memref<1x16x128xi32, #tpu.memory_space<vmem>>
        %dma_wait3A_757 = tpu.memref_squeeze %dma_wait3A_756 : memref<1x16x128xi32, #tpu.memory_space<vmem>> -> memref<16x128xi32, #tpu.memory_space<vmem>>
        %dma_wait3A_758 = arith.constant 0 : i32
        %dma_wait3A_759 = arith.constant 0 : i32
        %dma_wait3A_760 = tpu.memref_slice %arg4[%arg1, %add3A_753, %dma_wait3A_758, %dma_wait3A_759] : memref<16x10x16x128xi32, #tpu.memory_space<hbm>> -> memref<1x1x16x128xi32, #tpu.memory_space<hbm>>
        %dma_wait3A_761 = tpu.memref_squeeze %dma_wait3A_760 : memref<1x1x16x128xi32, #tpu.memory_space<hbm>> -> memref<16x128xi32, #tpu.memory_space<hbm>>
        %dma_wait3A_762 = arith.constant 0 : i32
        %dma_wait3A_763 = arith.constant 0 : i32
        %dma_wait3A_764 = tpu.memref_slice %arg7[%rem3A_50, %dma_wait3A_762, %dma_wait3A_763] : memref<2x16x128xi32, #tpu.memory_space<vmem>> -> memref<1x16x128xi32, #tpu.memory_space<vmem>>
        %dma_wait3A_765 = tpu.memref_squeeze %dma_wait3A_764 : memref<1x16x128xi32, #tpu.memory_space<vmem>> -> memref<16x128xi32, #tpu.memory_space<vmem>>
        %dma_wait3A_766 = arith.constant 0 : i32
        %dma_wait3A_767 = arith.constant 0 : i32
        %dma_wait3A_768 = tpu.memref_slice %arg4[%arg1, %add3A_753, %dma_wait3A_766, %dma_wait3A_767] : memref<16x10x16x128xi32, #tpu.memory_space<hbm>> -> memref<1x1x16x128xi32, #tpu.memory_space<hbm>>
        %dma_wait3A_769 = tpu.memref_squeeze %dma_wait3A_768 : memref<1x1x16x128xi32, #tpu.memory_space<hbm>> -> memref<16x128xi32, #tpu.memory_space<hbm>>
        tpu.wait_dma2 semaphore(%arg12 : memref<!tpu.dma_semaphore, #tpu.memory_space<semaphore_mem>>) src(%dma_wait3A_769 : memref<16x128xi32, #tpu.memory_space<hbm>>) dst(%dma_wait3A_765 : memref<16x128xi32, #tpu.memory_space<vmem>>)
      } else {
      }
    }
    %scan3A_37 = arith.constant 10 : i32
    %barrier3A_38 = arith.constant 0 : index
    tpu.barrier barrier_id(%barrier3A_38)
    %eq3A = arith.constant 15 : i32
    %eq3A_39 = arith.cmpi eq, %arg1, %eq3A : i32
    %convert_element_type3A = arith.extui %eq3A_39 : i1 to i32
    %cond3A = arith.constant 0 : i32
    %cond3A_40 = arith.cmpi ne, %convert_element_type3A, %cond3A : i32
    scf.if %cond3A_40 {
      "tpu.region"() ({
        %run_scoped3A_45 = tpu.sem_alloc : memref<!tpu.dma_semaphore, #tpu.memory_space<semaphore_mem>>
        %dma_start3A = arith.constant 0 : i32
        %dma_start3A_46 = arith.constant 0 : i32
        %dma_start3A_47 = tpu.memref_slice %arg5[%arg0, %dma_start3A, %dma_start3A_46] : memref<2x10000x128xf32, #tpu.memory_space<hbm>> -> memref<1x10000x128xf32, #tpu.memory_space<hbm>>
        %dma_start3A_48 = tpu.memref_squeeze %dma_start3A_47 : memref<1x10000x128xf32, #tpu.memory_space<hbm>> -> memref<10000x128xf32, #tpu.memory_space<hbm>>
        %dma_start3A_49 = arith.constant 9360 : i32
        %dma_start3A_50 = arith.constant 0 : i32
        %dma_start3A_51 = tpu.memref_slice %dma_start3A_48[%dma_start3A_49, %dma_start3A_50] : memref<10000x128xf32, #tpu.memory_space<hbm>> -> memref<640x128xf32, #tpu.memory_space<hbm>>
        %dma_start3A_52 = arith.constant 9360 : i32
        %dma_start3A_53 = arith.constant 0 : i32
        %dma_start3A_54 = tpu.memref_slice %arg9[%dma_start3A_52, %dma_start3A_53] : memref<10112x128xf32, #tpu.memory_space<vmem_shared>> -> memref<640x128xf32, #tpu.memory_space<vmem_shared>>
        tpu.enqueue_dma source(%dma_start3A_54 : memref<640x128xf32, #tpu.memory_space<vmem_shared>>) target(%dma_start3A_51 : memref<640x128xf32, #tpu.memory_space<hbm>>) target_semaphore(%run_scoped3A_45 : memref<!tpu.dma_semaphore, #tpu.memory_space<semaphore_mem>>)
        %dma_wait3A = arith.constant 0 : i32
        %dma_wait3A_55 = arith.constant 0 : i32
        %dma_wait3A_56 = tpu.memref_slice %arg5[%arg0, %dma_wait3A, %dma_wait3A_55] : memref<2x10000x128xf32, #tpu.memory_space<hbm>> -> memref<1x10000x128xf32, #tpu.memory_space<hbm>>
        %dma_wait3A_57 = tpu.memref_squeeze %dma_wait3A_56 : memref<1x10000x128xf32, #tpu.memory_space<hbm>> -> memref<10000x128xf32, #tpu.memory_space<hbm>>
        %dma_wait3A_58 = arith.constant 9360 : i32
        %dma_wait3A_59 = arith.constant 0 : i32
        %dma_wait3A_60 = tpu.memref_slice %dma_wait3A_57[%dma_wait3A_58, %dma_wait3A_59] : memref<10000x128xf32, #tpu.memory_space<hbm>> -> memref<640x128xf32, #tpu.memory_space<hbm>>
        %dma_wait3A_61 = arith.constant 9360 : i32
        %dma_wait3A_62 = arith.constant 0 : i32
        %dma_wait3A_63 = tpu.memref_slice %arg9[%dma_wait3A_61, %dma_wait3A_62] : memref<10112x128xf32, #tpu.memory_space<vmem_shared>> -> memref<640x128xf32, #tpu.memory_space<vmem_shared>>
        tpu.wait_dma2 semaphore(%run_scoped3A_45 : memref<!tpu.dma_semaphore, #tpu.memory_space<semaphore_mem>>) src(%dma_wait3A_63 : memref<640x128xf32, #tpu.memory_space<vmem_shared>>) dst(%dma_wait3A_60 : memref<640x128xf32, #tpu.memory_space<hbm>>)
        tpu.yield
      }) : () -> ()
    } else {
    }
    %ne3A = arith.constant 15 : i32
    %ne3A_41 = arith.cmpi ne, %arg1, %ne3A : i32
    %convert_element_type3A_42 = arith.extui %ne3A_41 : i1 to i32
    %cond3A_43 = arith.constant 0 : i32
    %cond3A_44 = arith.cmpi ne, %convert_element_type3A_42, %cond3A_43 : i32
    scf.if %cond3A_44 {
      %mul3A_45 = arith.constant 624 : i32
      %mul3A_46 = arith.muli %arg1, %mul3A_45 : i32
      %mul3A_47 = arith.constant 624 : i32
      %mul3A_48 = arith.muli %arg1, %mul3A_47 : i32
      "tpu.region"() ({
        %run_scoped3A_49 = tpu.sem_alloc : memref<!tpu.dma_semaphore, #tpu.memory_space<semaphore_mem>>
        %dma_start3A = arith.constant 0 : i32
        %dma_start3A_50 = arith.constant 0 : i32
        %dma_start3A_51 = tpu.memref_slice %arg5[%arg0, %dma_start3A, %dma_start3A_50] : memref<2x10000x128xf32, #tpu.memory_space<hbm>> -> memref<1x10000x128xf32, #tpu.memory_space<hbm>>
        %dma_start3A_52 = tpu.memref_squeeze %dma_start3A_51 : memref<1x10000x128xf32, #tpu.memory_space<hbm>> -> memref<10000x128xf32, #tpu.memory_space<hbm>>
        %dma_start3A_53 = arith.constant 0 : i32
        %dma_start3A_54 = tpu.memref_slice %dma_start3A_52[%mul3A_48, %dma_start3A_53] : memref<10000x128xf32, #tpu.memory_space<hbm>> -> memref<624x128xf32, #tpu.memory_space<hbm>>
        %dma_start3A_55 = arith.constant 0 : i32
        %dma_start3A_56 = tpu.memref_slice %arg9[%mul3A_46, %dma_start3A_55] : memref<10112x128xf32, #tpu.memory_space<vmem_shared>> -> memref<624x128xf32, #tpu.memory_space<vmem_shared>>
        tpu.enqueue_dma source(%dma_start3A_56 : memref<624x128xf32, #tpu.memory_space<vmem_shared>>) target(%dma_start3A_54 : memref<624x128xf32, #tpu.memory_space<hbm>>) target_semaphore(%run_scoped3A_49 : memref<!tpu.dma_semaphore, #tpu.memory_space<semaphore_mem>>)
        %dma_wait3A = arith.constant 0 : i32
        %dma_wait3A_57 = arith.constant 0 : i32
        %dma_wait3A_58 = tpu.memref_slice %arg5[%arg0, %dma_wait3A, %dma_wait3A_57] : memref<2x10000x128xf32, #tpu.memory_space<hbm>> -> memref<1x10000x128xf32, #tpu.memory_space<hbm>>
        %dma_wait3A_59 = tpu.memref_squeeze %dma_wait3A_58 : memref<1x10000x128xf32, #tpu.memory_space<hbm>> -> memref<10000x128xf32, #tpu.memory_space<hbm>>
        %dma_wait3A_60 = arith.constant 0 : i32
        %dma_wait3A_61 = tpu.memref_slice %dma_wait3A_59[%mul3A_48, %dma_wait3A_60] : memref<10000x128xf32, #tpu.memory_space<hbm>> -> memref<624x128xf32, #tpu.memory_space<hbm>>
        %dma_wait3A_62 = arith.constant 0 : i32
        %dma_wait3A_63 = tpu.memref_slice %arg9[%mul3A_46, %dma_wait3A_62] : memref<10112x128xf32, #tpu.memory_space<vmem_shared>> -> memref<624x128xf32, #tpu.memory_space<vmem_shared>>
        tpu.wait_dma2 semaphore(%run_scoped3A_49 : memref<!tpu.dma_semaphore, #tpu.memory_space<semaphore_mem>>) src(%dma_wait3A_63 : memref<624x128xf32, #tpu.memory_space<vmem_shared>>) dst(%dma_wait3A_61 : memref<624x128xf32, #tpu.memory_space<hbm>>)
        tpu.yield
      }) : () -> ()
    } else {
    }
    return
  }
}

module attributes {stable_mosaic.version = 14 : i64} {
  func.func @body(%arg0: i32, %arg1: memref<1000x128xf32, #tpu.memory_space<vmem>>, %arg2: memref<128x256xf32, #tpu.memory_space<vmem>>, %arg3: memref<1x256xf32, #tpu.memory_space<vmem>>, %arg4: memref<2x1000x128xf32, #tpu.memory_space<vmem>>) attributes {dimension_semantics = [#tpu.dimension_semantics<arbitrary>], iteration_bounds = array<i64: 10>, scalar_prefetch = 0 : i64, scratch_operands = 0 : i64, tpu.core_type = #tpu.core_type<tc>, window_params = [{transform_indices = @transform_0, window_bounds = array<i64: 1000, 128>}, {pipeline_mode = #tpu.pipeline_mode<synchronous>, transform_indices = @transform_1, window_bounds = array<i64: 128, 256>}, {pipeline_mode = #tpu.pipeline_mode<synchronous>, transform_indices = @transform_2, window_bounds = array<i64: 1, 256>}, {transform_indices = @transform_3, window_bounds = array<i64: 2, 1000, 128>}]} {
    %get3A = arith.constant 0 : index
    %get3A_0 = arith.constant 0 : index
    %get3A_1 = vector.load %arg1[%get3A, %get3A_0] : memref<1000x128xf32, #tpu.memory_space<vmem>>, vector<1000x128xf32>
    %get3A_2 = arith.constant 0 : index
    %get3A_3 = arith.constant 0 : index
    %get3A_4 = vector.load %arg2[%get3A_2, %get3A_3] : memref<128x256xf32, #tpu.memory_space<vmem>>, vector<128x256xf32>
    %dot_general3A = arith.constant dense<0.000000e+00> : vector<1000x256xf32>
    %dot_general3A_5 = tpu.matmul %get3A_1, %get3A_4, %dot_general3A {dimension_numbers = #tpu.dot_dimension_numbers<[1], [0], [0], [1], [0, 0, 1, 1], [], []>, transpose_lhs_hint = false} : vector<1000x128xf32>, vector<128x256xf32>, vector<1000x256xf32> -> vector<1000x256xf32>
    %get3A_6 = arith.constant 0 : index
    %get3A_7 = arith.constant 0 : index
    %get3A_8 = vector.load %arg3[%get3A_6, %get3A_7] : memref<1x256xf32, #tpu.memory_space<vmem>>, vector<1x256xf32>
    %add3A = vector.broadcast %get3A_8 : vector<1x256xf32> to vector<1000x256xf32>
    %add3A_9 = arith.addf %dot_general3A_5, %add3A : vector<1000x256xf32>
    %max3A = arith.constant 0.000000e+00 : f32
    %max3A_10 = vector.broadcast %max3A : f32 to vector<1000x256xf32>
    %max3A_11 = arith.maximumf %add3A_9, %max3A_10 : vector<1000x256xf32>
    %slice3A = vector.extract_strided_slice %max3A_11 {offsets = [0, 0], sizes = [1000, 128], strides = [1, 1]} : vector<1000x256xf32> to vector<1000x128xf32>
    %swap3A = arith.constant 0 : index
    %swap3A_12 = arith.constant 0 : index
    %swap3A_13 = arith.constant 0 : index
    %swap3A_14 = vector.load %arg4[%swap3A, %swap3A_12, %swap3A_13] : memref<2x1000x128xf32, #tpu.memory_space<vmem>>, vector<1x1000x128xf32>
    %swap3A_15 = vector.shape_cast %swap3A_14 : vector<1x1000x128xf32> to vector<1000x128xf32>
    %swap3A_16 = vector.shape_cast %slice3A : vector<1000x128xf32> to vector<1x1000x128xf32>
    tpu.vector_store %arg4[%swap3A, %swap3A_12, %swap3A_13], %swap3A_16 {strides = array<i32>} : memref<2x1000x128xf32, #tpu.memory_space<vmem>>, vector<1x1000x128xf32>,
    %slice3A_17 = vector.extract_strided_slice %max3A_11 {offsets = [0, 128], sizes = [1000, 128], strides = [1, 1]} : vector<1000x256xf32> to vector<1000x128xf32>
    %swap3A_18 = arith.constant 1 : index
    %swap3A_19 = arith.constant 0 : index
    %swap3A_20 = arith.constant 0 : index
    %swap3A_21 = vector.load %arg4[%swap3A_18, %swap3A_19, %swap3A_20] : memref<2x1000x128xf32, #tpu.memory_space<vmem>>, vector<1x1000x128xf32>
    %swap3A_22 = vector.shape_cast %swap3A_21 : vector<1x1000x128xf32> to vector<1000x128xf32>
    %swap3A_23 = vector.shape_cast %slice3A_17 : vector<1000x128xf32> to vector<1x1000x128xf32>
    tpu.vector_store %arg4[%swap3A_18, %swap3A_19, %swap3A_20], %swap3A_23 {strides = array<i32>} : memref<2x1000x128xf32, #tpu.memory_space<vmem>>, vector<1x1000x128xf32>,
    return
  }
  func.func @transform_0(%arg0: i32) -> (i32, i32) {
    %c0_i32 = arith.constant 0 : i32
    %c0_i32_0 = arith.constant 0 : i32
    return %arg0, %c0_i32 : i32, i32
  }
  func.func @transform_1(%arg0: i32) -> (i32, i32) {
    %c0_i32 = arith.constant 0 : i32
    %c0_i32_0 = arith.constant 0 : i32
    %c0_i32_1 = arith.constant 0 : i32
    return %c0_i32, %c0_i32_0 : i32, i32
  }
  func.func @transform_2(%arg0: i32) -> (i32, i32) {
    %c0_i32 = arith.constant 0 : i32
    %c0_i32_0 = arith.constant 0 : i32
    %c0_i32_1 = arith.constant 0 : i32
    return %c0_i32, %c0_i32_0 : i32, i32
  }
  func.func @transform_3(%arg0: i32) -> (i32, i32, i32) {
    %c0_i32 = arith.constant 0 : i32
    %c0_i32_0 = arith.constant 0 : i32
    %c0_i32_1 = arith.constant 0 : i32
    return %c0_i32, %arg0, %c0_i32_0 : i32, i32, i32
  }
}

module attributes {stable_mosaic.version = 14 : i64} {
  func.func @body(%arg0: i32, %arg1: memref<2x1000x128xf32, #tpu.memory_space<vmem>>, %arg2: memref<2x1000x128xf32, #tpu.memory_space<vmem>>, %arg3: memref<256x256xf32, #tpu.memory_space<vmem>>, %arg4: memref<1x256xf32, #tpu.memory_space<vmem>>, %arg5: memref<1x256xf32, #tpu.memory_space<vmem>>, %arg6: memref<1x256xf32, #tpu.memory_space<vmem>>, %arg7: memref<2x1000x128xf32, #tpu.memory_space<vmem>>) attributes {dimension_semantics = [#tpu.dimension_semantics<arbitrary>], iteration_bounds = array<i64: 10>, scalar_prefetch = 0 : i64, scratch_operands = 0 : i64, tpu.core_type = #tpu.core_type<tc>, window_params = [{transform_indices = @transform_0, window_bounds = array<i64: 2, 1000, 128>}, {transform_indices = @transform_1, window_bounds = array<i64: 2, 1000, 128>}, {pipeline_mode = #tpu.pipeline_mode<synchronous>, transform_indices = @transform_2, window_bounds = array<i64: 256, 256>}, {pipeline_mode = #tpu.pipeline_mode<synchronous>, transform_indices = @transform_3, window_bounds = array<i64: 1, 256>}, {pipeline_mode = #tpu.pipeline_mode<synchronous>, transform_indices = @transform_4, window_bounds = array<i64: 1, 256>}, {pipeline_mode = #tpu.pipeline_mode<synchronous>, transform_indices = @transform_5, window_bounds = array<i64: 1, 256>}, {transform_indices = @transform_6, window_bounds = array<i64: 2, 1000, 128>}]} {
    %get3A = arith.constant 0 : index
    %get3A_0 = arith.constant 0 : index
    %get3A_1 = arith.constant 0 : index
    %get3A_2 = vector.load %arg1[%get3A, %get3A_0, %get3A_1] : memref<2x1000x128xf32, #tpu.memory_space<vmem>>, vector<1x1000x128xf32>
    %get3A_3 = vector.shape_cast %get3A_2 : vector<1x1000x128xf32> to vector<1000x128xf32>
    %get3A_4 = arith.constant 0 : index
    %get3A_5 = arith.constant 0 : index
    %get3A_6 = arith.constant 0 : index
    %get3A_7 = vector.load %arg2[%get3A_4, %get3A_5, %get3A_6] : memref<2x1000x128xf32, #tpu.memory_space<vmem>>, vector<1x1000x128xf32>
    %get3A_8 = vector.shape_cast %get3A_7 : vector<1x1000x128xf32> to vector<1000x128xf32>
    %add3A = arith.addf %get3A_3, %get3A_8 : vector<1000x128xf32>
    %get3A_9 = arith.constant 1 : index
    %get3A_10 = arith.constant 0 : index
    %get3A_11 = arith.constant 0 : index
    %get3A_12 = vector.load %arg1[%get3A_9, %get3A_10, %get3A_11] : memref<2x1000x128xf32, #tpu.memory_space<vmem>>, vector<1x1000x128xf32>
    %get3A_13 = vector.shape_cast %get3A_12 : vector<1x1000x128xf32> to vector<1000x128xf32>
    %get3A_14 = arith.constant 1 : index
    %get3A_15 = arith.constant 0 : index
    %get3A_16 = arith.constant 0 : index
    %get3A_17 = vector.load %arg2[%get3A_14, %get3A_15, %get3A_16] : memref<2x1000x128xf32, #tpu.memory_space<vmem>>, vector<1x1000x128xf32>
    %get3A_18 = vector.shape_cast %get3A_17 : vector<1x1000x128xf32> to vector<1000x128xf32>
    %add3A_19 = arith.addf %get3A_13, %get3A_18 : vector<1000x128xf32>
    %get3A_20 = arith.constant 0 : index
    %get3A_21 = arith.constant 0 : index
    %get3A_22 = vector.load %arg3[%get3A_20, %get3A_21] : memref<256x256xf32, #tpu.memory_space<vmem>>, vector<128x256xf32>
    %dot_general3A = arith.constant dense<0.000000e+00> : vector<1000x256xf32>
    %dot_general3A_23 = tpu.matmul %add3A, %get3A_22, %dot_general3A {dimension_numbers = #tpu.dot_dimension_numbers<[1], [0], [0], [1], [0, 0, 1, 1], [], []>, transpose_lhs_hint = false} : vector<1000x128xf32>, vector<128x256xf32>, vector<1000x256xf32> -> vector<1000x256xf32>
    %get3A_24 = arith.constant 128 : index
    %get3A_25 = arith.constant 0 : index
    %get3A_26 = vector.load %arg3[%get3A_24, %get3A_25] : memref<256x256xf32, #tpu.memory_space<vmem>>, vector<128x256xf32>
    %dot_general3A_27 = arith.constant dense<0.000000e+00> : vector<1000x256xf32>
    %dot_general3A_28 = tpu.matmul %add3A_19, %get3A_26, %dot_general3A_27 {dimension_numbers = #tpu.dot_dimension_numbers<[1], [0], [0], [1], [0, 0, 1, 1], [], []>, transpose_lhs_hint = false} : vector<1000x128xf32>, vector<128x256xf32>, vector<1000x256xf32> -> vector<1000x256xf32>
    %add3A_29 = arith.addf %dot_general3A_23, %dot_general3A_28 : vector<1000x256xf32>
    %get3A_30 = arith.constant 0 : index
    %get3A_31 = arith.constant 0 : index
    %get3A_32 = vector.load %arg4[%get3A_30, %get3A_31] : memref<1x256xf32, #tpu.memory_space<vmem>>, vector<1x256xf32>
    %add3A_33 = vector.broadcast %get3A_32 : vector<1x256xf32> to vector<1000x256xf32>
    %add3A_34 = arith.addf %add3A_29, %add3A_33 : vector<1000x256xf32>
    %reduce_sum3A = arith.constant dense<0.000000e+00> : vector<1000xf32>
    %reduce_sum3A_35 = vector.multi_reduction <add>, %add3A_34, %reduce_sum3A [1] : vector<1000x256xf32> to vector<1000xf32>
    %broadcast_in_dim3A = vector.shape_cast %reduce_sum3A_35 : vector<1000xf32> to vector<1000x1xf32>
    %div3A = arith.constant 2.560000e+02 : f32
    %div3A_36 = vector.broadcast %div3A : f32 to vector<1000x1xf32>
    %div3A_37 = arith.divf %broadcast_in_dim3A, %div3A_36 : vector<1000x1xf32>
    %sub3A = vector.broadcast %div3A_37 : vector<1000x1xf32> to vector<1000x256xf32>
    %sub3A_38 = arith.subf %add3A_34, %sub3A : vector<1000x256xf32>
    %integer_pow3A = arith.mulf %sub3A_38, %sub3A_38 : vector<1000x256xf32>
    %reduce_sum3A_39 = arith.constant dense<0.000000e+00> : vector<1000xf32>
    %reduce_sum3A_40 = vector.multi_reduction <add>, %integer_pow3A, %reduce_sum3A_39 [1] : vector<1000x256xf32> to vector<1000xf32>
    %broadcast_in_dim3A_41 = vector.shape_cast %reduce_sum3A_40 : vector<1000xf32> to vector<1000x1xf32>
    %div3A_42 = arith.constant 2.560000e+02 : f32
    %div3A_43 = vector.broadcast %div3A_42 : f32 to vector<1000x1xf32>
    %div3A_44 = arith.divf %broadcast_in_dim3A_41, %div3A_43 : vector<1000x1xf32>
    %sub3A_45 = vector.broadcast %div3A_37 : vector<1000x1xf32> to vector<1000x256xf32>
    %sub3A_46 = arith.subf %add3A_34, %sub3A_45 : vector<1000x256xf32>
    %add3A_47 = arith.constant 9.99999974E-6 : f32
    %add3A_48 = vector.broadcast %add3A_47 : f32 to vector<1000x1xf32>
    %add3A_49 = arith.addf %div3A_44, %add3A_48 : vector<1000x1xf32>
    %sqrt3A = math.sqrt %add3A_49 : vector<1000x1xf32>
    %div3A_50 = vector.broadcast %sqrt3A : vector<1000x1xf32> to vector<1000x256xf32>
    %div3A_51 = arith.divf %sub3A_46, %div3A_50 : vector<1000x256xf32>
    %get3A_52 = arith.constant 0 : index
    %get3A_53 = arith.constant 0 : index
    %get3A_54 = vector.load %arg5[%get3A_52, %get3A_53] : memref<1x256xf32, #tpu.memory_space<vmem>>, vector<1x256xf32>
    %mul3A = vector.broadcast %get3A_54 : vector<1x256xf32> to vector<1000x256xf32>
    %mul3A_55 = arith.mulf %div3A_51, %mul3A : vector<1000x256xf32>
    %get3A_56 = arith.constant 0 : index
    %get3A_57 = arith.constant 0 : index
    %get3A_58 = vector.load %arg6[%get3A_56, %get3A_57] : memref<1x256xf32, #tpu.memory_space<vmem>>, vector<1x256xf32>
    %add3A_59 = vector.broadcast %get3A_58 : vector<1x256xf32> to vector<1000x256xf32>
    %add3A_60 = arith.addf %mul3A_55, %add3A_59 : vector<1000x256xf32>
    %max3A = arith.constant 0.000000e+00 : f32
    %max3A_61 = vector.broadcast %max3A : f32 to vector<1000x256xf32>
    %max3A_62 = arith.maximumf %add3A_60, %max3A_61 : vector<1000x256xf32>
    %slice3A = vector.extract_strided_slice %max3A_62 {offsets = [0, 0], sizes = [1000, 128], strides = [1, 1]} : vector<1000x256xf32> to vector<1000x128xf32>
    %swap3A = arith.constant 0 : index
    %swap3A_63 = arith.constant 0 : index
    %swap3A_64 = arith.constant 0 : index
    %swap3A_65 = vector.load %arg7[%swap3A, %swap3A_63, %swap3A_64] : memref<2x1000x128xf32, #tpu.memory_space<vmem>>, vector<1x1000x128xf32>
    %swap3A_66 = vector.shape_cast %swap3A_65 : vector<1x1000x128xf32> to vector<1000x128xf32>
    %swap3A_67 = vector.shape_cast %slice3A : vector<1000x128xf32> to vector<1x1000x128xf32>
    tpu.vector_store %arg7[%swap3A, %swap3A_63, %swap3A_64], %swap3A_67 {strides = array<i32>} : memref<2x1000x128xf32, #tpu.memory_space<vmem>>, vector<1x1000x128xf32>,
    %slice3A_68 = vector.extract_strided_slice %max3A_62 {offsets = [0, 128], sizes = [1000, 128], strides = [1, 1]} : vector<1000x256xf32> to vector<1000x128xf32>
    %swap3A_69 = arith.constant 1 : index
    %swap3A_70 = arith.constant 0 : index
    %swap3A_71 = arith.constant 0 : index
    %swap3A_72 = vector.load %arg7[%swap3A_69, %swap3A_70, %swap3A_71] : memref<2x1000x128xf32, #tpu.memory_space<vmem>>, vector<1x1000x128xf32>
    %swap3A_73 = vector.shape_cast %swap3A_72 : vector<1x1000x128xf32> to vector<1000x128xf32>
    %swap3A_74 = vector.shape_cast %slice3A_68 : vector<1000x128xf32> to vector<1x1000x128xf32>
    tpu.vector_store %arg7[%swap3A_69, %swap3A_70, %swap3A_71], %swap3A_74 {strides = array<i32>} : memref<2x1000x128xf32, #tpu.memory_space<vmem>>, vector<1x1000x128xf32>,
    return
  }
  func.func @transform_0(%arg0: i32) -> (i32, i32, i32) {
    %c0_i32 = arith.constant 0 : i32
    %c0_i32_0 = arith.constant 0 : i32
    %c0_i32_1 = arith.constant 0 : i32
    return %c0_i32, %arg0, %c0_i32_0 : i32, i32, i32
  }
  func.func @transform_1(%arg0: i32) -> (i32, i32, i32) {
    %c0_i32 = arith.constant 0 : i32
    %c0_i32_0 = arith.constant 0 : i32
    %c0_i32_1 = arith.constant 0 : i32
    return %c0_i32, %arg0, %c0_i32_0 : i32, i32, i32
  }
  func.func @transform_2(%arg0: i32) -> (i32, i32) {
    %c0_i32 = arith.constant 0 : i32
    %c0_i32_0 = arith.constant 0 : i32
    %c0_i32_1 = arith.constant 0 : i32
    return %c0_i32, %c0_i32_0 : i32, i32
  }
  func.func @transform_3(%arg0: i32) -> (i32, i32) {
    %c0_i32 = arith.constant 0 : i32
    %c0_i32_0 = arith.constant 0 : i32
    %c0_i32_1 = arith.constant 0 : i32
    return %c0_i32, %c0_i32_0 : i32, i32
  }
  func.func @transform_4(%arg0: i32) -> (i32, i32) {
    %c0_i32 = arith.constant 0 : i32
    %c0_i32_0 = arith.constant 0 : i32
    %c0_i32_1 = arith.constant 0 : i32
    return %c0_i32, %c0_i32_0 : i32, i32
  }
  func.func @transform_5(%arg0: i32) -> (i32, i32) {
    %c0_i32 = arith.constant 0 : i32
    %c0_i32_0 = arith.constant 0 : i32
    %c0_i32_1 = arith.constant 0 : i32
    return %c0_i32, %c0_i32_0 : i32, i32
  }
  func.func @transform_6(%arg0: i32) -> (i32, i32, i32) {
    %c0_i32 = arith.constant 0 : i32
    %c0_i32_0 = arith.constant 0 : i32
    %c0_i32_1 = arith.constant 0 : i32
    return %c0_i32, %arg0, %c0_i32_0 : i32, i32, i32
  }
}

module attributes {stable_mosaic.version = 14 : i64} {
  func.func @body(%arg0: i32, %arg1: memref<2x1000x128xf32, #tpu.memory_space<vmem>>, %arg2: memref<2x1000x128xf32, #tpu.memory_space<vmem>>, %arg3: memref<256x256xf32, #tpu.memory_space<vmem>>, %arg4: memref<1x256xf32, #tpu.memory_space<vmem>>, %arg5: memref<1x256xf32, #tpu.memory_space<vmem>>, %arg6: memref<1x256xf32, #tpu.memory_space<vmem>>, %arg7: memref<2x1000x128xf32, #tpu.memory_space<vmem>>) attributes {dimension_semantics = [#tpu.dimension_semantics<arbitrary>], iteration_bounds = array<i64: 10>, scalar_prefetch = 0 : i64, scratch_operands = 0 : i64, tpu.core_type = #tpu.core_type<tc>, window_params = [{transform_indices = @transform_0, window_bounds = array<i64: 2, 1000, 128>}, {transform_indices = @transform_1, window_bounds = array<i64: 2, 1000, 128>}, {pipeline_mode = #tpu.pipeline_mode<synchronous>, transform_indices = @transform_2, window_bounds = array<i64: 256, 256>}, {pipeline_mode = #tpu.pipeline_mode<synchronous>, transform_indices = @transform_3, window_bounds = array<i64: 1, 256>}, {pipeline_mode = #tpu.pipeline_mode<synchronous>, transform_indices = @transform_4, window_bounds = array<i64: 1, 256>}, {pipeline_mode = #tpu.pipeline_mode<synchronous>, transform_indices = @transform_5, window_bounds = array<i64: 1, 256>}, {transform_indices = @transform_6, window_bounds = array<i64: 2, 1000, 128>}]} {
    %get3A = arith.constant 0 : index
    %get3A_0 = arith.constant 0 : index
    %get3A_1 = arith.constant 0 : index
    %get3A_2 = vector.load %arg1[%get3A, %get3A_0, %get3A_1] : memref<2x1000x128xf32, #tpu.memory_space<vmem>>, vector<1x1000x128xf32>
    %get3A_3 = vector.shape_cast %get3A_2 : vector<1x1000x128xf32> to vector<1000x128xf32>
    %get3A_4 = arith.constant 0 : index
    %get3A_5 = arith.constant 0 : index
    %get3A_6 = arith.constant 0 : index
    %get3A_7 = vector.load %arg2[%get3A_4, %get3A_5, %get3A_6] : memref<2x1000x128xf32, #tpu.memory_space<vmem>>, vector<1x1000x128xf32>
    %get3A_8 = vector.shape_cast %get3A_7 : vector<1x1000x128xf32> to vector<1000x128xf32>
    %add3A = arith.addf %get3A_3, %get3A_8 : vector<1000x128xf32>
    %get3A_9 = arith.constant 1 : index
    %get3A_10 = arith.constant 0 : index
    %get3A_11 = arith.constant 0 : index
    %get3A_12 = vector.load %arg1[%get3A_9, %get3A_10, %get3A_11] : memref<2x1000x128xf32, #tpu.memory_space<vmem>>, vector<1x1000x128xf32>
    %get3A_13 = vector.shape_cast %get3A_12 : vector<1x1000x128xf32> to vector<1000x128xf32>
    %get3A_14 = arith.constant 1 : index
    %get3A_15 = arith.constant 0 : index
    %get3A_16 = arith.constant 0 : index
    %get3A_17 = vector.load %arg2[%get3A_14, %get3A_15, %get3A_16] : memref<2x1000x128xf32, #tpu.memory_space<vmem>>, vector<1x1000x128xf32>
    %get3A_18 = vector.shape_cast %get3A_17 : vector<1x1000x128xf32> to vector<1000x128xf32>
    %add3A_19 = arith.addf %get3A_13, %get3A_18 : vector<1000x128xf32>
    %get3A_20 = arith.constant 0 : index
    %get3A_21 = arith.constant 0 : index
    %get3A_22 = vector.load %arg3[%get3A_20, %get3A_21] : memref<256x256xf32, #tpu.memory_space<vmem>>, vector<128x256xf32>
    %dot_general3A = arith.constant dense<0.000000e+00> : vector<1000x256xf32>
    %dot_general3A_23 = tpu.matmul %add3A, %get3A_22, %dot_general3A {dimension_numbers = #tpu.dot_dimension_numbers<[1], [0], [0], [1], [0, 0, 1, 1], [], []>, transpose_lhs_hint = false} : vector<1000x128xf32>, vector<128x256xf32>, vector<1000x256xf32> -> vector<1000x256xf32>
    %get3A_24 = arith.constant 128 : index
    %get3A_25 = arith.constant 0 : index
    %get3A_26 = vector.load %arg3[%get3A_24, %get3A_25] : memref<256x256xf32, #tpu.memory_space<vmem>>, vector<128x256xf32>
    %dot_general3A_27 = arith.constant dense<0.000000e+00> : vector<1000x256xf32>
    %dot_general3A_28 = tpu.matmul %add3A_19, %get3A_26, %dot_general3A_27 {dimension_numbers = #tpu.dot_dimension_numbers<[1], [0], [0], [1], [0, 0, 1, 1], [], []>, transpose_lhs_hint = false} : vector<1000x128xf32>, vector<128x256xf32>, vector<1000x256xf32> -> vector<1000x256xf32>
    %add3A_29 = arith.addf %dot_general3A_23, %dot_general3A_28 : vector<1000x256xf32>
    %get3A_30 = arith.constant 0 : index
    %get3A_31 = arith.constant 0 : index
    %get3A_32 = vector.load %arg4[%get3A_30, %get3A_31] : memref<1x256xf32, #tpu.memory_space<vmem>>, vector<1x256xf32>
    %add3A_33 = vector.broadcast %get3A_32 : vector<1x256xf32> to vector<1000x256xf32>
    %add3A_34 = arith.addf %add3A_29, %add3A_33 : vector<1000x256xf32>
    %reduce_sum3A = arith.constant dense<0.000000e+00> : vector<1000xf32>
    %reduce_sum3A_35 = vector.multi_reduction <add>, %add3A_34, %reduce_sum3A [1] : vector<1000x256xf32> to vector<1000xf32>
    %broadcast_in_dim3A = vector.shape_cast %reduce_sum3A_35 : vector<1000xf32> to vector<1000x1xf32>
    %div3A = arith.constant 2.560000e+02 : f32
    %div3A_36 = vector.broadcast %div3A : f32 to vector<1000x1xf32>
    %div3A_37 = arith.divf %broadcast_in_dim3A, %div3A_36 : vector<1000x1xf32>
    %sub3A = vector.broadcast %div3A_37 : vector<1000x1xf32> to vector<1000x256xf32>
    %sub3A_38 = arith.subf %add3A_34, %sub3A : vector<1000x256xf32>
    %integer_pow3A = arith.mulf %sub3A_38, %sub3A_38 : vector<1000x256xf32>
    %reduce_sum3A_39 = arith.constant dense<0.000000e+00> : vector<1000xf32>
    %reduce_sum3A_40 = vector.multi_reduction <add>, %integer_pow3A, %reduce_sum3A_39 [1] : vector<1000x256xf32> to vector<1000xf32>
    %broadcast_in_dim3A_41 = vector.shape_cast %reduce_sum3A_40 : vector<1000xf32> to vector<1000x1xf32>
    %div3A_42 = arith.constant 2.560000e+02 : f32
    %div3A_43 = vector.broadcast %div3A_42 : f32 to vector<1000x1xf32>
    %div3A_44 = arith.divf %broadcast_in_dim3A_41, %div3A_43 : vector<1000x1xf32>
    %sub3A_45 = vector.broadcast %div3A_37 : vector<1000x1xf32> to vector<1000x256xf32>
    %sub3A_46 = arith.subf %add3A_34, %sub3A_45 : vector<1000x256xf32>
    %add3A_47 = arith.constant 9.99999974E-6 : f32
    %add3A_48 = vector.broadcast %add3A_47 : f32 to vector<1000x1xf32>
    %add3A_49 = arith.addf %div3A_44, %add3A_48 : vector<1000x1xf32>
    %sqrt3A = math.sqrt %add3A_49 : vector<1000x1xf32>
    %div3A_50 = vector.broadcast %sqrt3A : vector<1000x1xf32> to vector<1000x256xf32>
    %div3A_51 = arith.divf %sub3A_46, %div3A_50 : vector<1000x256xf32>
    %get3A_52 = arith.constant 0 : index
    %get3A_53 = arith.constant 0 : index
    %get3A_54 = vector.load %arg5[%get3A_52, %get3A_53] : memref<1x256xf32, #tpu.memory_space<vmem>>, vector<1x256xf32>
    %mul3A = vector.broadcast %get3A_54 : vector<1x256xf32> to vector<1000x256xf32>
    %mul3A_55 = arith.mulf %div3A_51, %mul3A : vector<1000x256xf32>
    %get3A_56 = arith.constant 0 : index
    %get3A_57 = arith.constant 0 : index
    %get3A_58 = vector.load %arg6[%get3A_56, %get3A_57] : memref<1x256xf32, #tpu.memory_space<vmem>>, vector<1x256xf32>
    %add3A_59 = vector.broadcast %get3A_58 : vector<1x256xf32> to vector<1000x256xf32>
    %add3A_60 = arith.addf %mul3A_55, %add3A_59 : vector<1000x256xf32>
    %max3A = arith.constant 0.000000e+00 : f32
    %max3A_61 = vector.broadcast %max3A : f32 to vector<1000x256xf32>
    %max3A_62 = arith.maximumf %add3A_60, %max3A_61 : vector<1000x256xf32>
    %mul3A_63 = arith.mulf %max3A_62, %max3A_62 : vector<1000x256xf32>
    %reduce_sum3A_64 = arith.constant dense<0.000000e+00> : vector<1000xf32>
    %reduce_sum3A_65 = vector.multi_reduction <add>, %mul3A_63, %reduce_sum3A_64 [1] : vector<1000x256xf32> to vector<1000xf32>
    %broadcast_in_dim3A_66 = vector.shape_cast %reduce_sum3A_65 : vector<1000xf32> to vector<1000x1xf32>
    %sqrt3A_67 = math.sqrt %broadcast_in_dim3A_66 : vector<1000x1xf32>
    %max3A_68 = arith.constant 9.99999996E-13 : f32
    %max3A_69 = vector.broadcast %max3A_68 : f32 to vector<1000x1xf32>
    %max3A_70 = arith.maximumf %sqrt3A_67, %max3A_69 : vector<1000x1xf32>
    %div3A_71 = vector.broadcast %max3A_70 : vector<1000x1xf32> to vector<1000x256xf32>
    %div3A_72 = arith.divf %max3A_62, %div3A_71 : vector<1000x256xf32>
    %slice3A = vector.extract_strided_slice %div3A_72 {offsets = [0, 0], sizes = [1000, 128], strides = [1, 1]} : vector<1000x256xf32> to vector<1000x128xf32>
    %swap3A = arith.constant 0 : index
    %swap3A_73 = arith.constant 0 : index
    %swap3A_74 = arith.constant 0 : index
    %swap3A_75 = vector.load %arg7[%swap3A, %swap3A_73, %swap3A_74] : memref<2x1000x128xf32, #tpu.memory_space<vmem>>, vector<1x1000x128xf32>
    %swap3A_76 = vector.shape_cast %swap3A_75 : vector<1x1000x128xf32> to vector<1000x128xf32>
    %swap3A_77 = vector.shape_cast %slice3A : vector<1000x128xf32> to vector<1x1000x128xf32>
    tpu.vector_store %arg7[%swap3A, %swap3A_73, %swap3A_74], %swap3A_77 {strides = array<i32>} : memref<2x1000x128xf32, #tpu.memory_space<vmem>>, vector<1x1000x128xf32>,
    %slice3A_78 = vector.extract_strided_slice %div3A_72 {offsets = [0, 128], sizes = [1000, 128], strides = [1, 1]} : vector<1000x256xf32> to vector<1000x128xf32>
    %swap3A_79 = arith.constant 1 : index
    %swap3A_80 = arith.constant 0 : index
    %swap3A_81 = arith.constant 0 : index
    %swap3A_82 = vector.load %arg7[%swap3A_79, %swap3A_80, %swap3A_81] : memref<2x1000x128xf32, #tpu.memory_space<vmem>>, vector<1x1000x128xf32>
    %swap3A_83 = vector.shape_cast %swap3A_82 : vector<1x1000x128xf32> to vector<1000x128xf32>
    %swap3A_84 = vector.shape_cast %slice3A_78 : vector<1000x128xf32> to vector<1x1000x128xf32>
    tpu.vector_store %arg7[%swap3A_79, %swap3A_80, %swap3A_81], %swap3A_84 {strides = array<i32>} : memref<2x1000x128xf32, #tpu.memory_space<vmem>>, vector<1x1000x128xf32>,
    return
  }
  func.func @transform_0(%arg0: i32) -> (i32, i32, i32) {
    %c0_i32 = arith.constant 0 : i32
    %c0_i32_0 = arith.constant 0 : i32
    %c0_i32_1 = arith.constant 0 : i32
    return %c0_i32, %arg0, %c0_i32_0 : i32, i32, i32
  }
  func.func @transform_1(%arg0: i32) -> (i32, i32, i32) {
    %c0_i32 = arith.constant 0 : i32
    %c0_i32_0 = arith.constant 0 : i32
    %c0_i32_1 = arith.constant 0 : i32
    return %c0_i32, %arg0, %c0_i32_0 : i32, i32, i32
  }
  func.func @transform_2(%arg0: i32) -> (i32, i32) {
    %c0_i32 = arith.constant 0 : i32
    %c0_i32_0 = arith.constant 0 : i32
    %c0_i32_1 = arith.constant 0 : i32
    return %c0_i32, %c0_i32_0 : i32, i32
  }
  func.func @transform_3(%arg0: i32) -> (i32, i32) {
    %c0_i32 = arith.constant 0 : i32
    %c0_i32_0 = arith.constant 0 : i32
    %c0_i32_1 = arith.constant 0 : i32
    return %c0_i32, %c0_i32_0 : i32, i32
  }
  func.func @transform_4(%arg0: i32) -> (i32, i32) {
    %c0_i32 = arith.constant 0 : i32
    %c0_i32_0 = arith.constant 0 : i32
    %c0_i32_1 = arith.constant 0 : i32
    return %c0_i32, %c0_i32_0 : i32, i32
  }
  func.func @transform_5(%arg0: i32) -> (i32, i32) {
    %c0_i32 = arith.constant 0 : i32
    %c0_i32_0 = arith.constant 0 : i32
    %c0_i32_1 = arith.constant 0 : i32
    return %c0_i32, %c0_i32_0 : i32, i32
  }
  func.func @transform_6(%arg0: i32) -> (i32, i32, i32) {
    %c0_i32 = arith.constant 0 : i32
    %c0_i32_0 = arith.constant 0 : i32
    %c0_i32_1 = arith.constant 0 : i32
    return %c0_i32, %arg0, %c0_i32_0 : i32, i32, i32
  }
}

module attributes {stable_mosaic.version = 14 : i64} {
  func.func @body(%arg0: i32, %arg1: memref<2x1000x128xf32, #tpu.memory_space<vmem>>, %arg2: memref<1x1x1000xi32, #tpu.memory_space<vmem>>, %arg3: memref<256x32xf32, #tpu.memory_space<vmem>>, %arg4: memref<1x32xf32, #tpu.memory_space<vmem>>, %arg5: memref<32x1xf32, #tpu.memory_space<vmem>>, %arg6: memref<1x1xf32, #tpu.memory_space<vmem>>, %arg7: memref<64x1xf32, #tpu.memory_space<vmem>>, %arg8: memref<64x256xf32, #tpu.memory_space<vmem>>) attributes {dimension_semantics = [#tpu.dimension_semantics<arbitrary>], iteration_bounds = array<i64: 10>, scalar_prefetch = 0 : i64, scratch_operands = 1 : i64, tpu.core_type = #tpu.core_type<tc>, window_params = [{transform_indices = @transform_0, window_bounds = array<i64: 2, 1000, 128>}, {transform_indices = @transform_1, window_bounds = array<i64: 1, 1, 1000>}, {pipeline_mode = #tpu.pipeline_mode<synchronous>, transform_indices = @transform_2, window_bounds = array<i64: 256, 32>}, {pipeline_mode = #tpu.pipeline_mode<synchronous>, transform_indices = @transform_3, window_bounds = array<i64: 1, 32>}, {pipeline_mode = #tpu.pipeline_mode<synchronous>, transform_indices = @transform_4, window_bounds = array<i64: 32, 1>}, {pipeline_mode = #tpu.pipeline_mode<synchronous>, transform_indices = @transform_5, window_bounds = array<i64: 1, 1>}, {pipeline_mode = #tpu.pipeline_mode<synchronous>, transform_indices = @transform_6, window_bounds = array<i64: 64, 1>}]} {
    %eq3A = arith.constant 0 : i32
    %eq3A_0 = arith.cmpi eq, %arg0, %eq3A : i32
    %convert_element_type3A = arith.extui %eq3A_0 : i1 to i32
    %cond3A = arith.constant 0 : i32
    %cond3A_1 = arith.cmpi ne, %convert_element_type3A, %cond3A : i32
    scf.if %cond3A_1 {
      %broadcast_in_dim3A = arith.constant 0.000000e+00 : f32
      %broadcast_in_dim3A_31 = vector.broadcast %broadcast_in_dim3A : f32 to vector<64x256xf32>
      %swap3A_32 = arith.constant 0 : index
      %swap3A_33 = arith.constant 0 : index
      %swap3A_34 = vector.load %arg8[%swap3A_32, %swap3A_33] : memref<64x256xf32, #tpu.memory_space<vmem>>, vector<64x256xf32>
      tpu.vector_store %arg8[%swap3A_32, %swap3A_33], %broadcast_in_dim3A_31 {strides = array<i32>} : memref<64x256xf32, #tpu.memory_space<vmem>>, vector<64x256xf32>,
    } else {
    }
    %get3A = arith.constant 0 : index
    %get3A_2 = arith.constant 0 : index
    %get3A_3 = arith.constant 0 : index
    %get3A_4 = vector.load %arg1[%get3A, %get3A_2, %get3A_3] : memref<2x1000x128xf32, #tpu.memory_space<vmem>>, vector<1x1000x128xf32>
    %get3A_5 = vector.shape_cast %get3A_4 : vector<1x1000x128xf32> to vector<1000x128xf32>
    %get3A_6 = arith.constant 1 : index
    %get3A_7 = arith.constant 0 : index
    %get3A_8 = arith.constant 0 : index
    %get3A_9 = vector.load %arg1[%get3A_6, %get3A_7, %get3A_8] : memref<2x1000x128xf32, #tpu.memory_space<vmem>>, vector<1x1000x128xf32>
    %get3A_10 = vector.shape_cast %get3A_9 : vector<1x1000x128xf32> to vector<1000x128xf32>
    %concatenate3A = tpu.concatenate %get3A_5, %get3A_10 in 1 : vector<1000x128xf32>, vector<1000x128xf32> -> vector<1000x256xf32>
    %get3A_11 = arith.constant 0 : index
    %get3A_12 = arith.constant 0 : index
    %get3A_13 = arith.constant 0 : index
    %get3A_14 = vector.load %arg2[%get3A_11, %get3A_12, %get3A_13] : memref<1x1x1000xi32, #tpu.memory_space<vmem>>, vector<1x1x1000xi32>
    %get3A_15 = vector.shape_cast %get3A_14 : vector<1x1x1000xi32> to vector<1x1000xi32>
    %iota3A = tpu.iota {dimensions = array<i32: 0>} : vector<64x1000xi32>
    %eq3A_16 = vector.broadcast %get3A_15 : vector<1x1000xi32> to vector<64x1000xi32>
    %eq3A_17 = arith.cmpi eq, %iota3A, %eq3A_16 : vector<64x1000xi32>
    %convert_element_type3A_18 = arith.extui %eq3A_17 : vector<64x1000xi1> to vector<64x1000xi32>
    %convert_element_type3A_19 = arith.sitofp %convert_element_type3A_18 : vector<64x1000xi32> to vector<64x1000xf32>
    %get3A_20 = arith.constant 0 : index
    %get3A_21 = arith.constant 0 : index
    %get3A_22 = vector.load %arg8[%get3A_20, %get3A_21] : memref<64x256xf32, #tpu.memory_space<vmem>>, vector<64x256xf32>
    %dot_general3A = arith.constant dense<0.000000e+00> : vector<64x256xf32>
    %dot_general3A_23 = tpu.matmul %convert_element_type3A_19, %concatenate3A, %dot_general3A {dimension_numbers = #tpu.dot_dimension_numbers<[1], [0], [0], [1], [0, 0, 1, 1], [], []>, transpose_lhs_hint = false} : vector<64x1000xf32>, vector<1000x256xf32>, vector<64x256xf32> -> vector<64x256xf32>
    %add3A = arith.addf %get3A_22, %dot_general3A_23 : vector<64x256xf32>
    %swap3A = arith.constant 0 : index
    %swap3A_24 = arith.constant 0 : index
    %swap3A_25 = vector.load %arg8[%swap3A, %swap3A_24] : memref<64x256xf32, #tpu.memory_space<vmem>>, vector<64x256xf32>
    tpu.vector_store %arg8[%swap3A, %swap3A_24], %add3A {strides = array<i32>} : memref<64x256xf32, #tpu.memory_space<vmem>>, vector<64x256xf32>,
    %eq3A_26 = arith.constant 9 : i32
    %eq3A_27 = arith.cmpi eq, %arg0, %eq3A_26 : i32
    %convert_element_type3A_28 = arith.extui %eq3A_27 : i1 to i32
    %cond3A_29 = arith.constant 0 : i32
    %cond3A_30 = arith.cmpi ne, %convert_element_type3A_28, %cond3A_29 : i32
    scf.if %cond3A_30 {
      %get3A_31 = arith.constant 0 : index
      %get3A_32 = arith.constant 0 : index
      %get3A_33 = vector.load %arg8[%get3A_31, %get3A_32] : memref<64x256xf32, #tpu.memory_space<vmem>>, vector<64x256xf32>
      %get3A_34 = arith.constant 0 : index
      %get3A_35 = arith.constant 0 : index
      %get3A_36 = vector.load %arg3[%get3A_34, %get3A_35] : memref<256x32xf32, #tpu.memory_space<vmem>>, vector<256x32xf32>
      %dot_general3A_37 = arith.constant dense<0.000000e+00> : vector<64x32xf32>
      %dot_general3A_38 = tpu.matmul %get3A_33, %get3A_36, %dot_general3A_37 {dimension_numbers = #tpu.dot_dimension_numbers<[1], [0], [0], [1], [0, 0, 1, 1], [], []>, transpose_lhs_hint = false} : vector<64x256xf32>, vector<256x32xf32>, vector<64x32xf32> -> vector<64x32xf32>
      %get3A_39 = arith.constant 0 : index
      %get3A_40 = arith.constant 0 : index
      %get3A_41 = vector.load %arg4[%get3A_39, %get3A_40] : memref<1x32xf32, #tpu.memory_space<vmem>>, vector<1x32xf32>
      %add3A_42 = vector.broadcast %get3A_41 : vector<1x32xf32> to vector<64x32xf32>
      %add3A_43 = arith.addf %dot_general3A_38, %add3A_42 : vector<64x32xf32>
      %max3A = arith.constant 0.000000e+00 : f32
      %max3A_44 = vector.broadcast %max3A : f32 to vector<64x32xf32>
      %max3A_45 = arith.maximumf %add3A_43, %max3A_44 : vector<64x32xf32>
      %get3A_46 = arith.constant 0 : index
      %get3A_47 = arith.constant 0 : index
      %get3A_48 = vector.load %arg5[%get3A_46, %get3A_47] : memref<32x1xf32, #tpu.memory_space<vmem>>, vector<32x1xf32>
      %dot_general3A_49 = arith.constant dense<0.000000e+00> : vector<64x1xf32>
      %dot_general3A_50 = tpu.matmul %max3A_45, %get3A_48, %dot_general3A_49 {dimension_numbers = #tpu.dot_dimension_numbers<[1], [0], [0], [1], [0, 0, 1, 1], [], []>, transpose_lhs_hint = false} : vector<64x32xf32>, vector<32x1xf32>, vector<64x1xf32> -> vector<64x1xf32>
      %get3A_51 = arith.constant 0 : index
      %get3A_52 = arith.constant 0 : index
      %get3A_53 = vector.load %arg6[%get3A_51, %get3A_52] : memref<1x1xf32, #tpu.memory_space<vmem>>, vector<1x1xf32>
      %add3A_54 = vector.broadcast %get3A_53 : vector<1x1xf32> to vector<64x1xf32>
      %add3A_55 = arith.addf %dot_general3A_50, %add3A_54 : vector<64x1xf32>
      %swap3A_56 = arith.constant 0 : index
      %swap3A_57 = arith.constant 0 : index
      %swap3A_58 = vector.load %arg7[%swap3A_56, %swap3A_57] : memref<64x1xf32, #tpu.memory_space<vmem>>, vector<64x1xf32>
      tpu.vector_store %arg7[%swap3A_56, %swap3A_57], %add3A_55 {strides = array<i32>} : memref<64x1xf32, #tpu.memory_space<vmem>>, vector<64x1xf32>,
    } else {
    }
    return
  }
  func.func @transform_0(%arg0: i32) -> (i32, i32, i32) {
    %c0_i32 = arith.constant 0 : i32
    %c0_i32_0 = arith.constant 0 : i32
    %c0_i32_1 = arith.constant 0 : i32
    return %c0_i32, %arg0, %c0_i32_0 : i32, i32, i32
  }
  func.func @transform_1(%arg0: i32) -> (i32, i32, i32) {
    %c0_i32 = arith.constant 0 : i32
    %c0_i32_0 = arith.constant 0 : i32
    %c0_i32_1 = arith.constant 0 : i32
    return %arg0, %c0_i32, %c0_i32_0 : i32, i32, i32
  }
  func.func @transform_2(%arg0: i32) -> (i32, i32) {
    %c0_i32 = arith.constant 0 : i32
    %c0_i32_0 = arith.constant 0 : i32
    %c0_i32_1 = arith.constant 0 : i32
    return %c0_i32, %c0_i32_0 : i32, i32
  }
  func.func @transform_3(%arg0: i32) -> (i32, i32) {
    %c0_i32 = arith.constant 0 : i32
    %c0_i32_0 = arith.constant 0 : i32
    %c0_i32_1 = arith.constant 0 : i32
    return %c0_i32, %c0_i32_0 : i32, i32
  }
  func.func @transform_4(%arg0: i32) -> (i32, i32) {
    %c0_i32 = arith.constant 0 : i32
    %c0_i32_0 = arith.constant 0 : i32
    %c0_i32_1 = arith.constant 0 : i32
    return %c0_i32, %c0_i32_0 : i32, i32
  }
  func.func @transform_5(%arg0: i32) -> (i32, i32) {
    %c0_i32 = arith.constant 0 : i32
    %c0_i32_0 = arith.constant 0 : i32
    %c0_i32_1 = arith.constant 0 : i32
    return %c0_i32, %c0_i32_0 : i32, i32
  }
  func.func @transform_6(%arg0: i32) -> (i32, i32) {
    %c0_i32 = arith.constant 0 : i32
    %c0_i32_0 = arith.constant 0 : i32
    %c0_i32_1 = arith.constant 0 : i32
    return %c0_i32, %c0_i32_0 : i32, i32
  }
}

</mosaic_0001>

<sc_bundles>
// kernel: kernel.11.cloned.1.call-start
scs
__scs_entry_jumppad:
0x0: {  	(pc) =	sbr.rel $0x88, $3  }
0x1: {  	(tag) =	ssettag $0x0;
	lr =	simm.s32 $0x1  }
0x2: {  	[smem:$0x3F90] =	sst lr;
	_ =	strace $0xD0000000  }
0x3: {  	_ = 	snop  }
0x4: {  	_ = 	snop  }
0x5: {  	_ = 	snop  }
0x6: {  	_ = 	snop  }
0x7: {  	_ = 	snop  }
__scs_overlays_trampoline_lowered:
0x8: {  	[smem:$0x3F9F] =	sst s0  }
0x9: {  	[smem:$0x3FA0] =	sst s1  }
0xa: {  	[smem:$0x3FA1] =	sst s2  }
0xb: {  	[smem:$0x3FA2] =	sst s3  }
0xc: {  	[smem:$0x3FA3] =	sst s4  }
0xd: {  	[smem:$0x3FA4] =	sst s5  }
0xe: {  	[smem:$0x3FA5] =	sst s6  }
0xf: {  	[smem:$0x3FA6] =	sst s7  }
0x10: {  	[smem:$0x3FA7] =	sst s8  }
0x11: {  	[smem:$0x3FA8] =	sst s9;
	s0 =	simm.s32 @!p0 $0x0  }
0x12: {  	s1 =	sld [smem:$0x3F8E];
	s0 =	simm.s32 @p0 $0x1  }
0x13: {  	[smem:$0x3FA9] =	sst s0;
	s0 =	simm.s32 @!p1 $0x0  }
0x14: {  	s2 =	sld [smem:$0x3F8D];
	s0 =	simm.s32 @p1 $0x1  }
0x15: {  	[smem:$0x3FAA] =	sst s0;
	s0 =	simm.s32 @!p2 $0x0  }
0x16: {  	s3 =	sld [smem:$0x3FDB];
	s0 =	simm.s32 @p2 $0x1  }
0x17: {  	s4 =	simm.s32 $0x1BF5;
	[smem:$0x3FAC] =	sst s0  }
0x18: {  	s0 =	sld [smem:$0x3F8F];
	_ =	swait.ge [sflag:s4], $0x0  }
0x19: {  	s7 =	sld [smem:$0x3F90]  }
0x1a: {  	s8 =	sadd.s32 $0xFFFFE003, lr  }
0x1b: {  	s9 =	sadd.s32 $0xFFFFFEF7, lr;
	s5 =	simm.s32 $0xFFFFFFFF;
	p2 =	slt.u32 s8, $0xFFFFF086  }
0x1c: {  	p1 =	slt.u32 s9, $0xF7A;
	s5 =	simm.s32 @!p2 $0x0  }
0x1d: {  	s5 =	simm.s32 @p1 $0x1;
	p0 =	seq.s32 s7, s2  }
0x1e: {  	s7 =	smul.u32 @!p0 $0xF7A, s2;
	p2 =	seq.s32 @!p0 s5, $0x0  }
0x1f: {  	s9 =	smul.u32 $0xF7A, s1;
	s8 =	simm.s32 @!p0 $0x1BF5;
	p2 =	por !p2, p0  }
0x20: {  	[sflag:s8] =	ssyncset.s32 @!p0 $0xFFFFF086;
	s6 =	sadd.s32 @!p0 s3, s7;
	s7 =	simm.s32 @!p0 $0x108  }
0x21: {  	s3 =	sadd.s32 s3, s9;
	s6 =	sadd.s32 @!p0 $0x88, s6;
	s7 =	simm.s32 @p2 $0x1082  }
0x22: {  	[simem:s7], [sflag:s8] =	dma.local @!p0 [hbm:s6], $0xF7A  }
0x23: {  	s9 =	sor.u32 $0xD0000000, s2;
	s6 =	simm.s32 $0x108;
	_ =	swait.ge @!p0 [sflag:s8], $0x0  }
0x24: {  	s3 =	sadd.s32 $0x88, s3;
	s6 =	simm.s32 @!p1 $0x1082;
	[sflag:s4] =	ssyncset.s32 $0xFFFFF086  }
0x25: {  	[simem:s6], [sflag:s4] =	dma.local [hbm:s3], $0xF7A  }
0x26: {  	[smem:$0x3F90] =	sst s1;
	(tag) =	ssettag s2;
	_ =	strace s9  }
0x27: {  	s1 =	sld [smem:$0x3FA0]  }
0x28: {  	s2 =	sld [smem:$0x3FA1]  }
0x29: {  	s4 =	sld [smem:$0x3FA3]  }
0x2a: {  	p0 =	seq.s32 s5, $0x0;
	s5 =	sld [smem:$0x3FA4]  }
0x2b: {  	s6 =	sld [smem:$0x3FA5]  }
0x2c: {  	s7 =	sld [smem:$0x3FA6]  }
0x2d: {  	s3 =	simm.s32 $0x108;
	s8 =	sld [smem:$0x3FA7]  }
0x2e: {  	s3 =	simm.s32 @!p0 $0x1082;
	s9 =	sld [smem:$0x3FA8]  }
0x2f: {  	lr =	sadd.s32 s0, s3;
	s0 =	sld [smem:$0x3F9F]  }
0x30: {  	s3 =	sld [smem:$0x3FA2]  }
0x31: {  	[smem:$0x3FAB] =	sst s10  }
0x32: {  	s10 =	sld [smem:$0x3FA9];
	_ =	sdelay $0x3  }
0x33: {  	p0 =	seq.s32 s10, $0x1;
	s10 =	sld [smem:$0x3FAB];
	_ =	sdelay $0x3  }
0x34: {  	[smem:$0x3FAB] =	sst s10  }
0x35: {  	s10 =	sld [smem:$0x3FAA];
	_ =	sdelay $0x3  }
0x36: {  	p1 =	seq.s32 s10, $0x1;
	s10 =	sld [smem:$0x3FAB];
	_ =	sdelay $0x3  }
0x37: {  	[smem:$0x3FAB] =	sst s10  }
0x38: {  	s10 =	sld [smem:$0x3FAC]  }
0x39: {  	_ = 	snop;
	(pc) =	sbr.ind lr, $3  }
0x3a: {  	_ = 	snop  }
0x3b: {  	_ = 	snop  }
0x3c: {  	p2 =	seq.s32 s10, $0x1;
	s10 =	sld [smem:$0x3FAB]  }
0x3d: {  	_ =	shalt  }
0x3e: {  	_ =	shalt  }
0x3f: {  	_ =	shalt  }
0x40: {  	_ =	shalt  }
0x41: {  	_ =	shalt  }
0x42: {  	_ =	shalt  }
0x43: {  	_ =	shalt  }
0x44: {  	_ =	shalt  }
0x45: {  	_ =	shalt  }
0x46: {  	_ =	shalt  }
0x47: {  	_ =	shalt  }
0x48: {  	_ =	shalt  }
0x49: {  	_ =	shalt  }
0x4a: {  	_ =	shalt  }
0x4b: {  	_ =	shalt  }
0x4c: {  	_ =	shalt  }
0x4d: {  	_ =	shalt  }
0x4e: {  	_ =	shalt  }
0x4f: {  	_ =	shalt  }
0x50: {  	_ =	shalt  }
0x51: {  	_ =	shalt  }
0x52: {  	_ =	shalt  }
0x53: {  	_ =	shalt  }
0x54: {  	_ =	shalt  }
0x55: {  	_ =	shalt  }
0x56: {  	_ =	shalt  }
0x57: {  	_ =	shalt  }
0x58: {  	_ =	shalt  }
0x59: {  	_ =	shalt  }
0x5a: {  	_ =	shalt  }
0x5b: {  	_ =	shalt  }
0x5c: {  	_ =	shalt  }
0x5d: {  	_ =	shalt  }
0x5e: {  	_ =	shalt  }
0x5f: {  	_ =	shalt  }
0x60: {  	_ =	shalt  }
0x61: {  	_ =	shalt  }
0x62: {  	_ =	shalt  }
0x63: {  	_ =	shalt  }
0x64: {  	_ =	shalt  }
0x65: {  	_ =	shalt  }
0x66: {  	_ =	shalt  }
0x67: {  	_ =	shalt  }
0x68: {  	_ =	shalt  }
0x69: {  	_ =	shalt  }
0x6a: {  	_ =	shalt  }
0x6b: {  	_ =	shalt  }
0x6c: {  	_ =	shalt  }
0x6d: {  	_ =	shalt  }
0x6e: {  	_ =	shalt  }
0x6f: {  	_ =	shalt  }
0x70: {  	_ =	shalt  }
0x71: {  	_ =	shalt  }
0x72: {  	_ =	shalt  }
0x73: {  	_ =	shalt  }
0x74: {  	_ =	shalt  }
0x75: {  	_ =	shalt  }
0x76: {  	_ =	shalt  }
0x77: {  	_ =	shalt  }
0x78: {  	_ =	shalt  }
0x79: {  	_ =	shalt  }
0x7a: {  	_ =	shalt  }
0x7b: {  	_ =	shalt  }
0x7c: {  	_ =	shalt  }
0x7d: {  	_ =	shalt  }
0x7e: {  	_ =	shalt  }
0x7f: {  	_ =	shalt  }
0x80: {  	_ =	shalt  }
0x81: {  	_ =	shalt  }
0x82: {  	_ =	shalt  }
0x83: {  	_ =	shalt  }
0x84: {  	_ =	shalt  }
0x85: {  	_ =	shalt  }
0x86: {  	_ =	shalt  }
0x87: {  	_ =	shalt  }
.Lfunc_end0:
.L_simem_size_0:
called_computation.1_lowered:
.L_overlay_start_0:
0x88: {  	s2 =	sld [smem:$0x3FD9]  }
0x89: {  	s3 =	sld [smem:$0x3FFE];
	_ =	sdelay $0x1  }
0x8a: {  	s1 =	srdreg.scid  }
0x8b: {  	s0 =	sand.u32 $0x1, s1  }
0x8c: {  	s16 =	sshll.u32 s0, $0xA;
	s2 =	sadd.s32 s3, s2  }
0x8d: {  	s2 =	sadd.s32 s2, s16  }
0x8e: {  	[smem:$0x3FB7] =	sst s2  }
0x8f: {  	_ = 	snop  }
0x90: {  	(tm) =	ssettm $0x1  }
0x91: {  	s17 =	sld [smem:$0x3FFB];
	_ =	sdelay $0x3  }
0x92: {  	_ =	strace s17  }
0x93: {  	s2 =	sld [smem:$0x3FFC];
	_ =	sdelay $0x3  }
0x94: {  	_ =	strace s2  }
0x95: {  	s2 =	sld [smem:$0x3FFD];
	_ =	sdelay $0x3  }
0x96: {  	_ =	strace s2  }
0x97: {  	_ =	strace $0x8FFFFFFF  }
0x98: {  	s18 =	sld [smem:$0x3FDB];
	_ =	sdelay $0x1  }
0x99: {  	s19 =	simm.s32 $_scs_section_size  }
0x9a: {  	s4 =	simm.s32 $_size__tile_overlayer_lowered;
	s5 =	simm.s32 $_tile_overlayer_lowered  }
0x9b: {  	s22 =	simm.s32 $0x1BFF;
	s21 =	sshll.u32 s5, $0x1;
	s2 =	sadd.s32 s19, s18  }
0x9c: {  	s6 =	simm.s32 $0x0;
	s20 =	sshll.u32 s4, $0x1;
	s4 =	sadd.s32 s21, s2  }
0x9d: {  	[timem:s6], [sflag:s22] =	dma.local [hbm:s4], s20  }
0x9e: {  	_ =	swait.ge [sflag:s22], s20  }
0x9f: {  	s3 =	ssub.s32 $0x0, s20;
	[sflag:s22] =	ssyncset.done $0x0  }
0xa0: {  	[sflag:s22] =	ssyncadd.s32 s3;
	_ =	sdelay $0x1  }
0xa1: {  	s23 =	simm.s32 $0x1B8B  }
0xa2: {  	_ =	swait.ge [sflag:s23], $0x1  }
0xa3: {  	[sflag:s23] =	ssyncset.done $0x0  }
0xa4: {  	s25 =	simm.s32 $0x1B8E;
	s24 =	sld [smem:$0x3FFE];
	[sflag:s23] =	ssyncadd.s32 $0xFFFFFFFF  }
0xa5: {  	s26 =	simm.s32 $execute0_lowered;
	[smem:$0x3FD2] =	sst s25  }
0xa6: {  	s4 =	sshll.u32 s26, $0x1;
	_ =	strace $0x80000049;
	[dreg:$0x1] =	wrdreg $0xFFFFFFFF  }
0xa7: {  	s28 =	simm.s32 $_size_execute0_lowered;
	s2 =	sadd.s32 s2, s4;
	[dreg:$0x0] =	wrdreg $0x0  }
0xa8: {  	s4 =	sshll.u32 s28, $0x1;
	[dreg:$0x2] =	wrdreg s2  }
0xa9: {  	[dreg:$0x3] =	wrdreg s4  }
0xaa: {  	[dreg:$0x4] =	wrdreg $0xC0  }
0xab: {  	_ =	task [dreg:s6], $0x5FFFF  }
0xac: {  	[dreg:$0x1] =	wrdreg $0xFFFFFFFF  }
0xad: {  	[dreg:$0x0] =	wrdreg $0x60  }
0xae: {  	[dreg:$0x2] =	wrdreg s24  }
0xaf: {  	[dreg:$0x3] =	wrdreg $0xA0000  }
0xb0: {  	[dreg:$0x4] =	wrdreg $0x9  }
0xb1: {  	_ =	task.clear_ibuf [dreg:s6], $0x5FFFF;
	_ =	strace $0x90000049  }
0xb2: {  	s29 =	simm.s32 $0x9;
	_ =	strace $0x8000004B  }
0xb3: {  	_ =	swait.ge [sflag:s29], $0x1  }
0xb4: {  	[sflag:s29] =	ssyncadd.s32 $0xFFFFFFFF  }
0xb5: {  	_ =	strace $0x9000004B  }
0xb6: {  	_ =	sfence  }
0xb7: {  	s30 =	sld [smem:$0x0];
	_ =	sdelay $0x2  }
0xb8: {  	s31 =	sshll.u32 s1, $0xD;
	s1 =	sshrl.u32 s1, $0x2  }
0xb9: {  	s3 =	sand.u32 $0x4000, s31;
	s1 =	sadd.s32 s1, s30  }
0xba: {  	s0 =	sor.u32 s3, s0;
	s1 =	sshll.u32 s1, $0x11  }
0xbb: {  	s0 =	sor.u32 s1, s0  }
0xbc: {  	s0 =	sadd.s32 $0x8F2B, s0  }
0xbd: {  	[sflag:s0] =	ssyncadd.remote.s32 $0x1  }
0xbe: {  	_ =	sfence.sel $0xFFFF  }
0xbf: {  	[dreg:$0x0] =	wrdreg $0xFFFFFFFF;
	(pc) =	sbr.abs _section_cstart, $3  }
0xc0: {  	[dreg:$0x1] =	wrdreg $0xFFFFFFFF  }
0xc1: {  	_ =	task.clear_ibuf [dreg:s6], $0x2FFFF;
	_ =	strace $0x9FFFFFFF  }
0xc2: {  	(tm) =	ssettm $0x7FFFFFFF  }
0xc3: {  	_ =	shalt  }
tec
execute0_lowered:
.L_overlay_start_1:
0x0: {  	(tag) =	ssettag $0x1  }
0x1: {  	s4 =	rddreg [dreg:$0x0]  }
0x2: {  	s1 =	rddreg [dreg:$0x1];
	s2 =	srdreg.scid  }
0x3: {  	s3 =	simm.s32 $0x0;
	s18 =	simm.s32 $0x1000;
	s19 =	simm.s32 $0x80  }
0x4: {  	s20 =	simm.s32 $0x6000;
	s21 =	simm.s32 $0x1;
	s5 =	sand.u32 $0x1, s2  }
0x5: {  	s22 =	simm.s32 $0x2;
	s2 =	stileid.u32;
	s6 =	smul.u32 $0x27100, s5  }
0x6: {  	s26 =	simm.s32 $0x0;
	[smem:$0x7FF] =	sst s3;
	s7 =	smul.u32 $0x4F000, s2  }
0x7: {  	s13 =	sadd.s32 $0x3600, s4;
	s25 =	sadd.s32 $0x124800, s1;
	s8 =	smul.u32 $0x5000, s2  }
0x8: {  	s14 =	sadd.s32 $0xD600, s4;
	_ =	strace $0x8000004A;
	s16 =	smul.u32 $0x4E000, s2  }
0x9: {  	s5 =	ssub.s32 $0x2, s5;
	s17 =	smul.u32 $0xA00, s2;
	p0 =	sne.s32 s2, $0xF  }
0xa: {  	s23 =	smul.u32 $0x2700, s2;
	s30 =	sshrl.u32 s5, $0x1;
	s25 =	sshrl.u32 @!p0 s25, $0x3  }
0xb: {  	s12 =	sadd.s32 s6, s4;
	s29 =	sshrl.u32 s7, $0x2;
	s15 =	ssub.s32 s5, s30  }
0xc: {  	s10 =	sshrl.u32 s8, $0x3;
	s16 =	sshrl.u32 s16, $0x2;
	s31 =	sadd.s32 s17, s13  }
0xd: {  	s4 =	sadd.s32 s29, s1;
	s9 =	sadd.s32 s13, s10;
	s10 =	sadd.s32 s14, s10  }
0xe: {  	s11 =	sadd.s32 $0x17600, s12;
	s12 =	sadd.s32 $0x65800, s12;
	s24 =	sadd.s32 s16, s1  }
0xf: {  	s14 =	sadd.s32 s17, s14;
	s13 =	smax.u32 s15, $0x1;
	s15 =	sadd.s32 $0x100, s31  }
0x10: {  	s16 =	simm.s32 $0x2000;
	s17 =	simm.s32 $0x4;
	s5 =	sadd.s32 $0x4000, s4  }
0x11: {  	s6 =	sadd.s32 $0x8000, s4;
	s7 =	sadd.s32 $0xC000, s4;
	s8 =	sadd.s32 $0x10000, s4  }
0x12: {  	v0 =	vimm.f32 $0.0e+00;
	s14 =	sadd.s32 $0x100, s14;
	s23 =	sadd.s32 @p0 s23, s12;
	s24 =	sshrl.u32 @p0 s24, $0x3  }
.LBB2_1:
0x13: {  	s28 =	simm.s32 $0x0;
	s29 =	simm.s32 $0x200  }
.LBB2_2:
0x14: {  	p1 =	sne.s32 s29, $0xFE00;
	[tilespmem:s28+$0x2070] =	vst v0  }
0x15: {  	[tilespmem:s28+$0x2000] =	vst v0  }
0x16: {  	[tilespmem:s28+$0x2010] =	vst v0  }
.Ltmp0:
0x17: {  	[tilespmem:s28+$0x2020] =	vst v0;
	(pc) =	sbr.rel @p1 .LBB2_2-.Ltmp0, $4  }
0x18: {  	[tilespmem:s28+$0x2030] =	vst v0  }
0x19: {  	[tilespmem:s28+$0x2040] =	vst v0  }
0x1a: {  	[tilespmem:s28+$0x2050] =	vst v0  }
0x1b: {  	[tilespmem:s28+$0x2060] =	vst v0;
	s28 =	sshra.s32 s29, $0x2;
	s29 =	sadd.s32 $0x200, s29  }
0x1c: {  	[tilespmem:s28+$0x2070] =	vst v0  }
0x1d: {  	[tilespmem:s28+$0x2000] =	vst v0  }
0x1e: {  	[tilespmem:s28+$0x2010] =	vst v0  }
0x1f: {  	[tilespmem:s28+$0x2020] =	vst v0  }
0x20: {  	[tilespmem:s28+$0x2030] =	vst v0  }
0x21: {  	[tilespmem:s28+$0x2040] =	vst v0  }
0x22: {  	[tilespmem:s28+$0x2050] =	vst v0  }
0x23: {  	[tilespmem:s28+$0x2060] =	vst v0  }
0x24: {  	[spmem:s4] =	stream.linear.scatter [tilespmem:s16], [sflag:$0x4], $0x4000, $0x38;
	[tilespmem:$0x1DC00] =	vst v63  }
0x25: {  	_ =	swait.ge [sflag:s17], $0x4000  }
0x26: {  	[sflag:s17] =	ssyncset.done $0x0  }
0x27: {  	[sflag:s17] =	ssyncadd.s32 $0xFFFFC000  }
0x28: {  	[spmem:s5] =	stream.linear.scatter [tilespmem:s16], [sflag:$0x4], $0x4000, $0x38;
	[tilespmem:$0x1DC00] =	vst v63  }
0x29: {  	_ =	swait.ge [sflag:s17], $0x4000  }
0x2a: {  	[sflag:s17] =	ssyncset.done $0x0  }
0x2b: {  	[sflag:s17] =	ssyncadd.s32 $0xFFFFC000  }
0x2c: {  	[spmem:s6] =	stream.linear.scatter [tilespmem:s16], [sflag:$0x4], $0x4000, $0x38;
	[tilespmem:$0x1DC00] =	vst v63  }
0x2d: {  	_ =	swait.ge [sflag:s17], $0x4000  }
0x2e: {  	[sflag:s17] =	ssyncset.done $0x0  }
0x2f: {  	[sflag:s17] =	ssyncadd.s32 $0xFFFFC000  }
0x30: {  	[spmem:s7] =	stream.linear.scatter [tilespmem:s16], [sflag:$0x4], $0x4000, $0x38;
	[tilespmem:$0x1DC00] =	vst v63  }
0x31: {  	_ =	swait.ge [sflag:s17], $0x4000  }
0x32: {  	[sflag:s17] =	ssyncset.done $0x0  }
0x33: {  	[sflag:s17] =	ssyncadd.s32 $0xFFFFC000  }
0x34: {  	[spmem:s8] =	stream.linear.scatter [tilespmem:s16], [sflag:$0x4], $0x3C00, $0x38;
	[tilespmem:$0x1DC00] =	vst v63  }
0x35: {  	_ =	swait.ge [sflag:s17], $0x3C00  }
0x36: {  	[sflag:s17] =	ssyncset.done $0x0  }
0x37: {  	[sflag:s17] =	ssyncadd.s32 $0xFFFFC400  }
0x38: {  	[bflag:$0x0] =	sbarrier.arrive $0xFFFF  }
0x39: {  	[tilespmem:s3], [sflag:$0x4] =	stream.linear.gather [hbm4b:s9+s3], $0x800, $0x38;
	[tilespmem:$0x1DC00] =	vst v63  }
0x3a: {  	_ =	swait.ge [sflag:s17], $0x800  }
0x3b: {  	[sflag:s17] =	ssyncset.done $0x0  }
0x3c: {  	[sflag:s17] =	ssyncadd.s32 $0xFFFFF800  }
0x3d: {  	[tilespmem:s18], [sflag:$0x4] =	stream.linear.gather [hbm4b:s10+s3], $0x800, $0x38;
	[tilespmem:$0x1DC00] =	vst v63  }
0x3e: {  	_ =	swait.ge [sflag:s17], $0x800  }
0x3f: {  	s28 =	simm.s32 $0x800;
	[sflag:s17] =	ssyncset.done $0x0  }
0x40: {  	s29 =	smov.u32 s15;
	s30 =	smov.u32 s14;
	[sflag:s17] =	ssyncadd.s32 $0xFFFFF800  }
.LBB2_4:
0x41: {  	p1 =	seq.s32 s28, $0x5000  }
0x42: {  	s31 =	sand.u32 @!p1 $0x800, s28;
	s0 =	simm.s32 @!p1 $0x0  }
0x43: {  	[tilespmem:s31], [sflag:$0x3] =	stream.linear.gather @!p1 [hbm4b:s29+s0], $0x800, $0x38;
	[tilespmem:$0x1DC00] =	vst v63  }
0x44: {  	s31 =	sor.u32 @!p1 $0x1000, s31  }
0x45: {  	[tilespmem:s31], [sflag:$0x3] =	stream.linear.gather @!p1 [hbm4b:s30+s0], $0x800, $0x38;
	[tilespmem:$0x1DC00] =	vst v63  }
0x46: {  	s31 =	sadd.s32 $0xFFFFF800, s28  }
0x47: {  	s31 =	sand.u32 $0x800, s31  }
0x48: {  	[tilespmem:s16], [sflag:$0x1] =	stream.indirect.gather [hbm4b:s11+s19], $0x80, s31, s19, $0xb8;
	[tilespmem:$0x1DC00] =	vst v63  }
0x49: {  	s0 =	sor.u32 $0x80, s31  }
0x4a: {  	[tilespmem:s20], [sflag:$0x2] =	stream.indirect.gather [hbm4b:s11+s19], $0x80, s0, s19, $0xb8;
	[tilespmem:$0x1DC00] =	vst v63  }
0x4b: {  	_ =	swait.ge [sflag:s21], $0x4000  }
0x4c: {  	[sflag:s21] =	ssyncset.done $0x0  }
0x4d: {  	s0 =	sor.u32 $0x1000, s31;
	[sflag:s21] =	ssyncadd.s32 $0xFFFFC000  }
0x4e: {  	[spmem:s1] =	stream.indirect.scatter.add.f32 [tilespmem:s16], [sflag:$0x4], $0x80, s0, s19, $0xb8;
	[tilespmem:$0x1DC00] =	vst v63  }
0x4f: {  	_ =	swait.ge [sflag:s17], $0x4000  }
0x50: {  	[sflag:s17] =	ssyncset.done $0x0  }
0x51: {  	s0 =	sor.u32 $0x100, s31;
	[sflag:s17] =	ssyncadd.s32 $0xFFFFC000  }
0x52: {  	[tilespmem:s16], [sflag:$0x1] =	stream.indirect.gather [hbm4b:s11+s19], $0x80, s0, s19, $0xb8;
	[tilespmem:$0x1DC00] =	vst v63  }
0x53: {  	_ =	swait.ge [sflag:s22], $0x4000  }
0x54: {  	[sflag:s22] =	ssyncset.done $0x0  }
0x55: {  	s0 =	sor.u32 $0x1080, s31;
	[sflag:s22] =	ssyncadd.s32 $0xFFFFC000  }
0x56: {  	[spmem:s1] =	stream.indirect.scatter.add.f32 [tilespmem:s20], [sflag:$0x4], $0x80, s0, s19, $0xb8;
	[tilespmem:$0x1DC00] =	vst v63  }
0x57: {  	_ =	swait.ge [sflag:s17], $0x4000  }
0x58: {  	[sflag:s17] =	ssyncset.done $0x0  }
0x59: {  	s0 =	sor.u32 $0x180, s31;
	[sflag:s17] =	ssyncadd.s32 $0xFFFFC000  }
0x5a: {  	[tilespmem:s20], [sflag:$0x2] =	stream.indirect.gather [hbm4b:s11+s19], $0x80, s0, s19, $0xb8;
	[tilespmem:$0x1DC00] =	vst v63  }
0x5b: {  	_ =	swait.ge [sflag:s21], $0x4000  }
0x5c: {  	[sflag:s21] =	ssyncset.done $0x0  }
0x5d: {  	s0 =	sor.u32 $0x1100, s31;
	[sflag:s21] =	ssyncadd.s32 $0xFFFFC000  }
0x5e: {  	[spmem:s1] =	stream.indirect.scatter.add.f32 [tilespmem:s16], [sflag:$0x4], $0x80, s0, s19, $0xb8;
	[tilespmem:$0x1DC00] =	vst v63  }
0x5f: {  	_ =	swait.ge [sflag:s17], $0x4000  }
0x60: {  	[sflag:s17] =	ssyncset.done $0x0  }
0x61: {  	s0 =	sor.u32 $0x200, s31;
	[sflag:s17] =	ssyncadd.s32 $0xFFFFC000  }
0x62: {  	[tilespmem:s16], [sflag:$0x1] =	stream.indirect.gather [hbm4b:s11+s19], $0x80, s0, s19, $0xb8;
	[tilespmem:$0x1DC00] =	vst v63  }
0x63: {  	_ =	swait.ge [sflag:s22], $0x4000  }
0x64: {  	[sflag:s22] =	ssyncset.done $0x0  }
0x65: {  	s0 =	sor.u32 $0x1180, s31;
	[sflag:s22] =	ssyncadd.s32 $0xFFFFC000  }
0x66: {  	[spmem:s1] =	stream.indirect.scatter.add.f32 [tilespmem:s20], [sflag:$0x4], $0x80, s0, s19, $0xb8;
	[tilespmem:$0x1DC00] =	vst v63  }
0x67: {  	_ =	swait.ge [sflag:s17], $0x4000  }
0x68: {  	[sflag:s17] =	ssyncset.done $0x0  }
0x69: {  	s0 =	sor.u32 $0x280, s31;
	[sflag:s17] =	ssyncadd.s32 $0xFFFFC000  }
0x6a: {  	[tilespmem:s20], [sflag:$0x2] =	stream.indirect.gather [hbm4b:s11+s19], $0x80, s0, s19, $0xb8;
	[tilespmem:$0x1DC00] =	vst v63  }
0x6b: {  	_ =	swait.ge [sflag:s21], $0x4000  }
0x6c: {  	[sflag:s21] =	ssyncset.done $0x0  }
0x6d: {  	s0 =	sor.u32 $0x1200, s31;
	[sflag:s21] =	ssyncadd.s32 $0xFFFFC000  }
0x6e: {  	[spmem:s1] =	stream.indirect.scatter.add.f32 [tilespmem:s16], [sflag:$0x4], $0x80, s0, s19, $0xb8;
	[tilespmem:$0x1DC00] =	vst v63  }
0x6f: {  	_ =	swait.ge [sflag:s17], $0x4000  }
0x70: {  	[sflag:s17] =	ssyncset.done $0x0  }
0x71: {  	s0 =	sor.u32 $0x300, s31;
	[sflag:s17] =	ssyncadd.s32 $0xFFFFC000  }
0x72: {  	[tilespmem:s16], [sflag:$0x1] =	stream.indirect.gather [hbm4b:s11+s19], $0x80, s0, s19, $0xb8;
	[tilespmem:$0x1DC00] =	vst v63  }
0x73: {  	_ =	swait.ge [sflag:s22], $0x4000  }
0x74: {  	[sflag:s22] =	ssyncset.done $0x0  }
0x75: {  	s0 =	sor.u32 $0x1280, s31;
	[sflag:s22] =	ssyncadd.s32 $0xFFFFC000  }
0x76: {  	[spmem:s1] =	stream.indirect.scatter.add.f32 [tilespmem:s20], [sflag:$0x4], $0x80, s0, s19, $0xb8;
	[tilespmem:$0x1DC00] =	vst v63  }
0x77: {  	_ =	swait.ge [sflag:s17], $0x4000  }
0x78: {  	[sflag:s17] =	ssyncset.done $0x0  }
0x79: {  	s0 =	sor.u32 $0x380, s31;
	[sflag:s17] =	ssyncadd.s32 $0xFFFFC000  }
0x7a: {  	[tilespmem:s20], [sflag:$0x2] =	stream.indirect.gather [hbm4b:s11+s19], $0x80, s0, s19, $0xb8;
	[tilespmem:$0x1DC00] =	vst v63  }
0x7b: {  	_ =	swait.ge [sflag:s21], $0x4000  }
0x7c: {  	[sflag:s21] =	ssyncset.done $0x0  }
0x7d: {  	s0 =	sor.u32 $0x1300, s31;
	[sflag:s21] =	ssyncadd.s32 $0xFFFFC000  }
0x7e: {  	[spmem:s1] =	stream.indirect.scatter.add.f32 [tilespmem:s16], [sflag:$0x4], $0x80, s0, s19, $0xb8;
	[tilespmem:$0x1DC00] =	vst v63  }
0x7f: {  	_ =	swait.ge [sflag:s17], $0x4000  }
0x80: {  	[sflag:s17] =	ssyncset.done $0x0  }
0x81: {  	s0 =	sor.u32 $0x400, s31;
	[sflag:s17] =	ssyncadd.s32 $0xFFFFC000  }
0x82: {  	[tilespmem:s16], [sflag:$0x1] =	stream.indirect.gather [hbm4b:s11+s19], $0x80, s0, s19, $0xb8;
	[tilespmem:$0x1DC00] =	vst v63  }
0x83: {  	_ =	swait.ge [sflag:s22], $0x4000  }
0x84: {  	[sflag:s22] =	ssyncset.done $0x0  }
0x85: {  	s0 =	sor.u32 $0x1380, s31;
	[sflag:s22] =	ssyncadd.s32 $0xFFFFC000  }
0x86: {  	[spmem:s1] =	stream.indirect.scatter.add.f32 [tilespmem:s20], [sflag:$0x4], $0x80, s0, s19, $0xb8;
	[tilespmem:$0x1DC00] =	vst v63  }
0x87: {  	_ =	swait.ge [sflag:s17], $0x4000  }
0x88: {  	[sflag:s17] =	ssyncset.done $0x0  }
0x89: {  	s0 =	sor.u32 $0x480, s31;
	[sflag:s17] =	ssyncadd.s32 $0xFFFFC000  }
0x8a: {  	[tilespmem:s20], [sflag:$0x2] =	stream.indirect.gather [hbm4b:s11+s19], $0x80, s0, s19, $0xb8;
	[tilespmem:$0x1DC00] =	vst v63  }
0x8b: {  	_ =	swait.ge [sflag:s21], $0x4000  }
0x8c: {  	[sflag:s21] =	ssyncset.done $0x0  }
0x8d: {  	s0 =	sor.u32 $0x1400, s31;
	[sflag:s21] =	ssyncadd.s32 $0xFFFFC000  }
0x8e: {  	[spmem:s1] =	stream.indirect.scatter.add.f32 [tilespmem:s16], [sflag:$0x4], $0x80, s0, s19, $0xb8;
	[tilespmem:$0x1DC00] =	vst v63  }
0x8f: {  	_ =	swait.ge [sflag:s17], $0x4000  }
0x90: {  	[sflag:s17] =	ssyncset.done $0x0  }
0x91: {  	s0 =	sor.u32 $0x500, s31;
	[sflag:s17] =	ssyncadd.s32 $0xFFFFC000  }
0x92: {  	[tilespmem:s16], [sflag:$0x1] =	stream.indirect.gather [hbm4b:s11+s19], $0x80, s0, s19, $0xb8;
	[tilespmem:$0x1DC00] =	vst v63  }
0x93: {  	_ =	swait.ge [sflag:s22], $0x4000  }
0x94: {  	[sflag:s22] =	ssyncset.done $0x0  }
0x95: {  	s0 =	sor.u32 $0x1480, s31;
	[sflag:s22] =	ssyncadd.s32 $0xFFFFC000  }
0x96: {  	[spmem:s1] =	stream.indirect.scatter.add.f32 [tilespmem:s20], [sflag:$0x4], $0x80, s0, s19, $0xb8;
	[tilespmem:$0x1DC00] =	vst v63  }
0x97: {  	_ =	swait.ge [sflag:s17], $0x4000  }
0x98: {  	[sflag:s17] =	ssyncset.done $0x0  }
0x99: {  	s0 =	sor.u32 $0x580, s31;
	[sflag:s17] =	ssyncadd.s32 $0xFFFFC000  }
0x9a: {  	[tilespmem:s20], [sflag:$0x2] =	stream.indirect.gather [hbm4b:s11+s19], $0x80, s0, s19, $0xb8;
	[tilespmem:$0x1DC00] =	vst v63  }
0x9b: {  	_ =	swait.ge [sflag:s21], $0x4000  }
0x9c: {  	[sflag:s21] =	ssyncset.done $0x0  }
0x9d: {  	s0 =	sor.u32 $0x1500, s31;
	[sflag:s21] =	ssyncadd.s32 $0xFFFFC000  }
0x9e: {  	[spmem:s1] =	stream.indirect.scatter.add.f32 [tilespmem:s16], [sflag:$0x4], $0x80, s0, s19, $0xb8;
	[tilespmem:$0x1DC00] =	vst v63  }
0x9f: {  	_ =	swait.ge [sflag:s17], $0x4000  }
0xa0: {  	[sflag:s17] =	ssyncset.done $0x0  }
0xa1: {  	s0 =	sor.u32 $0x600, s31;
	[sflag:s17] =	ssyncadd.s32 $0xFFFFC000  }
0xa2: {  	[tilespmem:s16], [sflag:$0x1] =	stream.indirect.gather [hbm4b:s11+s19], $0x80, s0, s19, $0xb8;
	[tilespmem:$0x1DC00] =	vst v63  }
0xa3: {  	_ =	swait.ge [sflag:s22], $0x4000  }
0xa4: {  	[sflag:s22] =	ssyncset.done $0x0  }
0xa5: {  	s0 =	sor.u32 $0x1580, s31;
	[sflag:s22] =	ssyncadd.s32 $0xFFFFC000  }
0xa6: {  	[spmem:s1] =	stream.indirect.scatter.add.f32 [tilespmem:s20], [sflag:$0x4], $0x80, s0, s19, $0xb8;
	[tilespmem:$0x1DC00] =	vst v63  }
0xa7: {  	_ =	swait.ge [sflag:s17], $0x4000  }
0xa8: {  	[sflag:s17] =	ssyncset.done $0x0  }
0xa9: {  	s0 =	sor.u32 $0x680, s31;
	[sflag:s17] =	ssyncadd.s32 $0xFFFFC000  }
0xaa: {  	[tilespmem:s20], [sflag:$0x2] =	stream.indirect.gather [hbm4b:s11+s19], $0x80, s0, s19, $0xb8;
	[tilespmem:$0x1DC00] =	vst v63  }
0xab: {  	_ =	swait.ge [sflag:s21], $0x4000  }
0xac: {  	[sflag:s21] =	ssyncset.done $0x0  }
0xad: {  	s0 =	sor.u32 $0x1600, s31;
	[sflag:s21] =	ssyncadd.s32 $0xFFFFC000  }
0xae: {  	[spmem:s1] =	stream.indirect.scatter.add.f32 [tilespmem:s16], [sflag:$0x4], $0x80, s0, s19, $0xb8;
	[tilespmem:$0x1DC00] =	vst v63  }
0xaf: {  	_ =	swait.ge [sflag:s17], $0x4000  }
0xb0: {  	[sflag:s17] =	ssyncset.done $0x0  }
0xb1: {  	s0 =	sor.u32 $0x700, s31;
	[sflag:s17] =	ssyncadd.s32 $0xFFFFC000  }
0xb2: {  	[tilespmem:s16], [sflag:$0x1] =	stream.indirect.gather [hbm4b:s11+s19], $0x80, s0, s19, $0xb8;
	[tilespmem:$0x1DC00] =	vst v63  }
0xb3: {  	_ =	swait.ge [sflag:s22], $0x4000  }
0xb4: {  	[sflag:s22] =	ssyncset.done $0x0  }
0xb5: {  	s0 =	sor.u32 $0x1680, s31;
	[sflag:s22] =	ssyncadd.s32 $0xFFFFC000  }
0xb6: {  	[spmem:s1] =	stream.indirect.scatter.add.f32 [tilespmem:s20], [sflag:$0x4], $0x80, s0, s19, $0xb8;
	[tilespmem:$0x1DC00] =	vst v63  }
0xb7: {  	_ =	swait.ge [sflag:s17], $0x4000  }
0xb8: {  	[sflag:s17] =	ssyncset.done $0x0  }
0xb9: {  	s0 =	sor.u32 $0x780, s31;
	[sflag:s17] =	ssyncadd.s32 $0xFFFFC000  }
0xba: {  	[tilespmem:s20], [sflag:$0x2] =	stream.indirect.gather [hbm4b:s11+s19], $0x80, s0, s19, $0xb8;
	[tilespmem:$0x1DC00] =	vst v63  }
0xbb: {  	_ =	swait.ge [sflag:s21], $0x4000  }
0xbc: {  	[sflag:s21] =	ssyncset.done $0x0  }
0xbd: {  	s0 =	sor.u32 $0x1700, s31;
	[sflag:s21] =	ssyncadd.s32 $0xFFFFC000  }
0xbe: {  	[spmem:s1] =	stream.indirect.scatter.add.f32 [tilespmem:s16], [sflag:$0x4], $0x80, s0, s19, $0xb8;
	[tilespmem:$0x1DC00] =	vst v63  }
0xbf: {  	_ =	swait.ge [sflag:s17], $0x4000  }
0xc0: {  	[sflag:s17] =	ssyncset.done $0x0  }
0xc1: {  	[sflag:s17] =	ssyncadd.s32 $0xFFFFC000  }
0xc2: {  	_ =	swait.ge [sflag:s22], $0x4000  }
0xc3: {  	[sflag:s22] =	ssyncset.done $0x0  }
0xc4: {  	s31 =	sor.u32 $0x1780, s31;
	[sflag:s22] =	ssyncadd.s32 $0xFFFFC000  }
0xc5: {  	[spmem:s1] =	stream.indirect.scatter.add.f32 [tilespmem:s20], [sflag:$0x4], $0x80, s31, s19, $0xb8;
	[tilespmem:$0x1DC00] =	vst v63  }
0xc6: {  	_ =	swait.ge [sflag:s17], $0x4000  }
0xc7: {  	s28 =	sadd.s32 @!p1 $0x800, s28;
	[sflag:s17] =	ssyncset.done $0x0  }
0xc8: {  	p2 =	sne.s32 @!p1 s28, $0x5800;
	s0 =	simm.s32 @!p1 $0x3;
	[sflag:s17] =	ssyncadd.s32 $0xFFFFC000  }
0xc9: {  	p2 =	por p1, !p2;
	_ =	swait.ge @!p1 [sflag:s0], $0x800  }
.Ltmp1:
0xca: {  	[sflag:s0] =	ssyncset.done @!p1 $0x0;
	(pc) =	sbr.rel @!p2 .LBB2_4-.Ltmp1, $4  }
0xcb: {  	[sflag:s0] =	ssyncadd.s32 @!p1 $0xFFFFF800  }
0xcc: {  	_ =	swait.ge @!p1 [sflag:s0], $0x800  }
0xcd: {  	[sflag:s0] =	ssyncset.done @!p1 $0x0  }
0xce: {  	s29 =	sadd.s32 @!p1 $0x100, s29;
	s30 =	sadd.s32 @!p1 $0x100, s30;
	[sflag:s0] =	ssyncadd.s32 @!p1 $0xFFFFF800  }
0xcf: {  	s0 =	sshll.u32 @p0 s2, $0x6  }
0xd0: {  	[bflag:$0x0] =	sbarrier.arrive $0xFFFF;
	s0 =	sor.u32 @p0 $0x1C04, s0  }
0xd1: {  	[hbm:s23], [sflag:s0] =	dma.local @p0 [spmem:s24], $0x2700  }
0xd2: {  	s0 =	simm.s32 @p0 $0x4  }
0xd3: {  	_ =	swait.ge @p0 [sflag:s0], $0x2700  }
0xd4: {  	s28 =	simm.s32 @!p0 $0x1FC4;
	s26 =	sadd.s32 $0x1, s26;
	[sflag:s0] =	ssyncset.done @p0 $0x0  }
0xd5: {  	p1 =	sne.s32 s26, s13;
	[sflag:s0] =	ssyncadd.s32 @p0 $0xFFFFD900;
	s0 =	sadd.s32 @!p0 $0x24900, s12  }
0xd6: {  	[hbm:s0], [sflag:s28] =	dma.local @!p0 [spmem:s25], $0x2800  }
.Ltmp2:
0xd7: {  	_ = 	snop;
	(pc) =	sbr.rel @p1 .LBB2_1-.Ltmp2, $4  }
0xd8: {  	s0 =	simm.s32 @!p0 $0x4  }
0xd9: {  	_ =	swait.ge @!p0 [sflag:s0], $0x2800  }
0xda: {  	[sflag:s0] =	ssyncset.done @!p0 $0x0  }
0xdb: {  	[sflag:s0] =	ssyncadd.s32 @!p0 $0xFFFFD800  }
0xdc: {  	_ =	sfence.sel $0x180000  }
0xdd: {  	[bflag:$0x0] =	sbarrier.arrive $0xFFFF  }
0xde: {  	_ =	strace $0x9000004A  }
0xdf: {  	[bflag:$0x2] =	sbarrier.arrive $0xFFFF  }
0xe0: {  	p0 =	sne.s32 s2, $0x0;
	s0 =	rddreg [dreg:$0x2]  }
0xe1: {  	s0 =	sadd.s32 @!p0 $0x100000, s0  }
0xe2: {  	[sflag:s0] =	ssyncadd.tile.s32 @!p0 $0x1;
	_ =	shalt  }
.Lfunc_end2:
_tile_overlayer_lowered:
.L_overlay_start_2:
0xe3: {  	(tag) =	ssettag $0x2  }
0xe4: {  	s0 =	rddreg [dreg:$0x0];
	s2 =	stileid.u32  }
0xe5: {  	s1 =	rddreg [dreg:$0x1];
	p0 =	sne.s32 s2, $0x0  }
0xe6: {  	s3 =	rddreg [dreg:$0x2];
	[bflag:$0x3] =	sbarrier.arrive $0xFFFF;
	s2 =	simm.s32 @!p0 $0x1C04  }
0xe7: {  	[timem:s3], [sflag:s2] =	dma.local @!p0 [hbm:s0], s1  }
0xe8: {  	s0 =	simm.s32 @!p0 $0x4  }
0xe9: {  	_ =	swait.ge @!p0 [sflag:s0], s1  }
0xea: {  	s1 =	ssub.s32 @!p0 $0x0, s1;
	[sflag:s0] =	ssyncset.done @!p0 $0x0  }
0xeb: {  	[sflag:s0] =	ssyncadd.s32 @!p0 s1  }
0xec: {  	[bflag:$0x3] =	sbarrier.arrive $0xFFFF  }
0xed: {  	_ =	shalt  }

// kernel: kernel.8.cloned.1.call-start
scs
__scs_entry_jumppad:
0x0: {  	(pc) =	sbr.rel $0x88, $3  }
0x1: {  	(tag) =	ssettag $0x0;
	lr =	simm.s32 $0x1  }
0x2: {  	[smem:$0x3F90] =	sst lr;
	_ =	strace $0xD0000000  }
0x3: {  	_ = 	snop  }
0x4: {  	_ = 	snop  }
0x5: {  	_ = 	snop  }
0x6: {  	_ = 	snop  }
0x7: {  	_ = 	snop  }
__scs_overlays_trampoline_lowered:
0x8: {  	[smem:$0x3F9F] =	sst s0  }
0x9: {  	[smem:$0x3FA0] =	sst s1  }
0xa: {  	[smem:$0x3FA1] =	sst s2  }
0xb: {  	[smem:$0x3FA2] =	sst s3  }
0xc: {  	[smem:$0x3FA3] =	sst s4  }
0xd: {  	[smem:$0x3FA4] =	sst s5  }
0xe: {  	[smem:$0x3FA5] =	sst s6  }
0xf: {  	[smem:$0x3FA6] =	sst s7  }
0x10: {  	[smem:$0x3FA7] =	sst s8  }
0x11: {  	[smem:$0x3FA8] =	sst s9;
	s0 =	simm.s32 @!p0 $0x0  }
0x12: {  	s1 =	sld [smem:$0x3F8E];
	s0 =	simm.s32 @p0 $0x1  }
0x13: {  	[smem:$0x3FA9] =	sst s0;
	s0 =	simm.s32 @!p1 $0x0  }
0x14: {  	s2 =	sld [smem:$0x3F8D];
	s0 =	simm.s32 @p1 $0x1  }
0x15: {  	[smem:$0x3FAA] =	sst s0;
	s0 =	simm.s32 @!p2 $0x0  }
0x16: {  	s3 =	sld [smem:$0x3FDB];
	s0 =	simm.s32 @p2 $0x1  }
0x17: {  	s4 =	simm.s32 $0x1BF5;
	[smem:$0x3FAC] =	sst s0  }
0x18: {  	s0 =	sld [smem:$0x3F8F];
	_ =	swait.ge [sflag:s4], $0x0  }
0x19: {  	s7 =	sld [smem:$0x3F90]  }
0x1a: {  	s8 =	sadd.s32 $0xFFFFE003, lr  }
0x1b: {  	s9 =	sadd.s32 $0xFFFFFEF7, lr;
	s5 =	simm.s32 $0xFFFFFFFF;
	p2 =	slt.u32 s8, $0xFFFFF086  }
0x1c: {  	p1 =	slt.u32 s9, $0xF7A;
	s5 =	simm.s32 @!p2 $0x0  }
0x1d: {  	s5 =	simm.s32 @p1 $0x1;
	p0 =	seq.s32 s7, s2  }
0x1e: {  	s7 =	smul.u32 @!p0 $0xF7A, s2;
	p2 =	seq.s32 @!p0 s5, $0x0  }
0x1f: {  	s9 =	smul.u32 $0xF7A, s1;
	s8 =	simm.s32 @!p0 $0x1BF5;
	p2 =	por !p2, p0  }
0x20: {  	[sflag:s8] =	ssyncset.s32 @!p0 $0xFFFFF086;
	s6 =	sadd.s32 @!p0 s3, s7;
	s7 =	simm.s32 @!p0 $0x108  }
0x21: {  	s3 =	sadd.s32 s3, s9;
	s6 =	sadd.s32 @!p0 $0x88, s6;
	s7 =	simm.s32 @p2 $0x1082  }
0x22: {  	[simem:s7], [sflag:s8] =	dma.local @!p0 [hbm:s6], $0xF7A  }
0x23: {  	s9 =	sor.u32 $0xD0000000, s2;
	s6 =	simm.s32 $0x108;
	_ =	swait.ge @!p0 [sflag:s8], $0x0  }
0x24: {  	s3 =	sadd.s32 $0x88, s3;
	s6 =	simm.s32 @!p1 $0x1082;
	[sflag:s4] =	ssyncset.s32 $0xFFFFF086  }
0x25: {  	[simem:s6], [sflag:s4] =	dma.local [hbm:s3], $0xF7A  }
0x26: {  	[smem:$0x3F90] =	sst s1;
	(tag) =	ssettag s2;
	_ =	strace s9  }
0x27: {  	s1 =	sld [smem:$0x3FA0]  }
0x28: {  	s2 =	sld [smem:$0x3FA1]  }
0x29: {  	s4 =	sld [smem:$0x3FA3]  }
0x2a: {  	p0 =	seq.s32 s5, $0x0;
	s5 =	sld [smem:$0x3FA4]  }
0x2b: {  	s6 =	sld [smem:$0x3FA5]  }
0x2c: {  	s7 =	sld [smem:$0x3FA6]  }
0x2d: {  	s3 =	simm.s32 $0x108;
	s8 =	sld [smem:$0x3FA7]  }
0x2e: {  	s3 =	simm.s32 @!p0 $0x1082;
	s9 =	sld [smem:$0x3FA8]  }
0x2f: {  	lr =	sadd.s32 s0, s3;
	s0 =	sld [smem:$0x3F9F]  }
0x30: {  	s3 =	sld [smem:$0x3FA2]  }
0x31: {  	[smem:$0x3FAB] =	sst s10  }
0x32: {  	s10 =	sld [smem:$0x3FA9];
	_ =	sdelay $0x3  }
0x33: {  	p0 =	seq.s32 s10, $0x1;
	s10 =	sld [smem:$0x3FAB];
	_ =	sdelay $0x3  }
0x34: {  	[smem:$0x3FAB] =	sst s10  }
0x35: {  	s10 =	sld [smem:$0x3FAA];
	_ =	sdelay $0x3  }
0x36: {  	p1 =	seq.s32 s10, $0x1;
	s10 =	sld [smem:$0x3FAB];
	_ =	sdelay $0x3  }
0x37: {  	[smem:$0x3FAB] =	sst s10  }
0x38: {  	s10 =	sld [smem:$0x3FAC]  }
0x39: {  	_ = 	snop;
	(pc) =	sbr.ind lr, $3  }
0x3a: {  	_ = 	snop  }
0x3b: {  	_ = 	snop  }
0x3c: {  	p2 =	seq.s32 s10, $0x1;
	s10 =	sld [smem:$0x3FAB]  }
0x3d: {  	_ =	shalt  }
0x3e: {  	_ =	shalt  }
0x3f: {  	_ =	shalt  }
0x40: {  	_ =	shalt  }
0x41: {  	_ =	shalt  }
0x42: {  	_ =	shalt  }
0x43: {  	_ =	shalt  }
0x44: {  	_ =	shalt  }
0x45: {  	_ =	shalt  }
0x46: {  	_ =	shalt  }
0x47: {  	_ =	shalt  }
0x48: {  	_ =	shalt  }
0x49: {  	_ =	shalt  }
0x4a: {  	_ =	shalt  }
0x4b: {  	_ =	shalt  }
0x4c: {  	_ =	shalt  }
0x4d: {  	_ =	shalt  }
0x4e: {  	_ =	shalt  }
0x4f: {  	_ =	shalt  }
0x50: {  	_ =	shalt  }
0x51: {  	_ =	shalt  }
0x52: {  	_ =	shalt  }
0x53: {  	_ =	shalt  }
0x54: {  	_ =	shalt  }
0x55: {  	_ =	shalt  }
0x56: {  	_ =	shalt  }
0x57: {  	_ =	shalt  }
0x58: {  	_ =	shalt  }
0x59: {  	_ =	shalt  }
0x5a: {  	_ =	shalt  }
0x5b: {  	_ =	shalt  }
0x5c: {  	_ =	shalt  }
0x5d: {  	_ =	shalt  }
0x5e: {  	_ =	shalt  }
0x5f: {  	_ =	shalt  }
0x60: {  	_ =	shalt  }
0x61: {  	_ =	shalt  }
0x62: {  	_ =	shalt  }
0x63: {  	_ =	shalt  }
0x64: {  	_ =	shalt  }
0x65: {  	_ =	shalt  }
0x66: {  	_ =	shalt  }
0x67: {  	_ =	shalt  }
0x68: {  	_ =	shalt  }
0x69: {  	_ =	shalt  }
0x6a: {  	_ =	shalt  }
0x6b: {  	_ =	shalt  }
0x6c: {  	_ =	shalt  }
0x6d: {  	_ =	shalt  }
0x6e: {  	_ =	shalt  }
0x6f: {  	_ =	shalt  }
0x70: {  	_ =	shalt  }
0x71: {  	_ =	shalt  }
0x72: {  	_ =	shalt  }
0x73: {  	_ =	shalt  }
0x74: {  	_ =	shalt  }
0x75: {  	_ =	shalt  }
0x76: {  	_ =	shalt  }
0x77: {  	_ =	shalt  }
0x78: {  	_ =	shalt  }
0x79: {  	_ =	shalt  }
0x7a: {  	_ =	shalt  }
0x7b: {  	_ =	shalt  }
0x7c: {  	_ =	shalt  }
0x7d: {  	_ =	shalt  }
0x7e: {  	_ =	shalt  }
0x7f: {  	_ =	shalt  }
0x80: {  	_ =	shalt  }
0x81: {  	_ =	shalt  }
0x82: {  	_ =	shalt  }
0x83: {  	_ =	shalt  }
0x84: {  	_ =	shalt  }
0x85: {  	_ =	shalt  }
0x86: {  	_ =	shalt  }
0x87: {  	_ =	shalt  }
.Lfunc_end0:
.L_simem_size_0:
called_computation_lowered:
.L_overlay_start_0:
0x88: {  	s2 =	sld [smem:$0x3FD9]  }
0x89: {  	s3 =	sld [smem:$0x3FFE];
	_ =	sdelay $0x1  }
0x8a: {  	s1 =	srdreg.scid  }
0x8b: {  	s0 =	sand.u32 $0x1, s1  }
0x8c: {  	s16 =	sshll.u32 s0, $0xA;
	s2 =	sadd.s32 s3, s2  }
0x8d: {  	s2 =	sadd.s32 s2, s16  }
0x8e: {  	[smem:$0x3FB7] =	sst s2  }
0x8f: {  	_ = 	snop  }
0x90: {  	(tm) =	ssettm $0x1  }
0x91: {  	s17 =	sld [smem:$0x3FFB];
	_ =	sdelay $0x3  }
0x92: {  	_ =	strace s17  }
0x93: {  	s2 =	sld [smem:$0x3FFC];
	_ =	sdelay $0x3  }
0x94: {  	_ =	strace s2  }
0x95: {  	s2 =	sld [smem:$0x3FFD];
	_ =	sdelay $0x3  }
0x96: {  	_ =	strace s2  }
0x97: {  	_ =	strace $0x8FFFFFFF  }
0x98: {  	s18 =	sld [smem:$0x3FDB];
	_ =	sdelay $0x1  }
0x99: {  	s19 =	simm.s32 $_scs_section_size  }
0x9a: {  	s4 =	simm.s32 $_size__tile_overlayer_lowered;
	s5 =	simm.s32 $_tile_overlayer_lowered  }
0x9b: {  	s22 =	simm.s32 $0x1BFF;
	s21 =	sshll.u32 s5, $0x1;
	s2 =	sadd.s32 s19, s18  }
0x9c: {  	s6 =	simm.s32 $0x0;
	s20 =	sshll.u32 s4, $0x1;
	s4 =	sadd.s32 s21, s2  }
0x9d: {  	[timem:s6], [sflag:s22] =	dma.local [hbm:s4], s20  }
0x9e: {  	_ =	swait.ge [sflag:s22], s20  }
0x9f: {  	s3 =	ssub.s32 $0x0, s20;
	[sflag:s22] =	ssyncset.done $0x0  }
0xa0: {  	[sflag:s22] =	ssyncadd.s32 s3;
	_ =	sdelay $0x1  }
0xa1: {  	s23 =	simm.s32 $0x1B8B  }
0xa2: {  	_ =	swait.ge [sflag:s23], $0x1  }
0xa3: {  	[sflag:s23] =	ssyncset.done $0x0  }
0xa4: {  	s25 =	simm.s32 $0x1B8E;
	s24 =	sld [smem:$0x3FFE];
	[sflag:s23] =	ssyncadd.s32 $0xFFFFFFFF  }
0xa5: {  	s26 =	simm.s32 $execute0_lowered;
	[smem:$0x3FD2] =	sst s25  }
0xa6: {  	s4 =	sshll.u32 s26, $0x1;
	_ =	strace $0x80000046;
	[dreg:$0x1] =	wrdreg $0xFFFFFFFF  }
0xa7: {  	s28 =	simm.s32 $_size_execute0_lowered;
	s2 =	sadd.s32 s2, s4;
	[dreg:$0x0] =	wrdreg $0x0  }
0xa8: {  	s4 =	sshll.u32 s28, $0x1;
	[dreg:$0x2] =	wrdreg s2  }
0xa9: {  	[dreg:$0x3] =	wrdreg s4  }
0xaa: {  	[dreg:$0x4] =	wrdreg $0xC0  }
0xab: {  	_ =	task [dreg:s6], $0x5FFFF  }
0xac: {  	[dreg:$0x1] =	wrdreg $0xFFFFFFFF  }
0xad: {  	[dreg:$0x0] =	wrdreg $0x60  }
0xae: {  	[dreg:$0x2] =	wrdreg s24  }
0xaf: {  	[dreg:$0x3] =	wrdreg $0xA0000  }
0xb0: {  	[dreg:$0x4] =	wrdreg $0x9  }
0xb1: {  	_ =	task.clear_ibuf [dreg:s6], $0x5FFFF;
	_ =	strace $0x90000046  }
0xb2: {  	s29 =	simm.s32 $0x9;
	_ =	strace $0x80000048  }
0xb3: {  	_ =	swait.ge [sflag:s29], $0x1  }
0xb4: {  	[sflag:s29] =	ssyncadd.s32 $0xFFFFFFFF  }
0xb5: {  	_ =	strace $0x90000048  }
0xb6: {  	_ =	sfence  }
0xb7: {  	s30 =	sld [smem:$0x0];
	_ =	sdelay $0x2  }
0xb8: {  	s31 =	sshll.u32 s1, $0xD;
	s1 =	sshrl.u32 s1, $0x2  }
0xb9: {  	s3 =	sand.u32 $0x4000, s31;
	s1 =	sadd.s32 s1, s30  }
0xba: {  	s0 =	sor.u32 s3, s0;
	s1 =	sshll.u32 s1, $0x11  }
0xbb: {  	s0 =	sor.u32 s1, s0  }
0xbc: {  	s0 =	sadd.s32 $0x8F2B, s0  }
0xbd: {  	[sflag:s0] =	ssyncadd.remote.s32 $0x1  }
0xbe: {  	_ =	sfence.sel $0xFFFF  }
0xbf: {  	[dreg:$0x0] =	wrdreg $0xFFFFFFFF;
	(pc) =	sbr.abs _section_cstart, $3  }
0xc0: {  	[dreg:$0x1] =	wrdreg $0xFFFFFFFF  }
0xc1: {  	_ =	task.clear_ibuf [dreg:s6], $0x2FFFF;
	_ =	strace $0x9FFFFFFF  }
0xc2: {  	(tm) =	ssettm $0x7FFFFFFF  }
0xc3: {  	_ =	shalt  }
tec
execute0_lowered:
.L_overlay_start_1:
0x0: {  	(tag) =	ssettag $0x1  }
0x1: {  	s4 =	rddreg [dreg:$0x0]  }
0x2: {  	s1 =	rddreg [dreg:$0x1];
	s2 =	srdreg.scid  }
0x3: {  	s3 =	simm.s32 $0x0;
	s18 =	simm.s32 $0x1000;
	s19 =	simm.s32 $0x80  }
0x4: {  	s20 =	simm.s32 $0x6000;
	s21 =	simm.s32 $0x1;
	s5 =	sand.u32 $0x1, s2  }
0x5: {  	s22 =	simm.s32 $0x2;
	s2 =	stileid.u32;
	s6 =	smul.u32 $0x27100, s5  }
0x6: {  	s26 =	simm.s32 $0x0;
	[smem:$0x7FF] =	sst s3;
	s7 =	smul.u32 $0x4F000, s2  }
0x7: {  	s13 =	sadd.s32 $0x3600, s4;
	s25 =	sadd.s32 $0x124800, s1;
	s8 =	smul.u32 $0x5000, s2  }
0x8: {  	s14 =	sadd.s32 $0xD600, s4;
	_ =	strace $0x80000047;
	s16 =	smul.u32 $0x4E000, s2  }
0x9: {  	s5 =	ssub.s32 $0x2, s5;
	s17 =	smul.u32 $0xA00, s2;
	p0 =	sne.s32 s2, $0xF  }
0xa: {  	s23 =	smul.u32 $0x2700, s2;
	s30 =	sshrl.u32 s5, $0x1;
	s25 =	sshrl.u32 @!p0 s25, $0x3  }
0xb: {  	s12 =	sadd.s32 s6, s4;
	s29 =	sshrl.u32 s7, $0x2;
	s15 =	ssub.s32 s5, s30  }
0xc: {  	s10 =	sshrl.u32 s8, $0x3;
	s16 =	sshrl.u32 s16, $0x2;
	s31 =	sadd.s32 s17, s13  }
0xd: {  	s4 =	sadd.s32 s29, s1;
	s9 =	sadd.s32 s13, s10;
	s10 =	sadd.s32 s14, s10  }
0xe: {  	s11 =	sadd.s32 $0x17600, s12;
	s12 =	sadd.s32 $0x65800, s12;
	s24 =	sadd.s32 s16, s1  }
0xf: {  	s14 =	sadd.s32 s17, s14;
	s13 =	smax.u32 s15, $0x1;
	s15 =	sadd.s32 $0x100, s31  }
0x10: {  	s16 =	simm.s32 $0x2000;
	s17 =	simm.s32 $0x4;
	s5 =	sadd.s32 $0x4000, s4  }
0x11: {  	s6 =	sadd.s32 $0x8000, s4;
	s7 =	sadd.s32 $0xC000, s4;
	s8 =	sadd.s32 $0x10000, s4  }
0x12: {  	v0 =	vimm.f32 $0.0e+00;
	s14 =	sadd.s32 $0x100, s14;
	s23 =	sadd.s32 @p0 s23, s12;
	s24 =	sshrl.u32 @p0 s24, $0x3  }
.LBB2_1:
0x13: {  	s28 =	simm.s32 $0x0;
	s29 =	simm.s32 $0x200  }
.LBB2_2:
0x14: {  	p1 =	sne.s32 s29, $0xFE00;
	[tilespmem:s28+$0x2070] =	vst v0  }
0x15: {  	[tilespmem:s28+$0x2000] =	vst v0  }
0x16: {  	[tilespmem:s28+$0x2010] =	vst v0  }
.Ltmp0:
0x17: {  	[tilespmem:s28+$0x2020] =	vst v0;
	(pc) =	sbr.rel @p1 .LBB2_2-.Ltmp0, $4  }
0x18: {  	[tilespmem:s28+$0x2030] =	vst v0  }
0x19: {  	[tilespmem:s28+$0x2040] =	vst v0  }
0x1a: {  	[tilespmem:s28+$0x2050] =	vst v0  }
0x1b: {  	[tilespmem:s28+$0x2060] =	vst v0;
	s28 =	sshra.s32 s29, $0x2;
	s29 =	sadd.s32 $0x200, s29  }
0x1c: {  	[tilespmem:s28+$0x2070] =	vst v0  }
0x1d: {  	[tilespmem:s28+$0x2000] =	vst v0  }
0x1e: {  	[tilespmem:s28+$0x2010] =	vst v0  }
0x1f: {  	[tilespmem:s28+$0x2020] =	vst v0  }
0x20: {  	[tilespmem:s28+$0x2030] =	vst v0  }
0x21: {  	[tilespmem:s28+$0x2040] =	vst v0  }
0x22: {  	[tilespmem:s28+$0x2050] =	vst v0  }
0x23: {  	[tilespmem:s28+$0x2060] =	vst v0  }
0x24: {  	[spmem:s4] =	stream.linear.scatter [tilespmem:s16], [sflag:$0x4], $0x4000, $0x38;
	[tilespmem:$0x1DC00] =	vst v63  }
0x25: {  	_ =	swait.ge [sflag:s17], $0x4000  }
0x26: {  	[sflag:s17] =	ssyncset.done $0x0  }
0x27: {  	[sflag:s17] =	ssyncadd.s32 $0xFFFFC000  }
0x28: {  	[spmem:s5] =	stream.linear.scatter [tilespmem:s16], [sflag:$0x4], $0x4000, $0x38;
	[tilespmem:$0x1DC00] =	vst v63  }
0x29: {  	_ =	swait.ge [sflag:s17], $0x4000  }
0x2a: {  	[sflag:s17] =	ssyncset.done $0x0  }
0x2b: {  	[sflag:s17] =	ssyncadd.s32 $0xFFFFC000  }
0x2c: {  	[spmem:s6] =	stream.linear.scatter [tilespmem:s16], [sflag:$0x4], $0x4000, $0x38;
	[tilespmem:$0x1DC00] =	vst v63  }
0x2d: {  	_ =	swait.ge [sflag:s17], $0x4000  }
0x2e: {  	[sflag:s17] =	ssyncset.done $0x0  }
0x2f: {  	[sflag:s17] =	ssyncadd.s32 $0xFFFFC000  }
0x30: {  	[spmem:s7] =	stream.linear.scatter [tilespmem:s16], [sflag:$0x4], $0x4000, $0x38;
	[tilespmem:$0x1DC00] =	vst v63  }
0x31: {  	_ =	swait.ge [sflag:s17], $0x4000  }
0x32: {  	[sflag:s17] =	ssyncset.done $0x0  }
0x33: {  	[sflag:s17] =	ssyncadd.s32 $0xFFFFC000  }
0x34: {  	[spmem:s8] =	stream.linear.scatter [tilespmem:s16], [sflag:$0x4], $0x3C00, $0x38;
	[tilespmem:$0x1DC00] =	vst v63  }
0x35: {  	_ =	swait.ge [sflag:s17], $0x3C00  }
0x36: {  	[sflag:s17] =	ssyncset.done $0x0  }
0x37: {  	[sflag:s17] =	ssyncadd.s32 $0xFFFFC400  }
0x38: {  	[bflag:$0x0] =	sbarrier.arrive $0xFFFF  }
0x39: {  	[tilespmem:s3], [sflag:$0x4] =	stream.linear.gather [hbm4b:s9+s3], $0x800, $0x38;
	[tilespmem:$0x1DC00] =	vst v63  }
0x3a: {  	_ =	swait.ge [sflag:s17], $0x800  }
0x3b: {  	[sflag:s17] =	ssyncset.done $0x0  }
0x3c: {  	[sflag:s17] =	ssyncadd.s32 $0xFFFFF800  }
0x3d: {  	[tilespmem:s18], [sflag:$0x4] =	stream.linear.gather [hbm4b:s10+s3], $0x800, $0x38;
	[tilespmem:$0x1DC00] =	vst v63  }
0x3e: {  	_ =	swait.ge [sflag:s17], $0x800  }
0x3f: {  	s28 =	simm.s32 $0x800;
	[sflag:s17] =	ssyncset.done $0x0  }
0x40: {  	s29 =	smov.u32 s15;
	s30 =	smov.u32 s14;
	[sflag:s17] =	ssyncadd.s32 $0xFFFFF800  }
.LBB2_4:
0x41: {  	p1 =	seq.s32 s28, $0x5000  }
0x42: {  	s31 =	sand.u32 @!p1 $0x800, s28;
	s0 =	simm.s32 @!p1 $0x0  }
0x43: {  	[tilespmem:s31], [sflag:$0x3] =	stream.linear.gather @!p1 [hbm4b:s29+s0], $0x800, $0x38;
	[tilespmem:$0x1DC00] =	vst v63  }
0x44: {  	s31 =	sor.u32 @!p1 $0x1000, s31  }
0x45: {  	[tilespmem:s31], [sflag:$0x3] =	stream.linear.gather @!p1 [hbm4b:s30+s0], $0x800, $0x38;
	[tilespmem:$0x1DC00] =	vst v63  }
0x46: {  	s31 =	sadd.s32 $0xFFFFF800, s28  }
0x47: {  	s31 =	sand.u32 $0x800, s31  }
0x48: {  	[tilespmem:s16], [sflag:$0x1] =	stream.indirect.gather [hbm4b:s11+s19], $0x80, s31, s19, $0xb8;
	[tilespmem:$0x1DC00] =	vst v63  }
0x49: {  	s0 =	sor.u32 $0x80, s31  }
0x4a: {  	[tilespmem:s20], [sflag:$0x2] =	stream.indirect.gather [hbm4b:s11+s19], $0x80, s0, s19, $0xb8;
	[tilespmem:$0x1DC00] =	vst v63  }
0x4b: {  	_ =	swait.ge [sflag:s21], $0x4000  }
0x4c: {  	[sflag:s21] =	ssyncset.done $0x0  }
0x4d: {  	s0 =	sor.u32 $0x1000, s31;
	[sflag:s21] =	ssyncadd.s32 $0xFFFFC000  }
0x4e: {  	[spmem:s1] =	stream.indirect.scatter.add.f32 [tilespmem:s16], [sflag:$0x4], $0x80, s0, s19, $0xb8;
	[tilespmem:$0x1DC00] =	vst v63  }
0x4f: {  	_ =	swait.ge [sflag:s17], $0x4000  }
0x50: {  	[sflag:s17] =	ssyncset.done $0x0  }
0x51: {  	s0 =	sor.u32 $0x100, s31;
	[sflag:s17] =	ssyncadd.s32 $0xFFFFC000  }
0x52: {  	[tilespmem:s16], [sflag:$0x1] =	stream.indirect.gather [hbm4b:s11+s19], $0x80, s0, s19, $0xb8;
	[tilespmem:$0x1DC00] =	vst v63  }
0x53: {  	_ =	swait.ge [sflag:s22], $0x4000  }
0x54: {  	[sflag:s22] =	ssyncset.done $0x0  }
0x55: {  	s0 =	sor.u32 $0x1080, s31;
	[sflag:s22] =	ssyncadd.s32 $0xFFFFC000  }
0x56: {  	[spmem:s1] =	stream.indirect.scatter.add.f32 [tilespmem:s20], [sflag:$0x4], $0x80, s0, s19, $0xb8;
	[tilespmem:$0x1DC00] =	vst v63  }
0x57: {  	_ =	swait.ge [sflag:s17], $0x4000  }
0x58: {  	[sflag:s17] =	ssyncset.done $0x0  }
0x59: {  	s0 =	sor.u32 $0x180, s31;
	[sflag:s17] =	ssyncadd.s32 $0xFFFFC000  }
0x5a: {  	[tilespmem:s20], [sflag:$0x2] =	stream.indirect.gather [hbm4b:s11+s19], $0x80, s0, s19, $0xb8;
	[tilespmem:$0x1DC00] =	vst v63  }
0x5b: {  	_ =	swait.ge [sflag:s21], $0x4000  }
0x5c: {  	[sflag:s21] =	ssyncset.done $0x0  }
0x5d: {  	s0 =	sor.u32 $0x1100, s31;
	[sflag:s21] =	ssyncadd.s32 $0xFFFFC000  }
0x5e: {  	[spmem:s1] =	stream.indirect.scatter.add.f32 [tilespmem:s16], [sflag:$0x4], $0x80, s0, s19, $0xb8;
	[tilespmem:$0x1DC00] =	vst v63  }
0x5f: {  	_ =	swait.ge [sflag:s17], $0x4000  }
0x60: {  	[sflag:s17] =	ssyncset.done $0x0  }
0x61: {  	s0 =	sor.u32 $0x200, s31;
	[sflag:s17] =	ssyncadd.s32 $0xFFFFC000  }
0x62: {  	[tilespmem:s16], [sflag:$0x1] =	stream.indirect.gather [hbm4b:s11+s19], $0x80, s0, s19, $0xb8;
	[tilespmem:$0x1DC00] =	vst v63  }
0x63: {  	_ =	swait.ge [sflag:s22], $0x4000  }
0x64: {  	[sflag:s22] =	ssyncset.done $0x0  }
0x65: {  	s0 =	sor.u32 $0x1180, s31;
	[sflag:s22] =	ssyncadd.s32 $0xFFFFC000  }
0x66: {  	[spmem:s1] =	stream.indirect.scatter.add.f32 [tilespmem:s20], [sflag:$0x4], $0x80, s0, s19, $0xb8;
	[tilespmem:$0x1DC00] =	vst v63  }
0x67: {  	_ =	swait.ge [sflag:s17], $0x4000  }
0x68: {  	[sflag:s17] =	ssyncset.done $0x0  }
0x69: {  	s0 =	sor.u32 $0x280, s31;
	[sflag:s17] =	ssyncadd.s32 $0xFFFFC000  }
0x6a: {  	[tilespmem:s20], [sflag:$0x2] =	stream.indirect.gather [hbm4b:s11+s19], $0x80, s0, s19, $0xb8;
	[tilespmem:$0x1DC00] =	vst v63  }
0x6b: {  	_ =	swait.ge [sflag:s21], $0x4000  }
0x6c: {  	[sflag:s21] =	ssyncset.done $0x0  }
0x6d: {  	s0 =	sor.u32 $0x1200, s31;
	[sflag:s21] =	ssyncadd.s32 $0xFFFFC000  }
0x6e: {  	[spmem:s1] =	stream.indirect.scatter.add.f32 [tilespmem:s16], [sflag:$0x4], $0x80, s0, s19, $0xb8;
	[tilespmem:$0x1DC00] =	vst v63  }
0x6f: {  	_ =	swait.ge [sflag:s17], $0x4000  }
0x70: {  	[sflag:s17] =	ssyncset.done $0x0  }
0x71: {  	s0 =	sor.u32 $0x300, s31;
	[sflag:s17] =	ssyncadd.s32 $0xFFFFC000  }
0x72: {  	[tilespmem:s16], [sflag:$0x1] =	stream.indirect.gather [hbm4b:s11+s19], $0x80, s0, s19, $0xb8;
	[tilespmem:$0x1DC00] =	vst v63  }
0x73: {  	_ =	swait.ge [sflag:s22], $0x4000  }
0x74: {  	[sflag:s22] =	ssyncset.done $0x0  }
0x75: {  	s0 =	sor.u32 $0x1280, s31;
	[sflag:s22] =	ssyncadd.s32 $0xFFFFC000  }
0x76: {  	[spmem:s1] =	stream.indirect.scatter.add.f32 [tilespmem:s20], [sflag:$0x4], $0x80, s0, s19, $0xb8;
	[tilespmem:$0x1DC00] =	vst v63  }
0x77: {  	_ =	swait.ge [sflag:s17], $0x4000  }
0x78: {  	[sflag:s17] =	ssyncset.done $0x0  }
0x79: {  	s0 =	sor.u32 $0x380, s31;
	[sflag:s17] =	ssyncadd.s32 $0xFFFFC000  }
0x7a: {  	[tilespmem:s20], [sflag:$0x2] =	stream.indirect.gather [hbm4b:s11+s19], $0x80, s0, s19, $0xb8;
	[tilespmem:$0x1DC00] =	vst v63  }
0x7b: {  	_ =	swait.ge [sflag:s21], $0x4000  }
0x7c: {  	[sflag:s21] =	ssyncset.done $0x0  }
0x7d: {  	s0 =	sor.u32 $0x1300, s31;
	[sflag:s21] =	ssyncadd.s32 $0xFFFFC000  }
0x7e: {  	[spmem:s1] =	stream.indirect.scatter.add.f32 [tilespmem:s16], [sflag:$0x4], $0x80, s0, s19, $0xb8;
	[tilespmem:$0x1DC00] =	vst v63  }
0x7f: {  	_ =	swait.ge [sflag:s17], $0x4000  }
0x80: {  	[sflag:s17] =	ssyncset.done $0x0  }
0x81: {  	s0 =	sor.u32 $0x400, s31;
	[sflag:s17] =	ssyncadd.s32 $0xFFFFC000  }
0x82: {  	[tilespmem:s16], [sflag:$0x1] =	stream.indirect.gather [hbm4b:s11+s19], $0x80, s0, s19, $0xb8;
	[tilespmem:$0x1DC00] =	vst v63  }
0x83: {  	_ =	swait.ge [sflag:s22], $0x4000  }
0x84: {  	[sflag:s22] =	ssyncset.done $0x0  }
0x85: {  	s0 =	sor.u32 $0x1380, s31;
	[sflag:s22] =	ssyncadd.s32 $0xFFFFC000  }
0x86: {  	[spmem:s1] =	stream.indirect.scatter.add.f32 [tilespmem:s20], [sflag:$0x4], $0x80, s0, s19, $0xb8;
	[tilespmem:$0x1DC00] =	vst v63  }
0x87: {  	_ =	swait.ge [sflag:s17], $0x4000  }
0x88: {  	[sflag:s17] =	ssyncset.done $0x0  }
0x89: {  	s0 =	sor.u32 $0x480, s31;
	[sflag:s17] =	ssyncadd.s32 $0xFFFFC000  }
0x8a: {  	[tilespmem:s20], [sflag:$0x2] =	stream.indirect.gather [hbm4b:s11+s19], $0x80, s0, s19, $0xb8;
	[tilespmem:$0x1DC00] =	vst v63  }
0x8b: {  	_ =	swait.ge [sflag:s21], $0x4000  }
0x8c: {  	[sflag:s21] =	ssyncset.done $0x0  }
0x8d: {  	s0 =	sor.u32 $0x1400, s31;
	[sflag:s21] =	ssyncadd.s32 $0xFFFFC000  }
0x8e: {  	[spmem:s1] =	stream.indirect.scatter.add.f32 [tilespmem:s16], [sflag:$0x4], $0x80, s0, s19, $0xb8;
	[tilespmem:$0x1DC00] =	vst v63  }
0x8f: {  	_ =	swait.ge [sflag:s17], $0x4000  }
0x90: {  	[sflag:s17] =	ssyncset.done $0x0  }
0x91: {  	s0 =	sor.u32 $0x500, s31;
	[sflag:s17] =	ssyncadd.s32 $0xFFFFC000  }
0x92: {  	[tilespmem:s16], [sflag:$0x1] =	stream.indirect.gather [hbm4b:s11+s19], $0x80, s0, s19, $0xb8;
	[tilespmem:$0x1DC00] =	vst v63  }
0x93: {  	_ =	swait.ge [sflag:s22], $0x4000  }
0x94: {  	[sflag:s22] =	ssyncset.done $0x0  }
0x95: {  	s0 =	sor.u32 $0x1480, s31;
	[sflag:s22] =	ssyncadd.s32 $0xFFFFC000  }
0x96: {  	[spmem:s1] =	stream.indirect.scatter.add.f32 [tilespmem:s20], [sflag:$0x4], $0x80, s0, s19, $0xb8;
	[tilespmem:$0x1DC00] =	vst v63  }
0x97: {  	_ =	swait.ge [sflag:s17], $0x4000  }
0x98: {  	[sflag:s17] =	ssyncset.done $0x0  }
0x99: {  	s0 =	sor.u32 $0x580, s31;
	[sflag:s17] =	ssyncadd.s32 $0xFFFFC000  }
0x9a: {  	[tilespmem:s20], [sflag:$0x2] =	stream.indirect.gather [hbm4b:s11+s19], $0x80, s0, s19, $0xb8;
	[tilespmem:$0x1DC00] =	vst v63  }
0x9b: {  	_ =	swait.ge [sflag:s21], $0x4000  }
0x9c: {  	[sflag:s21] =	ssyncset.done $0x0  }
0x9d: {  	s0 =	sor.u32 $0x1500, s31;
	[sflag:s21] =	ssyncadd.s32 $0xFFFFC000  }
0x9e: {  	[spmem:s1] =	stream.indirect.scatter.add.f32 [tilespmem:s16], [sflag:$0x4], $0x80, s0, s19, $0xb8;
	[tilespmem:$0x1DC00] =	vst v63  }
0x9f: {  	_ =	swait.ge [sflag:s17], $0x4000  }
0xa0: {  	[sflag:s17] =	ssyncset.done $0x0  }
0xa1: {  	s0 =	sor.u32 $0x600, s31;
	[sflag:s17] =	ssyncadd.s32 $0xFFFFC000  }
0xa2: {  	[tilespmem:s16], [sflag:$0x1] =	stream.indirect.gather [hbm4b:s11+s19], $0x80, s0, s19, $0xb8;
	[tilespmem:$0x1DC00] =	vst v63  }
0xa3: {  	_ =	swait.ge [sflag:s22], $0x4000  }
0xa4: {  	[sflag:s22] =	ssyncset.done $0x0  }
0xa5: {  	s0 =	sor.u32 $0x1580, s31;
	[sflag:s22] =	ssyncadd.s32 $0xFFFFC000  }
0xa6: {  	[spmem:s1] =	stream.indirect.scatter.add.f32 [tilespmem:s20], [sflag:$0x4], $0x80, s0, s19, $0xb8;
	[tilespmem:$0x1DC00] =	vst v63  }
0xa7: {  	_ =	swait.ge [sflag:s17], $0x4000  }
0xa8: {  	[sflag:s17] =	ssyncset.done $0x0  }
0xa9: {  	s0 =	sor.u32 $0x680, s31;
	[sflag:s17] =	ssyncadd.s32 $0xFFFFC000  }
0xaa: {  	[tilespmem:s20], [sflag:$0x2] =	stream.indirect.gather [hbm4b:s11+s19], $0x80, s0, s19, $0xb8;
	[tilespmem:$0x1DC00] =	vst v63  }
0xab: {  	_ =	swait.ge [sflag:s21], $0x4000  }
0xac: {  	[sflag:s21] =	ssyncset.done $0x0  }
0xad: {  	s0 =	sor.u32 $0x1600, s31;
	[sflag:s21] =	ssyncadd.s32 $0xFFFFC000  }
0xae: {  	[spmem:s1] =	stream.indirect.scatter.add.f32 [tilespmem:s16], [sflag:$0x4], $0x80, s0, s19, $0xb8;
	[tilespmem:$0x1DC00] =	vst v63  }
0xaf: {  	_ =	swait.ge [sflag:s17], $0x4000  }
0xb0: {  	[sflag:s17] =	ssyncset.done $0x0  }
0xb1: {  	s0 =	sor.u32 $0x700, s31;
	[sflag:s17] =	ssyncadd.s32 $0xFFFFC000  }
0xb2: {  	[tilespmem:s16], [sflag:$0x1] =	stream.indirect.gather [hbm4b:s11+s19], $0x80, s0, s19, $0xb8;
	[tilespmem:$0x1DC00] =	vst v63  }
0xb3: {  	_ =	swait.ge [sflag:s22], $0x4000  }
0xb4: {  	[sflag:s22] =	ssyncset.done $0x0  }
0xb5: {  	s0 =	sor.u32 $0x1680, s31;
	[sflag:s22] =	ssyncadd.s32 $0xFFFFC000  }
0xb6: {  	[spmem:s1] =	stream.indirect.scatter.add.f32 [tilespmem:s20], [sflag:$0x4], $0x80, s0, s19, $0xb8;
	[tilespmem:$0x1DC00] =	vst v63  }
0xb7: {  	_ =	swait.ge [sflag:s17], $0x4000  }
0xb8: {  	[sflag:s17] =	ssyncset.done $0x0  }
0xb9: {  	s0 =	sor.u32 $0x780, s31;
	[sflag:s17] =	ssyncadd.s32 $0xFFFFC000  }
0xba: {  	[tilespmem:s20], [sflag:$0x2] =	stream.indirect.gather [hbm4b:s11+s19], $0x80, s0, s19, $0xb8;
	[tilespmem:$0x1DC00] =	vst v63  }
0xbb: {  	_ =	swait.ge [sflag:s21], $0x4000  }
0xbc: {  	[sflag:s21] =	ssyncset.done $0x0  }
0xbd: {  	s0 =	sor.u32 $0x1700, s31;
	[sflag:s21] =	ssyncadd.s32 $0xFFFFC000  }
0xbe: {  	[spmem:s1] =	stream.indirect.scatter.add.f32 [tilespmem:s16], [sflag:$0x4], $0x80, s0, s19, $0xb8;
	[tilespmem:$0x1DC00] =	vst v63  }
0xbf: {  	_ =	swait.ge [sflag:s17], $0x4000  }
0xc0: {  	[sflag:s17] =	ssyncset.done $0x0  }
0xc1: {  	[sflag:s17] =	ssyncadd.s32 $0xFFFFC000  }
0xc2: {  	_ =	swait.ge [sflag:s22], $0x4000  }
0xc3: {  	[sflag:s22] =	ssyncset.done $0x0  }
0xc4: {  	s31 =	sor.u32 $0x1780, s31;
	[sflag:s22] =	ssyncadd.s32 $0xFFFFC000  }
0xc5: {  	[spmem:s1] =	stream.indirect.scatter.add.f32 [tilespmem:s20], [sflag:$0x4], $0x80, s31, s19, $0xb8;
	[tilespmem:$0x1DC00] =	vst v63  }
0xc6: {  	_ =	swait.ge [sflag:s17], $0x4000  }
0xc7: {  	s28 =	sadd.s32 @!p1 $0x800, s28;
	[sflag:s17] =	ssyncset.done $0x0  }
0xc8: {  	p2 =	sne.s32 @!p1 s28, $0x5800;
	s0 =	simm.s32 @!p1 $0x3;
	[sflag:s17] =	ssyncadd.s32 $0xFFFFC000  }
0xc9: {  	p2 =	por p1, !p2;
	_ =	swait.ge @!p1 [sflag:s0], $0x800  }
.Ltmp1:
0xca: {  	[sflag:s0] =	ssyncset.done @!p1 $0x0;
	(pc) =	sbr.rel @!p2 .LBB2_4-.Ltmp1, $4  }
0xcb: {  	[sflag:s0] =	ssyncadd.s32 @!p1 $0xFFFFF800  }
0xcc: {  	_ =	swait.ge @!p1 [sflag:s0], $0x800  }
0xcd: {  	[sflag:s0] =	ssyncset.done @!p1 $0x0  }
0xce: {  	s29 =	sadd.s32 @!p1 $0x100, s29;
	s30 =	sadd.s32 @!p1 $0x100, s30;
	[sflag:s0] =	ssyncadd.s32 @!p1 $0xFFFFF800  }
0xcf: {  	s0 =	sshll.u32 @p0 s2, $0x6  }
0xd0: {  	[bflag:$0x0] =	sbarrier.arrive $0xFFFF;
	s0 =	sor.u32 @p0 $0x1C04, s0  }
0xd1: {  	[hbm:s23], [sflag:s0] =	dma.local @p0 [spmem:s24], $0x2700  }
0xd2: {  	s0 =	simm.s32 @p0 $0x4  }
0xd3: {  	_ =	swait.ge @p0 [sflag:s0], $0x2700  }
0xd4: {  	s28 =	simm.s32 @!p0 $0x1FC4;
	s26 =	sadd.s32 $0x1, s26;
	[sflag:s0] =	ssyncset.done @p0 $0x0  }
0xd5: {  	p1 =	sne.s32 s26, s13;
	[sflag:s0] =	ssyncadd.s32 @p0 $0xFFFFD900;
	s0 =	sadd.s32 @!p0 $0x24900, s12  }
0xd6: {  	[hbm:s0], [sflag:s28] =	dma.local @!p0 [spmem:s25], $0x2800  }
.Ltmp2:
0xd7: {  	_ = 	snop;
	(pc) =	sbr.rel @p1 .LBB2_1-.Ltmp2, $4  }
0xd8: {  	s0 =	simm.s32 @!p0 $0x4  }
0xd9: {  	_ =	swait.ge @!p0 [sflag:s0], $0x2800  }
0xda: {  	[sflag:s0] =	ssyncset.done @!p0 $0x0  }
0xdb: {  	[sflag:s0] =	ssyncadd.s32 @!p0 $0xFFFFD800  }
0xdc: {  	_ =	sfence.sel $0x180000  }
0xdd: {  	[bflag:$0x0] =	sbarrier.arrive $0xFFFF  }
0xde: {  	_ =	strace $0x90000047  }
0xdf: {  	[bflag:$0x2] =	sbarrier.arrive $0xFFFF  }
0xe0: {  	p0 =	sne.s32 s2, $0x0;
	s0 =	rddreg [dreg:$0x2]  }
0xe1: {  	s0 =	sadd.s32 @!p0 $0x100000, s0  }
0xe2: {  	[sflag:s0] =	ssyncadd.tile.s32 @!p0 $0x1;
	_ =	shalt  }
.Lfunc_end2:
_tile_overlayer_lowered:
.L_overlay_start_2:
0xe3: {  	(tag) =	ssettag $0x2  }
0xe4: {  	s0 =	rddreg [dreg:$0x0];
	s2 =	stileid.u32  }
0xe5: {  	s1 =	rddreg [dreg:$0x1];
	p0 =	sne.s32 s2, $0x0  }
0xe6: {  	s3 =	rddreg [dreg:$0x2];
	[bflag:$0x3] =	sbarrier.arrive $0xFFFF;
	s2 =	simm.s32 @!p0 $0x1C04  }
0xe7: {  	[timem:s3], [sflag:s2] =	dma.local @!p0 [hbm:s0], s1  }
0xe8: {  	s0 =	simm.s32 @!p0 $0x4  }
0xe9: {  	_ =	swait.ge @!p0 [sflag:s0], s1  }
0xea: {  	s1 =	ssub.s32 @!p0 $0x0, s1;
	[sflag:s0] =	ssyncset.done @!p0 $0x0  }
0xeb: {  	[sflag:s0] =	ssyncadd.s32 @!p0 s1  }
0xec: {  	[bflag:$0x3] =	sbarrier.arrive $0xFFFF  }
0xed: {  	_ =	shalt  }

</sc_bundles>
